<compile_context>
chip_gen: v7x
topology: tpu7x:2x2x1
jax: 0.10.2.dev20260603
libtpu: 0.0.44.dev20260713+nightly
codegen_flags: <defaults>
</compile_context>

<pallas_src>
import jax
import jax.numpy as jnp
from jax import lax
from jax.experimental import pallas as pl
from jax.experimental.pallas import tpu as pltpu, tpu_sc as plsc

NC, NS, L = 2, 16, 16
NW = NC * NS
E = 320000
C = 128
CP = C // 2
N_REL = 237
N_NODES = 10000
EPW = E // NW
B = 80
NCHUNK = EPW // B
NG = B // L
TP = L + 1


def _dist_mult_body(src_hbm, dst_hbm, et_hbm, table_hbm, rel_hbm, out_hbm,
                    sidx_v, didx_v, et_v, rel_v, table_sh,
                    srows0, orows0, srows1, orows1, tmp_v, out_v, sem0, sem1):
    sid = lax.axis_index("s")
    wid = sid * NC + lax.axis_index("c")

    @pl.when(sid == 0)
    def _():
        pltpu.sync_copy(table_hbm, table_sh)

    pltpu.sync_copy(src_hbm.at[wid], sidx_v)
    pltpu.sync_copy(dst_hbm.at[wid], didx_v)
    pltpu.sync_copy(et_hbm.at[wid], et_v)
    pltpu.sync_copy(rel_hbm, rel_v)

    plsc.subcore_barrier()

    lane_iota = lax.iota(jnp.int32, L)

    def gather(off, srows, orows, sem):
        pltpu.async_copy(table_sh.at[sidx_v.at[pl.ds(off, B)]], srows, sem)
        pltpu.async_copy(table_sh.at[didx_v.at[pl.ds(off, B)]], orows, sem)

    def wait(srows, orows, sem):
        pltpu.make_async_copy(table_hbm.at[pl.ds(0, B)], srows, sem).wait()
        pltpu.make_async_copy(table_hbm.at[pl.ds(0, B)], orows, sem).wait()

    def compute(off, srows, orows):
        @plsc.parallel_loop(0, B, 1, unroll=40)
        def _edge(ge):
            g = ge // L
            e = lax.rem(ge, L)
            et_vec = et_v[pl.ds(off + g * L, L)]
            eta = lax.gather(
                et_vec, jnp.zeros((L, 1), jnp.int32) + e,
                dimension_numbers=lax.GatherDimensionNumbers(
                    offset_dims=(), collapsed_slice_dims=(0,),
                    start_index_map=(0,)),
                slice_sizes=(1,),
                mode=lax.GatherScatterMode.PROMISE_IN_BOUNDS)
            acc = jnp.zeros((L,), jnp.float32)
            for c0 in range(CP // L):
                sw = srows[ge, pl.ds(c0 * L, L)]
                ow = orows[ge, pl.ds(c0 * L, L)]
                rw = plsc.load_gather(rel_v, [eta, c0 * L + lane_iota])
                sb = plsc.bitcast(sw, jnp.bfloat16)
                ob = plsc.bitcast(ow, jnp.bfloat16)
                rb = plsc.bitcast(rw, jnp.bfloat16)
                p = sb * rb * ob
                p0, p1 = plsc.unpack(p, format=plsc.PackFormat.INTERLEAVED)
                acc = acc + p0 + p1
            tmp_v[pl.ds(ge * TP, L)] = acc

        @plsc.parallel_loop(0, NG, 1, unroll=NG)
        def _group(g):
            res = jnp.zeros((L,), jnp.float32)
            for c in range(L):
                res = res + plsc.load_gather(
                    tmp_v, [lane_iota * TP + (g * (L * TP) + c)])
            out_v[pl.ds(off + g * L, L)] = res

    gather(0, srows0, orows0, sem0)

    @pl.loop(0, NCHUNK)
    def _chunk(j):
        off = pl.multiple_of(j * B, B)
        nxt = pl.multiple_of((j + 1) * B, B)
        even = lax.rem(j, 2) == 0

        @pl.when(even)
        def _():
            @pl.when(j + 1 < NCHUNK)
            def _():
                gather(nxt, srows1, orows1, sem1)
            wait(srows0, orows0, sem0)
            compute(off, srows0, orows0)

        @pl.when(jnp.logical_not(even))
        def _():
            @pl.when(j + 1 < NCHUNK)
            def _():
                gather(nxt, srows0, orows0, sem0)
            wait(srows1, orows1, sem1)
            compute(off, srows1, orows1)

    pltpu.sync_copy(out_v, out_hbm.at[wid])


@jax.jit
def _dist_mult(src, dst, et, table_p, rel_p):
    mesh = plsc.VectorSubcoreMesh(core_axis_name="c", subcore_axis_name="s")
    f = pl.kernel(
        _dist_mult_body,
        out_type=jax.ShapeDtypeStruct((NW, EPW), jnp.float32),
        mesh=mesh,
        scratch_types=[
            pltpu.VMEM((EPW,), jnp.int32),
            pltpu.VMEM((EPW,), jnp.int32),
            pltpu.VMEM((EPW,), jnp.int32),
            pltpu.VMEM((N_REL, CP), jnp.int32),
            pltpu.VMEM_SHARED((N_NODES, CP), jnp.int32),
            pltpu.VMEM((B, CP), jnp.int32),
            pltpu.VMEM((B, CP), jnp.int32),
            pltpu.VMEM((B, CP), jnp.int32),
            pltpu.VMEM((B, CP), jnp.int32),
            pltpu.VMEM((B * TP,), jnp.float32),
            pltpu.VMEM((EPW,), jnp.float32),
            pltpu.SemaphoreType.DMA,
            pltpu.SemaphoreType.DMA,
        ],
        compiler_params=pltpu.CompilerParams(needs_layout_passes=False,
                                             use_tc_tiling_on_sc=False),
    )
    return f(src, dst, et, table_p, rel_p)


def _pack_rows(t):
    tb = t.astype(jnp.bfloat16)
    return lax.bitcast_convert_type(tb.reshape(t.shape[0], CP, 2), jnp.int32)


def kernel(edge_index, edge_type, initializations, rel_emb):
    src = edge_index[:, 0].reshape(NW, EPW)
    dst = edge_index[:, 1].reshape(NW, EPW)
    et = edge_type.reshape(NW, EPW)
    out = _dist_mult(src, dst, et, _pack_rows(initializations),
                     _pack_rows(rel_emb))
    return out.reshape(E)

# --- scband reference (transcript-rebuilt; emitter-appended) ---
"""Pipeline reference for scband-dist-mult-model-71914932404819 (READ-ONLY COPY).

The authoritative reference and input builder live on the scoring server;
editing this copy changes nothing except your own understanding.
"""

import jax, jax.numpy as jnp
import numpy as np

N_NODES = 10000
N_RELATIONS = 237
N_CHANNELS = 128
N_EDGES = 320000


def setup_inputs(seed: int = 0) -> dict:
    key = jax.random.key(seed)
    k1, k2, k3, k4 = jax.random.split(key, 4)
    edge_index = jax.random.randint(k1, (N_EDGES, 2), 0, N_NODES, dtype=jnp.int64 if jax.config.jax_enable_x64 else jnp.int32).astype(jnp.int32)
    edge_type = jax.random.randint(k2, (N_EDGES,), 0, N_RELATIONS).astype(jnp.int32)
    # learned parameters
    # initializations: jax.nn.initializers.normal() -> stddev 0.01 by default
    initializations = 0.01 * jax.random.normal(k3, (N_NODES, N_CHANNELS), dtype=jnp.float32)
    # DistMult relation embedding matrix [n_relations, n_channels]
    rel_emb = jax.random.normal(k4, (N_RELATIONS, N_CHANNELS), dtype=jnp.float32) * (1.0 / np.sqrt(N_CHANNELS))
    return {
        "edge_index": edge_index,
        "edge_type": edge_type,
        "initializations": initializations,
        "rel_emb": rel_emb,
    }


def reference(edge_index, edge_type, initializations, rel_emb):
    # DistMultModel.__call__: self.decoder(self.initializations, edge_index, edge_type)
    # DistMult scoring: score(s, r, o) = sum_d  x_s[d] * R_r[d] * x_o[d]
    s = jnp.take(initializations, edge_index[:, 0], axis=0)  # [E, C] gather
    o = jnp.take(initializations, edge_index[:, 1], axis=0)  # [E, C] gather
    r = jnp.take(rel_emb, edge_type, axis=0)                 # [E, C] gather
    scores = jnp.sum(s * r * o, axis=-1)                      # [E]
    return scores

if __name__ == "__main__":
    import jax
    _d = setup_inputs()
    print(jax.jit(kernel)(*tuple(_d.values())))

</pallas_src>

<mosaic_0001>
#map = affine_map<(d0, d1) -> (0, 0)>
module attributes {stable_mosaic.version = 14 : i64} {
  func.func @_dist_mult_body(%arg0: i32, %arg1: i32, %arg2: memref<32x10000xi32, #tpu.memory_space<hbm>>, %arg3: memref<32x10000xi32, #tpu.memory_space<hbm>>, %arg4: memref<32x10000xi32, #tpu.memory_space<hbm>>, %arg5: memref<10000x64xi32, #tpu.memory_space<hbm>>, %arg6: memref<237x64xi32, #tpu.memory_space<hbm>>, %arg7: memref<32x10000xf32, #tpu.memory_space<hbm>>, %arg8: memref<10000xi32, #tpu.memory_space<vmem>>, %arg9: memref<10000xi32, #tpu.memory_space<vmem>>, %arg10: memref<10000xi32, #tpu.memory_space<vmem>>, %arg11: memref<237x64xi32, #tpu.memory_space<vmem>>, %arg12: memref<10000x64xi32, #tpu.memory_space<vmem_shared>>, %arg13: memref<80x64xi32, #tpu.memory_space<vmem>>, %arg14: memref<80x64xi32, #tpu.memory_space<vmem>>, %arg15: memref<80x64xi32, #tpu.memory_space<vmem>>, %arg16: memref<80x64xi32, #tpu.memory_space<vmem>>, %arg17: memref<1360xf32, #tpu.memory_space<vmem>>, %arg18: memref<10000xf32, #tpu.memory_space<vmem>>, %arg19: memref<!tpu.dma_semaphore, #tpu.memory_space<semaphore_mem>>, %arg20: memref<!tpu.dma_semaphore, #tpu.memory_space<semaphore_mem>>) attributes {dimension_semantics = [#tpu.dimension_semantics<core_parallel>, #tpu.dimension_semantics<subcore_parallel>], iteration_bounds = array<i64: 2, 16>, scalar_prefetch = 0 : i64, scratch_operands = 13 : i64, tpu.core_type = #tpu.core_type<sc_vector_subcore>, window_params = [{transform_indices = #map}, {transform_indices = #map}, {transform_indices = #map}, {transform_indices = #map}, {transform_indices = #map}, {transform_indices = #map}]} {
    %mul3A = arith.constant 2 : i32
    %mul3A_0 = arith.muli %arg1, %mul3A : i32
    %add3A = arith.addi %mul3A_0, %arg0 : i32
    %eq3A = arith.constant 0 : i32
    %eq3A_1 = arith.cmpi eq, %arg1, %eq3A : i32
    %convert_element_type3A = arith.extui %eq3A_1 : i1 to i32
    %cond3A = arith.constant 0 : i32
    %cond3A_2 = arith.cmpi ne, %convert_element_type3A, %cond3A : i32
    scf.if %cond3A_2 {
      "tpu.region"() ({
        %run_scoped3A = tpu.sem_alloc : memref<!tpu.dma_semaphore, #tpu.memory_space<semaphore_mem>>
        tpu.enqueue_dma source(%arg5 : memref<10000x64xi32, #tpu.memory_space<hbm>>) target(%arg12 : memref<10000x64xi32, #tpu.memory_space<vmem_shared>>) target_semaphore(%run_scoped3A : memref<!tpu.dma_semaphore, #tpu.memory_space<semaphore_mem>>)
        tpu.wait_dma2 semaphore(%run_scoped3A : memref<!tpu.dma_semaphore, #tpu.memory_space<semaphore_mem>>) src(%arg5 : memref<10000x64xi32, #tpu.memory_space<hbm>>) dst(%arg12 : memref<10000x64xi32, #tpu.memory_space<vmem_shared>>)
        tpu.yield
      }) : () -> ()
    } else {
    }
    "tpu.region"() ({
      %run_scoped3A = tpu.sem_alloc : memref<!tpu.dma_semaphore, #tpu.memory_space<semaphore_mem>>
      %dma_start3A_16 = arith.constant 0 : i32
      %dma_start3A_17 = tpu.memref_slice %arg2[%add3A, %dma_start3A_16] : memref<32x10000xi32, #tpu.memory_space<hbm>> -> memref<1x10000xi32, #tpu.memory_space<hbm>>
      %dma_start3A_18 = tpu.memref_squeeze %dma_start3A_17 : memref<1x10000xi32, #tpu.memory_space<hbm>> -> memref<10000xi32, #tpu.memory_space<hbm>>
      %dma_start3A_19 = arith.constant 0 : i32
      %dma_start3A_20 = tpu.memref_slice %arg2[%add3A, %dma_start3A_19] : memref<32x10000xi32, #tpu.memory_space<hbm>> -> memref<1x10000xi32, #tpu.memory_space<hbm>>
      %dma_start3A_21 = tpu.memref_squeeze %dma_start3A_20 : memref<1x10000xi32, #tpu.memory_space<hbm>> -> memref<10000xi32, #tpu.memory_space<hbm>>
      tpu.enqueue_dma source(%dma_start3A_21 : memref<10000xi32, #tpu.memory_space<hbm>>) target(%arg8 : memref<10000xi32, #tpu.memory_space<vmem>>) target_semaphore(%run_scoped3A : memref<!tpu.dma_semaphore, #tpu.memory_space<semaphore_mem>>)
      %dma_wait3A = arith.constant 0 : i32
      %dma_wait3A_22 = tpu.memref_slice %arg2[%add3A, %dma_wait3A] : memref<32x10000xi32, #tpu.memory_space<hbm>> -> memref<1x10000xi32, #tpu.memory_space<hbm>>
      %dma_wait3A_23 = tpu.memref_squeeze %dma_wait3A_22 : memref<1x10000xi32, #tpu.memory_space<hbm>> -> memref<10000xi32, #tpu.memory_space<hbm>>
      %dma_wait3A_24 = arith.constant 0 : i32
      %dma_wait3A_25 = tpu.memref_slice %arg2[%add3A, %dma_wait3A_24] : memref<32x10000xi32, #tpu.memory_space<hbm>> -> memref<1x10000xi32, #tpu.memory_space<hbm>>
      %dma_wait3A_26 = tpu.memref_squeeze %dma_wait3A_25 : memref<1x10000xi32, #tpu.memory_space<hbm>> -> memref<10000xi32, #tpu.memory_space<hbm>>
      tpu.wait_dma2 semaphore(%run_scoped3A : memref<!tpu.dma_semaphore, #tpu.memory_space<semaphore_mem>>) src(%dma_wait3A_26 : memref<10000xi32, #tpu.memory_space<hbm>>) dst(%arg8 : memref<10000xi32, #tpu.memory_space<vmem>>)
      tpu.yield
    }) : () -> ()
    "tpu.region"() ({
      %run_scoped3A = tpu.sem_alloc : memref<!tpu.dma_semaphore, #tpu.memory_space<semaphore_mem>>
      %dma_start3A_16 = arith.constant 0 : i32
      %dma_start3A_17 = tpu.memref_slice %arg3[%add3A, %dma_start3A_16] : memref<32x10000xi32, #tpu.memory_space<hbm>> -> memref<1x10000xi32, #tpu.memory_space<hbm>>
      %dma_start3A_18 = tpu.memref_squeeze %dma_start3A_17 : memref<1x10000xi32, #tpu.memory_space<hbm>> -> memref<10000xi32, #tpu.memory_space<hbm>>
      %dma_start3A_19 = arith.constant 0 : i32
      %dma_start3A_20 = tpu.memref_slice %arg3[%add3A, %dma_start3A_19] : memref<32x10000xi32, #tpu.memory_space<hbm>> -> memref<1x10000xi32, #tpu.memory_space<hbm>>
      %dma_start3A_21 = tpu.memref_squeeze %dma_start3A_20 : memref<1x10000xi32, #tpu.memory_space<hbm>> -> memref<10000xi32, #tpu.memory_space<hbm>>
      tpu.enqueue_dma source(%dma_start3A_21 : memref<10000xi32, #tpu.memory_space<hbm>>) target(%arg9 : memref<10000xi32, #tpu.memory_space<vmem>>) target_semaphore(%run_scoped3A : memref<!tpu.dma_semaphore, #tpu.memory_space<semaphore_mem>>)
      %dma_wait3A = arith.constant 0 : i32
      %dma_wait3A_22 = tpu.memref_slice %arg3[%add3A, %dma_wait3A] : memref<32x10000xi32, #tpu.memory_space<hbm>> -> memref<1x10000xi32, #tpu.memory_space<hbm>>
      %dma_wait3A_23 = tpu.memref_squeeze %dma_wait3A_22 : memref<1x10000xi32, #tpu.memory_space<hbm>> -> memref<10000xi32, #tpu.memory_space<hbm>>
      %dma_wait3A_24 = arith.constant 0 : i32
      %dma_wait3A_25 = tpu.memref_slice %arg3[%add3A, %dma_wait3A_24] : memref<32x10000xi32, #tpu.memory_space<hbm>> -> memref<1x10000xi32, #tpu.memory_space<hbm>>
      %dma_wait3A_26 = tpu.memref_squeeze %dma_wait3A_25 : memref<1x10000xi32, #tpu.memory_space<hbm>> -> memref<10000xi32, #tpu.memory_space<hbm>>
      tpu.wait_dma2 semaphore(%run_scoped3A : memref<!tpu.dma_semaphore, #tpu.memory_space<semaphore_mem>>) src(%dma_wait3A_26 : memref<10000xi32, #tpu.memory_space<hbm>>) dst(%arg9 : memref<10000xi32, #tpu.memory_space<vmem>>)
      tpu.yield
    }) : () -> ()
    "tpu.region"() ({
      %run_scoped3A = tpu.sem_alloc : memref<!tpu.dma_semaphore, #tpu.memory_space<semaphore_mem>>
      %dma_start3A_16 = arith.constant 0 : i32
      %dma_start3A_17 = tpu.memref_slice %arg4[%add3A, %dma_start3A_16] : memref<32x10000xi32, #tpu.memory_space<hbm>> -> memref<1x10000xi32, #tpu.memory_space<hbm>>
      %dma_start3A_18 = tpu.memref_squeeze %dma_start3A_17 : memref<1x10000xi32, #tpu.memory_space<hbm>> -> memref<10000xi32, #tpu.memory_space<hbm>>
      %dma_start3A_19 = arith.constant 0 : i32
      %dma_start3A_20 = tpu.memref_slice %arg4[%add3A, %dma_start3A_19] : memref<32x10000xi32, #tpu.memory_space<hbm>> -> memref<1x10000xi32, #tpu.memory_space<hbm>>
      %dma_start3A_21 = tpu.memref_squeeze %dma_start3A_20 : memref<1x10000xi32, #tpu.memory_space<hbm>> -> memref<10000xi32, #tpu.memory_space<hbm>>
      tpu.enqueue_dma source(%dma_start3A_21 : memref<10000xi32, #tpu.memory_space<hbm>>) target(%arg10 : memref<10000xi32, #tpu.memory_space<vmem>>) target_semaphore(%run_scoped3A : memref<!tpu.dma_semaphore, #tpu.memory_space<semaphore_mem>>)
      %dma_wait3A = arith.constant 0 : i32
      %dma_wait3A_22 = tpu.memref_slice %arg4[%add3A, %dma_wait3A] : memref<32x10000xi32, #tpu.memory_space<hbm>> -> memref<1x10000xi32, #tpu.memory_space<hbm>>
      %dma_wait3A_23 = tpu.memref_squeeze %dma_wait3A_22 : memref<1x10000xi32, #tpu.memory_space<hbm>> -> memref<10000xi32, #tpu.memory_space<hbm>>
      %dma_wait3A_24 = arith.constant 0 : i32
      %dma_wait3A_25 = tpu.memref_slice %arg4[%add3A, %dma_wait3A_24] : memref<32x10000xi32, #tpu.memory_space<hbm>> -> memref<1x10000xi32, #tpu.memory_space<hbm>>
      %dma_wait3A_26 = tpu.memref_squeeze %dma_wait3A_25 : memref<1x10000xi32, #tpu.memory_space<hbm>> -> memref<10000xi32, #tpu.memory_space<hbm>>
      tpu.wait_dma2 semaphore(%run_scoped3A : memref<!tpu.dma_semaphore, #tpu.memory_space<semaphore_mem>>) src(%dma_wait3A_26 : memref<10000xi32, #tpu.memory_space<hbm>>) dst(%arg10 : memref<10000xi32, #tpu.memory_space<vmem>>)
      tpu.yield
    }) : () -> ()
    "tpu.region"() ({
      %run_scoped3A = tpu.sem_alloc : memref<!tpu.dma_semaphore, #tpu.memory_space<semaphore_mem>>
      tpu.enqueue_dma source(%arg6 : memref<237x64xi32, #tpu.memory_space<hbm>>) target(%arg11 : memref<237x64xi32, #tpu.memory_space<vmem>>) target_semaphore(%run_scoped3A : memref<!tpu.dma_semaphore, #tpu.memory_space<semaphore_mem>>)
      tpu.wait_dma2 semaphore(%run_scoped3A : memref<!tpu.dma_semaphore, #tpu.memory_space<semaphore_mem>>) src(%arg6 : memref<237x64xi32, #tpu.memory_space<hbm>>) dst(%arg11 : memref<237x64xi32, #tpu.memory_space<vmem>>)
      tpu.yield
    }) : () -> ()
    %barrier3A = arith.constant 0 : index
    tpu.barrier barrier_id(%barrier3A)
    %iota3A = tpu.iota {dimensions = array<i32: 0>} : vector<16xi32>
    %dma_start3A = arith.constant 0 : i32
    %dma_start3A_3 = tpu.memref_slice %arg8[%dma_start3A] : memref<10000xi32, #tpu.memory_space<vmem>> -> memref<80xi32, #tpu.memory_space<vmem>>
    %dma_start3A_4 = arith.constant 0 : i32
    %dma_start3A_5 = arith.constant 0 : i32
    %dma_start3A_6 = tpu.memref_slice %arg12[%dma_start3A_4, %dma_start3A_5] : memref<10000x64xi32, #tpu.memory_space<vmem_shared>> -> memref<10000x64xi32, #tpu.memory_space<vmem_shared>>
    tpu.enqueue_indirect_dma source(%dma_start3A_6 : memref<10000x64xi32, #tpu.memory_space<vmem_shared>>) target(%arg13 : memref<80x64xi32, #tpu.memory_space<vmem>>) offsets(%dma_start3A_3 : memref<80xi32, #tpu.memory_space<vmem>>) semaphore(%arg19 : memref<!tpu.dma_semaphore, #tpu.memory_space<semaphore_mem>>)
    %dma_start3A_7 = arith.constant 0 : i32
    %dma_start3A_8 = tpu.memref_slice %arg9[%dma_start3A_7] : memref<10000xi32, #tpu.memory_space<vmem>> -> memref<80xi32, #tpu.memory_space<vmem>>
    %dma_start3A_9 = arith.constant 0 : i32
    %dma_start3A_10 = arith.constant 0 : i32
    %dma_start3A_11 = tpu.memref_slice %arg12[%dma_start3A_9, %dma_start3A_10] : memref<10000x64xi32, #tpu.memory_space<vmem_shared>> -> memref<10000x64xi32, #tpu.memory_space<vmem_shared>>
    tpu.enqueue_indirect_dma source(%dma_start3A_11 : memref<10000x64xi32, #tpu.memory_space<vmem_shared>>) target(%arg14 : memref<80x64xi32, #tpu.memory_space<vmem>>) offsets(%dma_start3A_8 : memref<80xi32, #tpu.memory_space<vmem>>) semaphore(%arg19 : memref<!tpu.dma_semaphore, #tpu.memory_space<semaphore_mem>>)
    %scan3A = arith.constant 0 : i32
    %scan3A_12 = arith.constant 125 : i32
    %scan3A_13 = arith.addi %scan3A, %scan3A_12 : i32
    %scan3A_14 = arith.constant 1 : i32
    scf.for %scan3A_16 = %scan3A to %scan3A_13 step %scan3A_14  : i32 {
      %mul3A_17 = arith.constant 1 : i32
      %mul3A_18 = arith.muli %scan3A_16, %mul3A_17 : i32
      %add3A_19 = arith.constant 0 : i32
      %add3A_20 = arith.addi %add3A_19, %mul3A_18 : i32
      %mul3A_21 = arith.constant 80 : i32
      %mul3A_22 = arith.muli %add3A_20, %mul3A_21 : i32
      %multiple_of3A = tpu.assume_multiple %mul3A_22, 80 : i32
      %add3A_23 = arith.constant 1 : i32
      %add3A_24 = arith.addi %add3A_20, %add3A_23 : i32
      %mul3A_25 = arith.constant 80 : i32
      %mul3A_26 = arith.muli %add3A_24, %mul3A_25 : i32
      %multiple_of3A_27 = tpu.assume_multiple %mul3A_26, 80 : i32
      %rem3A = arith.constant 2 : i32
      %rem3A_28 = arith.remsi %add3A_20, %rem3A : i32
      %eq3A_29 = arith.constant 0 : i32
      %eq3A_30 = arith.cmpi eq, %rem3A_28, %eq3A_29 : i32
      %convert_element_type3A_31 = arith.extui %eq3A_30 : i1 to i32
      %cond3A_32 = arith.constant 0 : i32
      %cond3A_33 = arith.cmpi ne, %convert_element_type3A_31, %cond3A_32 : i32
      scf.if %cond3A_33 {
        %add3A_38 = arith.constant 1 : i32
        %add3A_39 = arith.addi %add3A_20, %add3A_38 : i32
        %lt3A = arith.constant 125 : i32
        %lt3A_40 = arith.cmpi slt, %add3A_39, %lt3A : i32
        %convert_element_type3A_41 = arith.extui %lt3A_40 : i1 to i32
        %cond3A_42 = arith.constant 0 : i32
        %cond3A_43 = arith.cmpi ne, %convert_element_type3A_41, %cond3A_42 : i32
        scf.if %cond3A_43 {
          %dma_start3A_60 = tpu.memref_slice %arg8[%multiple_of3A_27] : memref<10000xi32, #tpu.memory_space<vmem>> -> memref<80xi32, #tpu.memory_space<vmem>>
          %dma_start3A_61 = arith.constant 0 : i32
          %dma_start3A_62 = arith.constant 0 : i32
          %dma_start3A_63 = tpu.memref_slice %arg12[%dma_start3A_61, %dma_start3A_62] : memref<10000x64xi32, #tpu.memory_space<vmem_shared>> -> memref<10000x64xi32, #tpu.memory_space<vmem_shared>>
          tpu.enqueue_indirect_dma source(%dma_start3A_63 : memref<10000x64xi32, #tpu.memory_space<vmem_shared>>) target(%arg15 : memref<80x64xi32, #tpu.memory_space<vmem>>) offsets(%dma_start3A_60 : memref<80xi32, #tpu.memory_space<vmem>>) semaphore(%arg20 : memref<!tpu.dma_semaphore, #tpu.memory_space<semaphore_mem>>)
          %dma_start3A_64 = tpu.memref_slice %arg9[%multiple_of3A_27] : memref<10000xi32, #tpu.memory_space<vmem>> -> memref<80xi32, #tpu.memory_space<vmem>>
          %dma_start3A_65 = arith.constant 0 : i32
          %dma_start3A_66 = arith.constant 0 : i32
          %dma_start3A_67 = tpu.memref_slice %arg12[%dma_start3A_65, %dma_start3A_66] : memref<10000x64xi32, #tpu.memory_space<vmem_shared>> -> memref<10000x64xi32, #tpu.memory_space<vmem_shared>>
          tpu.enqueue_indirect_dma source(%dma_start3A_67 : memref<10000x64xi32, #tpu.memory_space<vmem_shared>>) target(%arg16 : memref<80x64xi32, #tpu.memory_space<vmem>>) offsets(%dma_start3A_64 : memref<80xi32, #tpu.memory_space<vmem>>) semaphore(%arg20 : memref<!tpu.dma_semaphore, #tpu.memory_space<semaphore_mem>>)
        } else {
        }
        %dma_wait3A = arith.constant 0 : i32
        %dma_wait3A_44 = arith.constant 0 : i32
        %dma_wait3A_45 = tpu.memref_slice %arg5[%dma_wait3A, %dma_wait3A_44] : memref<10000x64xi32, #tpu.memory_space<hbm>> -> memref<80x64xi32, #tpu.memory_space<hbm>>
        %dma_wait3A_46 = arith.constant 0 : i32
        %dma_wait3A_47 = arith.constant 0 : i32
        %dma_wait3A_48 = tpu.memref_slice %arg5[%dma_wait3A_46, %dma_wait3A_47] : memref<10000x64xi32, #tpu.memory_space<hbm>> -> memref<80x64xi32, #tpu.memory_space<hbm>>
        tpu.wait_dma2 semaphore(%arg19 : memref<!tpu.dma_semaphore, #tpu.memory_space<semaphore_mem>>) src(%dma_wait3A_48 : memref<80x64xi32, #tpu.memory_space<hbm>>) dst(%arg13 : memref<80x64xi32, #tpu.memory_space<vmem>>)
        %dma_wait3A_49 = arith.constant 0 : i32
        %dma_wait3A_50 = arith.constant 0 : i32
        %dma_wait3A_51 = tpu.memref_slice %arg5[%dma_wait3A_49, %dma_wait3A_50] : memref<10000x64xi32, #tpu.memory_space<hbm>> -> memref<80x64xi32, #tpu.memory_space<hbm>>
        %dma_wait3A_52 = arith.constant 0 : i32
        %dma_wait3A_53 = arith.constant 0 : i32
        %dma_wait3A_54 = tpu.memref_slice %arg5[%dma_wait3A_52, %dma_wait3A_53] : memref<10000x64xi32, #tpu.memory_space<hbm>> -> memref<80x64xi32, #tpu.memory_space<hbm>>
        tpu.wait_dma2 semaphore(%arg19 : memref<!tpu.dma_semaphore, #tpu.memory_space<semaphore_mem>>) src(%dma_wait3A_54 : memref<80x64xi32, #tpu.memory_space<hbm>>) dst(%arg14 : memref<80x64xi32, #tpu.memory_space<vmem>>)
        %parallel_loop3A = arith.constant 0 : i32
        %parallel_loop3A_55 = arith.constant 80 : i32
        %parallel_loop3A_56 = arith.constant 1 : i32
        scf.for %parallel_loop3A_60 = %parallel_loop3A to %parallel_loop3A_55 step %parallel_loop3A_56  : i32 {
          %parallel_loop3A_61 = arith.constant 16 : i32
          %parallel_loop3A_62 = arith.divsi %parallel_loop3A_60, %parallel_loop3A_61 : i32
          %parallel_loop3A_63 = arith.constant 0 : i32
          %parallel_loop3A_64 = arith.cmpi sgt, %parallel_loop3A_60, %parallel_loop3A_63 : i32
          %parallel_loop3A_65 = arith.extui %parallel_loop3A_64 : i1 to i32
          %parallel_loop3A_66 = arith.constant 0 : i32
          %parallel_loop3A_67 = arith.cmpi slt, %parallel_loop3A_60, %parallel_loop3A_66 : i32
          %parallel_loop3A_68 = arith.extui %parallel_loop3A_67 : i1 to i32
          %parallel_loop3A_69 = arith.subi %parallel_loop3A_65, %parallel_loop3A_68 : i32
          %parallel_loop3A_70 = arith.constant 0 : i32
          %parallel_loop3A_71 = arith.cmpi sgt, %parallel_loop3A_61, %parallel_loop3A_70 : i32
          %parallel_loop3A_72 = arith.extui %parallel_loop3A_71 : i1 to i32
          %parallel_loop3A_73 = arith.constant 0 : i32
          %parallel_loop3A_74 = arith.cmpi slt, %parallel_loop3A_61, %parallel_loop3A_73 : i32
          %parallel_loop3A_75 = arith.extui %parallel_loop3A_74 : i1 to i32
          %parallel_loop3A_76 = arith.subi %parallel_loop3A_72, %parallel_loop3A_75 : i32
          %parallel_loop3A_77 = arith.cmpi ne, %parallel_loop3A_69, %parallel_loop3A_76 : i32
          %parallel_loop3A_78 = arith.remsi %parallel_loop3A_60, %parallel_loop3A_61 : i32
          %parallel_loop3A_79 = arith.constant 0 : i32
          %parallel_loop3A_80 = arith.cmpi ne, %parallel_loop3A_78, %parallel_loop3A_79 : i32
          %parallel_loop3A_81 = arith.andi %parallel_loop3A_77, %parallel_loop3A_80 : i1
          %parallel_loop3A_82 = arith.constant 1 : i32
          %parallel_loop3A_83 = arith.subi %parallel_loop3A_62, %parallel_loop3A_82 : i32
          %parallel_loop3A_84 = arith.select %parallel_loop3A_81, %parallel_loop3A_83, %parallel_loop3A_62 : i32
          %parallel_loop3A_85 = arith.constant 16 : i32
          %parallel_loop3A_86 = arith.remsi %parallel_loop3A_60, %parallel_loop3A_85 : i32
          %parallel_loop3A_87 = arith.constant 16 : i32
          %parallel_loop3A_88 = arith.muli %parallel_loop3A_84, %parallel_loop3A_87 : i32
          %parallel_loop3A_89 = arith.addi %multiple_of3A, %parallel_loop3A_88 : i32
          %parallel_loop3A_90 = arith.index_cast %parallel_loop3A_89 : i32 to index
          %parallel_loop3A_91 = tpu.vector_load %arg10[%parallel_loop3A_90] {strides = array<i32>} : memref<10000xi32, #tpu.memory_space<vmem>>, vector<16xi32>,
          %parallel_loop3A_92 = arith.constant 0 : i32
          %parallel_loop3A_93 = vector.broadcast %parallel_loop3A_92 : i32 to vector<16x1xi32>
          %parallel_loop3A_94 = vector.broadcast %parallel_loop3A_86 : i32 to vector<16x1xi32>
          %parallel_loop3A_95 = arith.addi %parallel_loop3A_93, %parallel_loop3A_94 : vector<16x1xi32>
          %parallel_loop3A_96 = vector.shape_cast %parallel_loop3A_95 : vector<16x1xi32> to vector<16xi32>
          %parallel_loop3A_97 = tpu.dynamic_gather %parallel_loop3A_91[%parallel_loop3A_96] in [0] : vector<16xi32>, vector<16xi32> -> vector<16xi32>
          %parallel_loop3A_98 = arith.constant 0.000000e+00 : f32
          %parallel_loop3A_99 = vector.broadcast %parallel_loop3A_98 : f32 to vector<16xf32>
          %parallel_loop3A_100 = arith.index_cast %parallel_loop3A_60 : i32 to index
          %parallel_loop3A_101 = arith.constant 0 : index
          %parallel_loop3A_102 = tpu.vector_load %arg13[%parallel_loop3A_100, %parallel_loop3A_101] {strides = array<i32>} : memref<80x64xi32, #tpu.memory_space<vmem>>, vector<16xi32>,
          %parallel_loop3A_103 = arith.index_cast %parallel_loop3A_60 : i32 to index
          %parallel_loop3A_104 = arith.constant 0 : index
          %parallel_loop3A_105 = tpu.vector_load %arg14[%parallel_loop3A_103, %parallel_loop3A_104] {strides = array<i32>} : memref<80x64xi32, #tpu.memory_space<vmem>>, vector<16xi32>,
          %parallel_loop3A_106 = arith.constant 0 : i32
          %parallel_loop3A_107 = vector.broadcast %parallel_loop3A_106 : i32 to vector<16xi32>
          %parallel_loop3A_108 = arith.addi %parallel_loop3A_107, %iota3A : vector<16xi32>
          %parallel_loop3A_109 = tpu.vector_load_idx %arg11[%parallel_loop3A_97, %parallel_loop3A_108] : memref<237x64xi32, #tpu.memory_space<vmem>>[vector<16xi32>, vector<16xi32>], vector<16xi32>,
          %parallel_loop3A_110 = vector.bitcast %parallel_loop3A_102 : vector<16xi32> to vector<32xbf16>
          %parallel_loop3A_111 = vector.bitcast %parallel_loop3A_105 : vector<16xi32> to vector<32xbf16>
          %parallel_loop3A_112 = vector.bitcast %parallel_loop3A_109 : vector<16xi32> to vector<32xbf16>
          %parallel_loop3A_113 = arith.mulf %parallel_loop3A_110, %parallel_loop3A_112 : vector<32xbf16>
          %parallel_loop3A_114 = arith.mulf %parallel_loop3A_113, %parallel_loop3A_111 : vector<32xbf16>
          %parallel_loop3A_115 = tpu.unpack_subelements %parallel_loop3A_114, 0 {pack_format = #tpu.pack_format<interleaved>} : vector<32xbf16> -> vector<16xf32>
          %parallel_loop3A_116 = tpu.unpack_subelements %parallel_loop3A_114, 1 {pack_format = #tpu.pack_format<interleaved>} : vector<32xbf16> -> vector<16xf32>
          %parallel_loop3A_117 = arith.addf %parallel_loop3A_99, %parallel_loop3A_115 : vector<16xf32>
          %parallel_loop3A_118 = arith.addf %parallel_loop3A_117, %parallel_loop3A_116 : vector<16xf32>
          %parallel_loop3A_119 = arith.index_cast %parallel_loop3A_60 : i32 to index
          %parallel_loop3A_120 = arith.constant 16 : index
          %parallel_loop3A_121 = tpu.vector_load %arg13[%parallel_loop3A_119, %parallel_loop3A_120] {strides = array<i32>} : memref<80x64xi32, #tpu.memory_space<vmem>>, vector<16xi32>,
          %parallel_loop3A_122 = arith.index_cast %parallel_loop3A_60 : i32 to index
          %parallel_loop3A_123 = arith.constant 16 : index
          %parallel_loop3A_124 = tpu.vector_load %arg14[%parallel_loop3A_122, %parallel_loop3A_123] {strides = array<i32>} : memref<80x64xi32, #tpu.memory_space<vmem>>, vector<16xi32>,
          %parallel_loop3A_125 = arith.constant 16 : i32
          %parallel_loop3A_126 = vector.broadcast %parallel_loop3A_125 : i32 to vector<16xi32>
          %parallel_loop3A_127 = arith.addi %parallel_loop3A_126, %iota3A : vector<16xi32>
          %parallel_loop3A_128 = tpu.vector_load_idx %arg11[%parallel_loop3A_97, %parallel_loop3A_127] : memref<237x64xi32, #tpu.memory_space<vmem>>[vector<16xi32>, vector<16xi32>], vector<16xi32>,
          %parallel_loop3A_129 = vector.bitcast %parallel_loop3A_121 : vector<16xi32> to vector<32xbf16>
          %parallel_loop3A_130 = vector.bitcast %parallel_loop3A_124 : vector<16xi32> to vector<32xbf16>
          %parallel_loop3A_131 = vector.bitcast %parallel_loop3A_128 : vector<16xi32> to vector<32xbf16>
          %parallel_loop3A_132 = arith.mulf %parallel_loop3A_129, %parallel_loop3A_131 : vector<32xbf16>
          %parallel_loop3A_133 = arith.mulf %parallel_loop3A_132, %parallel_loop3A_130 : vector<32xbf16>
          %parallel_loop3A_134 = tpu.unpack_subelements %parallel_loop3A_133, 0 {pack_format = #tpu.pack_format<interleaved>} : vector<32xbf16> -> vector<16xf32>
          %parallel_loop3A_135 = tpu.unpack_subelements %parallel_loop3A_133, 1 {pack_format = #tpu.pack_format<interleaved>} : vector<32xbf16> -> vector<16xf32>
          %parallel_loop3A_136 = arith.addf %parallel_loop3A_118, %parallel_loop3A_134 : vector<16xf32>
          %parallel_loop3A_137 = arith.addf %parallel_loop3A_136, %parallel_loop3A_135 : vector<16xf32>
          %parallel_loop3A_138 = arith.index_cast %parallel_loop3A_60 : i32 to index
          %parallel_loop3A_139 = arith.constant 32 : index
          %parallel_loop3A_140 = tpu.vector_load %arg13[%parallel_loop3A_138, %parallel_loop3A_139] {strides = array<i32>} : memref<80x64xi32, #tpu.memory_space<vmem>>, vector<16xi32>,
          %parallel_loop3A_141 = arith.index_cast %parallel_loop3A_60 : i32 to index
          %parallel_loop3A_142 = arith.constant 32 : index
          %parallel_loop3A_143 = tpu.vector_load %arg14[%parallel_loop3A_141, %parallel_loop3A_142] {strides = array<i32>} : memref<80x64xi32, #tpu.memory_space<vmem>>, vector<16xi32>,
          %parallel_loop3A_144 = arith.constant 32 : i32
          %parallel_loop3A_145 = vector.broadcast %parallel_loop3A_144 : i32 to vector<16xi32>
          %parallel_loop3A_146 = arith.addi %parallel_loop3A_145, %iota3A : vector<16xi32>
          %parallel_loop3A_147 = tpu.vector_load_idx %arg11[%parallel_loop3A_97, %parallel_loop3A_146] : memref<237x64xi32, #tpu.memory_space<vmem>>[vector<16xi32>, vector<16xi32>], vector<16xi32>,
          %parallel_loop3A_148 = vector.bitcast %parallel_loop3A_140 : vector<16xi32> to vector<32xbf16>
          %parallel_loop3A_149 = vector.bitcast %parallel_loop3A_143 : vector<16xi32> to vector<32xbf16>
          %parallel_loop3A_150 = vector.bitcast %parallel_loop3A_147 : vector<16xi32> to vector<32xbf16>
          %parallel_loop3A_151 = arith.mulf %parallel_loop3A_148, %parallel_loop3A_150 : vector<32xbf16>
          %parallel_loop3A_152 = arith.mulf %parallel_loop3A_151, %parallel_loop3A_149 : vector<32xbf16>
          %parallel_loop3A_153 = tpu.unpack_subelements %parallel_loop3A_152, 0 {pack_format = #tpu.pack_format<interleaved>} : vector<32xbf16> -> vector<16xf32>
          %parallel_loop3A_154 = tpu.unpack_subelements %parallel_loop3A_152, 1 {pack_format = #tpu.pack_format<interleaved>} : vector<32xbf16> -> vector<16xf32>
          %parallel_loop3A_155 = arith.addf %parallel_loop3A_137, %parallel_loop3A_153 : vector<16xf32>
          %parallel_loop3A_156 = arith.addf %parallel_loop3A_155, %parallel_loop3A_154 : vector<16xf32>
          %parallel_loop3A_157 = arith.index_cast %parallel_loop3A_60 : i32 to index
          %parallel_loop3A_158 = arith.constant 48 : index
          %parallel_loop3A_159 = tpu.vector_load %arg13[%parallel_loop3A_157, %parallel_loop3A_158] {strides = array<i32>} : memref<80x64xi32, #tpu.memory_space<vmem>>, vector<16xi32>,
          %parallel_loop3A_160 = arith.index_cast %parallel_loop3A_60 : i32 to index
          %parallel_loop3A_161 = arith.constant 48 : index
          %parallel_loop3A_162 = tpu.vector_load %arg14[%parallel_loop3A_160, %parallel_loop3A_161] {strides = array<i32>} : memref<80x64xi32, #tpu.memory_space<vmem>>, vector<16xi32>,
          %parallel_loop3A_163 = arith.constant 48 : i32
          %parallel_loop3A_164 = vector.broadcast %parallel_loop3A_163 : i32 to vector<16xi32>
          %parallel_loop3A_165 = arith.addi %parallel_loop3A_164, %iota3A : vector<16xi32>
          %parallel_loop3A_166 = tpu.vector_load_idx %arg11[%parallel_loop3A_97, %parallel_loop3A_165] : memref<237x64xi32, #tpu.memory_space<vmem>>[vector<16xi32>, vector<16xi32>], vector<16xi32>,
          %parallel_loop3A_167 = vector.bitcast %parallel_loop3A_159 : vector<16xi32> to vector<32xbf16>
          %parallel_loop3A_168 = vector.bitcast %parallel_loop3A_162 : vector<16xi32> to vector<32xbf16>
          %parallel_loop3A_169 = vector.bitcast %parallel_loop3A_166 : vector<16xi32> to vector<32xbf16>
          %parallel_loop3A_170 = arith.mulf %parallel_loop3A_167, %parallel_loop3A_169 : vector<32xbf16>
          %parallel_loop3A_171 = arith.mulf %parallel_loop3A_170, %parallel_loop3A_168 : vector<32xbf16>
          %parallel_loop3A_172 = tpu.unpack_subelements %parallel_loop3A_171, 0 {pack_format = #tpu.pack_format<interleaved>} : vector<32xbf16> -> vector<16xf32>
          %parallel_loop3A_173 = tpu.unpack_subelements %parallel_loop3A_171, 1 {pack_format = #tpu.pack_format<interleaved>} : vector<32xbf16> -> vector<16xf32>
          %parallel_loop3A_174 = arith.addf %parallel_loop3A_156, %parallel_loop3A_172 : vector<16xf32>
          %parallel_loop3A_175 = arith.addf %parallel_loop3A_174, %parallel_loop3A_173 : vector<16xf32>
          %parallel_loop3A_176 = arith.constant 17 : i32
          %parallel_loop3A_177 = arith.muli %parallel_loop3A_60, %parallel_loop3A_176 : i32
          %parallel_loop3A_178 = arith.index_cast %parallel_loop3A_177 : i32 to index
          %parallel_loop3A_179 = tpu.vector_load %arg17[%parallel_loop3A_178] {strides = array<i32>} : memref<1360xf32, #tpu.memory_space<vmem>>, vector<16xf32>,
          tpu.vector_store %arg17[%parallel_loop3A_178], %parallel_loop3A_175 {strides = array<i32>} : memref<1360xf32, #tpu.memory_space<vmem>>, vector<16xf32>,
        } {sc.loop_unroll_factor = 40 : i64, sc.parallel_access}
        %parallel_loop3A_57 = arith.constant 0 : i32
        %parallel_loop3A_58 = arith.constant 5 : i32
        %parallel_loop3A_59 = arith.constant 1 : i32
        scf.for %parallel_loop3A_60 = %parallel_loop3A_57 to %parallel_loop3A_58 step %parallel_loop3A_59  : i32 {
          %parallel_loop3A_61 = arith.constant 0.000000e+00 : f32
          %parallel_loop3A_62 = vector.broadcast %parallel_loop3A_61 : f32 to vector<16xf32>
          %parallel_loop3A_63 = arith.constant 17 : i32
          %parallel_loop3A_64 = vector.broadcast %parallel_loop3A_63 : i32 to vector<16xi32>
          %parallel_loop3A_65 = arith.muli %iota3A, %parallel_loop3A_64 : vector<16xi32>
          %parallel_loop3A_66 = arith.constant 272 : i32
          %parallel_loop3A_67 = arith.muli %parallel_loop3A_60, %parallel_loop3A_66 : i32
          %parallel_loop3A_68 = arith.constant 0 : i32
          %parallel_loop3A_69 = arith.addi %parallel_loop3A_67, %parallel_loop3A_68 : i32
          %parallel_loop3A_70 = vector.broadcast %parallel_loop3A_69 : i32 to vector<16xi32>
          %parallel_loop3A_71 = arith.addi %parallel_loop3A_65, %parallel_loop3A_70 : vector<16xi32>
          %parallel_loop3A_72 = tpu.vector_load_idx %arg17[%parallel_loop3A_71] : memref<1360xf32, #tpu.memory_space<vmem>>[vector<16xi32>], vector<16xf32>,
          %parallel_loop3A_73 = arith.addf %parallel_loop3A_62, %parallel_loop3A_72 : vector<16xf32>
          %parallel_loop3A_74 = arith.constant 17 : i32
          %parallel_loop3A_75 = vector.broadcast %parallel_loop3A_74 : i32 to vector<16xi32>
          %parallel_loop3A_76 = arith.muli %iota3A, %parallel_loop3A_75 : vector<16xi32>
          %parallel_loop3A_77 = arith.constant 272 : i32
          %parallel_loop3A_78 = arith.muli %parallel_loop3A_60, %parallel_loop3A_77 : i32
          %parallel_loop3A_79 = arith.constant 1 : i32
          %parallel_loop3A_80 = arith.addi %parallel_loop3A_78, %parallel_loop3A_79 : i32
          %parallel_loop3A_81 = vector.broadcast %parallel_loop3A_80 : i32 to vector<16xi32>
          %parallel_loop3A_82 = arith.addi %parallel_loop3A_76, %parallel_loop3A_81 : vector<16xi32>
          %parallel_loop3A_83 = tpu.vector_load_idx %arg17[%parallel_loop3A_82] : memref<1360xf32, #tpu.memory_space<vmem>>[vector<16xi32>], vector<16xf32>,
          %parallel_loop3A_84 = arith.addf %parallel_loop3A_73, %parallel_loop3A_83 : vector<16xf32>
          %parallel_loop3A_85 = arith.constant 17 : i32
          %parallel_loop3A_86 = vector.broadcast %parallel_loop3A_85 : i32 to vector<16xi32>
          %parallel_loop3A_87 = arith.muli %iota3A, %parallel_loop3A_86 : vector<16xi32>
          %parallel_loop3A_88 = arith.constant 272 : i32
          %parallel_loop3A_89 = arith.muli %parallel_loop3A_60, %parallel_loop3A_88 : i32
          %parallel_loop3A_90 = arith.constant 2 : i32
          %parallel_loop3A_91 = arith.addi %parallel_loop3A_89, %parallel_loop3A_90 : i32
          %parallel_loop3A_92 = vector.broadcast %parallel_loop3A_91 : i32 to vector<16xi32>
          %parallel_loop3A_93 = arith.addi %parallel_loop3A_87, %parallel_loop3A_92 : vector<16xi32>
          %parallel_loop3A_94 = tpu.vector_load_idx %arg17[%parallel_loop3A_93] : memref<1360xf32, #tpu.memory_space<vmem>>[vector<16xi32>], vector<16xf32>,
          %parallel_loop3A_95 = arith.addf %parallel_loop3A_84, %parallel_loop3A_94 : vector<16xf32>
          %parallel_loop3A_96 = arith.constant 17 : i32
          %parallel_loop3A_97 = vector.broadcast %parallel_loop3A_96 : i32 to vector<16xi32>
          %parallel_loop3A_98 = arith.muli %iota3A, %parallel_loop3A_97 : vector<16xi32>
          %parallel_loop3A_99 = arith.constant 272 : i32
          %parallel_loop3A_100 = arith.muli %parallel_loop3A_60, %parallel_loop3A_99 : i32
          %parallel_loop3A_101 = arith.constant 3 : i32
          %parallel_loop3A_102 = arith.addi %parallel_loop3A_100, %parallel_loop3A_101 : i32
          %parallel_loop3A_103 = vector.broadcast %parallel_loop3A_102 : i32 to vector<16xi32>
          %parallel_loop3A_104 = arith.addi %parallel_loop3A_98, %parallel_loop3A_103 : vector<16xi32>
          %parallel_loop3A_105 = tpu.vector_load_idx %arg17[%parallel_loop3A_104] : memref<1360xf32, #tpu.memory_space<vmem>>[vector<16xi32>], vector<16xf32>,
          %parallel_loop3A_106 = arith.addf %parallel_loop3A_95, %parallel_loop3A_105 : vector<16xf32>
          %parallel_loop3A_107 = arith.constant 17 : i32
          %parallel_loop3A_108 = vector.broadcast %parallel_loop3A_107 : i32 to vector<16xi32>
          %parallel_loop3A_109 = arith.muli %iota3A, %parallel_loop3A_108 : vector<16xi32>
          %parallel_loop3A_110 = arith.constant 272 : i32
          %parallel_loop3A_111 = arith.muli %parallel_loop3A_60, %parallel_loop3A_110 : i32
          %parallel_loop3A_112 = arith.constant 4 : i32
          %parallel_loop3A_113 = arith.addi %parallel_loop3A_111, %parallel_loop3A_112 : i32
          %parallel_loop3A_114 = vector.broadcast %parallel_loop3A_113 : i32 to vector<16xi32>
          %parallel_loop3A_115 = arith.addi %parallel_loop3A_109, %parallel_loop3A_114 : vector<16xi32>
          %parallel_loop3A_116 = tpu.vector_load_idx %arg17[%parallel_loop3A_115] : memref<1360xf32, #tpu.memory_space<vmem>>[vector<16xi32>], vector<16xf32>,
          %parallel_loop3A_117 = arith.addf %parallel_loop3A_106, %parallel_loop3A_116 : vector<16xf32>
          %parallel_loop3A_118 = arith.constant 17 : i32
          %parallel_loop3A_119 = vector.broadcast %parallel_loop3A_118 : i32 to vector<16xi32>
          %parallel_loop3A_120 = arith.muli %iota3A, %parallel_loop3A_119 : vector<16xi32>
          %parallel_loop3A_121 = arith.constant 272 : i32
          %parallel_loop3A_122 = arith.muli %parallel_loop3A_60, %parallel_loop3A_121 : i32
          %parallel_loop3A_123 = arith.constant 5 : i32
          %parallel_loop3A_124 = arith.addi %parallel_loop3A_122, %parallel_loop3A_123 : i32
          %parallel_loop3A_125 = vector.broadcast %parallel_loop3A_124 : i32 to vector<16xi32>
          %parallel_loop3A_126 = arith.addi %parallel_loop3A_120, %parallel_loop3A_125 : vector<16xi32>
          %parallel_loop3A_127 = tpu.vector_load_idx %arg17[%parallel_loop3A_126] : memref<1360xf32, #tpu.memory_space<vmem>>[vector<16xi32>], vector<16xf32>,
          %parallel_loop3A_128 = arith.addf %parallel_loop3A_117, %parallel_loop3A_127 : vector<16xf32>
          %parallel_loop3A_129 = arith.constant 17 : i32
          %parallel_loop3A_130 = vector.broadcast %parallel_loop3A_129 : i32 to vector<16xi32>
          %parallel_loop3A_131 = arith.muli %iota3A, %parallel_loop3A_130 : vector<16xi32>
          %parallel_loop3A_132 = arith.constant 272 : i32
          %parallel_loop3A_133 = arith.muli %parallel_loop3A_60, %parallel_loop3A_132 : i32
          %parallel_loop3A_134 = arith.constant 6 : i32
          %parallel_loop3A_135 = arith.addi %parallel_loop3A_133, %parallel_loop3A_134 : i32
          %parallel_loop3A_136 = vector.broadcast %parallel_loop3A_135 : i32 to vector<16xi32>
          %parallel_loop3A_137 = arith.addi %parallel_loop3A_131, %parallel_loop3A_136 : vector<16xi32>
          %parallel_loop3A_138 = tpu.vector_load_idx %arg17[%parallel_loop3A_137] : memref<1360xf32, #tpu.memory_space<vmem>>[vector<16xi32>], vector<16xf32>,
          %parallel_loop3A_139 = arith.addf %parallel_loop3A_128, %parallel_loop3A_138 : vector<16xf32>
          %parallel_loop3A_140 = arith.constant 17 : i32
          %parallel_loop3A_141 = vector.broadcast %parallel_loop3A_140 : i32 to vector<16xi32>
          %parallel_loop3A_142 = arith.muli %iota3A, %parallel_loop3A_141 : vector<16xi32>
          %parallel_loop3A_143 = arith.constant 272 : i32
          %parallel_loop3A_144 = arith.muli %parallel_loop3A_60, %parallel_loop3A_143 : i32
          %parallel_loop3A_145 = arith.constant 7 : i32
          %parallel_loop3A_146 = arith.addi %parallel_loop3A_144, %parallel_loop3A_145 : i32
          %parallel_loop3A_147 = vector.broadcast %parallel_loop3A_146 : i32 to vector<16xi32>
          %parallel_loop3A_148 = arith.addi %parallel_loop3A_142, %parallel_loop3A_147 : vector<16xi32>
          %parallel_loop3A_149 = tpu.vector_load_idx %arg17[%parallel_loop3A_148] : memref<1360xf32, #tpu.memory_space<vmem>>[vector<16xi32>], vector<16xf32>,
          %parallel_loop3A_150 = arith.addf %parallel_loop3A_139, %parallel_loop3A_149 : vector<16xf32>
          %parallel_loop3A_151 = arith.constant 17 : i32
          %parallel_loop3A_152 = vector.broadcast %parallel_loop3A_151 : i32 to vector<16xi32>
          %parallel_loop3A_153 = arith.muli %iota3A, %parallel_loop3A_152 : vector<16xi32>
          %parallel_loop3A_154 = arith.constant 272 : i32
          %parallel_loop3A_155 = arith.muli %parallel_loop3A_60, %parallel_loop3A_154 : i32
          %parallel_loop3A_156 = arith.constant 8 : i32
          %parallel_loop3A_157 = arith.addi %parallel_loop3A_155, %parallel_loop3A_156 : i32
          %parallel_loop3A_158 = vector.broadcast %parallel_loop3A_157 : i32 to vector<16xi32>
          %parallel_loop3A_159 = arith.addi %parallel_loop3A_153, %parallel_loop3A_158 : vector<16xi32>
          %parallel_loop3A_160 = tpu.vector_load_idx %arg17[%parallel_loop3A_159] : memref<1360xf32, #tpu.memory_space<vmem>>[vector<16xi32>], vector<16xf32>,
          %parallel_loop3A_161 = arith.addf %parallel_loop3A_150, %parallel_loop3A_160 : vector<16xf32>
          %parallel_loop3A_162 = arith.constant 17 : i32
          %parallel_loop3A_163 = vector.broadcast %parallel_loop3A_162 : i32 to vector<16xi32>
          %parallel_loop3A_164 = arith.muli %iota3A, %parallel_loop3A_163 : vector<16xi32>
          %parallel_loop3A_165 = arith.constant 272 : i32
          %parallel_loop3A_166 = arith.muli %parallel_loop3A_60, %parallel_loop3A_165 : i32
          %parallel_loop3A_167 = arith.constant 9 : i32
          %parallel_loop3A_168 = arith.addi %parallel_loop3A_166, %parallel_loop3A_167 : i32
          %parallel_loop3A_169 = vector.broadcast %parallel_loop3A_168 : i32 to vector<16xi32>
          %parallel_loop3A_170 = arith.addi %parallel_loop3A_164, %parallel_loop3A_169 : vector<16xi32>
          %parallel_loop3A_171 = tpu.vector_load_idx %arg17[%parallel_loop3A_170] : memref<1360xf32, #tpu.memory_space<vmem>>[vector<16xi32>], vector<16xf32>,
          %parallel_loop3A_172 = arith.addf %parallel_loop3A_161, %parallel_loop3A_171 : vector<16xf32>
          %parallel_loop3A_173 = arith.constant 17 : i32
          %parallel_loop3A_174 = vector.broadcast %parallel_loop3A_173 : i32 to vector<16xi32>
          %parallel_loop3A_175 = arith.muli %iota3A, %parallel_loop3A_174 : vector<16xi32>
          %parallel_loop3A_176 = arith.constant 272 : i32
          %parallel_loop3A_177 = arith.muli %parallel_loop3A_60, %parallel_loop3A_176 : i32
          %parallel_loop3A_178 = arith.constant 10 : i32
          %parallel_loop3A_179 = arith.addi %parallel_loop3A_177, %parallel_loop3A_178 : i32
          %parallel_loop3A_180 = vector.broadcast %parallel_loop3A_179 : i32 to vector<16xi32>
          %parallel_loop3A_181 = arith.addi %parallel_loop3A_175, %parallel_loop3A_180 : vector<16xi32>
          %parallel_loop3A_182 = tpu.vector_load_idx %arg17[%parallel_loop3A_181] : memref<1360xf32, #tpu.memory_space<vmem>>[vector<16xi32>], vector<16xf32>,
          %parallel_loop3A_183 = arith.addf %parallel_loop3A_172, %parallel_loop3A_182 : vector<16xf32>
          %parallel_loop3A_184 = arith.constant 17 : i32
          %parallel_loop3A_185 = vector.broadcast %parallel_loop3A_184 : i32 to vector<16xi32>
          %parallel_loop3A_186 = arith.muli %iota3A, %parallel_loop3A_185 : vector<16xi32>
          %parallel_loop3A_187 = arith.constant 272 : i32
          %parallel_loop3A_188 = arith.muli %parallel_loop3A_60, %parallel_loop3A_187 : i32
          %parallel_loop3A_189 = arith.constant 11 : i32
          %parallel_loop3A_190 = arith.addi %parallel_loop3A_188, %parallel_loop3A_189 : i32
          %parallel_loop3A_191 = vector.broadcast %parallel_loop3A_190 : i32 to vector<16xi32>
          %parallel_loop3A_192 = arith.addi %parallel_loop3A_186, %parallel_loop3A_191 : vector<16xi32>
          %parallel_loop3A_193 = tpu.vector_load_idx %arg17[%parallel_loop3A_192] : memref<1360xf32, #tpu.memory_space<vmem>>[vector<16xi32>], vector<16xf32>,
          %parallel_loop3A_194 = arith.addf %parallel_loop3A_183, %parallel_loop3A_193 : vector<16xf32>
          %parallel_loop3A_195 = arith.constant 17 : i32
          %parallel_loop3A_196 = vector.broadcast %parallel_loop3A_195 : i32 to vector<16xi32>
          %parallel_loop3A_197 = arith.muli %iota3A, %parallel_loop3A_196 : vector<16xi32>
          %parallel_loop3A_198 = arith.constant 272 : i32
          %parallel_loop3A_199 = arith.muli %parallel_loop3A_60, %parallel_loop3A_198 : i32
          %parallel_loop3A_200 = arith.constant 12 : i32
          %parallel_loop3A_201 = arith.addi %parallel_loop3A_199, %parallel_loop3A_200 : i32
          %parallel_loop3A_202 = vector.broadcast %parallel_loop3A_201 : i32 to vector<16xi32>
          %parallel_loop3A_203 = arith.addi %parallel_loop3A_197, %parallel_loop3A_202 : vector<16xi32>
          %parallel_loop3A_204 = tpu.vector_load_idx %arg17[%parallel_loop3A_203] : memref<1360xf32, #tpu.memory_space<vmem>>[vector<16xi32>], vector<16xf32>,
          %parallel_loop3A_205 = arith.addf %parallel_loop3A_194, %parallel_loop3A_204 : vector<16xf32>
          %parallel_loop3A_206 = arith.constant 17 : i32
          %parallel_loop3A_207 = vector.broadcast %parallel_loop3A_206 : i32 to vector<16xi32>
          %parallel_loop3A_208 = arith.muli %iota3A, %parallel_loop3A_207 : vector<16xi32>
          %parallel_loop3A_209 = arith.constant 272 : i32
          %parallel_loop3A_210 = arith.muli %parallel_loop3A_60, %parallel_loop3A_209 : i32
          %parallel_loop3A_211 = arith.constant 13 : i32
          %parallel_loop3A_212 = arith.addi %parallel_loop3A_210, %parallel_loop3A_211 : i32
          %parallel_loop3A_213 = vector.broadcast %parallel_loop3A_212 : i32 to vector<16xi32>
          %parallel_loop3A_214 = arith.addi %parallel_loop3A_208, %parallel_loop3A_213 : vector<16xi32>
          %parallel_loop3A_215 = tpu.vector_load_idx %arg17[%parallel_loop3A_214] : memref<1360xf32, #tpu.memory_space<vmem>>[vector<16xi32>], vector<16xf32>,
          %parallel_loop3A_216 = arith.addf %parallel_loop3A_205, %parallel_loop3A_215 : vector<16xf32>
          %parallel_loop3A_217 = arith.constant 17 : i32
          %parallel_loop3A_218 = vector.broadcast %parallel_loop3A_217 : i32 to vector<16xi32>
          %parallel_loop3A_219 = arith.muli %iota3A, %parallel_loop3A_218 : vector<16xi32>
          %parallel_loop3A_220 = arith.constant 272 : i32
          %parallel_loop3A_221 = arith.muli %parallel_loop3A_60, %parallel_loop3A_220 : i32
          %parallel_loop3A_222 = arith.constant 14 : i32
          %parallel_loop3A_223 = arith.addi %parallel_loop3A_221, %parallel_loop3A_222 : i32
          %parallel_loop3A_224 = vector.broadcast %parallel_loop3A_223 : i32 to vector<16xi32>
          %parallel_loop3A_225 = arith.addi %parallel_loop3A_219, %parallel_loop3A_224 : vector<16xi32>
          %parallel_loop3A_226 = tpu.vector_load_idx %arg17[%parallel_loop3A_225] : memref<1360xf32, #tpu.memory_space<vmem>>[vector<16xi32>], vector<16xf32>,
          %parallel_loop3A_227 = arith.addf %parallel_loop3A_216, %parallel_loop3A_226 : vector<16xf32>
          %parallel_loop3A_228 = arith.constant 17 : i32
          %parallel_loop3A_229 = vector.broadcast %parallel_loop3A_228 : i32 to vector<16xi32>
          %parallel_loop3A_230 = arith.muli %iota3A, %parallel_loop3A_229 : vector<16xi32>
          %parallel_loop3A_231 = arith.constant 272 : i32
          %parallel_loop3A_232 = arith.muli %parallel_loop3A_60, %parallel_loop3A_231 : i32
          %parallel_loop3A_233 = arith.constant 15 : i32
          %parallel_loop3A_234 = arith.addi %parallel_loop3A_232, %parallel_loop3A_233 : i32
          %parallel_loop3A_235 = vector.broadcast %parallel_loop3A_234 : i32 to vector<16xi32>
          %parallel_loop3A_236 = arith.addi %parallel_loop3A_230, %parallel_loop3A_235 : vector<16xi32>
          %parallel_loop3A_237 = tpu.vector_load_idx %arg17[%parallel_loop3A_236] : memref<1360xf32, #tpu.memory_space<vmem>>[vector<16xi32>], vector<16xf32>,
          %parallel_loop3A_238 = arith.addf %parallel_loop3A_227, %parallel_loop3A_237 : vector<16xf32>
          %parallel_loop3A_239 = arith.constant 16 : i32
          %parallel_loop3A_240 = arith.muli %parallel_loop3A_60, %parallel_loop3A_239 : i32
          %parallel_loop3A_241 = arith.addi %multiple_of3A, %parallel_loop3A_240 : i32
          %parallel_loop3A_242 = arith.index_cast %parallel_loop3A_241 : i32 to index
          %parallel_loop3A_243 = tpu.vector_load %arg18[%parallel_loop3A_242] {strides = array<i32>} : memref<10000xf32, #tpu.memory_space<vmem>>, vector<16xf32>,
          tpu.vector_store %arg18[%parallel_loop3A_242], %parallel_loop3A_238 {strides = array<i32>} : memref<10000xf32, #tpu.memory_space<vmem>>, vector<16xf32>,
        } {sc.loop_unroll_factor = 5 : i64, sc.parallel_access}
      } else {
      }
      %not3A = arith.constant true
      %not3A_34 = arith.xori %eq3A_30, %not3A : i1
      %convert_element_type3A_35 = arith.extui %not3A_34 : i1 to i32
      %cond3A_36 = arith.constant 0 : i32
      %cond3A_37 = arith.cmpi ne, %convert_element_type3A_35, %cond3A_36 : i32
      scf.if %cond3A_37 {
        %add3A_38 = arith.constant 1 : i32
        %add3A_39 = arith.addi %add3A_20, %add3A_38 : i32
        %lt3A = arith.constant 125 : i32
        %lt3A_40 = arith.cmpi slt, %add3A_39, %lt3A : i32
        %convert_element_type3A_41 = arith.extui %lt3A_40 : i1 to i32
        %cond3A_42 = arith.constant 0 : i32
        %cond3A_43 = arith.cmpi ne, %convert_element_type3A_41, %cond3A_42 : i32
        scf.if %cond3A_43 {
          %dma_start3A_60 = tpu.memref_slice %arg8[%multiple_of3A_27] : memref<10000xi32, #tpu.memory_space<vmem>> -> memref<80xi32, #tpu.memory_space<vmem>>
          %dma_start3A_61 = arith.constant 0 : i32
          %dma_start3A_62 = arith.constant 0 : i32
          %dma_start3A_63 = tpu.memref_slice %arg12[%dma_start3A_61, %dma_start3A_62] : memref<10000x64xi32, #tpu.memory_space<vmem_shared>> -> memref<10000x64xi32, #tpu.memory_space<vmem_shared>>
          tpu.enqueue_indirect_dma source(%dma_start3A_63 : memref<10000x64xi32, #tpu.memory_space<vmem_shared>>) target(%arg13 : memref<80x64xi32, #tpu.memory_space<vmem>>) offsets(%dma_start3A_60 : memref<80xi32, #tpu.memory_space<vmem>>) semaphore(%arg19 : memref<!tpu.dma_semaphore, #tpu.memory_space<semaphore_mem>>)
          %dma_start3A_64 = tpu.memref_slice %arg9[%multiple_of3A_27] : memref<10000xi32, #tpu.memory_space<vmem>> -> memref<80xi32, #tpu.memory_space<vmem>>
          %dma_start3A_65 = arith.constant 0 : i32
          %dma_start3A_66 = arith.constant 0 : i32
          %dma_start3A_67 = tpu.memref_slice %arg12[%dma_start3A_65, %dma_start3A_66] : memref<10000x64xi32, #tpu.memory_space<vmem_shared>> -> memref<10000x64xi32, #tpu.memory_space<vmem_shared>>
          tpu.enqueue_indirect_dma source(%dma_start3A_67 : memref<10000x64xi32, #tpu.memory_space<vmem_shared>>) target(%arg14 : memref<80x64xi32, #tpu.memory_space<vmem>>) offsets(%dma_start3A_64 : memref<80xi32, #tpu.memory_space<vmem>>) semaphore(%arg19 : memref<!tpu.dma_semaphore, #tpu.memory_space<semaphore_mem>>)
        } else {
        }
        %dma_wait3A = arith.constant 0 : i32
        %dma_wait3A_44 = arith.constant 0 : i32
        %dma_wait3A_45 = tpu.memref_slice %arg5[%dma_wait3A, %dma_wait3A_44] : memref<10000x64xi32, #tpu.memory_space<hbm>> -> memref<80x64xi32, #tpu.memory_space<hbm>>
        %dma_wait3A_46 = arith.constant 0 : i32
        %dma_wait3A_47 = arith.constant 0 : i32
        %dma_wait3A_48 = tpu.memref_slice %arg5[%dma_wait3A_46, %dma_wait3A_47] : memref<10000x64xi32, #tpu.memory_space<hbm>> -> memref<80x64xi32, #tpu.memory_space<hbm>>
        tpu.wait_dma2 semaphore(%arg20 : memref<!tpu.dma_semaphore, #tpu.memory_space<semaphore_mem>>) src(%dma_wait3A_48 : memref<80x64xi32, #tpu.memory_space<hbm>>) dst(%arg15 : memref<80x64xi32, #tpu.memory_space<vmem>>)
        %dma_wait3A_49 = arith.constant 0 : i32
        %dma_wait3A_50 = arith.constant 0 : i32
        %dma_wait3A_51 = tpu.memref_slice %arg5[%dma_wait3A_49, %dma_wait3A_50] : memref<10000x64xi32, #tpu.memory_space<hbm>> -> memref<80x64xi32, #tpu.memory_space<hbm>>
        %dma_wait3A_52 = arith.constant 0 : i32
        %dma_wait3A_53 = arith.constant 0 : i32
        %dma_wait3A_54 = tpu.memref_slice %arg5[%dma_wait3A_52, %dma_wait3A_53] : memref<10000x64xi32, #tpu.memory_space<hbm>> -> memref<80x64xi32, #tpu.memory_space<hbm>>
        tpu.wait_dma2 semaphore(%arg20 : memref<!tpu.dma_semaphore, #tpu.memory_space<semaphore_mem>>) src(%dma_wait3A_54 : memref<80x64xi32, #tpu.memory_space<hbm>>) dst(%arg16 : memref<80x64xi32, #tpu.memory_space<vmem>>)
        %parallel_loop3A = arith.constant 0 : i32
        %parallel_loop3A_55 = arith.constant 80 : i32
        %parallel_loop3A_56 = arith.constant 1 : i32
        scf.for %parallel_loop3A_60 = %parallel_loop3A to %parallel_loop3A_55 step %parallel_loop3A_56  : i32 {
          %parallel_loop3A_61 = arith.constant 16 : i32
          %parallel_loop3A_62 = arith.divsi %parallel_loop3A_60, %parallel_loop3A_61 : i32
          %parallel_loop3A_63 = arith.constant 0 : i32
          %parallel_loop3A_64 = arith.cmpi sgt, %parallel_loop3A_60, %parallel_loop3A_63 : i32
          %parallel_loop3A_65 = arith.extui %parallel_loop3A_64 : i1 to i32
          %parallel_loop3A_66 = arith.constant 0 : i32
          %parallel_loop3A_67 = arith.cmpi slt, %parallel_loop3A_60, %parallel_loop3A_66 : i32
          %parallel_loop3A_68 = arith.extui %parallel_loop3A_67 : i1 to i32
          %parallel_loop3A_69 = arith.subi %parallel_loop3A_65, %parallel_loop3A_68 : i32
          %parallel_loop3A_70 = arith.constant 0 : i32
          %parallel_loop3A_71 = arith.cmpi sgt, %parallel_loop3A_61, %parallel_loop3A_70 : i32
          %parallel_loop3A_72 = arith.extui %parallel_loop3A_71 : i1 to i32
          %parallel_loop3A_73 = arith.constant 0 : i32
          %parallel_loop3A_74 = arith.cmpi slt, %parallel_loop3A_61, %parallel_loop3A_73 : i32
          %parallel_loop3A_75 = arith.extui %parallel_loop3A_74 : i1 to i32
          %parallel_loop3A_76 = arith.subi %parallel_loop3A_72, %parallel_loop3A_75 : i32
          %parallel_loop3A_77 = arith.cmpi ne, %parallel_loop3A_69, %parallel_loop3A_76 : i32
          %parallel_loop3A_78 = arith.remsi %parallel_loop3A_60, %parallel_loop3A_61 : i32
          %parallel_loop3A_79 = arith.constant 0 : i32
          %parallel_loop3A_80 = arith.cmpi ne, %parallel_loop3A_78, %parallel_loop3A_79 : i32
          %parallel_loop3A_81 = arith.andi %parallel_loop3A_77, %parallel_loop3A_80 : i1
          %parallel_loop3A_82 = arith.constant 1 : i32
          %parallel_loop3A_83 = arith.subi %parallel_loop3A_62, %parallel_loop3A_82 : i32
          %parallel_loop3A_84 = arith.select %parallel_loop3A_81, %parallel_loop3A_83, %parallel_loop3A_62 : i32
          %parallel_loop3A_85 = arith.constant 16 : i32
          %parallel_loop3A_86 = arith.remsi %parallel_loop3A_60, %parallel_loop3A_85 : i32
          %parallel_loop3A_87 = arith.constant 16 : i32
          %parallel_loop3A_88 = arith.muli %parallel_loop3A_84, %parallel_loop3A_87 : i32
          %parallel_loop3A_89 = arith.addi %multiple_of3A, %parallel_loop3A_88 : i32
          %parallel_loop3A_90 = arith.index_cast %parallel_loop3A_89 : i32 to index
          %parallel_loop3A_91 = tpu.vector_load %arg10[%parallel_loop3A_90] {strides = array<i32>} : memref<10000xi32, #tpu.memory_space<vmem>>, vector<16xi32>,
          %parallel_loop3A_92 = arith.constant 0 : i32
          %parallel_loop3A_93 = vector.broadcast %parallel_loop3A_92 : i32 to vector<16x1xi32>
          %parallel_loop3A_94 = vector.broadcast %parallel_loop3A_86 : i32 to vector<16x1xi32>
          %parallel_loop3A_95 = arith.addi %parallel_loop3A_93, %parallel_loop3A_94 : vector<16x1xi32>
          %parallel_loop3A_96 = vector.shape_cast %parallel_loop3A_95 : vector<16x1xi32> to vector<16xi32>
          %parallel_loop3A_97 = tpu.dynamic_gather %parallel_loop3A_91[%parallel_loop3A_96] in [0] : vector<16xi32>, vector<16xi32> -> vector<16xi32>
          %parallel_loop3A_98 = arith.constant 0.000000e+00 : f32
          %parallel_loop3A_99 = vector.broadcast %parallel_loop3A_98 : f32 to vector<16xf32>
          %parallel_loop3A_100 = arith.index_cast %parallel_loop3A_60 : i32 to index
          %parallel_loop3A_101 = arith.constant 0 : index
          %parallel_loop3A_102 = tpu.vector_load %arg15[%parallel_loop3A_100, %parallel_loop3A_101] {strides = array<i32>} : memref<80x64xi32, #tpu.memory_space<vmem>>, vector<16xi32>,
          %parallel_loop3A_103 = arith.index_cast %parallel_loop3A_60 : i32 to index
          %parallel_loop3A_104 = arith.constant 0 : index
          %parallel_loop3A_105 = tpu.vector_load %arg16[%parallel_loop3A_103, %parallel_loop3A_104] {strides = array<i32>} : memref<80x64xi32, #tpu.memory_space<vmem>>, vector<16xi32>,
          %parallel_loop3A_106 = arith.constant 0 : i32
          %parallel_loop3A_107 = vector.broadcast %parallel_loop3A_106 : i32 to vector<16xi32>
          %parallel_loop3A_108 = arith.addi %parallel_loop3A_107, %iota3A : vector<16xi32>
          %parallel_loop3A_109 = tpu.vector_load_idx %arg11[%parallel_loop3A_97, %parallel_loop3A_108] : memref<237x64xi32, #tpu.memory_space<vmem>>[vector<16xi32>, vector<16xi32>], vector<16xi32>,
          %parallel_loop3A_110 = vector.bitcast %parallel_loop3A_102 : vector<16xi32> to vector<32xbf16>
          %parallel_loop3A_111 = vector.bitcast %parallel_loop3A_105 : vector<16xi32> to vector<32xbf16>
          %parallel_loop3A_112 = vector.bitcast %parallel_loop3A_109 : vector<16xi32> to vector<32xbf16>
          %parallel_loop3A_113 = arith.mulf %parallel_loop3A_110, %parallel_loop3A_112 : vector<32xbf16>
          %parallel_loop3A_114 = arith.mulf %parallel_loop3A_113, %parallel_loop3A_111 : vector<32xbf16>
          %parallel_loop3A_115 = tpu.unpack_subelements %parallel_loop3A_114, 0 {pack_format = #tpu.pack_format<interleaved>} : vector<32xbf16> -> vector<16xf32>
          %parallel_loop3A_116 = tpu.unpack_subelements %parallel_loop3A_114, 1 {pack_format = #tpu.pack_format<interleaved>} : vector<32xbf16> -> vector<16xf32>
          %parallel_loop3A_117 = arith.addf %parallel_loop3A_99, %parallel_loop3A_115 : vector<16xf32>
          %parallel_loop3A_118 = arith.addf %parallel_loop3A_117, %parallel_loop3A_116 : vector<16xf32>
          %parallel_loop3A_119 = arith.index_cast %parallel_loop3A_60 : i32 to index
          %parallel_loop3A_120 = arith.constant 16 : index
          %parallel_loop3A_121 = tpu.vector_load %arg15[%parallel_loop3A_119, %parallel_loop3A_120] {strides = array<i32>} : memref<80x64xi32, #tpu.memory_space<vmem>>, vector<16xi32>,
          %parallel_loop3A_122 = arith.index_cast %parallel_loop3A_60 : i32 to index
          %parallel_loop3A_123 = arith.constant 16 : index
          %parallel_loop3A_124 = tpu.vector_load %arg16[%parallel_loop3A_122, %parallel_loop3A_123] {strides = array<i32>} : memref<80x64xi32, #tpu.memory_space<vmem>>, vector<16xi32>,
          %parallel_loop3A_125 = arith.constant 16 : i32
          %parallel_loop3A_126 = vector.broadcast %parallel_loop3A_125 : i32 to vector<16xi32>
          %parallel_loop3A_127 = arith.addi %parallel_loop3A_126, %iota3A : vector<16xi32>
          %parallel_loop3A_128 = tpu.vector_load_idx %arg11[%parallel_loop3A_97, %parallel_loop3A_127] : memref<237x64xi32, #tpu.memory_space<vmem>>[vector<16xi32>, vector<16xi32>], vector<16xi32>,
          %parallel_loop3A_129 = vector.bitcast %parallel_loop3A_121 : vector<16xi32> to vector<32xbf16>
          %parallel_loop3A_130 = vector.bitcast %parallel_loop3A_124 : vector<16xi32> to vector<32xbf16>
          %parallel_loop3A_131 = vector.bitcast %parallel_loop3A_128 : vector<16xi32> to vector<32xbf16>
          %parallel_loop3A_132 = arith.mulf %parallel_loop3A_129, %parallel_loop3A_131 : vector<32xbf16>
          %parallel_loop3A_133 = arith.mulf %parallel_loop3A_132, %parallel_loop3A_130 : vector<32xbf16>
          %parallel_loop3A_134 = tpu.unpack_subelements %parallel_loop3A_133, 0 {pack_format = #tpu.pack_format<interleaved>} : vector<32xbf16> -> vector<16xf32>
          %parallel_loop3A_135 = tpu.unpack_subelements %parallel_loop3A_133, 1 {pack_format = #tpu.pack_format<interleaved>} : vector<32xbf16> -> vector<16xf32>
          %parallel_loop3A_136 = arith.addf %parallel_loop3A_118, %parallel_loop3A_134 : vector<16xf32>
          %parallel_loop3A_137 = arith.addf %parallel_loop3A_136, %parallel_loop3A_135 : vector<16xf32>
          %parallel_loop3A_138 = arith.index_cast %parallel_loop3A_60 : i32 to index
          %parallel_loop3A_139 = arith.constant 32 : index
          %parallel_loop3A_140 = tpu.vector_load %arg15[%parallel_loop3A_138, %parallel_loop3A_139] {strides = array<i32>} : memref<80x64xi32, #tpu.memory_space<vmem>>, vector<16xi32>,
          %parallel_loop3A_141 = arith.index_cast %parallel_loop3A_60 : i32 to index
          %parallel_loop3A_142 = arith.constant 32 : index
          %parallel_loop3A_143 = tpu.vector_load %arg16[%parallel_loop3A_141, %parallel_loop3A_142] {strides = array<i32>} : memref<80x64xi32, #tpu.memory_space<vmem>>, vector<16xi32>,
          %parallel_loop3A_144 = arith.constant 32 : i32
          %parallel_loop3A_145 = vector.broadcast %parallel_loop3A_144 : i32 to vector<16xi32>
          %parallel_loop3A_146 = arith.addi %parallel_loop3A_145, %iota3A : vector<16xi32>
          %parallel_loop3A_147 = tpu.vector_load_idx %arg11[%parallel_loop3A_97, %parallel_loop3A_146] : memref<237x64xi32, #tpu.memory_space<vmem>>[vector<16xi32>, vector<16xi32>], vector<16xi32>,
          %parallel_loop3A_148 = vector.bitcast %parallel_loop3A_140 : vector<16xi32> to vector<32xbf16>
          %parallel_loop3A_149 = vector.bitcast %parallel_loop3A_143 : vector<16xi32> to vector<32xbf16>
          %parallel_loop3A_150 = vector.bitcast %parallel_loop3A_147 : vector<16xi32> to vector<32xbf16>
          %parallel_loop3A_151 = arith.mulf %parallel_loop3A_148, %parallel_loop3A_150 : vector<32xbf16>
          %parallel_loop3A_152 = arith.mulf %parallel_loop3A_151, %parallel_loop3A_149 : vector<32xbf16>
          %parallel_loop3A_153 = tpu.unpack_subelements %parallel_loop3A_152, 0 {pack_format = #tpu.pack_format<interleaved>} : vector<32xbf16> -> vector<16xf32>
          %parallel_loop3A_154 = tpu.unpack_subelements %parallel_loop3A_152, 1 {pack_format = #tpu.pack_format<interleaved>} : vector<32xbf16> -> vector<16xf32>
          %parallel_loop3A_155 = arith.addf %parallel_loop3A_137, %parallel_loop3A_153 : vector<16xf32>
          %parallel_loop3A_156 = arith.addf %parallel_loop3A_155, %parallel_loop3A_154 : vector<16xf32>
          %parallel_loop3A_157 = arith.index_cast %parallel_loop3A_60 : i32 to index
          %parallel_loop3A_158 = arith.constant 48 : index
          %parallel_loop3A_159 = tpu.vector_load %arg15[%parallel_loop3A_157, %parallel_loop3A_158] {strides = array<i32>} : memref<80x64xi32, #tpu.memory_space<vmem>>, vector<16xi32>,
          %parallel_loop3A_160 = arith.index_cast %parallel_loop3A_60 : i32 to index
          %parallel_loop3A_161 = arith.constant 48 : index
          %parallel_loop3A_162 = tpu.vector_load %arg16[%parallel_loop3A_160, %parallel_loop3A_161] {strides = array<i32>} : memref<80x64xi32, #tpu.memory_space<vmem>>, vector<16xi32>,
          %parallel_loop3A_163 = arith.constant 48 : i32
          %parallel_loop3A_164 = vector.broadcast %parallel_loop3A_163 : i32 to vector<16xi32>
          %parallel_loop3A_165 = arith.addi %parallel_loop3A_164, %iota3A : vector<16xi32>
          %parallel_loop3A_166 = tpu.vector_load_idx %arg11[%parallel_loop3A_97, %parallel_loop3A_165] : memref<237x64xi32, #tpu.memory_space<vmem>>[vector<16xi32>, vector<16xi32>], vector<16xi32>,
          %parallel_loop3A_167 = vector.bitcast %parallel_loop3A_159 : vector<16xi32> to vector<32xbf16>
          %parallel_loop3A_168 = vector.bitcast %parallel_loop3A_162 : vector<16xi32> to vector<32xbf16>
          %parallel_loop3A_169 = vector.bitcast %parallel_loop3A_166 : vector<16xi32> to vector<32xbf16>
          %parallel_loop3A_170 = arith.mulf %parallel_loop3A_167, %parallel_loop3A_169 : vector<32xbf16>
          %parallel_loop3A_171 = arith.mulf %parallel_loop3A_170, %parallel_loop3A_168 : vector<32xbf16>
          %parallel_loop3A_172 = tpu.unpack_subelements %parallel_loop3A_171, 0 {pack_format = #tpu.pack_format<interleaved>} : vector<32xbf16> -> vector<16xf32>
          %parallel_loop3A_173 = tpu.unpack_subelements %parallel_loop3A_171, 1 {pack_format = #tpu.pack_format<interleaved>} : vector<32xbf16> -> vector<16xf32>
          %parallel_loop3A_174 = arith.addf %parallel_loop3A_156, %parallel_loop3A_172 : vector<16xf32>
          %parallel_loop3A_175 = arith.addf %parallel_loop3A_174, %parallel_loop3A_173 : vector<16xf32>
          %parallel_loop3A_176 = arith.constant 17 : i32
          %parallel_loop3A_177 = arith.muli %parallel_loop3A_60, %parallel_loop3A_176 : i32
          %parallel_loop3A_178 = arith.index_cast %parallel_loop3A_177 : i32 to index
          %parallel_loop3A_179 = tpu.vector_load %arg17[%parallel_loop3A_178] {strides = array<i32>} : memref<1360xf32, #tpu.memory_space<vmem>>, vector<16xf32>,
          tpu.vector_store %arg17[%parallel_loop3A_178], %parallel_loop3A_175 {strides = array<i32>} : memref<1360xf32, #tpu.memory_space<vmem>>, vector<16xf32>,
        } {sc.loop_unroll_factor = 40 : i64, sc.parallel_access}
        %parallel_loop3A_57 = arith.constant 0 : i32
        %parallel_loop3A_58 = arith.constant 5 : i32
        %parallel_loop3A_59 = arith.constant 1 : i32
        scf.for %parallel_loop3A_60 = %parallel_loop3A_57 to %parallel_loop3A_58 step %parallel_loop3A_59  : i32 {
          %parallel_loop3A_61 = arith.constant 0.000000e+00 : f32
          %parallel_loop3A_62 = vector.broadcast %parallel_loop3A_61 : f32 to vector<16xf32>
          %parallel_loop3A_63 = arith.constant 17 : i32
          %parallel_loop3A_64 = vector.broadcast %parallel_loop3A_63 : i32 to vector<16xi32>
          %parallel_loop3A_65 = arith.muli %iota3A, %parallel_loop3A_64 : vector<16xi32>
          %parallel_loop3A_66 = arith.constant 272 : i32
          %parallel_loop3A_67 = arith.muli %parallel_loop3A_60, %parallel_loop3A_66 : i32
          %parallel_loop3A_68 = arith.constant 0 : i32
          %parallel_loop3A_69 = arith.addi %parallel_loop3A_67, %parallel_loop3A_68 : i32
          %parallel_loop3A_70 = vector.broadcast %parallel_loop3A_69 : i32 to vector<16xi32>
          %parallel_loop3A_71 = arith.addi %parallel_loop3A_65, %parallel_loop3A_70 : vector<16xi32>
          %parallel_loop3A_72 = tpu.vector_load_idx %arg17[%parallel_loop3A_71] : memref<1360xf32, #tpu.memory_space<vmem>>[vector<16xi32>], vector<16xf32>,
          %parallel_loop3A_73 = arith.addf %parallel_loop3A_62, %parallel_loop3A_72 : vector<16xf32>
          %parallel_loop3A_74 = arith.constant 17 : i32
          %parallel_loop3A_75 = vector.broadcast %parallel_loop3A_74 : i32 to vector<16xi32>
          %parallel_loop3A_76 = arith.muli %iota3A, %parallel_loop3A_75 : vector<16xi32>
          %parallel_loop3A_77 = arith.constant 272 : i32
          %parallel_loop3A_78 = arith.muli %parallel_loop3A_60, %parallel_loop3A_77 : i32
          %parallel_loop3A_79 = arith.constant 1 : i32
          %parallel_loop3A_80 = arith.addi %parallel_loop3A_78, %parallel_loop3A_79 : i32
          %parallel_loop3A_81 = vector.broadcast %parallel_loop3A_80 : i32 to vector<16xi32>
          %parallel_loop3A_82 = arith.addi %parallel_loop3A_76, %parallel_loop3A_81 : vector<16xi32>
          %parallel_loop3A_83 = tpu.vector_load_idx %arg17[%parallel_loop3A_82] : memref<1360xf32, #tpu.memory_space<vmem>>[vector<16xi32>], vector<16xf32>,
          %parallel_loop3A_84 = arith.addf %parallel_loop3A_73, %parallel_loop3A_83 : vector<16xf32>
          %parallel_loop3A_85 = arith.constant 17 : i32
          %parallel_loop3A_86 = vector.broadcast %parallel_loop3A_85 : i32 to vector<16xi32>
          %parallel_loop3A_87 = arith.muli %iota3A, %parallel_loop3A_86 : vector<16xi32>
          %parallel_loop3A_88 = arith.constant 272 : i32
          %parallel_loop3A_89 = arith.muli %parallel_loop3A_60, %parallel_loop3A_88 : i32
          %parallel_loop3A_90 = arith.constant 2 : i32
          %parallel_loop3A_91 = arith.addi %parallel_loop3A_89, %parallel_loop3A_90 : i32
          %parallel_loop3A_92 = vector.broadcast %parallel_loop3A_91 : i32 to vector<16xi32>
          %parallel_loop3A_93 = arith.addi %parallel_loop3A_87, %parallel_loop3A_92 : vector<16xi32>
          %parallel_loop3A_94 = tpu.vector_load_idx %arg17[%parallel_loop3A_93] : memref<1360xf32, #tpu.memory_space<vmem>>[vector<16xi32>], vector<16xf32>,
          %parallel_loop3A_95 = arith.addf %parallel_loop3A_84, %parallel_loop3A_94 : vector<16xf32>
          %parallel_loop3A_96 = arith.constant 17 : i32
          %parallel_loop3A_97 = vector.broadcast %parallel_loop3A_96 : i32 to vector<16xi32>
          %parallel_loop3A_98 = arith.muli %iota3A, %parallel_loop3A_97 : vector<16xi32>
          %parallel_loop3A_99 = arith.constant 272 : i32
          %parallel_loop3A_100 = arith.muli %parallel_loop3A_60, %parallel_loop3A_99 : i32
          %parallel_loop3A_101 = arith.constant 3 : i32
          %parallel_loop3A_102 = arith.addi %parallel_loop3A_100, %parallel_loop3A_101 : i32
          %parallel_loop3A_103 = vector.broadcast %parallel_loop3A_102 : i32 to vector<16xi32>
          %parallel_loop3A_104 = arith.addi %parallel_loop3A_98, %parallel_loop3A_103 : vector<16xi32>
          %parallel_loop3A_105 = tpu.vector_load_idx %arg17[%parallel_loop3A_104] : memref<1360xf32, #tpu.memory_space<vmem>>[vector<16xi32>], vector<16xf32>,
          %parallel_loop3A_106 = arith.addf %parallel_loop3A_95, %parallel_loop3A_105 : vector<16xf32>
          %parallel_loop3A_107 = arith.constant 17 : i32
          %parallel_loop3A_108 = vector.broadcast %parallel_loop3A_107 : i32 to vector<16xi32>
          %parallel_loop3A_109 = arith.muli %iota3A, %parallel_loop3A_108 : vector<16xi32>
          %parallel_loop3A_110 = arith.constant 272 : i32
          %parallel_loop3A_111 = arith.muli %parallel_loop3A_60, %parallel_loop3A_110 : i32
          %parallel_loop3A_112 = arith.constant 4 : i32
          %parallel_loop3A_113 = arith.addi %parallel_loop3A_111, %parallel_loop3A_112 : i32
          %parallel_loop3A_114 = vector.broadcast %parallel_loop3A_113 : i32 to vector<16xi32>
          %parallel_loop3A_115 = arith.addi %parallel_loop3A_109, %parallel_loop3A_114 : vector<16xi32>
          %parallel_loop3A_116 = tpu.vector_load_idx %arg17[%parallel_loop3A_115] : memref<1360xf32, #tpu.memory_space<vmem>>[vector<16xi32>], vector<16xf32>,
          %parallel_loop3A_117 = arith.addf %parallel_loop3A_106, %parallel_loop3A_116 : vector<16xf32>
          %parallel_loop3A_118 = arith.constant 17 : i32
          %parallel_loop3A_119 = vector.broadcast %parallel_loop3A_118 : i32 to vector<16xi32>
          %parallel_loop3A_120 = arith.muli %iota3A, %parallel_loop3A_119 : vector<16xi32>
          %parallel_loop3A_121 = arith.constant 272 : i32
          %parallel_loop3A_122 = arith.muli %parallel_loop3A_60, %parallel_loop3A_121 : i32
          %parallel_loop3A_123 = arith.constant 5 : i32
          %parallel_loop3A_124 = arith.addi %parallel_loop3A_122, %parallel_loop3A_123 : i32
          %parallel_loop3A_125 = vector.broadcast %parallel_loop3A_124 : i32 to vector<16xi32>
          %parallel_loop3A_126 = arith.addi %parallel_loop3A_120, %parallel_loop3A_125 : vector<16xi32>
          %parallel_loop3A_127 = tpu.vector_load_idx %arg17[%parallel_loop3A_126] : memref<1360xf32, #tpu.memory_space<vmem>>[vector<16xi32>], vector<16xf32>,
          %parallel_loop3A_128 = arith.addf %parallel_loop3A_117, %parallel_loop3A_127 : vector<16xf32>
          %parallel_loop3A_129 = arith.constant 17 : i32
          %parallel_loop3A_130 = vector.broadcast %parallel_loop3A_129 : i32 to vector<16xi32>
          %parallel_loop3A_131 = arith.muli %iota3A, %parallel_loop3A_130 : vector<16xi32>
          %parallel_loop3A_132 = arith.constant 272 : i32
          %parallel_loop3A_133 = arith.muli %parallel_loop3A_60, %parallel_loop3A_132 : i32
          %parallel_loop3A_134 = arith.constant 6 : i32
          %parallel_loop3A_135 = arith.addi %parallel_loop3A_133, %parallel_loop3A_134 : i32
          %parallel_loop3A_136 = vector.broadcast %parallel_loop3A_135 : i32 to vector<16xi32>
          %parallel_loop3A_137 = arith.addi %parallel_loop3A_131, %parallel_loop3A_136 : vector<16xi32>
          %parallel_loop3A_138 = tpu.vector_load_idx %arg17[%parallel_loop3A_137] : memref<1360xf32, #tpu.memory_space<vmem>>[vector<16xi32>], vector<16xf32>,
          %parallel_loop3A_139 = arith.addf %parallel_loop3A_128, %parallel_loop3A_138 : vector<16xf32>
          %parallel_loop3A_140 = arith.constant 17 : i32
          %parallel_loop3A_141 = vector.broadcast %parallel_loop3A_140 : i32 to vector<16xi32>
          %parallel_loop3A_142 = arith.muli %iota3A, %parallel_loop3A_141 : vector<16xi32>
          %parallel_loop3A_143 = arith.constant 272 : i32
          %parallel_loop3A_144 = arith.muli %parallel_loop3A_60, %parallel_loop3A_143 : i32
          %parallel_loop3A_145 = arith.constant 7 : i32
          %parallel_loop3A_146 = arith.addi %parallel_loop3A_144, %parallel_loop3A_145 : i32
          %parallel_loop3A_147 = vector.broadcast %parallel_loop3A_146 : i32 to vector<16xi32>
          %parallel_loop3A_148 = arith.addi %parallel_loop3A_142, %parallel_loop3A_147 : vector<16xi32>
          %parallel_loop3A_149 = tpu.vector_load_idx %arg17[%parallel_loop3A_148] : memref<1360xf32, #tpu.memory_space<vmem>>[vector<16xi32>], vector<16xf32>,
          %parallel_loop3A_150 = arith.addf %parallel_loop3A_139, %parallel_loop3A_149 : vector<16xf32>
          %parallel_loop3A_151 = arith.constant 17 : i32
          %parallel_loop3A_152 = vector.broadcast %parallel_loop3A_151 : i32 to vector<16xi32>
          %parallel_loop3A_153 = arith.muli %iota3A, %parallel_loop3A_152 : vector<16xi32>
          %parallel_loop3A_154 = arith.constant 272 : i32
          %parallel_loop3A_155 = arith.muli %parallel_loop3A_60, %parallel_loop3A_154 : i32
          %parallel_loop3A_156 = arith.constant 8 : i32
          %parallel_loop3A_157 = arith.addi %parallel_loop3A_155, %parallel_loop3A_156 : i32
          %parallel_loop3A_158 = vector.broadcast %parallel_loop3A_157 : i32 to vector<16xi32>
          %parallel_loop3A_159 = arith.addi %parallel_loop3A_153, %parallel_loop3A_158 : vector<16xi32>
          %parallel_loop3A_160 = tpu.vector_load_idx %arg17[%parallel_loop3A_159] : memref<1360xf32, #tpu.memory_space<vmem>>[vector<16xi32>], vector<16xf32>,
          %parallel_loop3A_161 = arith.addf %parallel_loop3A_150, %parallel_loop3A_160 : vector<16xf32>
          %parallel_loop3A_162 = arith.constant 17 : i32
          %parallel_loop3A_163 = vector.broadcast %parallel_loop3A_162 : i32 to vector<16xi32>
          %parallel_loop3A_164 = arith.muli %iota3A, %parallel_loop3A_163 : vector<16xi32>
          %parallel_loop3A_165 = arith.constant 272 : i32
          %parallel_loop3A_166 = arith.muli %parallel_loop3A_60, %parallel_loop3A_165 : i32
          %parallel_loop3A_167 = arith.constant 9 : i32
          %parallel_loop3A_168 = arith.addi %parallel_loop3A_166, %parallel_loop3A_167 : i32
          %parallel_loop3A_169 = vector.broadcast %parallel_loop3A_168 : i32 to vector<16xi32>
          %parallel_loop3A_170 = arith.addi %parallel_loop3A_164, %parallel_loop3A_169 : vector<16xi32>
          %parallel_loop3A_171 = tpu.vector_load_idx %arg17[%parallel_loop3A_170] : memref<1360xf32, #tpu.memory_space<vmem>>[vector<16xi32>], vector<16xf32>,
          %parallel_loop3A_172 = arith.addf %parallel_loop3A_161, %parallel_loop3A_171 : vector<16xf32>
          %parallel_loop3A_173 = arith.constant 17 : i32
          %parallel_loop3A_174 = vector.broadcast %parallel_loop3A_173 : i32 to vector<16xi32>
          %parallel_loop3A_175 = arith.muli %iota3A, %parallel_loop3A_174 : vector<16xi32>
          %parallel_loop3A_176 = arith.constant 272 : i32
          %parallel_loop3A_177 = arith.muli %parallel_loop3A_60, %parallel_loop3A_176 : i32
          %parallel_loop3A_178 = arith.constant 10 : i32
          %parallel_loop3A_179 = arith.addi %parallel_loop3A_177, %parallel_loop3A_178 : i32
          %parallel_loop3A_180 = vector.broadcast %parallel_loop3A_179 : i32 to vector<16xi32>
          %parallel_loop3A_181 = arith.addi %parallel_loop3A_175, %parallel_loop3A_180 : vector<16xi32>
          %parallel_loop3A_182 = tpu.vector_load_idx %arg17[%parallel_loop3A_181] : memref<1360xf32, #tpu.memory_space<vmem>>[vector<16xi32>], vector<16xf32>,
          %parallel_loop3A_183 = arith.addf %parallel_loop3A_172, %parallel_loop3A_182 : vector<16xf32>
          %parallel_loop3A_184 = arith.constant 17 : i32
          %parallel_loop3A_185 = vector.broadcast %parallel_loop3A_184 : i32 to vector<16xi32>
          %parallel_loop3A_186 = arith.muli %iota3A, %parallel_loop3A_185 : vector<16xi32>
          %parallel_loop3A_187 = arith.constant 272 : i32
          %parallel_loop3A_188 = arith.muli %parallel_loop3A_60, %parallel_loop3A_187 : i32
          %parallel_loop3A_189 = arith.constant 11 : i32
          %parallel_loop3A_190 = arith.addi %parallel_loop3A_188, %parallel_loop3A_189 : i32
          %parallel_loop3A_191 = vector.broadcast %parallel_loop3A_190 : i32 to vector<16xi32>
          %parallel_loop3A_192 = arith.addi %parallel_loop3A_186, %parallel_loop3A_191 : vector<16xi32>
          %parallel_loop3A_193 = tpu.vector_load_idx %arg17[%parallel_loop3A_192] : memref<1360xf32, #tpu.memory_space<vmem>>[vector<16xi32>], vector<16xf32>,
          %parallel_loop3A_194 = arith.addf %parallel_loop3A_183, %parallel_loop3A_193 : vector<16xf32>
          %parallel_loop3A_195 = arith.constant 17 : i32
          %parallel_loop3A_196 = vector.broadcast %parallel_loop3A_195 : i32 to vector<16xi32>
          %parallel_loop3A_197 = arith.muli %iota3A, %parallel_loop3A_196 : vector<16xi32>
          %parallel_loop3A_198 = arith.constant 272 : i32
          %parallel_loop3A_199 = arith.muli %parallel_loop3A_60, %parallel_loop3A_198 : i32
          %parallel_loop3A_200 = arith.constant 12 : i32
          %parallel_loop3A_201 = arith.addi %parallel_loop3A_199, %parallel_loop3A_200 : i32
          %parallel_loop3A_202 = vector.broadcast %parallel_loop3A_201 : i32 to vector<16xi32>
          %parallel_loop3A_203 = arith.addi %parallel_loop3A_197, %parallel_loop3A_202 : vector<16xi32>
          %parallel_loop3A_204 = tpu.vector_load_idx %arg17[%parallel_loop3A_203] : memref<1360xf32, #tpu.memory_space<vmem>>[vector<16xi32>], vector<16xf32>,
          %parallel_loop3A_205 = arith.addf %parallel_loop3A_194, %parallel_loop3A_204 : vector<16xf32>
          %parallel_loop3A_206 = arith.constant 17 : i32
          %parallel_loop3A_207 = vector.broadcast %parallel_loop3A_206 : i32 to vector<16xi32>
          %parallel_loop3A_208 = arith.muli %iota3A, %parallel_loop3A_207 : vector<16xi32>
          %parallel_loop3A_209 = arith.constant 272 : i32
          %parallel_loop3A_210 = arith.muli %parallel_loop3A_60, %parallel_loop3A_209 : i32
          %parallel_loop3A_211 = arith.constant 13 : i32
          %parallel_loop3A_212 = arith.addi %parallel_loop3A_210, %parallel_loop3A_211 : i32
          %parallel_loop3A_213 = vector.broadcast %parallel_loop3A_212 : i32 to vector<16xi32>
          %parallel_loop3A_214 = arith.addi %parallel_loop3A_208, %parallel_loop3A_213 : vector<16xi32>
          %parallel_loop3A_215 = tpu.vector_load_idx %arg17[%parallel_loop3A_214] : memref<1360xf32, #tpu.memory_space<vmem>>[vector<16xi32>], vector<16xf32>,
          %parallel_loop3A_216 = arith.addf %parallel_loop3A_205, %parallel_loop3A_215 : vector<16xf32>
          %parallel_loop3A_217 = arith.constant 17 : i32
          %parallel_loop3A_218 = vector.broadcast %parallel_loop3A_217 : i32 to vector<16xi32>
          %parallel_loop3A_219 = arith.muli %iota3A, %parallel_loop3A_218 : vector<16xi32>
          %parallel_loop3A_220 = arith.constant 272 : i32
          %parallel_loop3A_221 = arith.muli %parallel_loop3A_60, %parallel_loop3A_220 : i32
          %parallel_loop3A_222 = arith.constant 14 : i32
          %parallel_loop3A_223 = arith.addi %parallel_loop3A_221, %parallel_loop3A_222 : i32
          %parallel_loop3A_224 = vector.broadcast %parallel_loop3A_223 : i32 to vector<16xi32>
          %parallel_loop3A_225 = arith.addi %parallel_loop3A_219, %parallel_loop3A_224 : vector<16xi32>
          %parallel_loop3A_226 = tpu.vector_load_idx %arg17[%parallel_loop3A_225] : memref<1360xf32, #tpu.memory_space<vmem>>[vector<16xi32>], vector<16xf32>,
          %parallel_loop3A_227 = arith.addf %parallel_loop3A_216, %parallel_loop3A_226 : vector<16xf32>
          %parallel_loop3A_228 = arith.constant 17 : i32
          %parallel_loop3A_229 = vector.broadcast %parallel_loop3A_228 : i32 to vector<16xi32>
          %parallel_loop3A_230 = arith.muli %iota3A, %parallel_loop3A_229 : vector<16xi32>
          %parallel_loop3A_231 = arith.constant 272 : i32
          %parallel_loop3A_232 = arith.muli %parallel_loop3A_60, %parallel_loop3A_231 : i32
          %parallel_loop3A_233 = arith.constant 15 : i32
          %parallel_loop3A_234 = arith.addi %parallel_loop3A_232, %parallel_loop3A_233 : i32
          %parallel_loop3A_235 = vector.broadcast %parallel_loop3A_234 : i32 to vector<16xi32>
          %parallel_loop3A_236 = arith.addi %parallel_loop3A_230, %parallel_loop3A_235 : vector<16xi32>
          %parallel_loop3A_237 = tpu.vector_load_idx %arg17[%parallel_loop3A_236] : memref<1360xf32, #tpu.memory_space<vmem>>[vector<16xi32>], vector<16xf32>,
          %parallel_loop3A_238 = arith.addf %parallel_loop3A_227, %parallel_loop3A_237 : vector<16xf32>
          %parallel_loop3A_239 = arith.constant 16 : i32
          %parallel_loop3A_240 = arith.muli %parallel_loop3A_60, %parallel_loop3A_239 : i32
          %parallel_loop3A_241 = arith.addi %multiple_of3A, %parallel_loop3A_240 : i32
          %parallel_loop3A_242 = arith.index_cast %parallel_loop3A_241 : i32 to index
          %parallel_loop3A_243 = tpu.vector_load %arg18[%parallel_loop3A_242] {strides = array<i32>} : memref<10000xf32, #tpu.memory_space<vmem>>, vector<16xf32>,
          tpu.vector_store %arg18[%parallel_loop3A_242], %parallel_loop3A_238 {strides = array<i32>} : memref<10000xf32, #tpu.memory_space<vmem>>, vector<16xf32>,
        } {sc.loop_unroll_factor = 5 : i64, sc.parallel_access}
      } else {
      }
    }
    %scan3A_15 = arith.constant 125 : i32
    "tpu.region"() ({
      %run_scoped3A = tpu.sem_alloc : memref<!tpu.dma_semaphore, #tpu.memory_space<semaphore_mem>>
      %dma_start3A_16 = arith.constant 0 : i32
      %dma_start3A_17 = tpu.memref_slice %arg7[%add3A, %dma_start3A_16] : memref<32x10000xf32, #tpu.memory_space<hbm>> -> memref<1x10000xf32, #tpu.memory_space<hbm>>
      %dma_start3A_18 = tpu.memref_squeeze %dma_start3A_17 : memref<1x10000xf32, #tpu.memory_space<hbm>> -> memref<10000xf32, #tpu.memory_space<hbm>>
      %dma_start3A_19 = arith.constant 0 : i32
      %dma_start3A_20 = tpu.memref_slice %arg7[%add3A, %dma_start3A_19] : memref<32x10000xf32, #tpu.memory_space<hbm>> -> memref<1x10000xf32, #tpu.memory_space<hbm>>
      %dma_start3A_21 = tpu.memref_squeeze %dma_start3A_20 : memref<1x10000xf32, #tpu.memory_space<hbm>> -> memref<10000xf32, #tpu.memory_space<hbm>>
      tpu.enqueue_dma source(%arg18 : memref<10000xf32, #tpu.memory_space<vmem>>) target(%dma_start3A_21 : memref<10000xf32, #tpu.memory_space<hbm>>) target_semaphore(%run_scoped3A : memref<!tpu.dma_semaphore, #tpu.memory_space<semaphore_mem>>)
      %dma_wait3A = arith.constant 0 : i32
      %dma_wait3A_22 = tpu.memref_slice %arg7[%add3A, %dma_wait3A] : memref<32x10000xf32, #tpu.memory_space<hbm>> -> memref<1x10000xf32, #tpu.memory_space<hbm>>
      %dma_wait3A_23 = tpu.memref_squeeze %dma_wait3A_22 : memref<1x10000xf32, #tpu.memory_space<hbm>> -> memref<10000xf32, #tpu.memory_space<hbm>>
      %dma_wait3A_24 = arith.constant 0 : i32
      %dma_wait3A_25 = tpu.memref_slice %arg7[%add3A, %dma_wait3A_24] : memref<32x10000xf32, #tpu.memory_space<hbm>> -> memref<1x10000xf32, #tpu.memory_space<hbm>>
      %dma_wait3A_26 = tpu.memref_squeeze %dma_wait3A_25 : memref<1x10000xf32, #tpu.memory_space<hbm>> -> memref<10000xf32, #tpu.memory_space<hbm>>
      tpu.wait_dma2 semaphore(%run_scoped3A : memref<!tpu.dma_semaphore, #tpu.memory_space<semaphore_mem>>) src(%arg18 : memref<10000xf32, #tpu.memory_space<vmem>>) dst(%dma_wait3A_26 : memref<10000xf32, #tpu.memory_space<hbm>>)
      tpu.yield
    }) : () -> ()
    return
  }
}

</mosaic_0001>

<sc_bundles>
// kernel: _dist_mult.3.cloned.1.call-start
scs
__scs_entry_jumppad:
0x0: {  	(pc) =	sbr.rel $0x88, $3  }
0x1: {  	(tag) =	ssettag $0x0;
	lr =	simm.s32 $0x1  }
0x2: {  	[smem:$0x3F9C] =	sst lr;
	_ =	strace $0xD0000000  }
0x3: {  	_ = 	snop  }
0x4: {  	_ = 	snop  }
0x5: {  	_ = 	snop  }
0x6: {  	_ = 	snop  }
0x7: {  	_ = 	snop  }
__scs_overlays_trampoline_lowered:
0x8: {  	[smem:$0x3FAB] =	sst s0  }
0x9: {  	[smem:$0x3FAC] =	sst s1  }
0xa: {  	[smem:$0x3FAD] =	sst s2  }
0xb: {  	[smem:$0x3FAE] =	sst s3  }
0xc: {  	[smem:$0x3FAF] =	sst s4  }
0xd: {  	[smem:$0x3FB0] =	sst s5  }
0xe: {  	[smem:$0x3FB1] =	sst s6  }
0xf: {  	[smem:$0x3FB2] =	sst s7  }
0x10: {  	[smem:$0x3FB3] =	sst s8  }
0x11: {  	[smem:$0x3FB4] =	sst s9;
	s0 =	simm.s32 @!p0 $0x0  }
0x12: {  	s1 =	sld [smem:$0x3F9A];
	s0 =	simm.s32 @p0 $0x1  }
0x13: {  	[smem:$0x3FB5] =	sst s0;
	s0 =	simm.s32 @!p1 $0x0  }
0x14: {  	s2 =	sld [smem:$0x3F99];
	s0 =	simm.s32 @p1 $0x1  }
0x15: {  	[smem:$0x3FB6] =	sst s0;
	s0 =	simm.s32 @!p2 $0x0  }
0x16: {  	s3 =	sld [smem:$0x3FDB];
	s0 =	simm.s32 @p2 $0x1  }
0x17: {  	s4 =	simm.s32 $0x1BF5;
	[smem:$0x3FB8] =	sst s0  }
0x18: {  	s0 =	sld [smem:$0x3F9B];
	_ =	swait.ge [sflag:s4], $0x0  }
0x19: {  	s7 =	sld [smem:$0x3F9C]  }
0x1a: {  	s8 =	sadd.s32 $0xFFFFE003, lr  }
0x1b: {  	s9 =	sadd.s32 $0xFFFFFEF7, lr;
	s5 =	simm.s32 $0xFFFFFFFF;
	p2 =	slt.u32 s8, $0xFFFFF086  }
0x1c: {  	p1 =	slt.u32 s9, $0xF7A;
	s5 =	simm.s32 @!p2 $0x0  }
0x1d: {  	s5 =	simm.s32 @p1 $0x1;
	p0 =	seq.s32 s7, s2  }
0x1e: {  	s7 =	smul.u32 @!p0 $0xF7A, s2;
	p2 =	seq.s32 @!p0 s5, $0x0  }
0x1f: {  	s9 =	smul.u32 $0xF7A, s1;
	s8 =	simm.s32 @!p0 $0x1BF5;
	p2 =	por !p2, p0  }
0x20: {  	[sflag:s8] =	ssyncset.s32 @!p0 $0xFFFFF086;
	s6 =	sadd.s32 @!p0 s3, s7;
	s7 =	simm.s32 @!p0 $0x108  }
0x21: {  	s3 =	sadd.s32 s3, s9;
	s6 =	sadd.s32 @!p0 $0x88, s6;
	s7 =	simm.s32 @p2 $0x1082  }
0x22: {  	[simem:s7], [sflag:s8] =	dma.local @!p0 [hbm:s6], $0xF7A  }
0x23: {  	s9 =	sor.u32 $0xD0000000, s2;
	s6 =	simm.s32 $0x108;
	_ =	swait.ge @!p0 [sflag:s8], $0x0  }
0x24: {  	s3 =	sadd.s32 $0x88, s3;
	s6 =	simm.s32 @!p1 $0x1082;
	[sflag:s4] =	ssyncset.s32 $0xFFFFF086  }
0x25: {  	[simem:s6], [sflag:s4] =	dma.local [hbm:s3], $0xF7A  }
0x26: {  	[smem:$0x3F9C] =	sst s1;
	(tag) =	ssettag s2;
	_ =	strace s9  }
0x27: {  	s1 =	sld [smem:$0x3FAC]  }
0x28: {  	s2 =	sld [smem:$0x3FAD]  }
0x29: {  	s4 =	sld [smem:$0x3FAF]  }
0x2a: {  	p0 =	seq.s32 s5, $0x0;
	s5 =	sld [smem:$0x3FB0]  }
0x2b: {  	s6 =	sld [smem:$0x3FB1]  }
0x2c: {  	s7 =	sld [smem:$0x3FB2]  }
0x2d: {  	s3 =	simm.s32 $0x108;
	s8 =	sld [smem:$0x3FB3]  }
0x2e: {  	s3 =	simm.s32 @!p0 $0x1082;
	s9 =	sld [smem:$0x3FB4]  }
0x2f: {  	lr =	sadd.s32 s0, s3;
	s0 =	sld [smem:$0x3FAB]  }
0x30: {  	s3 =	sld [smem:$0x3FAE]  }
0x31: {  	[smem:$0x3FB7] =	sst s10  }
0x32: {  	s10 =	sld [smem:$0x3FB5];
	_ =	sdelay $0x3  }
0x33: {  	p0 =	seq.s32 s10, $0x1;
	s10 =	sld [smem:$0x3FB7];
	_ =	sdelay $0x3  }
0x34: {  	[smem:$0x3FB7] =	sst s10  }
0x35: {  	s10 =	sld [smem:$0x3FB6];
	_ =	sdelay $0x3  }
0x36: {  	p1 =	seq.s32 s10, $0x1;
	s10 =	sld [smem:$0x3FB7];
	_ =	sdelay $0x3  }
0x37: {  	[smem:$0x3FB7] =	sst s10  }
0x38: {  	s10 =	sld [smem:$0x3FB8]  }
0x39: {  	_ = 	snop;
	(pc) =	sbr.ind lr, $3  }
0x3a: {  	_ = 	snop  }
0x3b: {  	_ = 	snop  }
0x3c: {  	p2 =	seq.s32 s10, $0x1;
	s10 =	sld [smem:$0x3FB7]  }
0x3d: {  	_ =	shalt  }
0x3e: {  	_ =	shalt  }
0x3f: {  	_ =	shalt  }
0x40: {  	_ =	shalt  }
0x41: {  	_ =	shalt  }
0x42: {  	_ =	shalt  }
0x43: {  	_ =	shalt  }
0x44: {  	_ =	shalt  }
0x45: {  	_ =	shalt  }
0x46: {  	_ =	shalt  }
0x47: {  	_ =	shalt  }
0x48: {  	_ =	shalt  }
0x49: {  	_ =	shalt  }
0x4a: {  	_ =	shalt  }
0x4b: {  	_ =	shalt  }
0x4c: {  	_ =	shalt  }
0x4d: {  	_ =	shalt  }
0x4e: {  	_ =	shalt  }
0x4f: {  	_ =	shalt  }
0x50: {  	_ =	shalt  }
0x51: {  	_ =	shalt  }
0x52: {  	_ =	shalt  }
0x53: {  	_ =	shalt  }
0x54: {  	_ =	shalt  }
0x55: {  	_ =	shalt  }
0x56: {  	_ =	shalt  }
0x57: {  	_ =	shalt  }
0x58: {  	_ =	shalt  }
0x59: {  	_ =	shalt  }
0x5a: {  	_ =	shalt  }
0x5b: {  	_ =	shalt  }
0x5c: {  	_ =	shalt  }
0x5d: {  	_ =	shalt  }
0x5e: {  	_ =	shalt  }
0x5f: {  	_ =	shalt  }
0x60: {  	_ =	shalt  }
0x61: {  	_ =	shalt  }
0x62: {  	_ =	shalt  }
0x63: {  	_ =	shalt  }
0x64: {  	_ =	shalt  }
0x65: {  	_ =	shalt  }
0x66: {  	_ =	shalt  }
0x67: {  	_ =	shalt  }
0x68: {  	_ =	shalt  }
0x69: {  	_ =	shalt  }
0x6a: {  	_ =	shalt  }
0x6b: {  	_ =	shalt  }
0x6c: {  	_ =	shalt  }
0x6d: {  	_ =	shalt  }
0x6e: {  	_ =	shalt  }
0x6f: {  	_ =	shalt  }
0x70: {  	_ =	shalt  }
0x71: {  	_ =	shalt  }
0x72: {  	_ =	shalt  }
0x73: {  	_ =	shalt  }
0x74: {  	_ =	shalt  }
0x75: {  	_ =	shalt  }
0x76: {  	_ =	shalt  }
0x77: {  	_ =	shalt  }
0x78: {  	_ =	shalt  }
0x79: {  	_ =	shalt  }
0x7a: {  	_ =	shalt  }
0x7b: {  	_ =	shalt  }
0x7c: {  	_ =	shalt  }
0x7d: {  	_ =	shalt  }
0x7e: {  	_ =	shalt  }
0x7f: {  	_ =	shalt  }
0x80: {  	_ =	shalt  }
0x81: {  	_ =	shalt  }
0x82: {  	_ =	shalt  }
0x83: {  	_ =	shalt  }
0x84: {  	_ =	shalt  }
0x85: {  	_ =	shalt  }
0x86: {  	_ =	shalt  }
0x87: {  	_ =	shalt  }
.Lfunc_end0:
.L_simem_size_0:
called_computation_lowered:
.L_overlay_start_0:
0x88: {  	s2 =	sld [smem:$0x3FD9]  }
0x89: {  	s3 =	sld [smem:$0x3FFE];
	_ =	sdelay $0x1  }
0x8a: {  	s1 =	srdreg.scid  }
0x8b: {  	s0 =	sand.u32 $0x1, s1  }
0x8c: {  	s17 =	sshll.u32 s0, $0xA;
	s2 =	sadd.s32 s3, s2  }
0x8d: {  	s2 =	sadd.s32 s2, s17  }
0x8e: {  	[smem:$0x3FC3] =	sst s2  }
0x8f: {  	_ = 	snop  }
0x90: {  	s2 =	sld [smem:$0x3FD0];
	(tm) =	ssettm $0x1  }
0x91: {  	s18 =	sld [smem:$0x3FFB];
	_ =	sdelay $0x3  }
0x92: {  	_ =	strace s18  }
0x93: {  	s3 =	sld [smem:$0x3FFC];
	_ =	sdelay $0x3  }
0x94: {  	_ =	strace s3  }
0x95: {  	s3 =	sld [smem:$0x3FFD];
	_ =	sdelay $0x3  }
0x96: {  	_ =	strace s3  }
0x97: {  	_ =	strace $0x8FFFFFFF  }
0x98: {  	s19 =	sld [smem:$0x3FDB];
	_ =	sdelay $0x1  }
0x99: {  	s4 =	simm.s32 $_scs_section_size  }
0x9a: {  	s5 =	simm.s32 $_size__tile_overlayer_lowered;
	s6 =	simm.s32 $_tile_overlayer_lowered  }
0x9b: {  	s22 =	simm.s32 $0x1BFF;
	s21 =	sshll.u32 s6, $0x1;
	s3 =	sadd.s32 s4, s19  }
0x9c: {  	s7 =	simm.s32 $0x0;
	s20 =	sshll.u32 s5, $0x1;
	s5 =	sadd.s32 s21, s3  }
0x9d: {  	[timem:s7], [sflag:s22] =	dma.local [hbm:s5], s20  }
0x9e: {  	_ =	swait.ge [sflag:s22], s20  }
0x9f: {  	s4 =	ssub.s32 $0x0, s20;
	[sflag:s22] =	ssyncset.done $0x0  }
0xa0: {  	[sflag:s22] =	ssyncadd.s32 s4;
	_ =	sdelay $0x1  }
0xa1: {  	s23 =	simm.s32 $0x1B8B  }
0xa2: {  	_ =	swait.ge [sflag:s23], $0x1  }
0xa3: {  	[sflag:s23] =	ssyncset.done $0x0  }
0xa4: {  	s25 =	simm.s32 $0x1B8E;
	s24 =	sld [smem:$0x3FFE];
	[sflag:s23] =	ssyncadd.s32 $0xFFFFFFFF  }
0xa5: {  	s26 =	simm.s32 $execute0_lowered;
	[smem:$0x3FD2] =	sst s25  }
0xa6: {  	s5 =	sshll.u32 s26, $0x1;
	_ =	strace $0x80000046;
	[dreg:$0x1] =	wrdreg $0xFFFFFFFF  }
0xa7: {  	s28 =	simm.s32 $_size_execute0_lowered;
	s3 =	sadd.s32 s3, s5;
	[dreg:$0x0] =	wrdreg $0x0  }
0xa8: {  	s5 =	sshll.u32 s28, $0x1;
	[dreg:$0x2] =	wrdreg s3  }
0xa9: {  	[dreg:$0x3] =	wrdreg s5  }
0xaa: {  	[dreg:$0x4] =	wrdreg $0xC0  }
0xab: {  	_ =	task [dreg:s7], $0x5FFFF  }
0xac: {  	[dreg:$0x1] =	wrdreg $0xFFFFFFFF  }
0xad: {  	[dreg:$0x0] =	wrdreg $0x60  }
0xae: {  	[dreg:$0x2] =	wrdreg s2  }
0xaf: {  	[dreg:$0x3] =	wrdreg s24  }
0xb0: {  	[dreg:$0x4] =	wrdreg $0xB0700  }
0xb1: {  	[dreg:$0x5] =	wrdreg $0x9  }
0xb2: {  	_ =	task.clear_ibuf [dreg:s7], $0x6FFFF;
	_ =	strace $0x90000046  }
0xb3: {  	s29 =	simm.s32 $0x9;
	_ =	strace $0x80000048  }
0xb4: {  	_ =	swait.ge [sflag:s29], $0x1  }
0xb5: {  	[sflag:s29] =	ssyncadd.s32 $0xFFFFFFFF  }
0xb6: {  	_ =	strace $0x90000048  }
0xb7: {  	_ =	sfence  }
0xb8: {  	s30 =	sld [smem:$0x0];
	_ =	sdelay $0x2  }
0xb9: {  	s31 =	sshll.u32 s1, $0xD;
	s1 =	sshrl.u32 s1, $0x2  }
0xba: {  	s3 =	sand.u32 $0x4000, s31;
	s1 =	sadd.s32 s1, s30  }
0xbb: {  	s0 =	sor.u32 s3, s0;
	s1 =	sshll.u32 s1, $0x11  }
0xbc: {  	s0 =	sor.u32 s1, s0  }
0xbd: {  	s0 =	sadd.s32 $0x8F2B, s0  }
0xbe: {  	[sflag:s0] =	ssyncadd.remote.s32 $0x1  }
0xbf: {  	_ =	sfence.sel $0xFFFF  }
0xc0: {  	[dreg:$0x0] =	wrdreg $0xFFFFFFFF;
	(pc) =	sbr.abs _section_cstart, $3  }
0xc1: {  	[dreg:$0x1] =	wrdreg $0xFFFFFFFF  }
0xc2: {  	_ =	task.clear_ibuf [dreg:s7], $0x2FFFF;
	_ =	strace $0x9FFFFFFF  }
0xc3: {  	(tm) =	ssettm $0x7FFFFFFF  }
tec
execute0_lowered:
.L_overlay_start_1:
0x0: {  	(tag) =	ssettag $0x1  }
0x1: {  	s0 =	rddreg [dreg:$0x0]  }
0x2: {  	s1 =	rddreg [dreg:$0x1]  }
0x3: {  	s6 =	rddreg [dreg:$0x2]  }
0x4: {  	s2 =	srdreg.scid;
	s3 =	stileid.u32  }
0x5: {  	s7 =	simm.s32 $0x0;
	s2 =	sand.u32 $0x1, s2;
	s4 =	sshll.u32 s3, $0x1  }
0x6: {  	[smem:$0x7FF] =	sst s7;
	s5 =	sadd.s32 $0xC00, s1;
	s4 =	sor.u32 s2, s4  }
0x7: {  	s25 =	sadd.s32 $0x28200, s1;
	s2 =	ssub.s32 $0x2, s2;
	s4 =	smul.u32 $0x4E2, s4  }
0x8: {  	_ =	strace $0x80000047;
	[dreg:$0x4] =	wrdreg s5;
	s26 =	sshrl.u32 s2, $0x1  }
0x9: {  	[dreg:$0x5] =	wrdreg s25;
	s2 =	ssub.s32 s2, s26;
	s0 =	sadd.s32 s0, s4  }
0xa: {  	s1 =	sadd.s32 s4, s1;
	s31 =	smax.u32 s2, $0x1;
	[dreg:$0x6] =	wrdreg s0  }
.Ltmp0:
0xb: {  	s28 =	sadd.s32 $0x1E400, s1;
	[dreg:$0xa] =	wrdreg s31;
	(pc) =	sbr.rel .LBB2_1-.Ltmp0, $4  }
0xc: {  	s29 =	sadd.s32 $0x14600, s1;
	[dreg:$0x7] =	wrdreg s28  }
0xd: {  	p0 =	sne.s32 s3, $0x0;
	s30 =	sadd.s32 $0x28A00, s1;
	[dreg:$0x8] =	wrdreg s29  }
0xe: {  	s14 =	simm.s32 $0x7530;
	v39 =	vlaneseq.u32;
	s0 =	sshrl.u32 @!p0 s6, $0x3;
	[dreg:$0x9] =	wrdreg s30  }
0xf: {  	s3 =	simm.s32 $0x3;
	v1 =	vor.u32 $0x10, v39;
	v2 =	vor.u32 $0x20, v39;
	v3 =	vor.u32 $0x30, v39;
	s1 =	simm.s32 $0x0;
	[dreg:$0xb] =	wrdreg s0  }
.LBB2_8:
0x10: {  	s7 =	simm.s32 $0x0  }
0x11: {  	s0 =	rddreg [dreg:$0x9];
	s1 =	simm.s32 $0x1A200;
	s3 =	simm.s32 $0x3  }
0x12: {  	[hbm4b:s0+s7] =	stream.linear.scatter [tilespmem:s1], [sflag:$0x3], $0x2710, $0x38;
	[tilespmem:$0x1C910] =	vst v63  }
0x13: {  	_ =	swait.ge [sflag:s3], $0x2710  }
0x14: {  	s30 =	rddreg [dreg:$0xc]  }
0x15: {  	s31 =	rddreg [dreg:$0xa];
	s1 =	sadd.s32 $0x1, s30  }
0x16: {  	p1 =	sne.s32 s1, s31  }
.Ltmp1:
0x17: {  	_ = 	snop;
	(pc) =	sbr.rel @!p1 .LBB2_9-.Ltmp1, $3  }
0x18: {  	_ =	sdelay $0x1  }
0x19: {  	[sflag:s3] =	ssyncset.done $0x0  }
0x1a: {  	[sflag:s3] =	ssyncadd.s32 $0xFFFFD8F0  }
.LBB2_1:
0x1b: {  	[dreg:$0xc] =	wrdreg s1  }
0x1c: {  	s1 =	rddreg [dreg:$0x4]  }
0x1d: {  	s0 =	simm.s32 @!p0 $0x1C03;
	s2 =	rddreg [dreg:$0xb]  }
0x1e: {  	[spmem:s2], [sflag:s0] =	dma.local @!p0 [hbm:s1], $0x13880  }
0x1f: {  	s0 =	simm.s32 @!p0 $0x3  }
0x20: {  	_ =	swait.ge @!p0 [sflag:s0], $0x13880  }
0x21: {  	[sflag:s0] =	ssyncset.done @!p0 $0x0  }
0x22: {  	s21 =	rddreg [dreg:$0x6];
	[sflag:s0] =	ssyncadd.s32 @!p0 $0xFFFEC780  }
0x23: {  	[tilespmem:s7], [sflag:$0x3] =	stream.linear.gather [hbm4b:s21+s7], $0x2710, $0x38;
	[tilespmem:$0x1C910] =	vst v63  }
0x24: {  	_ =	swait.ge [sflag:s3], $0x2710  }
0x25: {  	[sflag:s3] =	ssyncset.done $0x0  }
0x26: {  	s23 =	simm.s32 $0x2710;
	s22 =	rddreg [dreg:$0x7];
	[sflag:s3] =	ssyncadd.s32 $0xFFFFD8F0  }
0x27: {  	[tilespmem:s23], [sflag:$0x3] =	stream.linear.gather [hbm4b:s22+s7], $0x2710, $0x38;
	[tilespmem:$0x1C910] =	vst v63  }
0x28: {  	_ =	swait.ge [sflag:s3], $0x2710  }
0x29: {  	[sflag:s3] =	ssyncset.done $0x0  }
0x2a: {  	s25 =	simm.s32 $0x4E20;
	s24 =	rddreg [dreg:$0x8];
	[sflag:s3] =	ssyncadd.s32 $0xFFFFD8F0  }
0x2b: {  	[tilespmem:s25], [sflag:$0x3] =	stream.linear.gather [hbm4b:s24+s7], $0x2710, $0x38;
	[tilespmem:$0x1C910] =	vst v63  }
0x2c: {  	_ =	swait.ge [sflag:s3], $0x2710  }
0x2d: {  	[sflag:s3] =	ssyncset.done $0x0  }
0x2e: {  	s26 =	rddreg [dreg:$0x5];
	[sflag:s3] =	ssyncadd.s32 $0xFFFFD8F0  }
0x2f: {  	[tilespmem:s14], [sflag:$0x3] =	stream.linear.gather [hbm4b:s26+s7], $0x3B40, $0x38;
	[tilespmem:$0x1C910] =	vst v63  }
0x30: {  	_ =	swait.ge [sflag:s3], $0x3B40  }
0x31: {  	[sflag:s3] =	ssyncset.done $0x0  }
0x32: {  	[sflag:s3] =	ssyncadd.s32 $0xFFFFC4C0  }
.Ltmp2:
0x33: {  	[bflag:$0x0] =	sbarrier.arrive $0xFFFF;
	(pc) =	sbr.rel .LBB2_2-.Ltmp2, $4  }
0x34: {  	s29 =	simm.s32 $0x50;
	s30 =	simm.s32 $0x14CB0;
	s28 =	rddreg [dreg:$0x2]  }
0x35: {  	[tilespmem:s30], [sflag:$0x1] =	stream.indirect.gather [spmem:s28], $0x40, s7, s29, $0xb8;
	[tilespmem:$0x1C910] =	vst v63  }
0x36: {  	s31 =	simm.s32 $0x160B0;
	s1 =	simm.s32 $0x0  }
0x37: {  	[tilespmem:s31], [sflag:$0x1] =	stream.indirect.gather [spmem:s28], $0x40, s23, s29, $0xb8;
	[tilespmem:$0x1C910] =	vst v63  }
.LBB2_7:
0x38: {  	v4 =	vmul.u32 $0x11, v39;
	_ =	sdelay $0x2  }
0x39: {  	v0 =	vadd.s32 $0x1, v4;
	_ =	sdelay $0x1  }
0x3a: {  	s0 =	simm.s32 $0x19CB0;
	v5 =	vadd.s32 $0x2, v4  }
0x3b: {  	v6 =	vld.idx.msk [tilespmem:v4+s0+$0x0], $0xffff  }
0x3c: {  	v7 =	vadd.s32 $0x3, v4  }
0x3d: {  	v0 =	vld.idx.msk [tilespmem:v0+s0+$0x0], $0xffff  }
0x3e: {  	v8 =	vadd.s32 $0x4, v4  }
0x3f: {  	v5 =	vld.idx.msk [tilespmem:v5+s0+$0x0], $0xffff  }
0x40: {  	v9 =	vadd.s32 $0x5, v4;
	v6 =	vadd.f32 $0.0e+00, v6  }
0x41: {  	v7 =	vld.idx.msk [tilespmem:v7+s0+$0x0], $0xffff  }
0x42: {  	v56 =	vadd.s32 $0x6, v4;
	v0 =	vadd.f32 v0, v6  }
0x43: {  	v8 =	vld.idx.msk [tilespmem:v8+s0+$0x0], $0xffff  }
0x44: {  	v0 =	vadd.f32 v5, v0;
	v5 =	vadd.s32 $0x7, v4  }
0x45: {  	v9 =	vld.idx.msk [tilespmem:v9+s0+$0x0], $0xffff  }
0x46: {  	v57 =	vadd.s32 $0x8, v4;
	v0 =	vadd.f32 v7, v0  }
0x47: {  	v6 =	vld.idx.msk [tilespmem:v56+s0+$0x0], $0xffff  }
0x48: {  	v58 =	vadd.s32 $0x9, v4;
	v0 =	vadd.f32 v8, v0  }
0x49: {  	v5 =	vld.idx.msk [tilespmem:v5+s0+$0x0], $0xffff  }
0x4a: {  	v59 =	vadd.s32 $0xA, v4;
	v0 =	vadd.f32 v9, v0  }
0x4b: {  	v7 =	vld.idx.msk [tilespmem:v57+s0+$0x0], $0xffff  }
0x4c: {  	v60 =	vadd.s32 $0xB, v4;
	v0 =	vadd.f32 v6, v0  }
0x4d: {  	v8 =	vld.idx.msk [tilespmem:v58+s0+$0x0], $0xffff  }
0x4e: {  	v0 =	vadd.f32 v5, v0;
	v5 =	vadd.s32 $0xC, v4  }
0x4f: {  	v9 =	vld.idx.msk [tilespmem:v59+s0+$0x0], $0xffff  }
0x50: {  	v61 =	vadd.s32 $0xD, v4;
	v0 =	vadd.f32 v7, v0  }
0x51: {  	v6 =	vld.idx.msk [tilespmem:v60+s0+$0x0], $0xffff  }
0x52: {  	v62 =	vadd.s32 $0xE, v4;
	v0 =	vadd.f32 v8, v0  }
0x53: {  	v5 =	vld.idx.msk [tilespmem:v5+s0+$0x0], $0xffff  }
0x54: {  	v63 =	vadd.s32 $0xF, v4;
	v0 =	vadd.f32 v9, v0  }
0x55: {  	v7 =	vld.idx.msk [tilespmem:v61+s0+$0x0], $0xffff  }
0x56: {  	v0 =	vadd.f32 v6, v0  }
0x57: {  	v11 =	vld.idx.msk [tilespmem:v62+s0+$0x0], $0xffff  }
0x58: {  	v0 =	vadd.f32 v5, v0  }
0x59: {  	v5 =	vld.idx.msk [tilespmem:v63+s0+$0x0], $0xffff  }
0x5a: {  	v0 =	vadd.f32 v7, v0;
	_ =	sdelay $0x1  }
0x5b: {  	v12 =	vadd.s32 $0x110, v4;
	v0 =	vadd.f32 v11, v0;
	_ =	sdelay $0x1  }
0x5c: {  	v0 =	vadd.f32 v5, v0;
	v5 =	vadd.s32 $0x111, v4  }
0x5d: {  	s2 =	rddreg [dreg:$0xe]  }
0x5e: {  	[tilespmem:s2+$0x1A200] =	vst v0;
	v0 =	vadd.s32 $0x112, v4  }
0x5f: {  	v6 =	vld.idx.msk [tilespmem:v12+s0+$0x0], $0xffff  }
0x60: {  	v13 =	vadd.s32 $0x113, v4  }
0x61: {  	v5 =	vld.idx.msk [tilespmem:v5+s0+$0x0], $0xffff  }
0x62: {  	v14 =	vadd.s32 $0x114, v4  }
0x63: {  	v0 =	vld.idx.msk [tilespmem:v0+s0+$0x0], $0xffff  }
0x64: {  	v15 =	vadd.s32 $0x115, v4;
	v6 =	vadd.f32 $0.0e+00, v6  }
0x65: {  	v7 =	vld.idx.msk [tilespmem:v13+s0+$0x0], $0xffff  }
0x66: {  	v16 =	vadd.s32 $0x116, v4;
	v5 =	vadd.f32 v5, v6  }
0x67: {  	v8 =	vld.idx.msk [tilespmem:v14+s0+$0x0], $0xffff  }
0x68: {  	v0 =	vadd.f32 v0, v5;
	v5 =	vadd.s32 $0x117, v4  }
0x69: {  	v9 =	vld.idx.msk [tilespmem:v15+s0+$0x0], $0xffff  }
0x6a: {  	v17 =	vadd.s32 $0x118, v4;
	v0 =	vadd.f32 v7, v0  }
0x6b: {  	v6 =	vld.idx.msk [tilespmem:v16+s0+$0x0], $0xffff  }
0x6c: {  	v18 =	vadd.s32 $0x119, v4;
	v0 =	vadd.f32 v8, v0  }
0x6d: {  	v5 =	vld.idx.msk [tilespmem:v5+s0+$0x0], $0xffff  }
0x6e: {  	v19 =	vadd.s32 $0x11A, v4;
	v0 =	vadd.f32 v9, v0  }
0x6f: {  	v7 =	vld.idx.msk [tilespmem:v17+s0+$0x0], $0xffff  }
0x70: {  	v20 =	vadd.s32 $0x11B, v4;
	v0 =	vadd.f32 v6, v0  }
0x71: {  	v8 =	vld.idx.msk [tilespmem:v18+s0+$0x0], $0xffff  }
0x72: {  	v0 =	vadd.f32 v5, v0;
	v5 =	vadd.s32 $0x11C, v4  }
0x73: {  	v9 =	vld.idx.msk [tilespmem:v19+s0+$0x0], $0xffff  }
0x74: {  	v21 =	vadd.s32 $0x11D, v4;
	v0 =	vadd.f32 v7, v0  }
0x75: {  	v6 =	vld.idx.msk [tilespmem:v20+s0+$0x0], $0xffff  }
0x76: {  	v22 =	vadd.s32 $0x11E, v4;
	v0 =	vadd.f32 v8, v0  }
0x77: {  	v5 =	vld.idx.msk [tilespmem:v5+s0+$0x0], $0xffff  }
0x78: {  	v23 =	vadd.s32 $0x11F, v4;
	v0 =	vadd.f32 v9, v0  }
0x79: {  	v7 =	vld.idx.msk [tilespmem:v21+s0+$0x0], $0xffff  }
0x7a: {  	v0 =	vadd.f32 v6, v0  }
0x7b: {  	v24 =	vld.idx.msk [tilespmem:v22+s0+$0x0], $0xffff  }
0x7c: {  	v0 =	vadd.f32 v5, v0  }
0x7d: {  	v5 =	vld.idx.msk [tilespmem:v23+s0+$0x0], $0xffff  }
0x7e: {  	v0 =	vadd.f32 v7, v0;
	_ =	sdelay $0x1  }
0x7f: {  	v25 =	vadd.s32 $0x220, v4;
	v0 =	vadd.f32 v24, v0;
	_ =	sdelay $0x1  }
0x80: {  	v0 =	vadd.f32 v5, v0;
	v5 =	vadd.s32 $0x221, v4;
	_ =	sdelay $0x1  }
0x81: {  	[tilespmem:s2+$0x1A210] =	vst v0;
	v0 =	vadd.s32 $0x222, v4  }
0x82: {  	v6 =	vld.idx.msk [tilespmem:v25+s0+$0x0], $0xffff  }
0x83: {  	v26 =	vadd.s32 $0x223, v4  }
0x84: {  	v5 =	vld.idx.msk [tilespmem:v5+s0+$0x0], $0xffff  }
0x85: {  	v27 =	vadd.s32 $0x224, v4  }
0x86: {  	v0 =	vld.idx.msk [tilespmem:v0+s0+$0x0], $0xffff  }
0x87: {  	v28 =	vadd.s32 $0x225, v4;
	v6 =	vadd.f32 $0.0e+00, v6  }
0x88: {  	v7 =	vld.idx.msk [tilespmem:v26+s0+$0x0], $0xffff  }
0x89: {  	v29 =	vadd.s32 $0x226, v4;
	v5 =	vadd.f32 v5, v6  }
0x8a: {  	v8 =	vld.idx.msk [tilespmem:v27+s0+$0x0], $0xffff  }
0x8b: {  	v0 =	vadd.f32 v0, v5;
	v5 =	vadd.s32 $0x227, v4  }
0x8c: {  	v9 =	vld.idx.msk [tilespmem:v28+s0+$0x0], $0xffff  }
0x8d: {  	v30 =	vadd.s32 $0x228, v4;
	v0 =	vadd.f32 v7, v0  }
0x8e: {  	v6 =	vld.idx.msk [tilespmem:v29+s0+$0x0], $0xffff  }
0x8f: {  	v31 =	vadd.s32 $0x229, v4;
	v0 =	vadd.f32 v8, v0  }
0x90: {  	v5 =	vld.idx.msk [tilespmem:v5+s0+$0x0], $0xffff  }
0x91: {  	v32 =	vadd.s32 $0x22A, v4;
	v0 =	vadd.f32 v9, v0  }
0x92: {  	v7 =	vld.idx.msk [tilespmem:v30+s0+$0x0], $0xffff  }
0x93: {  	v33 =	vadd.s32 $0x22B, v4;
	v0 =	vadd.f32 v6, v0  }
0x94: {  	v8 =	vld.idx.msk [tilespmem:v31+s0+$0x0], $0xffff  }
0x95: {  	v0 =	vadd.f32 v5, v0;
	v5 =	vadd.s32 $0x22C, v4  }
0x96: {  	v9 =	vld.idx.msk [tilespmem:v32+s0+$0x0], $0xffff  }
0x97: {  	v34 =	vadd.s32 $0x22D, v4;
	v0 =	vadd.f32 v7, v0  }
0x98: {  	v6 =	vld.idx.msk [tilespmem:v33+s0+$0x0], $0xffff  }
0x99: {  	v35 =	vadd.s32 $0x22E, v4;
	v0 =	vadd.f32 v8, v0  }
0x9a: {  	v5 =	vld.idx.msk [tilespmem:v5+s0+$0x0], $0xffff  }
0x9b: {  	v36 =	vadd.s32 $0x22F, v4;
	v0 =	vadd.f32 v9, v0  }
0x9c: {  	v7 =	vld.idx.msk [tilespmem:v34+s0+$0x0], $0xffff  }
0x9d: {  	v0 =	vadd.f32 v6, v0  }
0x9e: {  	v37 =	vld.idx.msk [tilespmem:v35+s0+$0x0], $0xffff  }
0x9f: {  	v0 =	vadd.f32 v5, v0  }
0xa0: {  	v5 =	vld.idx.msk [tilespmem:v36+s0+$0x0], $0xffff  }
0xa1: {  	v0 =	vadd.f32 v7, v0;
	_ =	sdelay $0x1  }
0xa2: {  	v38 =	vadd.s32 $0x330, v4;
	v0 =	vadd.f32 v37, v0;
	_ =	sdelay $0x1  }
0xa3: {  	v0 =	vadd.f32 v5, v0;
	v5 =	vadd.s32 $0x331, v4;
	_ =	sdelay $0x1  }
0xa4: {  	[tilespmem:s2+$0x1A220] =	vst v0;
	v0 =	vadd.s32 $0x332, v4  }
0xa5: {  	v6 =	vld.idx.msk [tilespmem:v38+s0+$0x0], $0xffff  }
0xa6: {  	v40 =	vadd.s32 $0x333, v4  }
0xa7: {  	v5 =	vld.idx.msk [tilespmem:v5+s0+$0x0], $0xffff  }
0xa8: {  	v41 =	vadd.s32 $0x334, v4  }
0xa9: {  	v0 =	vld.idx.msk [tilespmem:v0+s0+$0x0], $0xffff  }
0xaa: {  	v42 =	vadd.s32 $0x335, v4;
	v6 =	vadd.f32 $0.0e+00, v6  }
0xab: {  	v7 =	vld.idx.msk [tilespmem:v40+s0+$0x0], $0xffff  }
0xac: {  	v43 =	vadd.s32 $0x336, v4;
	v5 =	vadd.f32 v5, v6  }
0xad: {  	v8 =	vld.idx.msk [tilespmem:v41+s0+$0x0], $0xffff  }
0xae: {  	v0 =	vadd.f32 v0, v5;
	v5 =	vadd.s32 $0x337, v4  }
0xaf: {  	v9 =	vld.idx.msk [tilespmem:v42+s0+$0x0], $0xffff  }
0xb0: {  	v44 =	vadd.s32 $0x338, v4;
	v0 =	vadd.f32 v7, v0  }
0xb1: {  	v6 =	vld.idx.msk [tilespmem:v43+s0+$0x0], $0xffff  }
0xb2: {  	v45 =	vadd.s32 $0x339, v4;
	v0 =	vadd.f32 v8, v0  }
0xb3: {  	v5 =	vld.idx.msk [tilespmem:v5+s0+$0x0], $0xffff  }
0xb4: {  	v46 =	vadd.s32 $0x33A, v4;
	v0 =	vadd.f32 v9, v0  }
0xb5: {  	v7 =	vld.idx.msk [tilespmem:v44+s0+$0x0], $0xffff  }
0xb6: {  	v47 =	vadd.s32 $0x33B, v4;
	v0 =	vadd.f32 v6, v0  }
0xb7: {  	v8 =	vld.idx.msk [tilespmem:v45+s0+$0x0], $0xffff  }
0xb8: {  	v0 =	vadd.f32 v5, v0;
	v5 =	vadd.s32 $0x33C, v4  }
0xb9: {  	v9 =	vld.idx.msk [tilespmem:v46+s0+$0x0], $0xffff  }
0xba: {  	v48 =	vadd.s32 $0x33D, v4;
	v0 =	vadd.f32 v7, v0  }
0xbb: {  	v6 =	vld.idx.msk [tilespmem:v47+s0+$0x0], $0xffff  }
0xbc: {  	v49 =	vadd.s32 $0x33E, v4;
	v0 =	vadd.f32 v8, v0  }
0xbd: {  	v5 =	vld.idx.msk [tilespmem:v5+s0+$0x0], $0xffff  }
0xbe: {  	v50 =	vadd.s32 $0x33F, v4;
	v0 =	vadd.f32 v9, v0  }
0xbf: {  	v7 =	vld.idx.msk [tilespmem:v48+s0+$0x0], $0xffff  }
0xc0: {  	v0 =	vadd.f32 v6, v0  }
0xc1: {  	v51 =	vld.idx.msk [tilespmem:v49+s0+$0x0], $0xffff  }
0xc2: {  	v0 =	vadd.f32 v5, v0  }
0xc3: {  	v5 =	vld.idx.msk [tilespmem:v50+s0+$0x0], $0xffff  }
0xc4: {  	v0 =	vadd.f32 v7, v0;
	_ =	sdelay $0x1  }
0xc5: {  	v52 =	vadd.s32 $0x440, v4;
	v0 =	vadd.f32 v51, v0;
	_ =	sdelay $0x1  }
0xc6: {  	v0 =	vadd.f32 v5, v0;
	v5 =	vadd.s32 $0x441, v4;
	_ =	sdelay $0x1  }
0xc7: {  	[tilespmem:s2+$0x1A230] =	vst v0;
	v0 =	vadd.s32 $0x442, v4  }
0xc8: {  	v6 =	vld.idx.msk [tilespmem:v52+s0+$0x0], $0xffff  }
0xc9: {  	v53 =	vadd.s32 $0x443, v4  }
0xca: {  	v5 =	vld.idx.msk [tilespmem:v5+s0+$0x0], $0xffff  }
0xcb: {  	v54 =	vadd.s32 $0x444, v4  }
0xcc: {  	v0 =	vld.idx.msk [tilespmem:v0+s0+$0x0], $0xffff  }
0xcd: {  	v55 =	vadd.s32 $0x445, v4;
	v6 =	vadd.f32 $0.0e+00, v6  }
0xce: {  	v7 =	vld.idx.msk [tilespmem:v53+s0+$0x0], $0xffff  }
0xcf: {  	v56 =	vadd.s32 $0x446, v4;
	v5 =	vadd.f32 v5, v6  }
0xd0: {  	v8 =	vld.idx.msk [tilespmem:v54+s0+$0x0], $0xffff  }
0xd1: {  	v0 =	vadd.f32 v0, v5;
	v5 =	vadd.s32 $0x447, v4  }
0xd2: {  	v9 =	vld.idx.msk [tilespmem:v55+s0+$0x0], $0xffff  }
0xd3: {  	v57 =	vadd.s32 $0x448, v4;
	v0 =	vadd.f32 v7, v0  }
0xd4: {  	v6 =	vld.idx.msk [tilespmem:v56+s0+$0x0], $0xffff  }
0xd5: {  	v58 =	vadd.s32 $0x449, v4;
	v0 =	vadd.f32 v8, v0  }
0xd6: {  	v5 =	vld.idx.msk [tilespmem:v5+s0+$0x0], $0xffff  }
0xd7: {  	v59 =	vadd.s32 $0x44A, v4;
	v0 =	vadd.f32 v9, v0  }
0xd8: {  	v7 =	vld.idx.msk [tilespmem:v57+s0+$0x0], $0xffff  }
0xd9: {  	v60 =	vadd.s32 $0x44B, v4;
	v0 =	vadd.f32 v6, v0  }
0xda: {  	v8 =	vld.idx.msk [tilespmem:v58+s0+$0x0], $0xffff  }
0xdb: {  	v0 =	vadd.f32 v5, v0;
	v5 =	vadd.s32 $0x44C, v4  }
0xdc: {  	v9 =	vld.idx.msk [tilespmem:v59+s0+$0x0], $0xffff  }
0xdd: {  	v61 =	vadd.s32 $0x44D, v4;
	v0 =	vadd.f32 v7, v0  }
0xde: {  	v6 =	vld.idx.msk [tilespmem:v60+s0+$0x0], $0xffff  }
0xdf: {  	v62 =	vadd.s32 $0x44E, v4;
	v0 =	vadd.f32 v8, v0  }
0xe0: {  	v5 =	vld.idx.msk [tilespmem:v5+s0+$0x0], $0xffff  }
0xe1: {  	v4 =	vadd.s32 $0x44F, v4;
	v0 =	vadd.f32 v9, v0  }
0xe2: {  	v7 =	vld.idx.msk [tilespmem:v61+s0+$0x0], $0xffff  }
0xe3: {  	v0 =	vadd.f32 v6, v0  }
0xe4: {  	v63 =	vld.idx.msk [tilespmem:v62+s0+$0x0], $0xffff  }
0xe5: {  	v0 =	vadd.f32 v5, v0  }
0xe6: {  	s1 =	rddreg [dreg:$0xd];
	v4 =	vld.idx.msk [tilespmem:v4+s0+$0x0], $0xffff  }
0xe7: {  	s1 =	sadd.s32 $0x1, s1;
	v0 =	vadd.f32 v7, v0  }
0xe8: {  	p1 =	sne.s32 s1, $0x7D  }
.Ltmp3:
0xe9: {  	v0 =	vadd.f32 v63, v0;
	(pc) =	sbr.rel @!p1 .LBB2_8-.Ltmp3, $3  }
0xea: {  	_ = 	snop  }
0xeb: {  	v0 =	vadd.f32 v4, v0;
	_ =	sdelay $0x1  }
0xec: {  	[tilespmem:s2+$0x1A240] =	vst v0  }
.LBB2_2:
0xed: {  	s0 =	sand.u32 $0x1, s1  }
0xee: {  	p1 =	seq.s32 s0, $0x1  }
.Ltmp4:
0xef: {  	_ = 	snop;
	(pc) =	sbr.rel @p1 .LBB2_5-.Ltmp4, $4  }
0xf0: {  	_ = 	snop  }
0xf1: {  	s4 =	smul.u32 $0x50, s1  }
0xf2: {  	[dreg:$0xd] =	wrdreg s1  }
0xf3: {  	s0 =	sadd.s32 $0x50, s4;
	[dreg:$0xe] =	wrdreg s4  }
0xf4: {  	p1 =	seq.s32 s1, $0x7C  }
0xf5: {  	s3 =	rddreg [dreg:$0x2];
	s1 =	simm.s32 @!p1 $0x50;
	s2 =	simm.s32 @!p1 $0x174B0  }
0xf6: {  	[tilespmem:s2], [sflag:$0x2] =	stream.indirect.gather @!p1 [spmem:s3], $0x40, s0, s1, $0xb8;
	[tilespmem:$0x1C910] =	vst v63  }
0xf7: {  	s30 =	simm.s32 $0x1;
	s0 =	sadd.s32 @!p1 $0x2710, s0;
	s2 =	simm.s32 @!p1 $0x188B0  }
0xf8: {  	[tilespmem:s2], [sflag:$0x2] =	stream.indirect.gather @!p1 [spmem:s3], $0x40, s0, s1, $0xb8;
	[tilespmem:$0x1C910] =	vst v63  }
0xf9: {  	_ =	swait.ge [sflag:s30], $0x1400  }
0xfa: {  	s31 =	sadd.s32 $0x4E20, s4;
	[sflag:s30] =	ssyncset.done $0x0  }
0xfb: {  	v4 =	vmov s31;
	[sflag:s30] =	ssyncadd.s32 $0xFFFFEC00  }
0xfc: {  	_ =	swait.ge [sflag:s30], $0x1400  }
0xfd: {  	[sflag:s30] =	ssyncset.done $0x0  }
0xfe: {  	s29 =	simm.s32 $0x0;
	[sflag:s30] =	ssyncadd.s32 $0xFFFFEC00  }
.LBB2_4:
0xff: {  	s0 =	sand.u32 $0x70, s29  }
0x100: {  	s1 =	sshll.u32 s29, $0x6;
	v5 =	vld.idx.msk [tilespmem:v4+s0+$0x0 ss:$0x1], $0xffff  }
0x101: {  	v7 =	vld [tilespmem:s1+$0x14CB0]  }
0x102: {  	v9 =	vld [tilespmem:s1+$0x160B0]  }
0x103: {  	v10 =	vld [tilespmem:s1+$0x14CC0]  }
0x104: {  	v12 =	vld [tilespmem:s1+$0x160C0]  }
0x105: {  	s5 =	sand.u32 $0x8, s29;
	v14 =	vld [tilespmem:s1+$0x14CD0]  }
0x106: {  	v0 =	vmov s5;
	v15 =	vld [tilespmem:s1+$0x160D0]  }
0x107: {  	s6 =	sor.u32 $0x1, s29;
	v16 =	vld [tilespmem:s1+$0x14CE0];
	[tilespmem:$0x1F750] =	vst v0;
	v0 =	vperm.xlane v5, v0  }
0x108: {  	v18 =	vld [tilespmem:s1+$0x160E0];
	s7 =	sshll.u32 s6, $0x6  }
0x109: {  	s2 =	sand.u32 $0x9, s6;
	v19 =	vld [tilespmem:s7+$0x14CB0];
	v0 =	vshll.u32 v0, $0x6  }
0x10a: {  	s8 =	sor.u32 $0x2, s29;
	v13 =	vmov s2;
	v21 =	vld [tilespmem:s7+$0x160B0];
	v6 =	vor.u32 v39, v0  }
0x10b: {  	s3 =	sand.u32 $0xA, s8;
	v22 =	vld [tilespmem:s7+$0x14CC0];
	v13 =	vperm.xlane v5, v13;
	v8 =	vor.u32 v1, v0  }
0x10c: {  	v24 =	vmov s3;
	v55 =	vld [tilespmem:s7+$0x14CD0];
	v11 =	vor.u32 v2, v0  }
0x10d: {  	s10 =	sshll.u32 s8, $0x6;
	v57 =	vld [tilespmem:s7+$0x14CE0];
	v24 =	vperm.xlane v5, v24;
	v13 =	vshll.u32 v13, $0x6;
	v0 =	vor.u32 v3, v0  }
0x10e: {  	v59 =	vld [tilespmem:s10+$0x14CB0];
	v17 =	vor.u32 v39, v13  }
0x10f: {  	v24 =	vshll.u32 v24, $0x6;
	v20 =	vor.u32 v1, v13;
	v6 =	vld.idx.msk [tilespmem:v6+s14+$0x0], $0xffff  }
0x110: {  	v26 =	vor.u32 v39, v24;
	v8 =	vld.idx.msk [tilespmem:v8+s14+$0x0], $0xffff  }
0x111: {  	v11 =	vld.idx.msk [tilespmem:v11+s14+$0x0], $0xffff  }
0x112: {  	v23 =	vor.u32 v2, v13;
	v0 =	vld.idx.msk [tilespmem:v0+s14+$0x0], $0xffff  }
0x113: {  	v13 =	vor.u32 v3, v13;
	v17 =	vld.idx.msk [tilespmem:v17+s14+$0x0], $0xffff  }
0x114: {  	v20 =	vld.idx.msk [tilespmem:v20+s14+$0x0], $0xffff;
	v6 =	vmul.bf16 v6, v7  }
0x115: {  	v28 =	vor.u32 v1, v24;
	v62 =	vld.idx.msk [tilespmem:v26+s14+$0x0], $0xffff  }
0x116: {  	v60 =	vld [tilespmem:s10+$0x160B0];
	v6 =	vmul.bf16 v6, v9  }
0x117: {  	v40 =	vor.u32 v2, v24;
	v23 =	vld.idx.msk [tilespmem:v23+s14+$0x0], $0xffff;
	v8 =	vmul.bf16 v8, v10  }
0x118: {  	v13 =	vld.idx.msk [tilespmem:v13+s14+$0x0], $0xffff;
	v11 =	vmul.bf16 v11, v14;
	v17 =	vmul.bf16 v17, v19;
	v25 =	vunpack.i.l.bf16.f32 v6  }
0x119: {  	v32 =	vld [tilespmem:s10+$0x14CC0];
	v0 =	vmul.bf16 v0, v16;
	v20 =	vmul.bf16 v20, v22;
	v25 =	vadd.f32 $0.0e+00, v25  }
0x11a: {  	v38 =	vld.idx.msk [tilespmem:v28+s14+$0x0], $0xffff;
	v54 =	vmul.bf16 v62, v59;
	v8 =	vmul.bf16 v8, v12;
	v6 =	vunpack.i.u.bf16.f32 v6  }
0x11b: {  	v7 =	vld [tilespmem:s7+$0x160C0];
	v11 =	vmul.bf16 v11, v15;
	v63 =	vmul.bf16 v17, v21;
	v6 =	vadd.f32 v25, v6  }
0x11c: {  	v0 =	vmul.bf16 v0, v18;
	v9 =	vmul.bf16 v23, v55;
	v58 =	vunpack.i.l.bf16.f32 v8  }
0x11d: {  	v56 =	vld [tilespmem:s7+$0x160D0];
	v12 =	vmul.bf16 v13, v57;
	v55 =	vor.u32 v3, v24;
	v6 =	vadd.f32 v58, v6  }
0x11e: {  	v13 =	vmul.bf16 v54, v60;
	v8 =	vunpack.i.u.bf16.f32 v8;
	v37 =	vunpack.i.l.bf16.f32 v63  }
0x11f: {  	v17 =	vmul.bf16 v38, v32;
	v41 =	vadd.f32 $0.0e+00, v37;
	v6 =	vadd.f32 v6, v8  }
0x120: {  	v34 =	vunpack.i.l.bf16.f32 v11;
	v7 =	vmul.bf16 v20, v7;
	v8 =	vunpack.i.u.bf16.f32 v63  }
0x121: {  	v35 =	vld [tilespmem:s10+$0x160C0];
	v11 =	vunpack.i.u.bf16.f32 v11;
	v8 =	vadd.f32 v41, v8;
	v6 =	vadd.f32 v34, v6  }
0x122: {  	v42 =	vld [tilespmem:s10+$0x14CD0];
	v48 =	vunpack.i.l.bf16.f32 v0;
	v9 =	vmul.bf16 v9, v56;
	v46 =	vunpack.i.l.bf16.f32 v7  }
0x123: {  	v49 =	vld.idx.msk [tilespmem:v40+s14+$0x0], $0xffff;
	v62 =	vunpack.i.l.bf16.f32 v13;
	v8 =	vadd.f32 v46, v8;
	v6 =	vadd.f32 v6, v11  }
0x124: {  	v0 =	vunpack.i.u.bf16.f32 v0;
	v21 =	vadd.f32 $0.0e+00, v62;
	v7 =	vunpack.i.u.bf16.f32 v7  }
0x125: {  	v43 =	vld [tilespmem:s10+$0x160D0];
	v13 =	vunpack.i.u.bf16.f32 v13;
	v7 =	vadd.f32 v8, v7;
	v6 =	vadd.f32 v48, v6  }
0x126: {  	s9 =	sor.u32 $0x3, s29;
	v16 =	vmul.bf16 v17, v35;
	v51 =	vunpack.i.l.bf16.f32 v9;
	v14 =	vld.idx.msk [tilespmem:v55+s14+$0x0], $0xffff;
	v13 =	vadd.f32 v21, v13  }
0x127: {  	s4 =	sand.u32 $0xB, s9;
	v0 =	vadd.f32 v6, v0;
	v6 =	vadd.f32 v51, v7;
	v7 =	vld [tilespmem:s10+$0x14CE0]  }
0x128: {  	v29 =	vmov s4;
	v10 =	vmul.bf16 v49, v42;
	v28 =	vunpack.i.l.bf16.f32 v16  }
0x129: {  	v61 =	vperm.xlane v5, v29;
	v29 =	vld [tilespmem:s10+$0x160E0];
	v13 =	vadd.f32 v28, v13  }
0x12a: {  	v10 =	vmul.bf16 v10, v43;
	v16 =	vunpack.i.u.bf16.f32 v16  }
0x12b: {  	v13 =	vadd.f32 v13, v16  }
0x12c: {  	v32 =	vunpack.i.l.bf16.f32 v10;
	v7 =	vmul.bf16 v14, v7  }
0x12d: {  	v13 =	vadd.f32 v32, v13  }
0x12e: {  	v10 =	vunpack.i.u.bf16.f32 v10;
	v7 =	vmul.bf16 v7, v29  }
0x12f: {  	v10 =	vadd.f32 v13, v10  }
0x130: {  	s26 =	smul.u32 $0x44, s29;
	v34 =	vunpack.i.l.bf16.f32 v7  }
0x131: {  	v10 =	vadd.f32 v34, v10  }
0x132: {  	s1 =	smul.u32 $0x44, s8;
	s12 =	sshra.s32 s26, $0x2;
	v7 =	vunpack.i.u.bf16.f32 v7  }
0x133: {  	[tilespmem:s12+$0x19CB0] =	vst v0;
	v0 =	vadd.f32 v10, v7  }
0x134: {  	s13 =	sshra.s32 s1, $0x2  }
0x135: {  	[tilespmem:s13+$0x19CB0] =	vst v0;
	s13 =	sor.u32 $0x5, s29  }
0x136: {  	s17 =	sshll.u32 s13, $0x6  }
0x137: {  	v0 =	vld [tilespmem:s17+$0x14CC0];
	_ =	sdelay $0x4  }
0x138: {  	[tilespmem:$0x1F700] =	vst v0;
	v0 =	vld [tilespmem:s17+$0x14CD0];
	_ =	sdelay $0x4  }
0x139: {  	[tilespmem:$0x1F710] =	vst v0;
	v0 =	vld [tilespmem:s17+$0x160D0];
	_ =	sdelay $0x4  }
0x13a: {  	[tilespmem:$0x1F720] =	vst v0;
	v0 =	vld [tilespmem:s17+$0x14CE0];
	_ =	sdelay $0x4  }
0x13b: {  	[tilespmem:$0x1F730] =	vst v0;
	v0 =	vld [tilespmem:s17+$0x160E0];
	_ =	sdelay $0x2  }
0x13c: {  	s30 =	sor.u32 $0x6, s29  }
0x13d: {  	s18 =	sshll.u32 s30, $0x6  }
0x13e: {  	[tilespmem:$0x1F770] =	vst v0;
	v0 =	vld [tilespmem:s18+$0x14CB0];
	_ =	sdelay $0x4  }
0x13f: {  	[tilespmem:$0x1F740] =	vst v0;
	v0 =	vld [tilespmem:s18+$0x160B0];
	_ =	sdelay $0x4  }
0x140: {  	[tilespmem:$0x1F760] =	vst v0;
	v0 =	vld [tilespmem:s18+$0x14CC0];
	_ =	sdelay $0x4  }
0x141: {  	[tilespmem:$0x1F780] =	vst v0;
	v0 =	vld [tilespmem:s18+$0x160C0];
	_ =	sdelay $0x4  }
0x142: {  	[tilespmem:$0x1F790] =	vst v0;
	v0 =	vld [tilespmem:s18+$0x14CD0];
	_ =	sdelay $0x4  }
0x143: {  	[tilespmem:$0x1F7A0] =	vst v0;
	v0 =	vld [tilespmem:s18+$0x160D0];
	_ =	sdelay $0x4  }
0x144: {  	[tilespmem:$0x1F7B0] =	vst v0;
	v0 =	vld [tilespmem:s18+$0x14CE0];
	_ =	sdelay $0x4  }
0x145: {  	[tilespmem:$0x1F7E0] =	vst v0;
	v0 =	vld [tilespmem:s18+$0x160E0];
	_ =	sdelay $0x2  }
0x146: {  	s31 =	sor.u32 $0x7, s29  }
0x147: {  	s19 =	sshll.u32 s31, $0x6  }
0x148: {  	[tilespmem:$0x1F810] =	vst v0;
	v0 =	vld [tilespmem:s19+$0x14CB0];
	_ =	sdelay $0x4  }
0x149: {  	[tilespmem:$0x1F7C0] =	vst v0;
	v0 =	vld [tilespmem:s19+$0x160B0];
	_ =	sdelay $0x4  }
0x14a: {  	[tilespmem:$0x1F800] =	vst v0;
	v0 =	vld [tilespmem:s19+$0x14CC0];
	_ =	sdelay $0x4  }
0x14b: {  	[tilespmem:$0x1F7F0] =	vst v0;
	v0 =	vld [tilespmem:s19+$0x160C0];
	_ =	sdelay $0x4  }
0x14c: {  	[tilespmem:$0x1F820] =	vst v0;
	v0 =	vld [tilespmem:s19+$0x14CD0];
	_ =	sdelay $0x4  }
0x14d: {  	[tilespmem:$0x1F850] =	vst v0;
	v0 =	vld [tilespmem:s19+$0x160D0];
	_ =	sdelay $0x4  }
0x14e: {  	[tilespmem:$0x1F860] =	vst v0;
	v0 =	vld [tilespmem:s19+$0x14CE0];
	_ =	sdelay $0x4  }
0x14f: {  	[tilespmem:$0x1F880] =	vst v0;
	v0 =	vld [tilespmem:s19+$0x160E0];
	_ =	sdelay $0x2  }
0x150: {  	s3 =	sadd.s32 $0x8, s29  }
0x151: {  	s21 =	sshll.u32 s3, $0x6  }
0x152: {  	[tilespmem:$0x1F890] =	vst v0;
	v0 =	vld [tilespmem:s21+$0x14CB0];
	_ =	sdelay $0x4  }
0x153: {  	[tilespmem:$0x1F8B0] =	vst v0;
	v0 =	vld [tilespmem:s21+$0x160B0];
	_ =	sdelay $0x4  }
0x154: {  	[tilespmem:$0x1F8C0] =	vst v0;
	v0 =	vld [tilespmem:s21+$0x14CC0];
	_ =	sdelay $0x4  }
0x155: {  	[tilespmem:$0x1F8E0] =	vst v0;
	v0 =	vld [tilespmem:s21+$0x160C0];
	_ =	sdelay $0x4  }
0x156: {  	[tilespmem:$0x1F8F0] =	vst v0;
	v0 =	vld [tilespmem:s21+$0x14CD0];
	_ =	sdelay $0x4  }
0x157: {  	[tilespmem:$0x1F910] =	vst v0;
	v0 =	vld [tilespmem:s21+$0x160D0]  }
0x158: {  	v27 =	vld [tilespmem:s7+$0x160E0];
	_ =	sdelay $0x3  }
0x159: {  	[tilespmem:$0x1F920] =	vst v0;
	v0 =	vld [tilespmem:s21+$0x14CE0]  }
0x15a: {  	v12 =	vmul.bf16 v12, v27;
	v9 =	vunpack.i.u.bf16.f32 v9  }
0x15b: {  	v6 =	vadd.f32 v6, v9  }
0x15c: {  	v33 =	vshll.u32 v61, $0x6;
	v61 =	vunpack.i.l.bf16.f32 v12  }
0x15d: {  	v6 =	vadd.f32 v61, v6  }
0x15e: {  	s0 =	smul.u32 $0x44, s6;
	v35 =	vunpack.i.u.bf16.f32 v12;
	[tilespmem:$0x1F940] =	vst v0;
	v0 =	vld [tilespmem:s21+$0x160E0]  }
0x15f: {  	v6 =	vadd.f32 v6, v35  }
0x160: {  	s0 =	sshra.s32 s0, $0x2  }
0x161: {  	[tilespmem:s0+$0x19CB0] =	vst v6;
	s0 =	sadd.s32 $0x9, s29  }
0x162: {  	s23 =	sshll.u32 s0, $0x6  }
0x163: {  	[tilespmem:$0x1F950] =	vst v0;
	v0 =	vld [tilespmem:s23+$0x14CB0];
	_ =	sdelay $0x4  }
0x164: {  	[tilespmem:$0x1F970] =	vst v0;
	v0 =	vld [tilespmem:s23+$0x160B0];
	_ =	sdelay $0x4  }
0x165: {  	[tilespmem:$0x1F980] =	vst v0;
	v0 =	vld [tilespmem:s23+$0x14CC0];
	_ =	sdelay $0x4  }
0x166: {  	[tilespmem:$0x1F9A0] =	vst v0;
	v0 =	vld [tilespmem:s23+$0x160C0];
	_ =	sdelay $0x4  }
0x167: {  	[tilespmem:$0x1F9C0] =	vst v0;
	v0 =	vld [tilespmem:s23+$0x14CD0];
	_ =	sdelay $0x4  }
0x168: {  	[tilespmem:$0x1F9D0] =	vst v0;
	v0 =	vld [tilespmem:s23+$0x160D0];
	_ =	sdelay $0x4  }
0x169: {  	[tilespmem:$0x1F9F0] =	vst v0;
	v0 =	vld [tilespmem:s23+$0x14CE0];
	_ =	sdelay $0x4  }
0x16a: {  	[tilespmem:$0x1FA20] =	vst v0;
	v0 =	vld [tilespmem:s23+$0x160E0];
	_ =	sdelay $0x2  }
0x16b: {  	s21 =	sadd.s32 $0xA, s29  }
0x16c: {  	s25 =	sshll.u32 s21, $0x6  }
0x16d: {  	[tilespmem:$0x1FA40] =	vst v0;
	v0 =	vld [tilespmem:s25+$0x14CB0];
	_ =	sdelay $0x4  }
0x16e: {  	[tilespmem:$0x1FA00] =	vst v0;
	v0 =	vld [tilespmem:s25+$0x160B0];
	_ =	sdelay $0x4  }
0x16f: {  	[tilespmem:$0x1FA30] =	vst v0;
	v0 =	vld [tilespmem:s25+$0x14CC0];
	_ =	sdelay $0x4  }
0x170: {  	[tilespmem:$0x1FA70] =	vst v0;
	v0 =	vld [tilespmem:s25+$0x160C0];
	_ =	sdelay $0x4  }
0x171: {  	[tilespmem:$0x1FA80] =	vst v0;
	v0 =	vld [tilespmem:s25+$0x14CD0];
	_ =	sdelay $0x3  }
0x172: {  	v60 =	vor.u32 v3, v33  }
0x173: {  	[tilespmem:$0x1FAA0] =	vst v0;
	v0 =	vld [tilespmem:s25+$0x160D0];
	_ =	sdelay $0x1  }
0x174: {  	s11 =	sshll.u32 s9, $0x6  }
0x175: {  	v27 =	vld [tilespmem:s11+$0x14CE0]  }
0x176: {  	v11 =	vld.idx.msk [tilespmem:v60+s14+$0x0], $0xffff  }
0x177: {  	[tilespmem:$0x1FAC0] =	vst v0;
	v0 =	vld [tilespmem:s25+$0x14CE0]  }
0x178: {  	v31 =	vld [tilespmem:s11+$0x160E0]  }
0x179: {  	v36 =	vor.u32 v39, v33;
	_ =	sdelay $0x1  }
0x17a: {  	v11 =	vmul.bf16 v11, v27  }
0x17b: {  	[tilespmem:$0x1FAE0] =	vst v0;
	v0 =	vld [tilespmem:s25+$0x160E0]  }
0x17c: {  	v11 =	vmul.bf16 v11, v31  }
0x17d: {  	s2 =	smul.u32 $0x44, s9;
	v47 =	vld.idx.msk [tilespmem:v36+s14+$0x0], $0xffff;
	s24 =	sand.u32 $0xF0, s21  }
0x17e: {  	v36 =	vunpack.i.l.bf16.f32 v11;
	v7 =	vunpack.i.u.bf16.f32 v11;
	v11 =	vld.idx.msk [tilespmem:v4+s24+$0x0 ss:$0x1], $0xffff;
	s24 =	sadd.s32 $0xB, s29  }
0x17f: {  	s15 =	sshra.s32 s2, $0x2;
	s2 =	sshll.u32 s24, $0x6  }
0x180: {  	[tilespmem:$0x1FB00] =	vst v0;
	v0 =	vld [tilespmem:s2+$0x14CB0];
	_ =	sdelay $0x4  }
0x181: {  	[tilespmem:$0x1FA90] =	vst v0;
	v0 =	vld [tilespmem:s2+$0x160B0];
	_ =	sdelay $0x4  }
0x182: {  	[tilespmem:$0x1FAB0] =	vst v0;
	v0 =	vld [tilespmem:s2+$0x14CC0];
	_ =	sdelay $0x4  }
0x183: {  	[tilespmem:$0x1FAD0] =	vst v0;
	v0 =	vld [tilespmem:s2+$0x160C0];
	_ =	sdelay $0x4  }
0x184: {  	[tilespmem:$0x1FAF0] =	vst v0;
	v0 =	vld [tilespmem:s2+$0x14CD0];
	_ =	sdelay $0x4  }
0x185: {  	[tilespmem:$0x1FB10] =	vst v0;
	v0 =	vld [tilespmem:s2+$0x160D0];
	_ =	sdelay $0x4  }
0x186: {  	[tilespmem:$0x1FB40] =	vst v0;
	v0 =	vld [tilespmem:s2+$0x14CE0];
	_ =	sdelay $0x4  }
0x187: {  	[tilespmem:$0x1FB60] =	vst v0;
	v0 =	vld [tilespmem:s2+$0x160E0];
	_ =	sdelay $0x2  }
0x188: {  	s23 =	sadd.s32 $0xC, s29  }
0x189: {  	s5 =	sshll.u32 s23, $0x6  }
0x18a: {  	[tilespmem:$0x1FB80] =	vst v0;
	v0 =	vld [tilespmem:s5+$0x14CB0];
	_ =	sdelay $0x4  }
0x18b: {  	[tilespmem:$0x1FB30] =	vst v0;
	v0 =	vld [tilespmem:s5+$0x160B0];
	_ =	sdelay $0x4  }
0x18c: {  	[tilespmem:$0x1FB50] =	vst v0;
	v0 =	vld [tilespmem:s5+$0x14CC0];
	_ =	sdelay $0x4  }
0x18d: {  	[tilespmem:$0x1FB70] =	vst v0;
	v0 =	vld [tilespmem:s5+$0x160C0];
	_ =	sdelay $0x4  }
0x18e: {  	[tilespmem:$0x1FB90] =	vst v0;
	v0 =	vld [tilespmem:s5+$0x14CD0];
	_ =	sdelay $0x4  }
0x18f: {  	[tilespmem:$0x1FBB0] =	vst v0;
	v0 =	vld [tilespmem:s5+$0x160D0];
	_ =	sdelay $0x4  }
0x190: {  	[tilespmem:$0x1FBD0] =	vst v0;
	v0 =	vld [tilespmem:s5+$0x14CE0];
	_ =	sdelay $0x4  }
0x191: {  	[tilespmem:$0x1FBF0] =	vst v0;
	v0 =	vld [tilespmem:s5+$0x160E0];
	_ =	sdelay $0x2  }
0x192: {  	s19 =	sadd.s32 $0xD, s29  }
0x193: {  	s8 =	sshll.u32 s19, $0x6  }
0x194: {  	[tilespmem:$0x1FC10] =	vst v0;
	v0 =	vld [tilespmem:s8+$0x14CB0];
	_ =	sdelay $0x4  }
0x195: {  	[tilespmem:$0x1FBA0] =	vst v0;
	v0 =	vld [tilespmem:s8+$0x160B0];
	_ =	sdelay $0x4  }
0x196: {  	[tilespmem:$0x1FBC0] =	vst v0;
	v0 =	vld [tilespmem:s8+$0x14CC0];
	_ =	sdelay $0x4  }
0x197: {  	[tilespmem:$0x1FBE0] =	vst v0;
	v0 =	vld [tilespmem:s8+$0x160C0];
	_ =	sdelay $0x4  }
0x198: {  	[tilespmem:$0x1FC00] =	vst v0;
	v0 =	vld [tilespmem:s8+$0x14CD0];
	_ =	sdelay $0x1  }
0x199: {  	v45 =	vor.u32 v1, v33  }
0x19a: {  	v44 =	vld [tilespmem:s11+$0x14CB0]  }
0x19b: {  	v50 =	vld [tilespmem:s11+$0x160B0]  }
0x19c: {  	[tilespmem:$0x1FC20] =	vst v0;
	v0 =	vld [tilespmem:s8+$0x160D0]  }
0x19d: {  	v52 =	vld [tilespmem:s11+$0x14CC0];
	v53 =	vor.u32 v2, v33  }
0x19e: {  	v56 =	vld.idx.msk [tilespmem:v45+s14+$0x0], $0xffff  }
0x19f: {  	v59 =	vld [tilespmem:s11+$0x14CD0];
	v57 =	vmul.bf16 v47, v44  }
0x1a0: {  	v58 =	vld [tilespmem:s11+$0x160C0]  }
0x1a1: {  	v8 =	vmul.bf16 v57, v50;
	[tilespmem:$0x1FC40] =	vst v0;
	v0 =	vld [tilespmem:s8+$0x14CE0]  }
0x1a2: {  	s6 =	sor.u32 $0x4, s29;
	v63 =	vld.idx.msk [tilespmem:v53+s14+$0x0], $0xffff  }
0x1a3: {  	s16 =	sshll.u32 s6, $0x6;
	v26 =	vld [tilespmem:s11+$0x160D0];
	v15 =	vmul.bf16 v56, v52;
	v24 =	vunpack.i.l.bf16.f32 v8  }
0x1a4: {  	v22 =	vld [tilespmem:s16+$0x14CC0];
	v25 =	vadd.f32 $0.0e+00, v24  }
0x1a5: {  	v62 =	vld [tilespmem:s16+$0x160E0];
	v15 =	vmul.bf16 v15, v58;
	v8 =	vunpack.i.u.bf16.f32 v8  }
0x1a6: {  	v8 =	vadd.f32 v25, v8;
	[tilespmem:$0x1FC50] =	vst v0;
	v0 =	vld [tilespmem:s8+$0x160E0]  }
0x1a7: {  	v56 =	vld [tilespmem:s16+$0x14CE0];
	v30 =	vunpack.i.l.bf16.f32 v15;
	v9 =	vmul.bf16 v63, v59  }
0x1a8: {  	v60 =	vld [tilespmem:s16+$0x160B0];
	v8 =	vadd.f32 v30, v8;
	s22 =	sand.u32 $0xF0, s0  }
0x1a9: {  	v15 =	vunpack.i.u.bf16.f32 v15;
	v9 =	vmul.bf16 v9, v26;
	v14 =	vld.idx.msk [tilespmem:v4+s22+$0x0 ss:$0x1], $0xffff;
	s22 =	sadd.s32 $0x14, s29  }
0x1aa: {  	s1 =	sadd.s32 $0xF, s29;
	v24 =	vld [tilespmem:s16+$0x160C0];
	v8 =	vadd.f32 v8, v15;
	s5 =	sand.u32 $0xF0, s22  }
0x1ab: {  	s10 =	sand.u32 $0xF0, s1;
	v33 =	vunpack.i.l.bf16.f32 v9;
	[tilespmem:$0x1FC70] =	vst v0;
	v0 =	vld.idx.msk [tilespmem:v4+s5+$0x0 ss:$0x1], $0xffff  }
0x1ac: {  	v16 =	vld.idx.msk [tilespmem:v4+s10+$0x0 ss:$0x1], $0xffff;
	v8 =	vadd.f32 v33, v8  }
0x1ad: {  	v25 =	vld [tilespmem:s16+$0x14CD0];
	v9 =	vunpack.i.u.bf16.f32 v9  }
0x1ae: {  	v29 =	vld [tilespmem:s16+$0x160D0];
	v8 =	vadd.f32 v8, v9;
	s28 =	sand.u32 $0xF0, s24;
	s2 =	sadd.s32 $0x15, s29  }
0x1af: {  	v18 =	vld.idx.msk [tilespmem:v4+s28+$0x0 ss:$0x1], $0xffff;
	s28 =	sand.u32 $0xF0, s2  }
0x1b0: {  	v8 =	vadd.f32 v36, v8;
	[tilespmem:$0x1F7D0] =	vst v0;
	v0 =	vld.idx.msk [tilespmem:v4+s28+$0x0 ss:$0x1], $0xffff  }
0x1b1: {  	v47 =	vld [tilespmem:s17+$0x14CB0]  }
0x1b2: {  	v6 =	vadd.f32 v8, v7;
	v55 =	vld [tilespmem:s17+$0x160B0]  }
0x1b3: {  	s10 =	sadd.s32 $0x16, s29;
	v23 =	vld [tilespmem:s17+$0x160C0];
	s7 =	sand.u32 $0xF0, s19  }
0x1b4: {  	[tilespmem:s15+$0x19CB0] =	vst v6;
	s15 =	sadd.s32 $0x10, s29;
	v46 =	vld.idx.msk [tilespmem:v4+s7+$0x0 ss:$0x1], $0xffff;
	s7 =	sand.u32 $0xF0, s10  }
0x1b5: {  	s11 =	sand.u32 $0xF0, s15;
	[tilespmem:$0x1F830] =	vst v0;
	v0 =	vld.idx.msk [tilespmem:v4+s7+$0x0 ss:$0x1], $0xffff;
	s7 =	sadd.s32 $0x19, s29  }
0x1b6: {  	v21 =	vld.idx.msk [tilespmem:v4+s11+$0x0 ss:$0x1], $0xffff;
	s17 =	sadd.s32 $0x11, s29;
	s28 =	sand.u32 $0xF0, s7  }
0x1b7: {  	s12 =	sand.u32 $0xF0, s17;
	s18 =	sadd.s32 $0xE, s29;
	v6 =	vld.idx.msk [tilespmem:v4+s28+$0x0 ss:$0x1], $0xffff  }
0x1b8: {  	s11 =	sadd.s32 $0x13, s29;
	v27 =	vld.idx.msk [tilespmem:v4+s12+$0x0 ss:$0x1], $0xffff;
	s9 =	sand.u32 $0xF0, s18  }
0x1b9: {  	[dreg:$0x10] =	wrdreg s6;
	v41 =	vld.idx.msk [tilespmem:v4+s9+$0x0 ss:$0x1], $0xffff;
	s9 =	sadd.s32 $0x17, s29;
	s25 =	sand.u32 $0xF0, s11  }
0x1ba: {  	s12 =	sand.u32 $0xF0, s9;
	v59 =	vld.idx.msk [tilespmem:v4+s25+$0x0 ss:$0x1], $0xffff;
	s25 =	sand.u32 $0xC, s6;
	s6 =	sadd.s32 $0x1A, s29  }
0x1bb: {  	[tilespmem:$0x1F840] =	vst v0;
	v0 =	vld.idx.msk [tilespmem:v4+s12+$0x0 ss:$0x1], $0xffff;
	s12 =	sand.u32 $0xF0, s6  }
0x1bc: {  	[tilespmem:$0x1F8D0] =	vst v6;
	v6 =	vld.idx.msk [tilespmem:v4+s12+$0x0 ss:$0x1], $0xffff  }
0x1bd: {  	s20 =	sand.u32 $0xF0, s3;
	v8 =	vld [tilespmem:s16+$0x14CB0];
	s16 =	sadd.s32 $0x12, s29  }
0x1be: {  	v42 =	vld.idx.msk [tilespmem:v4+s20+$0x0 ss:$0x1], $0xffff;
	s20 =	sand.u32 $0xF0, s16;
	s8 =	sadd.s32 $0x18, s29  }
0x1bf: {  	v51 =	vld.idx.msk [tilespmem:v4+s20+$0x0 ss:$0x1], $0xffff;
	s20 =	sand.u32 $0xF0, s8;
	s5 =	sadd.s32 $0x1B, s29  }
0x1c0: {  	s12 =	sand.u32 $0xF0, s5;
	[tilespmem:$0x1F870] =	vst v0;
	v0 =	vld.idx.msk [tilespmem:v4+s20+$0x0 ss:$0x1], $0xffff  }
0x1c1: {  	[tilespmem:$0x1F900] =	vst v6;
	v6 =	vld.idx.msk [tilespmem:v4+s12+$0x0 ss:$0x1], $0xffff;
	_ =	sdelay $0x1  }
0x1c2: {  	s4 =	sand.u32 $0xF0, s23  }
0x1c3: {  	v45 =	vld.idx.msk [tilespmem:v4+s4+$0x0 ss:$0x1], $0xffff;
	s4 =	sadd.s32 $0x1C, s29  }
0x1c4: {  	s20 =	sand.u32 $0xF0, s4;
	[tilespmem:$0x1F8A0] =	vst v0;
	v0 =	vmov s25;
	s25 =	sand.u32 $0x8, s3;
	s3 =	sadd.s32 $0x1D, s29  }
0x1c5: {  	[tilespmem:$0x1F930] =	vst v6;
	v6 =	vld.idx.msk [tilespmem:v4+s20+$0x0 ss:$0x1], $0xffff;
	s20 =	sand.u32 $0xF0, s3  }
0x1c6: {  	v7 =	vld.idx.msk [tilespmem:v4+s20+$0x0 ss:$0x1], $0xffff  }
0x1c7: {  	v0 =	vperm.xlane v5, v0;
	_ =	sdelay $0x1  }
0x1c8: {  	v0 =	vshll.u32 v0, $0x6  }
0x1c9: {  	[dreg:$0x12] =	wrdreg s13;
	s13 =	sand.u32 $0xD, s13;
	s12 =	sadd.s32 $0x1E, s29;
	v58 =	vor.u32 v3, v0;
	[tilespmem:$0x1F960] =	vst v6  }
0x1ca: {  	s28 =	sand.u32 $0xF0, s12;
	s20 =	sadd.s32 $0x1F, s29;
	v6 =	vmov s13;
	s13 =	sand.u32 $0xE, s30;
	[tilespmem:$0x1F990] =	vst v7;
	v7 =	vor.u32 v39, v0  }
0x1cb: {  	v38 =	vld.idx.msk [tilespmem:v4+s28+$0x0 ss:$0x1], $0xffff;
	s28 =	sand.u32 $0xF0, s20;
	v37 =	vmov s13;
	s13 =	sadd.s32 $0x20, s29  }
0x1cc: {  	v53 =	vor.u32 v2, v0;
	v52 =	vld.idx.msk [tilespmem:v4+s28+$0x0 ss:$0x1], $0xffff;
	v6 =	vperm.xlane v5, v6;
	s28 =	sand.u32 $0xF0, s13  }
0x1cd: {  	v40 =	vor.u32 v1, v0;
	v57 =	vld.idx.msk [tilespmem:v4+s28+$0x0 ss:$0x1], $0xffff  }
0x1ce: {  	v36 =	vld.idx.msk [tilespmem:v58+s14+$0x0], $0xffff;
	v61 =	vshll.u32 v6, $0x6  }
0x1cf: {  	v34 =	vor.u32 v1, v61;
	v31 =	vld.idx.msk [tilespmem:v7+s14+$0x0], $0xffff;
	v7 =	vperm.xlane v5, v37  }
0x1d0: {  	v63 =	vor.u32 v39, v61  }
0x1d1: {  	v13 =	vld.idx.msk [tilespmem:v53+s14+$0x0], $0xffff;
	v48 =	vor.u32 v3, v61;
	v53 =	vshll.u32 v7, $0x6  }
0x1d2: {  	v35 =	vmov s31;
	v10 =	vld.idx.msk [tilespmem:v40+s14+$0x0], $0xffff;
	v26 =	vor.u32 v2, v61;
	[tilespmem:$0x1FA10] =	vst v57;
	v57 =	vor.u32 v39, v53  }
0x1d3: {  	s0 =	sand.u32 $0x9, s0;
	v5 =	vperm.xlane v5, v35;
	v36 =	vmul.bf16 v36, v56;
	v56 =	vld [tilespmem:$0x1F700];
	v61 =	vor.u32 v1, v53  }
0x1d4: {  	v54 =	vmov s0;
	v32 =	vld.idx.msk [tilespmem:v34+s14+$0x0], $0xffff;
	v34 =	vor.u32 v2, v53  }
0x1d5: {  	v28 =	vmov s25;
	s25 =	sand.u32 $0xB, s24;
	v5 =	vshll.u32 v5, $0x6;
	v40 =	vld.idx.msk [tilespmem:v63+s14+$0x0], $0xffff;
	v63 =	vor.u32 v3, v53  }
0x1d6: {  	v49 =	vmov s25;
	s25 =	sand.u32 $0xE, s18;
	v42 =	vperm.xlane v42, v28;
	v53 =	vld.idx.msk [tilespmem:v48+s14+$0x0], $0xffff;
	v43 =	vor.u32 v39, v5  }
0x1d7: {  	v14 =	vperm.xlane v14, v54;
	v50 =	vmov s25;
	[tilespmem:$0x1F9E0] =	vst v52;
	v52 =	vor.u32 v1, v5;
	v58 =	vld.idx.msk [tilespmem:v57+s14+$0x0], $0xffff  }
0x1d8: {  	s25 =	sand.u32 $0xD, s2;
	v37 =	vshll.u32 v42, $0x6;
	v35 =	vor.u32 v2, v5;
	v8 =	vmul.bf16 v31, v8;
	v57 =	vld.idx.msk [tilespmem:v61+s14+$0x0], $0xffff  }
0x1d9: {  	s0 =	sadd.s32 $0x21, s29;
	v12 =	vmov s25;
	s25 =	sand.u32 $0xA, s6;
	v10 =	vmul.bf16 v10, v22;
	v22 =	vor.u32 v2, v37;
	v48 =	vld.idx.msk [tilespmem:v34+s14+$0x0], $0xffff  }
0x1da: {  	v20 =	vmov s25;
	s25 =	sand.u32 $0x9, s0;
	v8 =	vmul.bf16 v8, v60;
	v34 =	vor.u32 v3, v5;
	v61 =	vld.idx.msk [tilespmem:v63+s14+$0x0], $0xffff  }
0x1db: {  	v14 =	vshll.u32 v14, $0x6;
	s21 =	sand.u32 $0xA, s21;
	v5 =	vmov s25;
	v60 =	vld.idx.msk [tilespmem:v43+s14+$0x0], $0xffff;
	v43 =	vor.u32 v1, v37  }
0x1dc: {  	v30 =	vmov s21;
	v63 =	vor.u32 v39, v37;
	v54 =	vld.idx.msk [tilespmem:v52+s14+$0x0], $0xffff;
	[tilespmem:$0x1FA60] =	vst v5;
	v5 =	vunpack.i.l.bf16.f32 v8  }
0x1dd: {  	v30 =	vperm.xlane v11, v30;
	v52 =	vadd.f32 $0.0e+00, v5;
	v5 =	vld.idx.msk [tilespmem:v35+s14+$0x0], $0xffff;
	v35 =	vor.u32 v3, v37  }
0x1de: {  	v25 =	vmul.bf16 v13, v25;
	v24 =	vmul.bf16 v10, v24;
	v13 =	vld.idx.msk [tilespmem:v22+s14+$0x0], $0xffff;
	v37 =	vunpack.i.u.bf16.f32 v8  }
0x1df: {  	v30 =	vshll.u32 v30, $0x6;
	v37 =	vadd.f32 v52, v37;
	v8 =	vld.idx.msk [tilespmem:v34+s14+$0x0], $0xffff;
	v34 =	vor.u32 v39, v14  }
0x1e0: {  	v49 =	vperm.xlane v18, v49;
	v52 =	vor.u32 v1, v14;
	v11 =	vld.idx.msk [tilespmem:v43+s14+$0x0], $0xffff;
	v43 =	vunpack.i.l.bf16.f32 v24  }
0x1e1: {  	v29 =	vmul.bf16 v25, v29;
	v22 =	vor.u32 v3, v14;
	v10 =	vld.idx.msk [tilespmem:v63+s14+$0x0], $0xffff;
	v37 =	vadd.f32 v43, v37  }
0x1e2: {  	[tilespmem:$0x1F9B0] =	vst v38;
	v63 =	vor.u32 v2, v14;
	v24 =	vunpack.i.u.bf16.f32 v24;
	v14 =	vld.idx.msk [tilespmem:v35+s14+$0x0], $0xffff;
	v35 =	vor.u32 v39, v30  }
0x1e3: {  	s23 =	sand.u32 $0xC, s23;
	v38 =	vld.idx.msk [tilespmem:v26+s14+$0x0], $0xffff;
	v24 =	vadd.f32 v37, v24;
	v37 =	vmul.bf16 v40, v47;
	v47 =	vor.u32 v2, v30  }
0x1e4: {  	v44 =	vmov s23;
	v43 =	vld.idx.msk [tilespmem:v34+s14+$0x0], $0xffff;
	v34 =	vor.u32 v1, v30  }
0x1e5: {  	v49 =	vshll.u32 v49, $0x6;
	v18 =	vld.idx.msk [tilespmem:v52+s14+$0x0], $0xffff;
	v52 =	vunpack.i.l.bf16.f32 v29;
	v30 =	vor.u32 v3, v30  }
0x1e6: {  	v25 =	vld.idx.msk [tilespmem:v22+s14+$0x0], $0xffff;
	v24 =	vadd.f32 v52, v24;
	v37 =	vmul.bf16 v37, v55;
	v55 =	vor.u32 v39, v49  }
0x1e7: {  	v44 =	vperm.xlane v45, v44;
	v29 =	vunpack.i.u.bf16.f32 v29;
	v22 =	vld.idx.msk [tilespmem:v35+s14+$0x0], $0xffff;
	v35 =	vor.u32 v1, v49  }
0x1e8: {  	s19 =	sand.u32 $0xD, s19;
	v24 =	vadd.f32 v24, v29;
	v29 =	vmul.bf16 v36, v62;
	v36 =	vor.u32 v3, v49;
	v40 =	vld.idx.msk [tilespmem:v47+s14+$0x0], $0xffff  }
0x1e9: {  	v33 =	vmov s19;
	v44 =	vshll.u32 v44, $0x6;
	v52 =	vld.idx.msk [tilespmem:v34+s14+$0x0], $0xffff;
	v34 =	vor.u32 v2, v49  }
0x1ea: {  	v33 =	vperm.xlane v46, v33;
	v47 =	vmul.bf16 v32, v56;
	v56 =	vor.u32 v39, v44;
	v45 =	vld.idx.msk [tilespmem:v30+s14+$0x0], $0xffff  }
0x1eb: {  	v46 =	vunpack.i.u.bf16.f32 v37;
	v49 =	vunpack.i.l.bf16.f32 v37;
	v32 =	vld.idx.msk [tilespmem:v55+s14+$0x0], $0xffff;
	v37 =	vor.u32 v1, v44  }
0x1ec: {  	v47 =	vmul.bf16 v47, v23;
	v23 =	vunpack.i.l.bf16.f32 v29;
	v62 =	vadd.f32 $0.0e+00, v49;
	v30 =	vld.idx.msk [tilespmem:v35+s14+$0x0], $0xffff  }
0x1ed: {  	v55 =	vadd.f32 v23, v24;
	v35 =	vor.u32 v2, v44;
	v24 =	vld.idx.msk [tilespmem:v36+s14+$0x0], $0xffff  }
0x1ee: {  	v49 =	vadd.f32 v62, v46;
	v62 =	vld.idx.msk [tilespmem:v34+s14+$0x0], $0xffff  }
0x1ef: {  	v46 =	vunpack.i.l.bf16.f32 v47;
	v34 =	vld.idx.msk [tilespmem:v56+s14+$0x0], $0xffff  }
0x1f0: {  	v49 =	vadd.f32 v46, v49;
	v56 =	vld [tilespmem:$0x1F710]  }
0x1f1: {  	v33 =	vshll.u32 v33, $0x6;
	v50 =	vperm.xlane v41, v50;
	v47 =	vunpack.i.u.bf16.f32 v47;
	v36 =	vld.idx.msk [tilespmem:v37+s14+$0x0], $0xffff  }
0x1f2: {  	v41 =	vor.u32 v1, v33;
	v44 =	vor.u32 v3, v44;
	v49 =	vadd.f32 v49, v47;
	v47 =	vld.idx.msk [tilespmem:v35+s14+$0x0], $0xffff  }
0x1f3: {  	v37 =	vor.u32 v2, v33;
	v35 =	vor.u32 v3, v33;
	[tilespmem:$0x1FB20] =	vst v62;
	v62 =	vor.u32 v39, v33;
	v33 =	vld [tilespmem:$0x1F720];
	_ =	sdelay $0x2  }
0x1f4: {  	v38 =	vmul.bf16 v38, v56  }
0x1f5: {  	v29 =	vunpack.i.u.bf16.f32 v29  }
0x1f6: {  	v29 =	vadd.f32 v55, v29;
	v56 =	vld.idx.msk [tilespmem:v44+s14+$0x0], $0xffff;
	v38 =	vmul.bf16 v38, v33  }
0x1f7: {  	v33 =	vld.idx.msk [tilespmem:v62+s14+$0x0], $0xffff  }
0x1f8: {  	v50 =	vshll.u32 v50, $0x6;
	v46 =	vmov s1;
	[tilespmem:$0x1FFB0] =	vst v29;
	v62 =	vld.idx.msk [tilespmem:v41+s14+$0x0], $0xffff;
	v23 =	vunpack.i.l.bf16.f32 v38  }
0x1f9: {  	v16 =	vperm.xlane v16, v46;
	v46 =	vor.u32 v1, v50;
	v29 =	vadd.f32 v23, v49;
	v49 =	vld.idx.msk [tilespmem:v37+s14+$0x0], $0xffff  }
0x1fa: {  	v44 =	vor.u32 v39, v50;
	v41 =	vor.u32 v2, v50;
	v37 =	vor.u32 v3, v50;
	v50 =	vld [tilespmem:$0x1F730];
	_ =	sdelay $0x4  }
0x1fb: {  	v50 =	vmul.bf16 v53, v50;
	v53 =	vld [tilespmem:$0x1F740];
	_ =	sdelay $0x1  }
0x1fc: {  	v55 =	vld.idx.msk [tilespmem:v35+s14+$0x0], $0xffff  }
0x1fd: {  	[tilespmem:$0x1FC30] =	vst v49;
	v49 =	vld.idx.msk [tilespmem:v44+s14+$0x0], $0xffff  }
0x1fe: {  	v44 =	vld [tilespmem:$0x1F760]  }
0x1ff: {  	v23 =	vld [tilespmem:$0x1F750];
	v53 =	vmul.bf16 v58, v53;
	v58 =	vunpack.i.u.bf16.f32 v38  }
0x200: {  	v16 =	vshll.u32 v16, $0x6;
	v29 =	vadd.f32 v29, v58;
	v58 =	vld [tilespmem:$0x1F770]  }
0x201: {  	s28 =	sand.u32 $0xF0, s0;
	[tilespmem:$0x1FC60] =	vst v55;
	v55 =	vor.u32 v39, v16;
	v37 =	vld.idx.msk [tilespmem:v37+s14+$0x0], $0xffff  }
0x202: {  	v0 =	vld.idx.msk [tilespmem:v4+s28+$0x0 ss:$0x1], $0xffff  }
0x203: {  	v41 =	vld.idx.msk [tilespmem:v41+s14+$0x0], $0xffff;
	v44 =	vmul.bf16 v53, v44  }
0x204: {  	v38 =	vor.u32 v1, v16;
	v53 =	vld [tilespmem:$0x1F780]  }
0x205: {  	v35 =	vld.idx.msk [tilespmem:v46+s14+$0x0], $0xffff;
	v58 =	vmul.bf16 v50, v58;
	v50 =	vunpack.i.l.bf16.f32 v44  }
0x206: {  	s28 =	sand.u32 $0x9, s17;
	v21 =	vperm.xlane v21, v23;
	[tilespmem:$0x1FC90] =	vst v37;
	v37 =	vadd.f32 $0.0e+00, v50;
	v50 =	vld.idx.msk [tilespmem:v55+s14+$0x0], $0xffff  }
0x207: {  	[tilespmem:$0x1FA50] =	vst v0;
	v0 =	vmov s28;
	v46 =	vor.u32 v2, v16;
	v55 =	vld [tilespmem:$0x1F790]  }
0x208: {  	v0 =	vperm.xlane v27, v0;
	v21 =	vshll.u32 v21, $0x6  }
0x209: {  	[tilespmem:$0x1FC80] =	vst v41;
	v27 =	vunpack.i.u.bf16.f32 v44;
	v44 =	vld.idx.msk [tilespmem:v38+s14+$0x0], $0xffff;
	v38 =	vor.u32 v2, v21;
	v41 =	vmul.bf16 v57, v53  }
0x20a: {  	v53 =	vor.u32 v39, v21;
	v57 =	vor.u32 v1, v21;
	v21 =	vor.u32 v3, v21;
	_ =	sdelay $0x1  }
0x20b: {  	s21 =	sand.u32 $0xA, s16;
	v16 =	vor.u32 v3, v16;
	v41 =	vmul.bf16 v41, v55;
	v55 =	vld.idx.msk [tilespmem:v46+s14+$0x0], $0xffff  }
0x20c: {  	v6 =	vmov s21;
	v46 =	vld [tilespmem:$0x1F7A0]  }
0x20d: {  	v6 =	vperm.xlane v51, v6;
	v51 =	vld [tilespmem:$0x1F7B0]  }
0x20e: {  	v21 =	vld.idx.msk [tilespmem:v21+s14+$0x0], $0xffff  }
0x20f: {  	s23 =	sand.u32 $0xB, s11;
	v37 =	vadd.f32 v37, v27  }
0x210: {  	v7 =	vmov s23;
	v0 =	vshll.u32 v0, $0x6;
	v16 =	vld.idx.msk [tilespmem:v16+s14+$0x0], $0xffff;
	v27 =	vunpack.i.l.bf16.f32 v41  }
0x211: {  	v37 =	vadd.f32 v27, v37;
	v27 =	vld.idx.msk [tilespmem:v57+s14+$0x0], $0xffff;
	v57 =	vor.u32 v2, v0;
	v46 =	vmul.bf16 v48, v46  }
0x212: {  	v6 =	vshll.u32 v6, $0x6;
	v7 =	vperm.xlane v59, v7;
	v48 =	vor.u32 v39, v0  }
0x213: {  	v38 =	vld.idx.msk [tilespmem:v38+s14+$0x0], $0xffff;
	[tilespmem:$0x1FCC0] =	vst v21;
	v21 =	vor.u32 v39, v6;
	v46 =	vmul.bf16 v46, v51;
	v51 =	vunpack.i.l.bf16.f32 v58  }
0x214: {  	v29 =	vadd.f32 v51, v29;
	v51 =	vunpack.i.u.bf16.f32 v58;
	v58 =	vshll.u32 v7, $0x6;
	v7 =	vld [tilespmem:$0x1F7D0]  }
0x215: {  	[tilespmem:$0x1FCA0] =	vst v16;
	v16 =	vld.idx.msk [tilespmem:v53+s14+$0x0], $0xffff;
	v53 =	vor.u32 v1, v0  }
0x216: {  	v57 =	vld.idx.msk [tilespmem:v57+s14+$0x0], $0xffff  }
0x217: {  	s24 =	sand.u32 $0xC, s22;
	v41 =	vunpack.i.u.bf16.f32 v41  }
0x218: {  	v9 =	vmov s24;
	[tilespmem:$0x1FCB0] =	vst v38;
	v38 =	vadd.f32 v37, v41;
	v37 =	vld.idx.msk [tilespmem:v48+s14+$0x0], $0xffff  }
0x219: {  	v59 =	vunpack.i.l.bf16.f32 v46;
	v9 =	vperm.xlane v7, v9;
	v7 =	vld.idx.msk [tilespmem:v21+s14+$0x0], $0xffff  }
0x21a: {  	v48 =	vor.u32 v1, v6;
	v41 =	vadd.f32 v59, v38;
	v38 =	vld.idx.msk [tilespmem:v53+s14+$0x0], $0xffff  }
0x21b: {  	v53 =	vor.u32 v2, v6;
	[tilespmem:$0x1FCD0] =	vst v57;
	v57 =	vor.u32 v3, v6;
	v6 =	vadd.f32 v29, v51;
	_ =	sdelay $0x1  }
0x21c: {  	[tilespmem:$0x1FFC0] =	vst v6;
	v6 =	vld [tilespmem:$0x1F7C0]  }
0x21d: {  	[tilespmem:$0x1FCE0] =	vst v7;
	v7 =	vld [tilespmem:$0x1F7E0];
	_ =	sdelay $0x3  }
0x21e: {  	v0 =	vor.u32 v3, v0  }
0x21f: {  	v6 =	vmul.bf16 v60, v6;
	v60 =	vmul.bf16 v61, v7;
	v7 =	vld [tilespmem:$0x1F7F0];
	_ =	sdelay $0x3  }
0x220: {  	v0 =	vld.idx.msk [tilespmem:v0+s14+$0x0], $0xffff  }
0x221: {  	v61 =	vmul.bf16 v54, v7;
	v54 =	vld [tilespmem:$0x1F800];
	_ =	sdelay $0x3  }
0x222: {  	[tilespmem:$0x1FCF0] =	vst v0;
	v0 =	vor.u32 v39, v58;
	v7 =	vld.idx.msk [tilespmem:v48+s14+$0x0], $0xffff  }
0x223: {  	v48 =	vor.u32 v2, v58;
	v51 =	vmul.bf16 v6, v54;
	v6 =	vld.idx.msk [tilespmem:v53+s14+$0x0], $0xffff  }
0x224: {  	v21 =	vor.u32 v1, v58;
	v53 =	vor.u32 v3, v58;
	v58 =	vld [tilespmem:$0x1F810];
	_ =	sdelay $0x1  }
0x225: {  	v59 =	vld [tilespmem:$0x1F820]  }
0x226: {  	v54 =	vshll.u32 v9, $0x6;
	v9 =	vld.idx.msk [tilespmem:v0+s14+$0x0], $0xffff;
	v0 =	vunpack.i.l.bf16.f32 v51  }
0x227: {  	v48 =	vld.idx.msk [tilespmem:v48+s14+$0x0], $0xffff;
	v0 =	vadd.f32 $0.0e+00, v0  }
0x228: {  	v51 =	vunpack.i.u.bf16.f32 v51;
	v58 =	vmul.bf16 v60, v58;
	v60 =	vld.idx.msk [tilespmem:v57+s14+$0x0], $0xffff  }
0x229: {  	v51 =	vadd.f32 v0, v51;
	v0 =	vld.idx.msk [tilespmem:v53+s14+$0x0], $0xffff  }
0x22a: {  	v46 =	vunpack.i.u.bf16.f32 v46  }
0x22b: {  	v41 =	vadd.f32 v41, v46;
	v46 =	vmul.bf16 v61, v59;
	v59 =	vld [tilespmem:$0x1F830]  }
0x22c: {  	[tilespmem:$0x1FD10] =	vst v48  }
0x22d: {  	v63 =	vld.idx.msk [tilespmem:v63+s14+$0x0], $0xffff;
	[tilespmem:$0x1FD00] =	vst v60  }
0x22e: {  	v29 =	vld.idx.msk [tilespmem:v21+s14+$0x0], $0xffff;
	[tilespmem:$0x1FD20] =	vst v0  }
0x22f: {  	v61 =	vor.u32 v39, v54;
	v0 =	vld [tilespmem:$0x1F840]  }
0x230: {  	v12 =	vperm.xlane v59, v12  }
0x231: {  	v21 =	vor.u32 v2, v54  }
0x232: {  	s28 =	sand.u32 $0xE, s10;
	v12 =	vshll.u32 v12, $0x6;
	v48 =	vor.u32 v3, v54;
	v60 =	vunpack.i.l.bf16.f32 v58  }
0x233: {  	v15 =	vmov s28;
	v53 =	vor.u32 v39, v12;
	v41 =	vadd.f32 v60, v41;
	v60 =	vld [tilespmem:$0x1F850]  }
0x234: {  	v59 =	vor.u32 v1, v54;
	v54 =	vperm.xlane v0, v15;
	v0 =	vld.idx.msk [tilespmem:v61+s14+$0x0], $0xffff;
	v61 =	vunpack.i.l.bf16.f32 v46  }
0x235: {  	v51 =	vadd.f32 v61, v51;
	v61 =	vld [tilespmem:$0x1F860]  }
0x236: {  	v57 =	vor.u32 v1, v12;
	v21 =	vld.idx.msk [tilespmem:v21+s14+$0x0], $0xffff  }
0x237: {  	v48 =	vld.idx.msk [tilespmem:v48+s14+$0x0], $0xffff  }
0x238: {  	v53 =	vld.idx.msk [tilespmem:v53+s14+$0x0], $0xffff;
	v5 =	vmul.bf16 v5, v60  }
0x239: {  	v15 =	vld.idx.msk [tilespmem:v59+s14+$0x0], $0xffff;
	v59 =	vor.u32 v2, v12;
	v12 =	vor.u32 v3, v12  }
0x23a: {  	v5 =	vmul.bf16 v5, v61;
	v61 =	vld [tilespmem:$0x1F880]  }
0x23b: {  	v57 =	vld.idx.msk [tilespmem:v57+s14+$0x0], $0xffff;
	_ =	sdelay $0x1  }
0x23c: {  	[tilespmem:$0x1FD40] =	vst v21;
	v60 =	vld [tilespmem:$0x1F870]  }
0x23d: {  	[tilespmem:$0x1FD60] =	vst v48;
	v21 =	vshll.u32 v54, $0x6;
	v12 =	vld.idx.msk [tilespmem:v12+s14+$0x0], $0xffff  }
0x23e: {  	[tilespmem:$0x1FD30] =	vst v53;
	v48 =	vor.u32 v39, v21;
	v8 =	vmul.bf16 v8, v61;
	v61 =	vld.idx.msk [tilespmem:v59+s14+$0x0], $0xffff  }
0x23f: {  	[tilespmem:$0x1FD50] =	vst v57;
	v53 =	vor.u32 v1, v21;
	v57 =	vor.u32 v2, v21;
	v21 =	vor.u32 v3, v21  }
0x240: {  	v46 =	vunpack.i.u.bf16.f32 v46  }
0x241: {  	v46 =	vadd.f32 v51, v46;
	v51 =	vmov s9  }
0x242: {  	v51 =	vperm.xlane v60, v51;
	[tilespmem:$0x1FD80] =	vst v12;
	v12 =	vld [tilespmem:$0x1F8A0]  }
0x243: {  	v60 =	vunpack.i.u.bf16.f32 v58;
	v58 =	vunpack.i.l.bf16.f32 v5;
	[tilespmem:$0x1FD70] =	vst v61;
	v61 =	vld [tilespmem:$0x1F890]  }
0x244: {  	v51 =	vshll.u32 v51, $0x6;
	v21 =	vld.idx.msk [tilespmem:v21+s14+$0x0], $0xffff;
	v59 =	vadd.f32 v58, v46  }
0x245: {  	s23 =	sand.u32 $0x8, s8;
	v5 =	vunpack.i.u.bf16.f32 v5;
	v46 =	vor.u32 v39, v51;
	v58 =	vld [tilespmem:$0x1F8B0]  }
0x246: {  	v17 =	vmov s23;
	v5 =	vadd.f32 v59, v5;
	v59 =	vld.idx.msk [tilespmem:v57+s14+$0x0], $0xffff  }
0x247: {  	v17 =	vperm.xlane v12, v17;
	v12 =	vld.idx.msk [tilespmem:v48+s14+$0x0], $0xffff  }
0x248: {  	v54 =	vmul.bf16 v8, v61;
	v8 =	vld.idx.msk [tilespmem:v53+s14+$0x0], $0xffff;
	v53 =	vor.u32 v2, v51  }
0x249: {  	v61 =	vld [tilespmem:$0x1F8C0]  }
0x24a: {  	v48 =	vor.u32 v1, v51;
	v46 =	vld.idx.msk [tilespmem:v46+s14+$0x0], $0xffff  }
0x24b: {  	v60 =	vadd.f32 v41, v60;
	v10 =	vmul.bf16 v10, v58;
	v58 =	vld [tilespmem:$0x1F8E0];
	v41 =	vunpack.i.l.bf16.f32 v54  }
0x24c: {  	[tilespmem:$0x1FDB0] =	vst v21;
	v51 =	vor.u32 v3, v51;
	v21 =	vadd.f32 v41, v5;
	v5 =	vld [tilespmem:$0x1F8D0]  }
0x24d: {  	v53 =	vld.idx.msk [tilespmem:v53+s14+$0x0], $0xffff  }
0x24e: {  	v17 =	vshll.u32 v17, $0x6;
	v10 =	vmul.bf16 v10, v61;
	v61 =	vld [tilespmem:$0x1F8F0]  }
0x24f: {  	s24 =	sand.u32 $0x9, s7;
	v41 =	vld.idx.msk [tilespmem:v48+s14+$0x0], $0xffff;
	v48 =	vor.u32 v2, v17  }
0x250: {  	v19 =	vmov s24;
	v57 =	vor.u32 v39, v17  }
0x251: {  	[tilespmem:$0x1FDA0] =	vst v59;
	v11 =	vmul.bf16 v11, v58;
	v58 =	vld.idx.msk [tilespmem:v51+s14+$0x0], $0xffff;
	v59 =	vunpack.i.l.bf16.f32 v10;
	v5 =	vperm.xlane v5, v19  }
0x252: {  	[tilespmem:$0x1FD90] =	vst v46;
	v19 =	vor.u32 v1, v17;
	v46 =	vadd.f32 $0.0e+00, v59;
	v17 =	vor.u32 v3, v17;
	v59 =	vld [tilespmem:$0x1F900]  }
0x253: {  	[tilespmem:$0x1FDC0] =	vst v53;
	v53 =	vmul.bf16 v11, v61;
	v61 =	vld [tilespmem:$0x1F910]  }
0x254: {  	v10 =	vunpack.i.u.bf16.f32 v10;
	v48 =	vld.idx.msk [tilespmem:v48+s14+$0x0], $0xffff;
	v5 =	vshll.u32 v5, $0x6  }
0x255: {  	v10 =	vadd.f32 v46, v10;
	v11 =	vld.idx.msk [tilespmem:v57+s14+$0x0], $0xffff;
	v51 =	vor.u32 v39, v5  }
0x256: {  	[tilespmem:$0x1FDD0] =	vst v58;
	v57 =	vld [tilespmem:$0x1F930];
	v46 =	vor.u32 v1, v5;
	v58 =	vor.u32 v2, v5;
	v5 =	vor.u32 v3, v5  }
0x257: {  	v17 =	vld.idx.msk [tilespmem:v17+s14+$0x0], $0xffff  }
0x258: {  	v20 =	vperm.xlane v59, v20;
	v59 =	vld [tilespmem:$0x1F940];
	v13 =	vmul.bf16 v13, v61;
	v61 =	vunpack.i.l.bf16.f32 v53  }
0x259: {  	v10 =	vadd.f32 v61, v10;
	v61 =	vld [tilespmem:$0x1F920]  }
0x25a: {  	[tilespmem:$0x1FDE0] =	vst v48;
	v48 =	vshll.u32 v20, $0x6;
	v20 =	vld.idx.msk [tilespmem:v51+s14+$0x0], $0xffff  }
0x25b: {  	s28 =	sand.u32 $0xB, s5;
	v5 =	vld.idx.msk [tilespmem:v5+s14+$0x0], $0xffff  }
0x25c: {  	v26 =	vmov s28;
	v46 =	vld.idx.msk [tilespmem:v46+s14+$0x0], $0xffff  }
0x25d: {  	v26 =	vperm.xlane v57, v26;
	v57 =	vld.idx.msk [tilespmem:v58+s14+$0x0], $0xffff  }
0x25e: {  	v58 =	vld [tilespmem:$0x1F950]  }
0x25f: {  	[tilespmem:$0x1FE00] =	vst v17;
	v14 =	vmul.bf16 v14, v59;
	v59 =	vld [tilespmem:$0x1F970]  }
0x260: {  	v53 =	vunpack.i.u.bf16.f32 v53;
	v51 =	vor.u32 v1, v48;
	v17 =	vor.u32 v39, v48;
	[tilespmem:$0x1FE20] =	vst v5;
	v5 =	vld [tilespmem:$0x1F960]  }
0x261: {  	v26 =	vshll.u32 v26, $0x6;
	v13 =	vmul.bf16 v13, v61;
	[tilespmem:$0x1FDF0] =	vst v46;
	v46 =	vor.u32 v3, v48  }
0x262: {  	s21 =	sand.u32 $0xC, s4;
	v10 =	vadd.f32 v10, v53;
	v53 =	vor.u32 v2, v48;
	v48 =	vor.u32 v39, v26  }
0x263: {  	v28 =	vmov s21;
	v14 =	vmul.bf16 v14, v58;
	v58 =	vld [tilespmem:$0x1F980];
	v61 =	vunpack.i.l.bf16.f32 v13  }
0x264: {  	[tilespmem:$0x1FE10] =	vst v57;
	v57 =	vor.u32 v2, v26;
	v43 =	vmul.bf16 v43, v59;
	v59 =	vld [tilespmem:$0x1F990];
	v10 =	vadd.f32 v61, v10  }
0x265: {  	v13 =	vunpack.i.u.bf16.f32 v13;
	v28 =	vperm.xlane v5, v28;
	v5 =	vld.idx.msk [tilespmem:v17+s14+$0x0], $0xffff  }
0x266: {  	v10 =	vadd.f32 v10, v13;
	v46 =	vld.idx.msk [tilespmem:v46+s14+$0x0], $0xffff  }
0x267: {  	v61 =	vunpack.i.l.bf16.f32 v14;
	v48 =	vld.idx.msk [tilespmem:v48+s14+$0x0], $0xffff  }
0x268: {  	v17 =	vor.u32 v1, v26;
	v10 =	vadd.f32 v61, v10;
	v61 =	vld.idx.msk [tilespmem:v53+s14+$0x0], $0xffff  }
0x269: {  	v26 =	vor.u32 v3, v26;
	v53 =	vld.idx.msk [tilespmem:v57+s14+$0x0], $0xffff  }
0x26a: {  	v57 =	vld [tilespmem:$0x1F9A0]  }
0x26b: {  	v13 =	vld.idx.msk [tilespmem:v51+s14+$0x0], $0xffff;
	v28 =	vshll.u32 v28, $0x6  }
0x26c: {  	v43 =	vmul.bf16 v43, v58;
	v58 =	vld [tilespmem:$0x1F9B0];
	[tilespmem:$0x1FE60] =	vst v46;
	v46 =	vor.u32 v39, v28  }
0x26d: {  	s23 =	sand.u32 $0xD, s3;
	v51 =	vld.idx.msk [tilespmem:v17+s14+$0x0], $0xffff  }
0x26e: {  	v31 =	vmov s23;
	v14 =	vunpack.i.u.bf16.f32 v14;
	[tilespmem:$0x1FE30] =	vst v48;
	v48 =	vor.u32 v1, v28;
	v26 =	vld.idx.msk [tilespmem:v26+s14+$0x0], $0xffff  }
0x26f: {  	v31 =	vperm.xlane v59, v31;
	[tilespmem:$0x1FE40] =	vst v61;
	v61 =	vunpack.i.u.bf16.f32 v54;
	v18 =	vmul.bf16 v18, v57;
	v57 =	vld [tilespmem:$0x1F9D0]  }
0x270: {  	s24 =	sand.u32 $0xE, s12;
	v19 =	vld.idx.msk [tilespmem:v19+s14+$0x0], $0xffff;
	v21 =	vadd.f32 v21, v61;
	v61 =	vadd.f32 v10, v14;
	v10 =	vor.u32 v2, v28  }
0x271: {  	v42 =	vmov s24;
	v17 =	vshll.u32 v31, $0x6;
	v14 =	vor.u32 v3, v28;
	v46 =	vld.idx.msk [tilespmem:v46+s14+$0x0], $0xffff  }
0x272: {  	v28 =	vperm.xlane v58, v42;
	v42 =	vor.u32 v1, v17;
	[tilespmem:$0x1FE50] =	vst v51;
	v51 =	vld [tilespmem:$0x1F9C0]  }
0x273: {  	v59 =	vunpack.i.u.bf16.f32 v43;
	[tilespmem:$0x1FE70] =	vst v53;
	v53 =	vld.idx.msk [tilespmem:v48+s14+$0x0], $0xffff  }
0x274: {  	v54 =	vunpack.i.l.bf16.f32 v43;
	[tilespmem:$0x1FE90] =	vst v26;
	v26 =	vor.u32 v39, v17;
	v43 =	vmul.bf16 v63, v57;
	v57 =	vld [tilespmem:$0x1FA00]  }
0x275: {  	v10 =	vld.idx.msk [tilespmem:v10+s14+$0x0], $0xffff  }
0x276: {  	[tilespmem:$0x1FFD0] =	vst v21;
	v21 =	vadd.f32 $0.0e+00, v54;
	v54 =	vor.u32 v2, v17;
	v14 =	vld.idx.msk [tilespmem:v14+s14+$0x0], $0xffff  }
0x277: {  	v58 =	vor.u32 v3, v17;
	v42 =	vld.idx.msk [tilespmem:v42+s14+$0x0], $0xffff  }
0x278: {  	v18 =	vmul.bf16 v18, v51;
	v51 =	vld [tilespmem:$0x1F9E0]  }
0x279: {  	v26 =	vld.idx.msk [tilespmem:v26+s14+$0x0], $0xffff  }
0x27a: {  	v21 =	vadd.f32 v21, v59;
	[tilespmem:$0x1FEA0] =	vst v53;
	v53 =	vld [tilespmem:$0x1F9F0]  }
0x27b: {  	v59 =	vshll.u32 v28, $0x6;
	v54 =	vld.idx.msk [tilespmem:v54+s14+$0x0], $0xffff;
	v63 =	vunpack.i.l.bf16.f32 v18;
	[tilespmem:$0x1FEC0] =	vst v10  }
0x27c: {  	v48 =	vmov s20;
	v28 =	vor.u32 v39, v59;
	[tilespmem:$0x1FEE0] =	vst v14;
	v14 =	vadd.f32 v63, v21;
	v10 =	vld.idx.msk [tilespmem:v58+s14+$0x0], $0xffff  }
0x27d: {  	v18 =	vunpack.i.u.bf16.f32 v18;
	v17 =	vmul.bf16 v22, v57;
	v57 =	vld [tilespmem:$0x1FA40];
	[tilespmem:$0x1FED0] =	vst v42;
	v42 =	vor.u32 v2, v59  }
0x27e: {  	[tilespmem:$0x1FEB0] =	vst v26;
	v26 =	vor.u32 v1, v59;
	v14 =	vadd.f32 v14, v18;
	v18 =	vor.u32 v3, v59;
	v59 =	vld [tilespmem:$0x1FA10]  }
0x27f: {  	v21 =	vperm.xlane v51, v48;
	v48 =	vld [tilespmem:$0x1FA20]  }
0x280: {  	v43 =	vmul.bf16 v43, v53;
	v51 =	vld [tilespmem:$0x1FA30]  }
0x281: {  	v21 =	vshll.u32 v21, $0x6;
	[tilespmem:$0x1FF00] =	vst v10;
	v10 =	vld.idx.msk [tilespmem:v28+s14+$0x0], $0xffff  }
0x282: {  	[tilespmem:$0x1FEF0] =	vst v54;
	v58 =	vunpack.i.l.bf16.f32 v43;
	v22 =	vor.u32 v39, v21;
	v54 =	vld.idx.msk [tilespmem:v42+s14+$0x0], $0xffff  }
0x283: {  	v14 =	vadd.f32 v58, v14;
	v58 =	vld [tilespmem:$0x1FA50]  }
0x284: {  	[tilespmem:$0x1FE80] =	vst v46;
	v46 =	vor.u32 v1, v21;
	v63 =	vperm.xlane v59, v23;
	v59 =	vld [tilespmem:$0x1FA60]  }
0x285: {  	v25 =	vmul.bf16 v25, v48;
	v48 =	vmul.bf16 v17, v51;
	v17 =	vld.idx.msk [tilespmem:v26+s14+$0x0], $0xffff;
	v26 =	vor.u32 v2, v21  }
0x286: {  	v18 =	vld.idx.msk [tilespmem:v18+s14+$0x0], $0xffff  }
0x287: {  	v21 =	vor.u32 v3, v21;
	v28 =	vld.idx.msk [tilespmem:v22+s14+$0x0], $0xffff  }
0x288: {  	v31 =	vshll.u32 v63, $0x6;
	v63 =	vunpack.i.l.bf16.f32 v48;
	[tilespmem:$0x1FF10] =	vst v54;
	v54 =	vld [tilespmem:$0x1FA70]  }
0x289: {  	v25 =	vmul.bf16 v25, v57;
	v57 =	vadd.f32 $0.0e+00, v63;
	v42 =	vperm.xlane v58, v59;
	v58 =	vld.idx.msk [tilespmem:v46+s14+$0x0], $0xffff  }
0x28a: {  	v53 =	vunpack.i.u.bf16.f32 v43;
	v48 =	vunpack.i.u.bf16.f32 v48;
	v43 =	vor.u32 v1, v31;
	v59 =	vld.idx.msk [tilespmem:v26+s14+$0x0], $0xffff  }
0x28b: {  	v63 =	vadd.f32 v57, v48;
	v48 =	vld [tilespmem:$0x1FA80]  }
0x28c: {  	[tilespmem:$0x1FF30] =	vst v18;
	v18 =	vor.u32 v39, v31;
	v21 =	vld.idx.msk [tilespmem:v21+s14+$0x0], $0xffff  }
0x28d: {  	v51 =	vmul.bf16 v52, v54;
	v52 =	vld [tilespmem:$0x1FA90]  }
0x28e: {  	v46 =	vor.u32 v2, v31;
	v54 =	vld [tilespmem:$0x1FAA0]  }
0x28f: {  	v57 =	vld.idx.msk [tilespmem:v43+s14+$0x0], $0xffff  }
0x290: {  	v22 =	vshll.u32 v42, $0x6;
	v43 =	vld [tilespmem:$0x1FAD0];
	v42 =	vmul.bf16 v51, v48  }
0x291: {  	[tilespmem:$0x1FF20] =	vst v58;
	v18 =	vld.idx.msk [tilespmem:v18+s14+$0x0], $0xffff  }
0x292: {  	v26 =	vor.u32 v3, v31;
	[tilespmem:$0x1FF40] =	vst v59;
	v59 =	vld [tilespmem:$0x1FAB0];
	v58 =	vunpack.i.l.bf16.f32 v42  }
0x293: {  	[tilespmem:$0x1FF60] =	vst v21;
	v21 =	vor.u32 v39, v22;
	v31 =	vadd.f32 v58, v63;
	v63 =	vld.idx.msk [tilespmem:v46+s14+$0x0], $0xffff  }
0x294: {  	v48 =	vor.u32 v1, v22;
	v32 =	vmul.bf16 v32, v52;
	v52 =	vld [tilespmem:$0x1FAE0]  }
0x295: {  	v58 =	vld [tilespmem:$0x1FAF0]  }
0x296: {  	v46 =	vmul.bf16 v30, v43;
	v43 =	vld [tilespmem:$0x1FB20]  }
0x297: {  	v14 =	vadd.f32 v14, v53;
	[tilespmem:$0x1FF50] =	vst v18;
	v18 =	vmul.bf16 v40, v54;
	v40 =	vunpack.i.u.bf16.f32 v42;
	v42 =	vld.idx.msk [tilespmem:v26+s14+$0x0], $0xffff  }
0x298: {  	v53 =	vunpack.i.l.bf16.f32 v25;
	v32 =	vmul.bf16 v32, v59;
	v21 =	vld.idx.msk [tilespmem:v21+s14+$0x0], $0xffff  }
0x299: {  	s18 =	sshll.u32 s18, $0x6;
	v14 =	vadd.f32 v53, v14;
	v54 =	vld.idx.msk [tilespmem:v48+s14+$0x0], $0xffff  }
0x29a: {  	v25 =	vunpack.i.u.bf16.f32 v25;
	v51 =	vunpack.i.l.bf16.f32 v32;
	v59 =	vunpack.i.u.bf16.f32 v32;
	v32 =	vld [tilespmem:s18+$0x14CB0]  }
0x29b: {  	[tilespmem:$0x1FF80] =	vst v63;
	v63 =	vadd.f32 v14, v25;
	v25 =	vld [tilespmem:$0x1FAC0]  }
0x29c: {  	v26 =	vadd.f32 $0.0e+00, v51;
	v51 =	vld [tilespmem:$0x1FB40]  }
0x29d: {  	v53 =	vmul.bf16 v45, v52;
	v52 =	vld [tilespmem:$0x1FB50]  }
0x29e: {  	[tilespmem:$0x1FFA0] =	vst v42;
	v42 =	vld [tilespmem:$0x1FB10]  }
0x29f: {  	s15 =	sshll.u32 s15, $0x6;
	[tilespmem:$0x1FF90] =	vst v54;
	v54 =	vld [tilespmem:$0x1FB60]  }
0x2a0: {  	v32 =	vmul.bf16 v49, v32;
	v49 =	vld [tilespmem:s15+$0x14CD0];
	v14 =	vmul.bf16 v18, v25  }
0x2a1: {  	v18 =	vadd.f32 v31, v40;
	v40 =	vld [tilespmem:$0x1FB00]  }
0x2a2: {  	[tilespmem:$0x1FF70] =	vst v57;
	v31 =	vld [tilespmem:s18+$0x160B0];
	v57 =	vunpack.i.l.bf16.f32 v14  }
0x2a3: {  	v25 =	vmul.bf16 v46, v58;
	v58 =	vld [tilespmem:$0x1FB70];
	v18 =	vadd.f32 v57, v18  }
0x2a4: {  	v46 =	vld [tilespmem:$0x1FB30];
	v14 =	vunpack.i.u.bf16.f32 v14  }
0x2a5: {  	v14 =	vadd.f32 v18, v14;
	v18 =	vmul.bf16 v43, v42;
	v42 =	vld [tilespmem:s18+$0x14CC0]  }
0x2a6: {  	v30 =	vmul.bf16 v53, v40;
	v43 =	vld [tilespmem:s18+$0x160C0]  }
0x2a7: {  	v26 =	vadd.f32 v26, v59;
	v40 =	vld [tilespmem:s18+$0x14CD0]  }
0x2a8: {  	s1 =	sshll.u32 s1, $0x6;
	v45 =	vunpack.i.l.bf16.f32 v25;
	v59 =	vmul.bf16 v36, v58;
	v36 =	vld [tilespmem:s18+$0x160E0];
	v48 =	vunpack.i.l.bf16.f32 v30  }
0x2a9: {  	v26 =	vadd.f32 v45, v26;
	v34 =	vmul.bf16 v34, v46;
	v46 =	vld [tilespmem:s1+$0x14CB0];
	v14 =	vadd.f32 v48, v14  }
0x2aa: {  	v25 =	vunpack.i.u.bf16.f32 v25;
	v18 =	vmul.bf16 v18, v51;
	v30 =	vunpack.i.u.bf16.f32 v30;
	v51 =	vld [tilespmem:$0x1FB80]  }
0x2ab: {  	v25 =	vadd.f32 v26, v25;
	v26 =	vld [tilespmem:s1+$0x160B0];
	v14 =	vadd.f32 v14, v30  }
0x2ac: {  	v58 =	vld [tilespmem:$0x1FBB0];
	v53 =	vmul.bf16 v34, v52  }
0x2ad: {  	v52 =	vld [tilespmem:$0x1FB90];
	v57 =	vunpack.i.l.bf16.f32 v18;
	[tilespmem:$0x1FFE0] =	vst v14;
	v14 =	vmul.bf16 v24, v54  }
0x2ae: {  	v34 =	vld [tilespmem:s18+$0x160D0];
	v48 =	vunpack.i.l.bf16.f32 v53;
	v24 =	vadd.f32 v57, v25  }
0x2af: {  	v18 =	vunpack.i.u.bf16.f32 v18;
	v30 =	vld [tilespmem:s18+$0x14CE0];
	v45 =	vadd.f32 $0.0e+00, v48;
	v14 =	vmul.bf16 v14, v51  }
0x2b0: {  	v53 =	vunpack.i.u.bf16.f32 v53;
	v54 =	vld [tilespmem:$0x1FBA0];
	v18 =	vadd.f32 v24, v18  }
0x2b1: {  	v25 =	vadd.f32 v45, v53;
	v53 =	vld [tilespmem:$0x1FBD0];
	v57 =	vunpack.i.l.bf16.f32 v14  }
0x2b2: {  	v31 =	vmul.bf16 v32, v31;
	v24 =	vmul.bf16 v59, v52;
	v52 =	vld [tilespmem:$0x1FBC0];
	v18 =	vadd.f32 v57, v18  }
0x2b3: {  	v48 =	vld [tilespmem:s1+$0x14CC0];
	v32 =	vmul.bf16 v35, v42;
	v14 =	vunpack.i.u.bf16.f32 v14  }
0x2b4: {  	v42 =	vunpack.i.l.bf16.f32 v31;
	v59 =	vmul.bf16 v47, v58;
	v57 =	vld [tilespmem:$0x1FBE0];
	v14 =	vadd.f32 v18, v14  }
0x2b5: {  	v35 =	vld [tilespmem:s15+$0x160E0];
	v42 =	vadd.f32 $0.0e+00, v42;
	v33 =	vmul.bf16 v33, v54  }
0x2b6: {  	s28 =	sshll.u32 s17, $0x6;
	v31 =	vunpack.i.u.bf16.f32 v31;
	v23 =	vunpack.i.l.bf16.f32 v24;
	[tilespmem:$0x1FFF0] =	vst v14;
	v14 =	vmul.bf16 v59, v53;
	v59 =	vld [tilespmem:$0x1FBF0]  }
0x2b7: {  	v31 =	vadd.f32 v42, v31;
	v42 =	vld [tilespmem:s28+$0x14CE0];
	v25 =	vadd.f32 v23, v25;
	v33 =	vmul.bf16 v33, v52  }
0x2b8: {  	v51 =	vld [tilespmem:s1+$0x160C0];
	v54 =	vunpack.i.u.bf16.f32 v24  }
0x2b9: {  	v18 =	vadd.f32 v25, v54;
	v58 =	vunpack.i.l.bf16.f32 v33;
	v25 =	vmul.bf16 v62, v57;
	v57 =	vld [tilespmem:$0x1FC10]  }
0x2ba: {  	v45 =	vadd.f32 $0.0e+00, v58;
	v58 =	vld [tilespmem:$0x1FC20]  }
0x2bb: {  	v62 =	vmul.bf16 v56, v59;
	v56 =	vld [tilespmem:$0x1FC00]  }
0x2bc: {  	v59 =	vld [tilespmem:$0x1FC30]  }
0x2bd: {  	v47 =	vld [tilespmem:s1+$0x14CD0];
	v23 =	vunpack.i.l.bf16.f32 v14  }
0x2be: {  	v24 =	vld [tilespmem:s1+$0x160D0];
	v18 =	vadd.f32 v23, v18  }
0x2bf: {  	v52 =	vld [tilespmem:s1+$0x14CE0];
	v14 =	vunpack.i.u.bf16.f32 v14;
	v53 =	vmul.bf16 v62, v57  }
0x2c0: {  	v54 =	vld [tilespmem:s1+$0x160E0];
	v33 =	vunpack.i.u.bf16.f32 v33;
	v14 =	vadd.f32 v18, v14  }
0x2c1: {  	v23 =	vunpack.i.l.bf16.f32 v53;
	v25 =	vmul.bf16 v25, v56;
	v18 =	vmul.bf16 v59, v58;
	v58 =	vld [tilespmem:s15+$0x14CC0]  }
0x2c2: {  	v33 =	vadd.f32 v45, v33;
	v14 =	vadd.f32 v23, v14;
	v23 =	vunpack.i.u.bf16.f32 v53;
	v53 =	vld [tilespmem:$0x1FC50]  }
0x2c3: {  	v59 =	vld [tilespmem:$0x1FC60];
	v62 =	vunpack.i.l.bf16.f32 v25  }
0x2c4: {  	v33 =	vadd.f32 v62, v33;
	v62 =	vld [tilespmem:$0x1FC40]  }
0x2c5: {  	v45 =	vld [tilespmem:s15+$0x160B0]  }
0x2c6: {  	v57 =	vld [tilespmem:s15+$0x160C0]  }
0x2c7: {  	v27 =	vmul.bf16 v27, v58;
	v58 =	vld [tilespmem:$0x1FCB0]  }
0x2c8: {  	v56 =	vld [tilespmem:s15+$0x14CB0];
	v25 =	vunpack.i.u.bf16.f32 v25  }
0x2c9: {  	v18 =	vmul.bf16 v18, v62;
	v62 =	vadd.f32 v14, v23;
	v14 =	vmul.bf16 v59, v53;
	v59 =	vld [tilespmem:$0x1FC70]  }
0x2ca: {  	v25 =	vadd.f32 v33, v25;
	v33 =	vld [tilespmem:s15+$0x160D0]  }
0x2cb: {  	v53 =	vld [tilespmem:s15+$0x14CE0]  }
0x2cc: {  	v23 =	vunpack.i.l.bf16.f32 v18;
	v49 =	vmul.bf16 v58, v49;
	v58 =	vld [tilespmem:$0x1FCC0]  }
0x2cd: {  	v25 =	vadd.f32 v23, v25;
	v23 =	vmul.bf16 v50, v46;
	v46 =	vld [tilespmem:$0x1FC80]  }
0x2ce: {  	v18 =	vunpack.i.u.bf16.f32 v18;
	v14 =	vmul.bf16 v14, v59;
	v59 =	vld [tilespmem:s28+$0x14CB0]  }
0x2cf: {  	v18 =	vadd.f32 v25, v18;
	v25 =	vmul.bf16 v32, v43;
	v32 =	vld [tilespmem:s28+$0x160B0]  }
0x2d0: {  	v43 =	vld [tilespmem:s28+$0x14CC0]  }
0x2d1: {  	v23 =	vmul.bf16 v23, v26;
	v26 =	vld [tilespmem:s28+$0x14CD0];
	v50 =	vunpack.i.l.bf16.f32 v14  }
0x2d2: {  	v18 =	vadd.f32 v50, v18;
	v40 =	vmul.bf16 v46, v40;
	v50 =	vunpack.i.l.bf16.f32 v25;
	v46 =	vld [tilespmem:s28+$0x160C0]  }
0x2d3: {  	v14 =	vunpack.i.u.bf16.f32 v14;
	v25 =	vunpack.i.u.bf16.f32 v25;
	v31 =	vadd.f32 v50, v31;
	v50 =	vld [tilespmem:$0x1FC90]  }
0x2d4: {  	v18 =	vadd.f32 v18, v14;
	v14 =	vmul.bf16 v40, v34;
	v34 =	vld [tilespmem:s28+$0x160D0];
	v37 =	vmul.bf16 v37, v59  }
0x2d5: {  	s18 =	sshll.u32 s11, $0x6;
	v25 =	vadd.f32 v31, v25;
	v31 =	vmul.bf16 v44, v48;
	v48 =	vunpack.i.l.bf16.f32 v23;
	v44 =	vld [tilespmem:s28+$0x160E0]  }
0x2d6: {  	s17 =	sshll.u32 s16, $0x6;
	v40 =	vadd.f32 $0.0e+00, v48;
	v48 =	vunpack.i.l.bf16.f32 v14;
	v32 =	vmul.bf16 v37, v32;
	v37 =	vld [tilespmem:s18+$0x14CD0]  }
0x2d7: {  	v25 =	vadd.f32 v48, v25;
	v48 =	vld [tilespmem:s17+$0x14CB0]  }
0x2d8: {  	v16 =	vmul.bf16 v16, v56;
	v31 =	vmul.bf16 v31, v51;
	v51 =	vld [tilespmem:$0x1FCA0]  }
0x2d9: {  	v23 =	vunpack.i.u.bf16.f32 v23;
	v14 =	vunpack.i.u.bf16.f32 v14;
	v30 =	vmul.bf16 v50, v30;
	v50 =	vld [tilespmem:s17+$0x160C0]  }
0x2da: {  	v23 =	vadd.f32 v40, v23;
	v14 =	vadd.f32 v25, v14;
	v25 =	vmul.bf16 v55, v47;
	v47 =	vld [tilespmem:s17+$0x14CC0]  }
0x2db: {  	v55 =	vunpack.i.l.bf16.f32 v31;
	v40 =	vunpack.i.u.bf16.f32 v31;
	v31 =	vld [tilespmem:s17+$0x14CD0];
	v30 =	vmul.bf16 v30, v36  }
0x2dc: {  	v36 =	vld [tilespmem:s17+$0x160B0];
	v23 =	vadd.f32 v55, v23  }
0x2dd: {  	v16 =	vmul.bf16 v16, v45;
	v56 =	vunpack.i.l.bf16.f32 v30;
	v45 =	vunpack.i.u.bf16.f32 v30;
	v30 =	vld [tilespmem:s17+$0x160D0]  }
0x2de: {  	v24 =	vmul.bf16 v25, v24;
	v23 =	vadd.f32 v23, v40;
	v25 =	vmul.bf16 v51, v52;
	v40 =	vld [tilespmem:s17+$0x160E0]  }
0x2df: {  	v52 =	vld [tilespmem:s18+$0x14CB0]  }
0x2e0: {  	v55 =	vunpack.i.l.bf16.f32 v24;
	v25 =	vmul.bf16 v25, v54;
	v54 =	vld [tilespmem:s18+$0x14CC0]  }
0x2e1: {  	v14 =	vadd.f32 v56, v14;
	v56 =	vunpack.i.l.bf16.f32 v16;
	v23 =	vadd.f32 v55, v23;
	v55 =	vld [tilespmem:s18+$0x160C0]  }
0x2e2: {  	s21 =	sshll.u32 s2, $0x6;
	v51 =	vadd.f32 $0.0e+00, v56;
	v56 =	vmul.bf16 v38, v43;
	v43 =	vld [tilespmem:s18+$0x14CE0]  }
0x2e3: {  	v24 =	vunpack.i.u.bf16.f32 v24;
	v7 =	vmul.bf16 v7, v47;
	v47 =	vld [tilespmem:s21+$0x14CB0]  }
0x2e4: {  	v16 =	vunpack.i.u.bf16.f32 v16;
	v6 =	vmul.bf16 v6, v31;
	v31 =	vld [tilespmem:s21+$0x14CD0];
	v23 =	vadd.f32 v23, v24  }
0x2e5: {  	v14 =	vadd.f32 v14, v45;
	v45 =	vld [tilespmem:s17+$0x14CE0];
	v24 =	vmul.bf16 v27, v57;
	v57 =	vunpack.i.l.bf16.f32 v25  }
0x2e6: {  	v27 =	vld [tilespmem:s18+$0x160B0];
	v16 =	vadd.f32 v51, v16;
	v23 =	vadd.f32 v57, v23  }
0x2e7: {  	v25 =	vunpack.i.u.bf16.f32 v25;
	v6 =	vmul.bf16 v6, v30;
	v30 =	vld [tilespmem:s21+$0x160D0];
	v59 =	vunpack.i.l.bf16.f32 v24  }
0x2e8: {  	v51 =	vadd.f32 v59, v16;
	v16 =	vadd.f32 v23, v25;
	v23 =	vmul.bf16 v49, v33;
	v33 =	vld [tilespmem:s18+$0x160D0]  }
0x2e9: {  	v24 =	vunpack.i.u.bf16.f32 v24;
	v25 =	vmul.bf16 v56, v46;
	v56 =	vld [tilespmem:$0x1FCD0]  }
0x2ea: {  	s19 =	sshll.u32 s22, $0x6;
	v57 =	vunpack.i.l.bf16.f32 v32;
	v49 =	vmul.bf16 v58, v53;
	v58 =	vld [tilespmem:$0x1FCE0];
	v24 =	vadd.f32 v51, v24  }
0x2eb: {  	v38 =	vadd.f32 $0.0e+00, v57;
	v46 =	vld [tilespmem:s19+$0x14CB0];
	v59 =	vunpack.i.l.bf16.f32 v23  }
0x2ec: {  	v32 =	vunpack.i.u.bf16.f32 v32;
	v53 =	vld [tilespmem:s19+$0x160C0];
	v24 =	vadd.f32 v59, v24  }
0x2ed: {  	v51 =	vld [tilespmem:s18+$0x160E0];
	v32 =	vadd.f32 v38, v32;
	v23 =	vunpack.i.u.bf16.f32 v23  }
0x2ee: {  	v38 =	vld [tilespmem:s19+$0x160B0];
	v35 =	vmul.bf16 v49, v35;
	v57 =	vunpack.i.l.bf16.f32 v25;
	v23 =	vadd.f32 v24, v23  }
0x2ef: {  	v49 =	vld [tilespmem:s19+$0x14CC0];
	v24 =	vmul.bf16 v56, v26;
	v26 =	vadd.f32 v57, v32;
	v32 =	vmul.bf16 v58, v48  }
0x2f0: {  	v7 =	vmul.bf16 v7, v50;
	v59 =	vunpack.i.l.bf16.f32 v35;
	v56 =	vunpack.i.u.bf16.f32 v35;
	v35 =	vld [tilespmem:s19+$0x160D0]  }
0x2f1: {  	s22 =	sshll.u32 s10, $0x6;
	v25 =	vunpack.i.u.bf16.f32 v25;
	v57 =	vld [tilespmem:$0x1FCF0];
	v24 =	vmul.bf16 v24, v34;
	v32 =	vmul.bf16 v32, v36  }
0x2f2: {  	v9 =	vmul.bf16 v9, v52;
	v0 =	vmul.bf16 v0, v46;
	v46 =	vld [tilespmem:s22+$0x160C0];
	v26 =	vadd.f32 v26, v25  }
0x2f3: {  	v23 =	vadd.f32 v59, v23;
	v34 =	vld [tilespmem:s19+$0x14CD0];
	v58 =	vunpack.i.l.bf16.f32 v24;
	v59 =	vunpack.i.l.bf16.f32 v32  }
0x2f4: {  	v36 =	vld [tilespmem:s19+$0x160E0];
	v0 =	vmul.bf16 v0, v38;
	v26 =	vadd.f32 v58, v26;
	v48 =	vadd.f32 $0.0e+00, v59  }
0x2f5: {  	v38 =	vld [tilespmem:s22+$0x14CE0];
	v25 =	vadd.f32 v23, v56;
	v24 =	vunpack.i.u.bf16.f32 v24;
	v50 =	vunpack.i.u.bf16.f32 v32  }
0x2f6: {  	s23 =	sshll.u32 s9, $0x6;
	v23 =	vmul.bf16 v57, v42;
	v59 =	vld [tilespmem:$0x1FD00];
	v24 =	vadd.f32 v26, v24;
	v26 =	vadd.f32 v48, v50  }
0x2f7: {  	v9 =	vmul.bf16 v9, v27;
	v15 =	vmul.bf16 v15, v49;
	v49 =	vld [tilespmem:s23+$0x14CB0];
	v56 =	vunpack.i.l.bf16.f32 v7  }
0x2f8: {  	v32 =	vld [tilespmem:s21+$0x160B0];
	v7 =	vunpack.i.u.bf16.f32 v7;
	v23 =	vmul.bf16 v23, v44;
	v26 =	vadd.f32 v56, v26  }
0x2f9: {  	v42 =	vld [tilespmem:s19+$0x14CE0];
	v57 =	vmul.bf16 v29, v54;
	v58 =	vunpack.i.l.bf16.f32 v9;
	v9 =	vunpack.i.u.bf16.f32 v9  }
0x2fa: {  	v29 =	vld [tilespmem:s22+$0x14CB0];
	v52 =	vunpack.i.l.bf16.f32 v23;
	v23 =	vunpack.i.u.bf16.f32 v23;
	v7 =	vadd.f32 v26, v7  }
0x2fb: {  	v48 =	vld [tilespmem:s21+$0x14CC0];
	v24 =	vadd.f32 v52, v24;
	v27 =	vmul.bf16 v59, v45;
	v52 =	vunpack.i.l.bf16.f32 v6  }
0x2fc: {  	v44 =	vld [tilespmem:s21+$0x160C0];
	v6 =	vunpack.i.u.bf16.f32 v6;
	v26 =	vadd.f32 $0.0e+00, v58;
	v7 =	vadd.f32 v52, v7  }
0x2fd: {  	v50 =	vld [tilespmem:s21+$0x14CE0];
	v24 =	vadd.f32 v24, v23;
	v23 =	vmul.bf16 v57, v55;
	v27 =	vmul.bf16 v27, v40  }
0x2fe: {  	v9 =	vadd.f32 v26, v9;
	v6 =	vadd.f32 v7, v6;
	v7 =	vld [tilespmem:$0x1FD10]  }
0x2ff: {  	v45 =	vld [tilespmem:s21+$0x160E0];
	v54 =	vunpack.i.l.bf16.f32 v23;
	v55 =	vunpack.i.l.bf16.f32 v27  }
0x300: {  	v59 =	vmul.bf16 v15, v53;
	v15 =	vld [tilespmem:s23+$0x160B0];
	v9 =	vadd.f32 v54, v9;
	v6 =	vadd.f32 v55, v6  }
0x301: {  	v53 =	vld [tilespmem:$0x1FD30];
	v23 =	vunpack.i.u.bf16.f32 v23;
	v56 =	vunpack.i.u.bf16.f32 v27  }
0x302: {  	v58 =	vunpack.i.l.bf16.f32 v0;
	v9 =	vadd.f32 v9, v23;
	v23 =	vadd.f32 v6, v56;
	v6 =	vld [tilespmem:$0x1FD20]  }
0x303: {  	v27 =	vadd.f32 $0.0e+00, v58;
	v58 =	vld [tilespmem:$0x1FD60];
	v7 =	vmul.bf16 v7, v37  }
0x304: {  	v40 =	vld [tilespmem:s22+$0x14CC0]  }
0x305: {  	v26 =	vld [tilespmem:s22+$0x160B0];
	v7 =	vmul.bf16 v7, v33  }
0x306: {  	v0 =	vunpack.i.u.bf16.f32 v0;
	v55 =	vld [tilespmem:$0x1FD40]  }
0x307: {  	v52 =	vld [tilespmem:s23+$0x160C0];
	v0 =	vadd.f32 v27, v0;
	v6 =	vmul.bf16 v6, v43;
	v57 =	vunpack.i.l.bf16.f32 v7  }
0x308: {  	v27 =	vmul.bf16 v53, v47;
	v47 =	vld [tilespmem:s23+$0x14CD0];
	v42 =	vmul.bf16 v58, v42;
	v9 =	vadd.f32 v57, v9  }
0x309: {  	s24 =	sshll.u32 s8, $0x6;
	v12 =	vmul.bf16 v12, v29;
	v37 =	vld [tilespmem:s22+$0x160D0];
	v7 =	vunpack.i.u.bf16.f32 v7;
	v6 =	vmul.bf16 v6, v51  }
0x30a: {  	v8 =	vmul.bf16 v8, v40;
	v36 =	vmul.bf16 v42, v36;
	v42 =	vld [tilespmem:s24+$0x14CC0];
	v7 =	vadd.f32 v9, v7  }
0x30b: {  	v33 =	vld [tilespmem:s22+$0x14CD0];
	v34 =	vmul.bf16 v55, v34;
	v55 =	vmul.bf16 v12, v26;
	v54 =	vunpack.i.l.bf16.f32 v6  }
0x30c: {  	v32 =	vmul.bf16 v27, v32;
	v56 =	vunpack.i.l.bf16.f32 v59;
	v26 =	vld [tilespmem:s24+$0x160D0];
	v7 =	vadd.f32 v54, v7  }
0x30d: {  	v0 =	vadd.f32 v56, v0;
	v12 =	vld [tilespmem:s24+$0x160E0];
	v58 =	vunpack.i.l.bf16.f32 v55;
	v6 =	vunpack.i.u.bf16.f32 v6  }
0x30e: {  	v43 =	vld [tilespmem:s22+$0x160E0];
	v27 =	vadd.f32 v7, v6;
	v6 =	vmul.bf16 v34, v35;
	v7 =	vunpack.i.u.bf16.f32 v59  }
0x30f: {  	v57 =	vunpack.i.l.bf16.f32 v32;
	v40 =	vadd.f32 $0.0e+00, v58;
	v58 =	vld [tilespmem:$0x1FDB0];
	v0 =	vadd.f32 v0, v7  }
0x310: {  	v9 =	vadd.f32 $0.0e+00, v57;
	v7 =	vld [tilespmem:$0x1FD50];
	v59 =	vunpack.i.l.bf16.f32 v6  }
0x311: {  	v32 =	vunpack.i.u.bf16.f32 v32;
	v51 =	vld [tilespmem:s23+$0x14CC0];
	v0 =	vadd.f32 v59, v0  }
0x312: {  	v9 =	vadd.f32 v9, v32;
	v32 =	vld [tilespmem:s24+$0x160B0];
	v6 =	vunpack.i.u.bf16.f32 v6  }
0x313: {  	v56 =	vunpack.i.u.bf16.f32 v36;
	v54 =	vunpack.i.l.bf16.f32 v36;
	v36 =	vld [tilespmem:s24+$0x14CE0];
	v0 =	vadd.f32 v0, v6  }
0x314: {  	v6 =	vld [tilespmem:$0x1FD70]  }
0x315: {  	v34 =	vld [tilespmem:s23+$0x160D0];
	v7 =	vmul.bf16 v7, v48;
	v0 =	vadd.f32 v54, v0  }
0x316: {  	v38 =	vmul.bf16 v58, v38;
	v35 =	vld [tilespmem:s23+$0x14CE0]  }
0x317: {  	s28 =	sshll.u32 s6, $0x6;
	s6 =	sshll.u32 s5, $0x6;
	v7 =	vmul.bf16 v7, v44;
	v29 =	vadd.f32 v0, v56;
	v0 =	vld [tilespmem:$0x1FD80]  }
0x318: {  	v38 =	vmul.bf16 v38, v43;
	v43 =	vld [tilespmem:s6+$0x14CB0]  }
0x319: {  	v48 =	vld [tilespmem:s23+$0x160E0];
	v6 =	vmul.bf16 v6, v31;
	v53 =	vunpack.i.l.bf16.f32 v7  }
0x31a: {  	v54 =	vld [tilespmem:$0x1FDA0];
	v9 =	vadd.f32 v53, v9  }
0x31b: {  	v44 =	vld [tilespmem:s24+$0x14CB0];
	v7 =	vunpack.i.u.bf16.f32 v7;
	v6 =	vmul.bf16 v6, v30  }
0x31c: {  	v7 =	vadd.f32 v9, v7;
	v0 =	vmul.bf16 v0, v50;
	v50 =	vld [tilespmem:$0x1FD90]  }
0x31d: {  	s25 =	sshll.u32 s7, $0x6;
	v56 =	vmul.bf16 v41, v51;
	v51 =	vld [tilespmem:s28+$0x14CB0];
	v57 =	vunpack.i.l.bf16.f32 v6  }
0x31e: {  	v59 =	vunpack.i.u.bf16.f32 v55;
	v41 =	vld [tilespmem:s25+$0x160E0];
	v7 =	vadd.f32 v57, v7  }
0x31f: {  	v31 =	vld [tilespmem:s24+$0x160C0];
	v33 =	vmul.bf16 v54, v33;
	v6 =	vunpack.i.u.bf16.f32 v6;
	v0 =	vmul.bf16 v0, v45  }
0x320: {  	v30 =	vld [tilespmem:s24+$0x14CD0];
	v11 =	vmul.bf16 v11, v44;
	v6 =	vadd.f32 v7, v6;
	v7 =	vmul.bf16 v8, v46  }
0x321: {  	v44 =	vld [tilespmem:s28+$0x160C0];
	v8 =	vadd.f32 v40, v59;
	v53 =	vunpack.i.l.bf16.f32 v0;
	v9 =	vmul.bf16 v50, v49  }
0x322: {  	v5 =	vmul.bf16 v5, v51;
	v51 =	vld [tilespmem:$0x1FE40];
	v6 =	vadd.f32 v53, v6;
	v55 =	vunpack.i.l.bf16.f32 v7  }
0x323: {  	v45 =	vld [tilespmem:s25+$0x14CB0];
	v0 =	vunpack.i.u.bf16.f32 v0;
	v8 =	vadd.f32 v55, v8;
	v15 =	vmul.bf16 v9, v15  }
0x324: {  	v46 =	vld [tilespmem:s25+$0x160B0];
	v9 =	vadd.f32 v6, v0;
	v0 =	vmul.bf16 v33, v37;
	v6 =	vunpack.i.u.bf16.f32 v7  }
0x325: {  	v40 =	vld [tilespmem:s25+$0x14CD0];
	v6 =	vadd.f32 v8, v6  }
0x326: {  	v49 =	vld [tilespmem:s25+$0x14CC0];
	v59 =	vunpack.i.l.bf16.f32 v0  }
0x327: {  	v50 =	vld [tilespmem:s25+$0x160C0];
	v6 =	vadd.f32 v59, v6  }
0x328: {  	v53 =	vld [tilespmem:$0x1FDE0];
	v0 =	vunpack.i.u.bf16.f32 v0  }
0x329: {  	v0 =	vadd.f32 v6, v0;
	v6 =	vld [tilespmem:$0x1FDC0]  }
0x32a: {  	v55 =	vunpack.i.l.bf16.f32 v38;
	v7 =	vld [tilespmem:s25+$0x160D0];
	v57 =	vunpack.i.l.bf16.f32 v15  }
0x32b: {  	v37 =	vld [tilespmem:s25+$0x14CE0];
	v20 =	vmul.bf16 v20, v45;
	v33 =	vadd.f32 $0.0e+00, v57;
	v0 =	vadd.f32 v55, v0  }
0x32c: {  	v45 =	vld [tilespmem:s6+$0x160C0];
	v8 =	vmul.bf16 v56, v52;
	v15 =	vunpack.i.u.bf16.f32 v15;
	v57 =	vunpack.i.u.bf16.f32 v38  }
0x32d: {  	v56 =	vmul.bf16 v11, v32;
	v15 =	vadd.f32 v33, v15;
	v11 =	vadd.f32 v0, v57;
	v0 =	vld [tilespmem:$0x1FDD0]  }
0x32e: {  	v32 =	vld [tilespmem:s28+$0x160D0];
	v54 =	vunpack.i.l.bf16.f32 v8;
	v6 =	vmul.bf16 v6, v47  }
0x32f: {  	v19 =	vmul.bf16 v19, v42;
	v38 =	vld [tilespmem:s28+$0x14CE0];
	v15 =	vadd.f32 v54, v15  }
0x330: {  	v8 =	vunpack.i.u.bf16.f32 v8;
	v59 =	vunpack.i.l.bf16.f32 v56;
	v33 =	vld [tilespmem:s28+$0x160B0];
	v6 =	vmul.bf16 v6, v34  }
0x331: {  	v42 =	vadd.f32 $0.0e+00, v59;
	v55 =	vmul.bf16 v20, v46;
	v46 =	vld [tilespmem:s6+$0x14CD0];
	v8 =	vadd.f32 v15, v8  }
0x332: {  	v15 =	vunpack.i.u.bf16.f32 v56;
	v56 =	vld [tilespmem:$0x1FDF0];
	v0 =	vmul.bf16 v0, v35;
	v58 =	vunpack.i.l.bf16.f32 v6  }
0x333: {  	v30 =	vmul.bf16 v53, v30;
	v47 =	vld [tilespmem:s28+$0x14CC0];
	v8 =	vadd.f32 v58, v8  }
0x334: {  	s7 =	sshll.u32 s4, $0x6;
	v15 =	vadd.f32 v42, v15;
	v42 =	vld [tilespmem:s6+$0x14CC0];
	v6 =	vunpack.i.u.bf16.f32 v6;
	v0 =	vmul.bf16 v0, v48  }
0x335: {  	v53 =	vmul.bf16 v5, v33;
	v33 =	vld [tilespmem:s7+$0x160D0];
	v48 =	vmul.bf16 v19, v31;
	v6 =	vadd.f32 v8, v6  }
0x336: {  	v58 =	vld [tilespmem:$0x1FE00];
	v52 =	vunpack.i.l.bf16.f32 v0  }
0x337: {  	v34 =	vld [tilespmem:s28+$0x14CD0];
	v54 =	vunpack.i.l.bf16.f32 v48;
	v6 =	vadd.f32 v52, v6  }
0x338: {  	v57 =	vunpack.i.l.bf16.f32 v55;
	v35 =	vld [tilespmem:s28+$0x160E0];
	v0 =	vunpack.i.u.bf16.f32 v0;
	v15 =	vadd.f32 v54, v15  }
0x339: {  	v19 =	vld [tilespmem:s6+$0x160B0];
	v20 =	vadd.f32 v6, v0;
	v0 =	vmul.bf16 v30, v26;
	v6 =	vunpack.i.u.bf16.f32 v48  }
0x33a: {  	s8 =	sshll.u32 s3, $0x6;
	v31 =	vunpack.i.u.bf16.f32 v55;
	v55 =	vmul.bf16 v13, v47;
	v13 =	vld [tilespmem:s7+$0x160E0];
	v6 =	vadd.f32 v15, v6  }
0x33b: {  	v47 =	vld [tilespmem:s8+$0x160C0];
	v36 =	vmul.bf16 v58, v36;
	v59 =	vunpack.i.l.bf16.f32 v0  }
0x33c: {  	s9 =	sshll.u32 s12, $0x6;
	v8 =	vld [tilespmem:s6+$0x160D0];
	v6 =	vadd.f32 v59, v6  }
0x33d: {  	v34 =	vmul.bf16 v51, v34;
	v51 =	vld [tilespmem:s9+$0x160C0];
	v12 =	vmul.bf16 v36, v12;
	v0 =	vunpack.i.u.bf16.f32 v0  }
0x33e: {  	v0 =	vadd.f32 v6, v0;
	v6 =	vld [tilespmem:$0x1FE10]  }
0x33f: {  	v58 =	vld [tilespmem:$0x1FE30];
	v15 =	vmul.bf16 v56, v49;
	v52 =	vunpack.i.l.bf16.f32 v12  }
0x340: {  	v30 =	vld [tilespmem:s6+$0x14CE0];
	v26 =	vadd.f32 $0.0e+00, v57;
	v0 =	vadd.f32 v52, v0  }
0x341: {  	v48 =	vld [tilespmem:s6+$0x160E0];
	v15 =	vmul.bf16 v15, v50;
	v5 =	vunpack.i.u.bf16.f32 v12  }
0x342: {  	v26 =	vadd.f32 v26, v31;
	v5 =	vadd.f32 v0, v5;
	v0 =	vld [tilespmem:$0x1FE20]  }
0x343: {  	v49 =	vld [tilespmem:s7+$0x14CB0];
	v50 =	vunpack.i.l.bf16.f32 v15;
	v6 =	vmul.bf16 v6, v40  }
0x344: {  	v57 =	vunpack.i.u.bf16.f32 v53;
	v36 =	vld [tilespmem:s7+$0x14CE0];
	v26 =	vadd.f32 v50, v26  }
0x345: {  	v56 =	vunpack.i.l.bf16.f32 v53;
	v53 =	vld [tilespmem:$0x1FE50];
	v6 =	vmul.bf16 v6, v7;
	v7 =	vunpack.i.u.bf16.f32 v15  }
0x346: {  	v31 =	vld [tilespmem:s7+$0x160B0];
	v7 =	vadd.f32 v26, v7  }
0x347: {  	v50 =	vld [tilespmem:s7+$0x160C0];
	v0 =	vmul.bf16 v0, v37;
	v54 =	vunpack.i.l.bf16.f32 v6  }
0x348: {  	v40 =	vld [tilespmem:s7+$0x14CC0];
	v7 =	vadd.f32 v54, v7  }
0x349: {  	v15 =	vld [tilespmem:s7+$0x14CD0];
	v6 =	vunpack.i.u.bf16.f32 v6;
	v37 =	vadd.f32 $0.0e+00, v56;
	v0 =	vmul.bf16 v0, v41  }
0x34a: {  	v26 =	vld [tilespmem:s8+$0x160B0];
	v6 =	vadd.f32 v7, v6;
	v7 =	vmul.bf16 v55, v44  }
0x34b: {  	v41 =	vld [tilespmem:s8+$0x14CB0];
	v12 =	vadd.f32 v37, v57;
	v59 =	vunpack.i.l.bf16.f32 v0  }
0x34c: {  	v37 =	vmul.bf16 v58, v43;
	v43 =	vld [tilespmem:s8+$0x160E0];
	v6 =	vadd.f32 v59, v6;
	v52 =	vunpack.i.l.bf16.f32 v7  }
0x34d: {  	v58 =	vld [tilespmem:$0x1FE80];
	v0 =	vunpack.i.u.bf16.f32 v0;
	v12 =	vadd.f32 v52, v12  }
0x34e: {  	v44 =	vld [tilespmem:s8+$0x14CC0];
	v7 =	vunpack.i.u.bf16.f32 v7;
	v6 =	vadd.f32 v6, v0;
	v0 =	vmul.bf16 v34, v32  }
0x34f: {  	v55 =	vld [tilespmem:$0x1FE60];
	v19 =	vmul.bf16 v37, v19;
	v7 =	vadd.f32 v12, v7  }
0x350: {  	v37 =	vld [tilespmem:s8+$0x14CD0];
	v56 =	vunpack.i.l.bf16.f32 v0  }
0x351: {  	v54 =	vunpack.i.l.bf16.f32 v19;
	v32 =	vld [tilespmem:s8+$0x160D0];
	v7 =	vadd.f32 v56, v7  }
0x352: {  	v34 =	vadd.f32 $0.0e+00, v54;
	v54 =	vld [tilespmem:$0x1FEA0];
	v0 =	vunpack.i.u.bf16.f32 v0  }
0x353: {  	v12 =	vmul.bf16 v53, v42;
	v0 =	vadd.f32 v7, v0;
	v7 =	vld [tilespmem:$0x1FE70]  }
0x354: {  	v19 =	vunpack.i.u.bf16.f32 v19;
	v42 =	vld [tilespmem:s8+$0x14CE0];
	v38 =	vmul.bf16 v55, v38  }
0x355: {  	v19 =	vadd.f32 v34, v19;
	v34 =	vld [tilespmem:s9+$0x160B0];
	v12 =	vmul.bf16 v12, v45  }
0x356: {  	v45 =	vld [tilespmem:s9+$0x14CB0];
	v35 =	vmul.bf16 v38, v35;
	v38 =	vmul.bf16 v58, v49  }
0x357: {  	v49 =	vld [tilespmem:s9+$0x14CD0];
	v57 =	vunpack.i.l.bf16.f32 v12  }
0x358: {  	v56 =	vld [tilespmem:$0x1FEB0];
	v59 =	vunpack.i.l.bf16.f32 v35;
	v52 =	vmul.bf16 v38, v31;
	v7 =	vmul.bf16 v7, v46  }
0x359: {  	v58 =	vld [tilespmem:$0x1FEC0];
	v19 =	vadd.f32 v57, v19;
	v0 =	vadd.f32 v59, v0  }
0x35a: {  	s10 =	sshll.u32 s20, $0x6;
	v31 =	vld [tilespmem:s9+$0x160D0];
	v38 =	vunpack.i.l.bf16.f32 v52;
	v8 =	vmul.bf16 v7, v8;
	v7 =	vunpack.i.u.bf16.f32 v12  }
0x35b: {  	v55 =	vunpack.i.u.bf16.f32 v52;
	v52 =	vld [tilespmem:s10+$0x160C0];
	v12 =	vadd.f32 v19, v7;
	v7 =	vunpack.i.u.bf16.f32 v35  }
0x35c: {  	s11 =	sshll.u32 s13, $0x6;
	v7 =	vadd.f32 v0, v7;
	v0 =	vld [tilespmem:$0x1FE90]  }
0x35d: {  	v10 =	vmul.bf16 v10, v45;
	v45 =	vld [tilespmem:s11+$0x160C0]  }
0x35e: {  	v46 =	vld [tilespmem:s9+$0x14CC0]  }
0x35f: {  	v10 =	vmul.bf16 v10, v34;
	v34 =	vld [tilespmem:s11+$0x160D0]  }
0x360: {  	v35 =	vld [tilespmem:s9+$0x14CE0]  }
0x361: {  	v19 =	vld [tilespmem:s10+$0x160B0];
	v53 =	vunpack.i.l.bf16.f32 v8;
	v0 =	vmul.bf16 v0, v30  }
0x362: {  	s0 =	sshll.u32 s0, $0x6;
	v38 =	vadd.f32 $0.0e+00, v38;
	v12 =	vadd.f32 v53, v12;
	v53 =	vld [tilespmem:$0x1FED0];
	v30 =	vmul.bf16 v54, v40  }
0x363: {  	v8 =	vunpack.i.u.bf16.f32 v8;
	v17 =	vmul.bf16 v17, v46;
	v46 =	vld [tilespmem:s0+$0x160B0];
	v0 =	vmul.bf16 v0, v48  }
0x364: {  	v8 =	vadd.f32 v12, v8;
	v12 =	vadd.f32 v38, v55;
	v55 =	vld [tilespmem:$0x1FEE0];
	v30 =	vmul.bf16 v30, v50  }
0x365: {  	v38 =	vmul.bf16 v56, v41;
	v17 =	vmul.bf16 v17, v51;
	v51 =	vld [tilespmem:s0+$0x14CC0];
	v57 =	vunpack.i.l.bf16.f32 v0  }
0x366: {  	v15 =	vmul.bf16 v58, v15;
	v40 =	vld [tilespmem:s9+$0x160E0];
	v59 =	vunpack.i.l.bf16.f32 v30;
	v8 =	vadd.f32 v57, v8  }
0x367: {  	v26 =	vmul.bf16 v38, v26;
	v38 =	vld [tilespmem:s10+$0x14CD0];
	v0 =	vunpack.i.u.bf16.f32 v0;
	v41 =	vadd.f32 v59, v12  }
0x368: {  	v48 =	vld [tilespmem:s10+$0x14CB0];
	v12 =	vadd.f32 v8, v0;
	v0 =	vmul.bf16 v15, v33;
	v33 =	vunpack.i.u.bf16.f32 v30  }
0x369: {  	v50 =	vld [tilespmem:s10+$0x14CC0];
	v54 =	vunpack.i.l.bf16.f32 v26;
	v8 =	vadd.f32 v41, v33  }
0x36a: {  	v36 =	vmul.bf16 v55, v36;
	v57 =	vld [tilespmem:$0x1FEF0];
	v15 =	vmul.bf16 v53, v44;
	v56 =	vunpack.i.l.bf16.f32 v0  }
0x36b: {  	v26 =	vunpack.i.u.bf16.f32 v26;
	v30 =	vld [tilespmem:s10+$0x160D0];
	v33 =	vadd.f32 $0.0e+00, v54;
	v8 =	vadd.f32 v56, v8  }
0x36c: {  	v13 =	vmul.bf16 v36, v13;
	v53 =	vld [tilespmem:s10+$0x160E0];
	v15 =	vmul.bf16 v15, v47;
	v0 =	vunpack.i.u.bf16.f32 v0  }
0x36d: {  	v44 =	vld [tilespmem:s11+$0x14CB0];
	v26 =	vadd.f32 v33, v26;
	v0 =	vadd.f32 v8, v0  }
0x36e: {  	v59 =	vunpack.i.l.bf16.f32 v13;
	v28 =	vmul.bf16 v28, v48;
	v48 =	vld [tilespmem:s0+$0x160C0];
	v58 =	vunpack.i.l.bf16.f32 v15  }
0x36f: {  	v41 =	vld [tilespmem:s10+$0x14CE0];
	v26 =	vadd.f32 v58, v26;
	v0 =	vadd.f32 v59, v0  }
0x370: {  	v13 =	vunpack.i.u.bf16.f32 v13;
	v33 =	vld [tilespmem:s11+$0x160B0];
	v15 =	vunpack.i.u.bf16.f32 v15  }
0x371: {  	v8 =	vmul.bf16 v57, v37;
	v47 =	vadd.f32 v26, v15;
	v15 =	vadd.f32 v0, v13;
	v0 =	vld [tilespmem:$0x1FF00]  }
0x372: {  	v37 =	vld [tilespmem:s11+$0x14CC0]  }
0x373: {  	v8 =	vmul.bf16 v8, v32;
	v32 =	vld [tilespmem:s11+$0x14CD0]  }
0x374: {  	v26 =	vld [tilespmem:s11+$0x14CE0]  }
0x375: {  	v55 =	vunpack.i.l.bf16.f32 v10;
	v59 =	vld [tilespmem:$0x1FF10]  }
0x376: {  	s12 =	sadd.s32 $0x22, s29;
	v54 =	vmul.bf16 v0, v42;
	v0 =	vunpack.i.l.bf16.f32 v8;
	v42 =	vadd.f32 $0.0e+00, v55;
	v55 =	vld [tilespmem:$0x1FF30]  }
0x377: {  	s13 =	sand.u32 $0xF0, s12;
	v36 =	vadd.f32 v0, v47;
	v0 =	vld [tilespmem:s11+$0x160E0]  }
0x378: {  	v10 =	vunpack.i.u.bf16.f32 v10;
	v13 =	vmul.bf16 v54, v43;
	v43 =	vld.idx.msk [tilespmem:v4+s13+$0x0 ss:$0x1], $0xffff  }
0x379: {  	v8 =	vunpack.i.u.bf16.f32 v8;
	v47 =	vor.u32 v2, v22;
	s11 =	smul.u32 $0x44, s30;
	v10 =	vadd.f32 v42, v10;
	v54 =	vld [tilespmem:s0+$0x14CD0]  }
0x37a: {  	v57 =	vunpack.i.l.bf16.f32 v17;
	v22 =	vor.u32 v3, v22;
	v8 =	vadd.f32 v36, v8;
	v36 =	vld [tilespmem:s0+$0x14CB0]  }
0x37b: {  	s4 =	sshra.s32 s11, $0x2;
	v56 =	vunpack.i.l.bf16.f32 v13;
	v42 =	vadd.f32 v57, v10;
	v57 =	vld [tilespmem:$0x1FF20]  }
0x37c: {  	[tilespmem:s4+$0x19CB0] =	vst v60;
	v60 =	vld [tilespmem:$0x1FFD0];
	v8 =	vadd.f32 v56, v8  }
0x37d: {  	v13 =	vunpack.i.u.bf16.f32 v13;
	v56 =	vunpack.i.u.bf16.f32 v17;
	v17 =	vld [tilespmem:s0+$0x160D0]  }
0x37e: {  	v49 =	vmul.bf16 v59, v49;
	v10 =	vadd.f32 v8, v13;
	v8 =	vmul.bf16 v28, v19;
	v28 =	vld.idx.msk [tilespmem:v47+s14+$0x0], $0xffff  }
0x37f: {  	s15 =	sand.u32 $0xA, s12;
	v35 =	vmul.bf16 v55, v35;
	v47 =	vld.idx.msk [tilespmem:v22+s14+$0x0], $0xffff  }
0x380: {  	s1 =	sshll.u32 s12, $0x6;
	v58 =	vmov s15;
	v19 =	vmul.bf16 v49, v31;
	v49 =	vld [tilespmem:s0+$0x160E0]  }
0x381: {  	v43 =	vperm.xlane v43, v58;
	v35 =	vmul.bf16 v35, v40;
	v40 =	vld [tilespmem:s1+$0x14CB0]  }
0x382: {  	s16 =	sadd.s32 $0x23, s29;
	v13 =	vadd.f32 v42, v56;
	v42 =	vmul.bf16 v57, v50;
	v57 =	vld [tilespmem:$0x1FF40]  }
0x383: {  	s19 =	sadd.s32 $0x24, s29;
	v21 =	vmul.bf16 v21, v36;
	v31 =	vshll.u32 v43, $0x6;
	v50 =	vld [tilespmem:s0+$0x14CE0];
	s0 =	sshll.u32 s16, $0x6  }
0x384: {  	s20 =	sand.u32 $0xF0, s19;
	v59 =	vor.u32 v39, v31;
	v36 =	vld [tilespmem:s0+$0x14CB0]  }
0x385: {  	v21 =	vmul.bf16 v21, v46;
	v46 =	vld.idx.msk [tilespmem:v4+s20+$0x0 ss:$0x1], $0xffff  }
0x386: {  	v58 =	vunpack.i.l.bf16.f32 v8;
	v56 =	vunpack.i.l.bf16.f32 v19;
	v42 =	vmul.bf16 v42, v52;
	v52 =	vld [tilespmem:s1+$0x160B0]  }
0x387: {  	v43 =	vadd.f32 $0.0e+00, v58;
	v13 =	vadd.f32 v56, v13;
	v38 =	vmul.bf16 v57, v38;
	v57 =	vld [tilespmem:$0x1FF50]  }
0x388: {  	v8 =	vunpack.i.u.bf16.f32 v8;
	v19 =	vunpack.i.u.bf16.f32 v19;
	v28 =	vmul.bf16 v28, v54;
	v54 =	vld [tilespmem:s0+$0x160D0]  }
0x389: {  	s17 =	sand.u32 $0xF0, s16;
	v8 =	vadd.f32 v43, v8;
	v13 =	vadd.f32 v13, v19;
	v58 =	vunpack.i.l.bf16.f32 v42;
	v43 =	vld.idx.msk [tilespmem:v59+s14+$0x0], $0xffff  }
0x38a: {  	v56 =	vunpack.i.u.bf16.f32 v42;
	v42 =	vor.u32 v2, v31;
	v19 =	vmul.bf16 v38, v30;
	v38 =	vld.idx.msk [tilespmem:v4+s17+$0x0 ss:$0x1], $0xffff  }
0x38b: {  	v55 =	vor.u32 v1, v31;
	v8 =	vadd.f32 v58, v8;
	v59 =	vunpack.i.l.bf16.f32 v35;
	v30 =	vld [tilespmem:s1+$0x14CC0]  }
0x38c: {  	s18 =	sand.u32 $0xB, s16;
	s16 =	sadd.s32 $0x220, s26;
	v31 =	vor.u32 v3, v31;
	v13 =	vadd.f32 v59, v13;
	v59 =	vld [tilespmem:$0x1FF60];
	v44 =	vmul.bf16 v57, v44  }
0x38d: {  	v22 =	vunpack.i.u.bf16.f32 v35;
	v8 =	vadd.f32 v8, v56;
	v56 =	vld [tilespmem:s1+$0x160C0];
	s17 =	sshra.s32 s16, $0x2  }
0x38e: {  	[tilespmem:s17+$0x19CB0] =	vst v61;
	v61 =	vld [tilespmem:$0x1FFF0];
	v22 =	vadd.f32 v13, v22;
	v13 =	vmul.bf16 v44, v33  }
0x38f: {  	v58 =	vmov s18;
	v42 =	vld.idx.msk [tilespmem:v42+s14+$0x0], $0xffff  }
0x390: {  	v38 =	vperm.xlane v38, v58;
	v58 =	vld [tilespmem:$0x1FF70];
	v57 =	vunpack.i.l.bf16.f32 v13  }
0x391: {  	v35 =	vunpack.i.l.bf16.f32 v19;
	v31 =	vld.idx.msk [tilespmem:v31+s14+$0x0], $0xffff;
	v41 =	vmul.bf16 v59, v41;
	v59 =	vadd.f32 $0.0e+00, v57  }
0x392: {  	v8 =	vadd.f32 v35, v8;
	v35 =	vld.idx.msk [tilespmem:v55+s14+$0x0], $0xffff;
	v57 =	vunpack.i.u.bf16.f32 v13  }
0x393: {  	v41 =	vmul.bf16 v41, v53;
	v53 =	vadd.f32 v59, v57;
	v57 =	vld [tilespmem:$0x1FF80]  }
0x394: {  	v19 =	vunpack.i.u.bf16.f32 v19;
	v33 =	vld [tilespmem:s1+$0x14CD0]  }
0x395: {  	v8 =	vadd.f32 v8, v19;
	v19 =	vld [tilespmem:s1+$0x14CE0];
	v37 =	vmul.bf16 v58, v37  }
0x396: {  	v17 =	vmul.bf16 v28, v17;
	v44 =	vld [tilespmem:s1+$0x160D0];
	v38 =	vshll.u32 v38, $0x6  }
0x397: {  	v40 =	vmul.bf16 v43, v40;
	v59 =	vld [tilespmem:$0x1FFA0];
	v37 =	vmul.bf16 v37, v45;
	v45 =	vor.u32 v39, v38  }
0x398: {  	s23 =	sadd.s32 $0x25, s29;
	v55 =	vunpack.i.l.bf16.f32 v41;
	v41 =	vunpack.i.u.bf16.f32 v41;
	v32 =	vmul.bf16 v57, v32;
	v57 =	vld [tilespmem:$0x1FF90]  }
0x399: {  	s25 =	sshll.u32 s23, $0x6;
	v13 =	vld [tilespmem:s1+$0x160E0];
	v8 =	vadd.f32 v55, v8;
	v55 =	vor.u32 v1, v38;
	v58 =	vunpack.i.l.bf16.f32 v37  }
0x39a: {  	v19 =	vmul.bf16 v31, v19;
	v31 =	vld [tilespmem:s25+$0x160D0];
	v53 =	vadd.f32 v58, v53;
	v58 =	vor.u32 v2, v38  }
0x39b: {  	v37 =	vunpack.i.u.bf16.f32 v37;
	v38 =	vor.u32 v3, v38;
	v32 =	vmul.bf16 v32, v34;
	v34 =	vld [tilespmem:s0+$0x160B0]  }
0x39c: {  	v8 =	vadd.f32 v8, v41;
	v26 =	vmul.bf16 v59, v26;
	v37 =	vadd.f32 v53, v37;
	v45 =	vld.idx.msk [tilespmem:v45+s14+$0x0], $0xffff  }
0x39d: {  	v53 =	vunpack.i.l.bf16.f32 v21;
	v41 =	vunpack.i.l.bf16.f32 v32;
	v51 =	vmul.bf16 v57, v51;
	v57 =	vld [tilespmem:s0+$0x14CC0]  }
0x39e: {  	v33 =	vmul.bf16 v42, v33;
	v37 =	vadd.f32 v41, v37;
	v41 =	vadd.f32 $0.0e+00, v53;
	v53 =	vld [tilespmem:s0+$0x160C0]  }
0x39f: {  	v40 =	vmul.bf16 v40, v52;
	v0 =	vmul.bf16 v26, v0;
	v26 =	vld.idx.msk [tilespmem:v58+s14+$0x0], $0xffff  }
0x3a0: {  	s21 =	sand.u32 $0xC, s19;
	v33 =	vmul.bf16 v33, v44;
	v21 =	vunpack.i.u.bf16.f32 v21;
	v38 =	vld.idx.msk [tilespmem:v38+s14+$0x0], $0xffff;
	v48 =	vmul.bf16 v51, v48  }
0x3a1: {  	v59 =	vmov s21;
	v32 =	vunpack.i.u.bf16.f32 v32;
	v51 =	vld.idx.msk [tilespmem:v55+s14+$0x0], $0xffff;
	v21 =	vadd.f32 v41, v21  }
0x3a2: {  	v58 =	vunpack.i.l.bf16.f32 v17;
	v41 =	vperm.xlane v46, v59;
	v46 =	vld [tilespmem:s0+$0x14CD0];
	v59 =	vunpack.i.l.bf16.f32 v48  }
0x3a3: {  	v17 =	vunpack.i.u.bf16.f32 v17;
	v55 =	vld [tilespmem:s0+$0x14CE0];
	v32 =	vadd.f32 v37, v32;
	v21 =	vadd.f32 v59, v21  }
0x3a4: {  	s22 =	sshll.u32 s19, $0x6;
	v37 =	vmul.bf16 v47, v50;
	v47 =	vld [tilespmem:s0+$0x160E0];
	v52 =	vmul.bf16 v45, v36;
	v48 =	vunpack.i.u.bf16.f32 v48  }
0x3a5: {  	v50 =	vunpack.i.l.bf16.f32 v40;
	v36 =	vld [tilespmem:s22+$0x14CC0];
	v41 =	vshll.u32 v41, $0x6;
	v21 =	vadd.f32 v21, v48  }
0x3a6: {  	v45 =	vld [tilespmem:s22+$0x160C0];
	v37 =	vmul.bf16 v37, v49;
	v34 =	vmul.bf16 v52, v34;
	v59 =	vunpack.i.l.bf16.f32 v0  }
0x3a7: {  	v49 =	vld [tilespmem:s22+$0x160B0];
	v28 =	vor.u32 v39, v41;
	v32 =	vadd.f32 v59, v32;
	v43 =	vadd.f32 v58, v21  }
0x3a8: {  	v0 =	vunpack.i.u.bf16.f32 v0;
	v59 =	vmul.bf16 v35, v30;
	v35 =	vld [tilespmem:s22+$0x14CD0];
	v26 =	vmul.bf16 v26, v46  }
0x3a9: {  	v30 =	vld [tilespmem:s22+$0x14CE0];
	v38 =	vmul.bf16 v38, v55;
	v21 =	vadd.f32 v32, v0;
	v0 =	vadd.f32 v43, v17  }
0x3aa: {  	s7 =	sadd.s32 $0x27, s29;
	v48 =	vld [tilespmem:s22+$0x14CB0];
	v59 =	vmul.bf16 v59, v56;
	v56 =	vunpack.i.l.bf16.f32 v34;
	v43 =	vunpack.i.l.bf16.f32 v37  }
0x3ab: {  	s8 =	sand.u32 $0xF0, s7;
	v46 =	vld [tilespmem:s25+$0x160B0];
	v58 =	vadd.f32 $0.0e+00, v50;
	v50 =	vunpack.i.u.bf16.f32 v40;
	v0 =	vadd.f32 v43, v0  }
0x3ac: {  	s24 =	sand.u32 $0xF0, s23;
	v55 =	vld.idx.msk [tilespmem:v4+s8+$0x0 ss:$0x1], $0xffff;
	v52 =	vunpack.i.l.bf16.f32 v59;
	v37 =	vunpack.i.u.bf16.f32 v37;
	v43 =	vunpack.i.u.bf16.f32 v59  }
0x3ad: {  	v59 =	vld.idx.msk [tilespmem:v4+s24+$0x0 ss:$0x1], $0xffff;
	v17 =	vadd.f32 v0, v37;
	v0 =	vadd.f32 v58, v50;
	v58 =	vmul.bf16 v51, v57  }
0x3ae: {  	v13 =	vmul.bf16 v19, v13;
	v34 =	vunpack.i.u.bf16.f32 v34;
	v40 =	vadd.f32 $0.0e+00, v56;
	v32 =	vld.idx.msk [tilespmem:v28+s14+$0x0], $0xffff  }
0x3af: {  	s1 =	sand.u32 $0xD, s23;
	v26 =	vmul.bf16 v26, v54;
	v28 =	vld [tilespmem:s22+$0x160E0];
	v0 =	vadd.f32 v52, v0;
	v42 =	vmul.bf16 v58, v53  }
0x3b0: {  	v56 =	vmov s1;
	v34 =	vadd.f32 v40, v34;
	v40 =	vld [tilespmem:s25+$0x14CB0];
	v57 =	vor.u32 v1, v41  }
0x3b1: {  	v37 =	vld [tilespmem:s22+$0x160D0];
	v52 =	vunpack.i.l.bf16.f32 v33;
	v0 =	vadd.f32 v0, v43;
	v53 =	vunpack.i.l.bf16.f32 v42  }
0x3b2: {  	v51 =	vld [tilespmem:s25+$0x160C0];
	v33 =	vunpack.i.u.bf16.f32 v33;
	v44 =	vperm.xlane v59, v56;
	v34 =	vadd.f32 v53, v34  }
0x3b3: {  	s28 =	sadd.s32 $0x26, s29;
	v50 =	vld [tilespmem:s25+$0x14CD0];
	v56 =	vunpack.i.l.bf16.f32 v13;
	v42 =	vunpack.i.u.bf16.f32 v42;
	v0 =	vadd.f32 v52, v0  }
0x3b4: {  	s5 =	sand.u32 $0xF0, s28;
	v43 =	vld [tilespmem:s25+$0x14CC0];
	v44 =	vshll.u32 v44, $0x6;
	v52 =	vor.u32 v2, v41;
	v34 =	vadd.f32 v34, v42  }
0x3b5: {  	v53 =	vld.idx.msk [tilespmem:v4+s5+$0x0 ss:$0x1], $0xffff;
	v54 =	vor.u32 v39, v44;
	v33 =	vadd.f32 v0, v33;
	v0 =	vunpack.i.l.bf16.f32 v26  }
0x3b6: {  	v58 =	vor.u32 v2, v44;
	v42 =	vor.u32 v1, v44;
	v34 =	vadd.f32 v0, v34;
	v0 =	vld [tilespmem:s25+$0x14CE0]  }
0x3b7: {  	v44 =	vor.u32 v3, v44;
	v26 =	vunpack.i.u.bf16.f32 v26;
	v33 =	vadd.f32 v56, v33;
	v56 =	vld [tilespmem:$0x1FFB0]  }
0x3b8: {  	v38 =	vmul.bf16 v38, v47;
	v32 =	vmul.bf16 v32, v48;
	v19 =	vadd.f32 v34, v26;
	v26 =	vld [tilespmem:s25+$0x160E0]  }
0x3b9: {  	s6 =	sand.u32 $0xE, s28;
	v34 =	vor.u32 v3, v41;
	v41 =	vld.idx.msk [tilespmem:v57+s14+$0x0], $0xffff  }
0x3ba: {  	v47 =	vmov s6;
	v32 =	vmul.bf16 v32, v49;
	v59 =	vunpack.i.l.bf16.f32 v38;
	v52 =	vld.idx.msk [tilespmem:v52+s14+$0x0], $0xffff  }
0x3bb: {  	v13 =	vunpack.i.u.bf16.f32 v13;
	v38 =	vunpack.i.u.bf16.f32 v38;
	v47 =	vperm.xlane v53, v47;
	v54 =	vld.idx.msk [tilespmem:v54+s14+$0x0], $0xffff  }
0x3bc: {  	v57 =	vunpack.i.l.bf16.f32 v32;
	v44 =	vld.idx.msk [tilespmem:v44+s14+$0x0], $0xffff;
	v53 =	vadd.f32 v59, v19;
	v59 =	vmov s7  }
0x3bd: {  	s9 =	rddreg [dreg:$0x10];
	v19 =	vadd.f32 v33, v13;
	v33 =	vadd.f32 $0.0e+00, v57;
	v57 =	vperm.xlane v55, v59;
	v59 =	vld [tilespmem:$0x1FFE0]  }
0x3be: {  	s0 =	smul.u32 $0x44, s9;
	v13 =	vadd.f32 v53, v38;
	v38 =	vld.idx.msk [tilespmem:v58+s14+$0x0], $0xffff  }
0x3bf: {  	v47 =	vshll.u32 v47, $0x6;
	v58 =	vld [tilespmem:$0x1FFC0]  }
0x3c0: {  	s0 =	sshra.s32 s0, $0x2;
	v48 =	vor.u32 v1, v47;
	v34 =	vld.idx.msk [tilespmem:v34+s14+$0x0], $0xffff  }
0x3c1: {  	s10 =	rddreg [dreg:$0x12];
	v32 =	vunpack.i.u.bf16.f32 v32;
	[tilespmem:s0+$0x19CB0] =	vst v56;
	s0 =	sshll.u32 s28, $0x6;
	v36 =	vmul.bf16 v41, v36;
	v41 =	vld.idx.msk [tilespmem:v42+s14+$0x0], $0xffff;
	v42 =	vor.u32 v39, v47  }
0x3c2: {  	s13 =	smul.u32 $0x44, s31;
	s31 =	sadd.s32 $0x3B8, s26;
	s1 =	sshll.u32 s7, $0x6;
	v32 =	vadd.f32 v33, v32;
	v40 =	vmul.bf16 v54, v40;
	v49 =	vld [tilespmem:s0+$0x160B0]  }
0x3c3: {  	s3 =	smul.u32 $0x44, s10;
	s4 =	sshra.s32 s31, $0x2;
	s20 =	sadd.s32 $0x2A8, s26;
	v56 =	vmul.bf16 v52, v35;
	v35 =	vshll.u32 v57, $0x6;
	v54 =	vld [tilespmem:s1+$0x14CC0];
	v0 =	vmul.bf16 v44, v0  }
0x3c4: {  	[tilespmem:s4+$0x19CB0] =	vst v14;
	s21 =	sshra.s32 s20, $0x2;
	v52 =	vor.u32 v39, v35;
	v36 =	vmul.bf16 v36, v45;
	v45 =	vld [tilespmem:s0+$0x14CB0];
	v40 =	vmul.bf16 v40, v46  }
0x3c5: {  	s12 =	sshra.s32 s3, $0x2;
	v33 =	vmul.bf16 v56, v37;
	v46 =	vld.idx.msk [tilespmem:v48+s14+$0x0], $0xffff;
	v48 =	vor.u32 v2, v47;
	[tilespmem:s21+$0x19CB0] =	vst v59  }
0x3c6: {  	s15 =	sshra.s32 s13, $0x2;
	s18 =	sadd.s32 $0x264, s26;
	v59 =	vor.u32 v1, v35;
	[tilespmem:s12+$0x19CB0] =	vst v58;
	v58 =	vunpack.i.u.bf16.f32 v36;
	v36 =	vunpack.i.l.bf16.f32 v36;
	v42 =	vld.idx.msk [tilespmem:v42+s14+$0x0], $0xffff  }
0x3c7: {  	[tilespmem:s15+$0x19CB0] =	vst v60;
	s19 =	sshra.s32 s18, $0x2;
	s22 =	sadd.s32 $0x2EC, s26;
	v60 =	vunpack.i.l.bf16.f32 v40;
	v32 =	vadd.f32 v36, v32;
	v36 =	vld [tilespmem:s0+$0x14CC0];
	v41 =	vmul.bf16 v41, v43  }
0x3c8: {  	[tilespmem:s19+$0x19CB0] =	vst v63;
	s24 =	sadd.s32 $0x330, s26;
	s23 =	sshra.s32 s22, $0x2;
	v63 =	vunpack.i.l.bf16.f32 v33;
	v40 =	vunpack.i.u.bf16.f32 v40;
	v43 =	vld [tilespmem:s0+$0x160C0];
	v30 =	vmul.bf16 v34, v30  }
0x3c9: {  	s13 =	sadd.s32 $0x50C, s26;
	[tilespmem:s23+$0x19CB0] =	vst v61;
	s25 =	sshra.s32 s24, $0x2;
	v37 =	vadd.f32 $0.0e+00, v60;
	v34 =	vld [tilespmem:s0+$0x160D0];
	v32 =	vadd.f32 v32, v58;
	v41 =	vmul.bf16 v41, v51  }
0x3ca: {  	s2 =	sshra.s32 s13, $0x2;
	s5 =	sadd.s32 $0x3FC, s26;
	[tilespmem:s25+$0x19CB0] =	vst v62;
	v61 =	vunpack.i.u.bf16.f32 v33;
	v62 =	vld.idx.msk [tilespmem:v52+s14+$0x0], $0xffff;
	v58 =	vmul.bf16 v38, v50;
	v60 =	vmul.bf16 v30, v28  }
0x3cb: {  	[tilespmem:s2+$0x19CB0] =	vst v27;
	s6 =	sshra.s32 s5, $0x2;
	s28 =	sadd.s32 $0x374, s26;
	v56 =	vadd.f32 v37, v40;
	v38 =	vld [tilespmem:s1+$0x14CB0];
	v55 =	vadd.f32 v63, v32;
	v57 =	vunpack.i.l.bf16.f32 v41  }
0x3cc: {  	[tilespmem:s6+$0x19CB0] =	vst v16;
	s30 =	sshra.s32 s28, $0x2;
	v63 =	vmul.bf16 v58, v31;
	v41 =	vunpack.i.u.bf16.f32 v41;
	v31 =	vld.idx.msk [tilespmem:v48+s14+$0x0], $0xffff;
	v48 =	vunpack.i.l.bf16.f32 v60  }
0x3cd: {  	s7 =	sadd.s32 $0x440, s26;
	[tilespmem:s30+$0x19CB0] =	vst v18;
	v52 =	vld [tilespmem:s1+$0x160B0];
	v16 =	vunpack.i.u.bf16.f32 v60;
	v14 =	vadd.f32 v57, v56;
	v50 =	vmul.bf16 v42, v45  }
0x3ce: {  	s31 =	sadd.s32 $0x72C, s26;
	s8 =	sshra.s32 s7, $0x2;
	v58 =	vld.idx.msk [tilespmem:v59+s14+$0x0], $0xffff;
	v57 =	vor.u32 v3, v47;
	v18 =	vadd.f32 v55, v61;
	v55 =	vor.u32 v2, v35  }
0x3cf: {  	s3 =	sshra.s32 s31, $0x2;
	s15 =	sadd.s32 $0x550, s26;
	[tilespmem:s8+$0x19CB0] =	vst v25;
	v51 =	vld [tilespmem:s0+$0x14CD0];
	v53 =	vunpack.i.l.bf16.f32 v63;
	v25 =	vunpack.i.u.bf16.f32 v63;
	v61 =	vmul.bf16 v46, v36  }
0x3d0: {  	[tilespmem:s3+$0x19CB0] =	vst v12;
	s16 =	sshra.s32 s15, $0x2;
	s17 =	sadd.s32 $0x594, s26;
	v60 =	vld [tilespmem:s0+$0x14CE0];
	v14 =	vadd.f32 v14, v41;
	v56 =	vmul.bf16 v50, v49;
	v59 =	vmul.bf16 v62, v38  }
0x3d1: {  	[tilespmem:s16+$0x19CB0] =	vst v29;
	s18 =	sshra.s32 s17, $0x2;
	s9 =	sadd.s32 $0x484, s26;
	v62 =	vld [tilespmem:s1+$0x160C0];
	v38 =	vor.u32 v3, v35;
	v18 =	vadd.f32 v48, v18;
	v40 =	vmul.bf16 v61, v43  }
0x3d2: {  	[tilespmem:s18+$0x19CB0] =	vst v9;
	s10 =	sshra.s32 s9, $0x2;
	s23 =	sadd.s32 $0x660, s26;
	v36 =	vld [tilespmem:s1+$0x14CD0];
	v14 =	vadd.f32 v53, v14;
	v63 =	vunpack.i.l.bf16.f32 v56;
	v27 =	vmul.bf16 v59, v52  }
0x3d3: {  	[tilespmem:s10+$0x19CB0] =	vst v24;
	s24 =	sshra.s32 s23, $0x2;
	s25 =	sadd.s32 $0x6A4, s26;
	v42 =	vunpack.i.u.bf16.f32 v56;
	v24 =	vmul.bf16 v58, v54;
	v9 =	vadd.f32 $0.0e+00, v63;
	v41 =	vld.idx.msk [tilespmem:v55+s14+$0x0], $0xffff  }
0x3d4: {  	s19 =	sadd.s32 $0x5D8, s26;
	[tilespmem:s24+$0x19CB0] =	vst v5;
	s28 =	sshra.s32 s25, $0x2;
	v47 =	vld [tilespmem:s1+$0x160D0];
	v45 =	vmul.bf16 v31, v51;
	v16 =	vadd.f32 v18, v16;
	v44 =	vunpack.i.l.bf16.f32 v27  }
0x3d5: {  	s20 =	sshra.s32 s19, $0x2;
	s9 =	sadd.s32 $0x83C, s26;
	[tilespmem:s28+$0x19CB0] =	vst v6;
	v48 =	vld [tilespmem:s1+$0x14CE0];
	v6 =	vunpack.i.l.bf16.f32 v40;
	v5 =	vadd.f32 v9, v42;
	v46 =	vadd.f32 $0.0e+00, v44  }
0x3d6: {  	[tilespmem:s20+$0x19CB0] =	vst v11;
	s10 =	sshra.s32 s9, $0x2;
	s30 =	sadd.s32 $0x6E8, s26;
	v43 =	vld.idx.msk [tilespmem:v57+s14+$0x0], $0xffff;
	v14 =	vadd.f32 v14, v25;
	v27 =	vunpack.i.u.bf16.f32 v27;
	v24 =	vmul.bf16 v24, v62  }
0x3d7: {  	s13 =	sadd.s32 $0x8C4, s26;
	[tilespmem:s10+$0x19CB0] =	vst v8;
	s2 =	sshra.s32 s30, $0x2;
	v11 =	vunpack.i.u.bf16.f32 v40;
	v50 =	vld.idx.msk [tilespmem:v38+s14+$0x0], $0xffff;
	v5 =	vadd.f32 v6, v5;
	v49 =	vadd.f32 v46, v27  }
0x3d8: {  	s15 =	sshra.s32 s13, $0x2;
	s5 =	sadd.s32 $0x7B4, s26;
	[tilespmem:s2+$0x19CB0] =	vst v7;
	v7 =	vld [tilespmem:s0+$0x160E0];
	v6 =	vmul.bf16 v45, v34;
	v51 =	vunpack.i.l.bf16.f32 v24;
	v18 =	vmul.bf16 v41, v36  }
0x3d9: {  	s16 =	sadd.s32 $0x908, s26;
	[tilespmem:s15+$0x19CB0] =	vst v17;
	s6 =	sshra.s32 s5, $0x2;
	v0 =	vmul.bf16 v0, v26;
	v52 =	vld [tilespmem:s1+$0x160E0];
	v5 =	vadd.f32 v5, v11;
	v9 =	vadd.f32 v51, v49  }
0x3da: {  	s17 =	sshra.s32 s16, $0x2;
	[tilespmem:s6+$0x19CB0] =	vst v10;
	s7 =	sadd.s32 $0x7F8, s26;
	v55 =	vunpack.i.u.bf16.f32 v24;
	v54 =	vunpack.i.l.bf16.f32 v6;
	v53 =	vmul.bf16 v18, v47  }
0x3db: {  	s18 =	sadd.s32 $0x94C, s26;
	s8 =	sshra.s32 s7, $0x2;
	[tilespmem:s17+$0x19CB0] =	vst v19;
	v56 =	vmul.bf16 v43, v60;
	v5 =	vadd.f32 v54, v5;
	v9 =	vadd.f32 v9, v55  }
0x3dc: {  	s11 =	sadd.s32 $0x4C8, s26;
	s19 =	sshra.s32 s18, $0x2;
	[tilespmem:s8+$0x19CB0] =	vst v22;
	v6 =	vunpack.i.u.bf16.f32 v6;
	v57 =	vmul.bf16 v50, v48;
	v58 =	vunpack.i.l.bf16.f32 v53  }
0x3dd: {  	[tilespmem:s19+$0x19CB0] =	vst v13;
	s21 =	sadd.s32 $0x61C, s26;
	s12 =	sshra.s32 s11, $0x2;
	v5 =	vadd.f32 v5, v6;
	v6 =	vmul.bf16 v56, v7;
	v7 =	vadd.f32 v58, v9  }
0x3de: {  	s22 =	sshra.s32 s21, $0x2;
	s11 =	sadd.s32 $0x880, s26;
	[tilespmem:s12+$0x19CB0] =	vst v23;
	v60 =	vunpack.i.l.bf16.f32 v0;
	v59 =	vmul.bf16 v57, v52;
	v61 =	vunpack.i.u.bf16.f32 v53  }
0x3df: {  	s4 =	sadd.s32 $0x770, s26;
	[tilespmem:s22+$0x19CB0] =	vst v20;
	s12 =	sshra.s32 s11, $0x2;
	v9 =	vadd.f32 v60, v14;
	v62 =	vunpack.i.l.bf16.f32 v6;
	v7 =	vadd.f32 v7, v61  }
0x3e0: {  	p1 =	slt.u32 s29, $0x28;
	s20 =	sadd.s32 $0x990, s26;
	[tilespmem:s12+$0x19CB0] =	vst v21;
	s0 =	sshra.s32 s4, $0x2;
	v0 =	vunpack.i.u.bf16.f32 v0;
	v63 =	vunpack.i.l.bf16.f32 v59;
	v5 =	vadd.f32 v62, v5  }
.Ltmp5:
0x3e1: {  	s21 =	sshra.s32 s20, $0x2;
	s22 =	sadd.s32 $0x9D4, s26;
	[tilespmem:s0+$0x19CB0] =	vst v15;
	v6 =	vunpack.i.u.bf16.f32 v6;
	v0 =	vadd.f32 v9, v0;
	v7 =	vadd.f32 v63, v7;
	(pc) =	sbr.rel @p1 .LBB2_4-.Ltmp5, $4  }
0x3e2: {  	s24 =	sadd.s32 $0xA18, s26;
	s23 =	sshra.s32 s22, $0x2;
	[tilespmem:s21+$0x19CB0] =	vst v16;
	v5 =	vadd.f32 v5, v6;
	v6 =	vunpack.i.u.bf16.f32 v59  }
0x3e3: {  	s25 =	sshra.s32 s24, $0x2;
	s28 =	sadd.s32 $0xA5C, s26;
	[tilespmem:s23+$0x19CB0] =	vst v0;
	v0 =	vadd.f32 v7, v6  }
0x3e4: {  	s31 =	sadd.s32 $0x28, s29;
	s30 =	sshra.s32 s28, $0x2;
	[tilespmem:s25+$0x19CB0] =	vst v5  }
0x3e5: {  	s29 =	smov.u32 s31;
	[tilespmem:s30+$0x19CB0] =	vst v0  }
.Ltmp6:
0x3e6: {  	_ = 	snop;
	(pc) =	sbr.rel .LBB2_7-.Ltmp6, $1  }
0x3e7: {  	_ =	sdelay $0x3  }
.LBB2_5:
0x3e8: {  	s1 =	rddreg [dreg:$0x2];
	s2 =	simm.s32 $0x50;
	s3 =	simm.s32 $0x14CB0  }
0x3e9: {  	[tilespmem:s3], [sflag:$0x1] =	stream.indirect.gather [spmem:s1], $0x40, s0, s2, $0xb8;
	[tilespmem:$0x1C910] =	vst v63  }
0x3ea: {  	s26 =	sadd.s32 $0x2710, s0;
	s28 =	simm.s32 $0x160B0;
	s30 =	simm.s32 $0x2  }
0x3eb: {  	[tilespmem:s28], [sflag:$0x1] =	stream.indirect.gather [spmem:s1], $0x40, s26, s2, $0xb8;
	[tilespmem:$0x1C910] =	vst v63  }
0x3ec: {  	_ =	swait.ge [sflag:s30], $0x1400  }
0x3ed: {  	s31 =	sadd.s32 $0x4E20, s4;
	[sflag:s30] =	ssyncset.done $0x0  }
0x3ee: {  	v49 =	vmov s31;
	[sflag:s30] =	ssyncadd.s32 $0xFFFFEC00  }
0x3ef: {  	_ =	swait.ge [sflag:s30], $0x1400  }
0x3f0: {  	[sflag:s30] =	ssyncset.done $0x0  }
0x3f1: {  	s29 =	simm.s32 $0x0;
	[sflag:s30] =	ssyncadd.s32 $0xFFFFEC00  }
.LBB2_6:
0x3f2: {  	s0 =	sand.u32 $0x70, s29  }
0x3f3: {  	s1 =	sshll.u32 s29, $0x6;
	v5 =	vld.idx.msk [tilespmem:v49+s0+$0x0 ss:$0x1], $0xffff  }
0x3f4: {  	v7 =	vld [tilespmem:s1+$0x174B0]  }
0x3f5: {  	v9 =	vld [tilespmem:s1+$0x188B0]  }
0x3f6: {  	v10 =	vld [tilespmem:s1+$0x174C0]  }
0x3f7: {  	v12 =	vld [tilespmem:s1+$0x188C0]  }
0x3f8: {  	v14 =	vld [tilespmem:s1+$0x174D0]  }
0x3f9: {  	s5 =	sand.u32 $0x8, s29;
	v15 =	vld [tilespmem:s1+$0x188D0]  }
0x3fa: {  	s6 =	sor.u32 $0x1, s29;
	v0 =	vmov s5;
	v16 =	vld [tilespmem:s1+$0x174E0]  }
0x3fb: {  	v18 =	vld [tilespmem:s1+$0x188E0];
	s7 =	sshll.u32 s6, $0x6;
	[tilespmem:$0x1EE60] =	vst v0;
	v0 =	vperm.xlane v5, v0  }
0x3fc: {  	v19 =	vld [tilespmem:s7+$0x174B0]  }
0x3fd: {  	s2 =	sand.u32 $0x9, s6;
	v21 =	vld [tilespmem:s7+$0x188B0];
	v0 =	vshll.u32 v0, $0x6  }
0x3fe: {  	s8 =	sor.u32 $0x2, s29;
	v13 =	vmov s2;
	v22 =	vld [tilespmem:s7+$0x174C0];
	v6 =	vor.u32 v39, v0  }
0x3ff: {  	s3 =	sand.u32 $0xA, s8;
	v54 =	vld [tilespmem:s7+$0x188C0];
	v13 =	vperm.xlane v5, v13;
	v8 =	vor.u32 v1, v0  }
0x400: {  	v24 =	vmov s3;
	v55 =	vld [tilespmem:s7+$0x174D0];
	v11 =	vor.u32 v2, v0  }
0x401: {  	s10 =	sshll.u32 s8, $0x6;
	v57 =	vld [tilespmem:s7+$0x174E0];
	v24 =	vperm.xlane v5, v24;
	v13 =	vshll.u32 v13, $0x6;
	v0 =	vor.u32 v3, v0  }
0x402: {  	v41 =	vld [tilespmem:s10+$0x174D0];
	v17 =	vor.u32 v39, v13  }
0x403: {  	v24 =	vshll.u32 v24, $0x6;
	v20 =	vor.u32 v1, v13;
	v6 =	vld.idx.msk [tilespmem:v6+s14+$0x0], $0xffff  }
0x404: {  	v38 =	vor.u32 v2, v24;
	v8 =	vld.idx.msk [tilespmem:v8+s14+$0x0], $0xffff  }
0x405: {  	v11 =	vld.idx.msk [tilespmem:v11+s14+$0x0], $0xffff  }
0x406: {  	s9 =	sor.u32 $0x3, s29;
	v23 =	vor.u32 v2, v13;
	v0 =	vld.idx.msk [tilespmem:v0+s14+$0x0], $0xffff  }
0x407: {  	s4 =	sand.u32 $0xB, s9;
	v26 =	vor.u32 v39, v24;
	v17 =	vld.idx.msk [tilespmem:v17+s14+$0x0], $0xffff  }
0x408: {  	v29 =	vmov s4;
	v13 =	vor.u32 v3, v13;
	v20 =	vld.idx.msk [tilespmem:v20+s14+$0x0], $0xffff  }
0x409: {  	v61 =	vperm.xlane v5, v29;
	v48 =	vld.idx.msk [tilespmem:v38+s14+$0x0], $0xffff  }
0x40a: {  	v59 =	vld [tilespmem:s10+$0x174B0];
	v28 =	vor.u32 v1, v24;
	v6 =	vmul.bf16 v6, v7  }
0x40b: {  	v32 =	vshll.u32 v61, $0x6;
	v23 =	vld.idx.msk [tilespmem:v23+s14+$0x0], $0xffff;
	v8 =	vmul.bf16 v8, v10;
	v11 =	vmul.bf16 v11, v14  }
0x40c: {  	v35 =	vor.u32 v39, v32;
	v62 =	vld.idx.msk [tilespmem:v26+s14+$0x0], $0xffff;
	v17 =	vmul.bf16 v17, v19;
	v0 =	vmul.bf16 v0, v16  }
0x40d: {  	v44 =	vor.u32 v1, v32;
	v13 =	vld.idx.msk [tilespmem:v13+s14+$0x0], $0xffff;
	v20 =	vmul.bf16 v20, v22;
	v6 =	vmul.bf16 v6, v9  }
0x40e: {  	v60 =	vld [tilespmem:s10+$0x188B0];
	v53 =	vor.u32 v2, v32;
	v10 =	vmul.bf16 v48, v41;
	v8 =	vmul.bf16 v8, v12  }
0x40f: {  	v37 =	vld.idx.msk [tilespmem:v28+s14+$0x0], $0xffff;
	v11 =	vmul.bf16 v11, v15;
	v63 =	vmul.bf16 v17, v21;
	v25 =	vunpack.i.l.bf16.f32 v6  }
0x410: {  	v17 =	vld [tilespmem:s10+$0x174C0];
	v0 =	vmul.bf16 v0, v18;
	v7 =	vmul.bf16 v20, v54;
	v25 =	vadd.f32 $0.0e+00, v25  }
0x411: {  	v9 =	vmul.bf16 v23, v55;
	v54 =	vmul.bf16 v62, v59;
	v6 =	vunpack.i.u.bf16.f32 v6  }
0x412: {  	v34 =	vld [tilespmem:s10+$0x188C0];
	v12 =	vmul.bf16 v13, v57;
	v55 =	vor.u32 v3, v24;
	v6 =	vadd.f32 v25, v6  }
0x413: {  	v62 =	vor.u32 v3, v32;
	v58 =	vunpack.i.l.bf16.f32 v8;
	v13 =	vmul.bf16 v54, v60  }
0x414: {  	v56 =	vld [tilespmem:s7+$0x188D0];
	v8 =	vunpack.i.u.bf16.f32 v8;
	v36 =	vunpack.i.l.bf16.f32 v63;
	v6 =	vadd.f32 v58, v6  }
0x415: {  	v40 =	vadd.f32 $0.0e+00, v36;
	v24 =	vunpack.i.l.bf16.f32 v13;
	v17 =	vmul.bf16 v37, v17  }
0x416: {  	v42 =	vld [tilespmem:s10+$0x188D0];
	v21 =	vadd.f32 $0.0e+00, v24;
	v6 =	vadd.f32 v6, v8;
	v8 =	vunpack.i.u.bf16.f32 v63  }
0x417: {  	v13 =	vunpack.i.u.bf16.f32 v13;
	v14 =	vld.idx.msk [tilespmem:v55+s14+$0x0], $0xffff;
	v16 =	vmul.bf16 v17, v34;
	v8 =	vadd.f32 v40, v8  }
0x418: {  	v33 =	vunpack.i.l.bf16.f32 v11;
	v45 =	vunpack.i.l.bf16.f32 v7;
	v58 =	vld [tilespmem:s10+$0x174E0];
	v13 =	vadd.f32 v21, v13  }
0x419: {  	v9 =	vmul.bf16 v9, v56;
	v32 =	vunpack.i.l.bf16.f32 v16;
	v8 =	vadd.f32 v45, v8  }
0x41a: {  	v7 =	vunpack.i.u.bf16.f32 v7;
	v13 =	vadd.f32 v32, v13;
	v6 =	vadd.f32 v33, v6;
	v33 =	vld [tilespmem:s10+$0x188E0]  }
0x41b: {  	v10 =	vmul.bf16 v10, v42;
	v16 =	vunpack.i.u.bf16.f32 v16;
	v7 =	vadd.f32 v8, v7  }
0x41c: {  	v11 =	vunpack.i.u.bf16.f32 v11;
	v51 =	vunpack.i.l.bf16.f32 v9;
	v13 =	vadd.f32 v13, v16  }
0x41d: {  	v36 =	vunpack.i.l.bf16.f32 v10;
	v57 =	vadd.f32 v51, v7;
	v7 =	vmul.bf16 v14, v58  }
0x41e: {  	v6 =	vadd.f32 v6, v11;
	v13 =	vadd.f32 v36, v13  }
0x41f: {  	v47 =	vunpack.i.l.bf16.f32 v0;
	v10 =	vunpack.i.u.bf16.f32 v10;
	v7 =	vmul.bf16 v7, v33  }
0x420: {  	v6 =	vadd.f32 v47, v6;
	v10 =	vadd.f32 v13, v10  }
0x421: {  	s26 =	smul.u32 $0x44, s29;
	v0 =	vunpack.i.u.bf16.f32 v0;
	v38 =	vunpack.i.l.bf16.f32 v7  }
0x422: {  	v0 =	vadd.f32 v6, v0;
	v10 =	vadd.f32 v38, v10  }
0x423: {  	s1 =	smul.u32 $0x44, s8;
	s12 =	sshra.s32 s26, $0x2;
	v7 =	vunpack.i.u.bf16.f32 v7  }
0x424: {  	[tilespmem:s12+$0x19CB0] =	vst v0;
	v0 =	vadd.f32 v10, v7  }
0x425: {  	s13 =	sshra.s32 s1, $0x2  }
0x426: {  	[tilespmem:s13+$0x19CB0] =	vst v0;
	s13 =	sor.u32 $0x5, s29  }
0x427: {  	s17 =	sshll.u32 s13, $0x6  }
0x428: {  	v0 =	vld [tilespmem:s17+$0x188C0];
	_ =	sdelay $0x4  }
0x429: {  	[tilespmem:$0x1EE10] =	vst v0;
	v0 =	vld [tilespmem:s17+$0x174D0];
	_ =	sdelay $0x4  }
0x42a: {  	[tilespmem:$0x1EE20] =	vst v0;
	v0 =	vld [tilespmem:s17+$0x188D0];
	_ =	sdelay $0x4  }
0x42b: {  	[tilespmem:$0x1EE30] =	vst v0;
	v0 =	vld [tilespmem:s17+$0x174E0];
	_ =	sdelay $0x4  }
0x42c: {  	[tilespmem:$0x1EE40] =	vst v0;
	v0 =	vld [tilespmem:s17+$0x188E0];
	_ =	sdelay $0x2  }
0x42d: {  	s30 =	sor.u32 $0x6, s29  }
0x42e: {  	s18 =	sshll.u32 s30, $0x6  }
0x42f: {  	[tilespmem:$0x1EE80] =	vst v0;
	v0 =	vld [tilespmem:s18+$0x174B0];
	_ =	sdelay $0x4  }
0x430: {  	[tilespmem:$0x1EE50] =	vst v0;
	v0 =	vld [tilespmem:s18+$0x188B0];
	_ =	sdelay $0x4  }
0x431: {  	[tilespmem:$0x1EE70] =	vst v0;
	v0 =	vld [tilespmem:s18+$0x174C0];
	_ =	sdelay $0x4  }
0x432: {  	[tilespmem:$0x1EE90] =	vst v0;
	v0 =	vld [tilespmem:s18+$0x188C0];
	_ =	sdelay $0x4  }
0x433: {  	[tilespmem:$0x1EEA0] =	vst v0;
	v0 =	vld [tilespmem:s18+$0x174D0];
	_ =	sdelay $0x4  }
0x434: {  	[tilespmem:$0x1EEB0] =	vst v0;
	v0 =	vld [tilespmem:s18+$0x188D0];
	_ =	sdelay $0x4  }
0x435: {  	[tilespmem:$0x1EEC0] =	vst v0;
	v0 =	vld [tilespmem:s18+$0x174E0];
	_ =	sdelay $0x4  }
0x436: {  	[tilespmem:$0x1EEE0] =	vst v0;
	v0 =	vld [tilespmem:s18+$0x188E0];
	_ =	sdelay $0x2  }
0x437: {  	s31 =	sor.u32 $0x7, s29  }
0x438: {  	s19 =	sshll.u32 s31, $0x6  }
0x439: {  	[tilespmem:$0x1EF10] =	vst v0;
	v0 =	vld [tilespmem:s19+$0x174B0];
	_ =	sdelay $0x4  }
0x43a: {  	[tilespmem:$0x1EED0] =	vst v0;
	v0 =	vld [tilespmem:s19+$0x188B0];
	_ =	sdelay $0x4  }
0x43b: {  	[tilespmem:$0x1EF00] =	vst v0;
	v0 =	vld [tilespmem:s19+$0x174C0];
	_ =	sdelay $0x4  }
0x43c: {  	[tilespmem:$0x1EEF0] =	vst v0;
	v0 =	vld [tilespmem:s19+$0x188C0];
	_ =	sdelay $0x4  }
0x43d: {  	[tilespmem:$0x1EF20] =	vst v0;
	v0 =	vld [tilespmem:s19+$0x174D0];
	_ =	sdelay $0x4  }
0x43e: {  	[tilespmem:$0x1EF50] =	vst v0;
	v0 =	vld [tilespmem:s19+$0x188D0];
	_ =	sdelay $0x4  }
0x43f: {  	[tilespmem:$0x1EF60] =	vst v0;
	v0 =	vld [tilespmem:s19+$0x174E0];
	_ =	sdelay $0x4  }
0x440: {  	[tilespmem:$0x1EF80] =	vst v0;
	v0 =	vld [tilespmem:s19+$0x188E0];
	_ =	sdelay $0x2  }
0x441: {  	s3 =	sadd.s32 $0x8, s29  }
0x442: {  	s21 =	sshll.u32 s3, $0x6  }
0x443: {  	[tilespmem:$0x1EF90] =	vst v0;
	v0 =	vld [tilespmem:s21+$0x174B0];
	_ =	sdelay $0x4  }
0x444: {  	[tilespmem:$0x1EFB0] =	vst v0;
	v0 =	vld [tilespmem:s21+$0x188B0];
	_ =	sdelay $0x4  }
0x445: {  	[tilespmem:$0x1EFC0] =	vst v0;
	v0 =	vld [tilespmem:s21+$0x174C0];
	_ =	sdelay $0x4  }
0x446: {  	[tilespmem:$0x1EFE0] =	vst v0;
	v0 =	vld [tilespmem:s21+$0x188C0];
	_ =	sdelay $0x4  }
0x447: {  	[tilespmem:$0x1EFF0] =	vst v0;
	v0 =	vld [tilespmem:s21+$0x174D0];
	_ =	sdelay $0x4  }
0x448: {  	[tilespmem:$0x1F010] =	vst v0;
	v0 =	vld [tilespmem:s21+$0x188D0]  }
0x449: {  	v27 =	vld [tilespmem:s7+$0x188E0];
	_ =	sdelay $0x3  }
0x44a: {  	[tilespmem:$0x1F020] =	vst v0;
	v0 =	vld [tilespmem:s21+$0x174E0]  }
0x44b: {  	v12 =	vmul.bf16 v12, v27;
	v9 =	vunpack.i.u.bf16.f32 v9  }
0x44c: {  	v6 =	vadd.f32 v57, v9  }
0x44d: {  	v63 =	vunpack.i.l.bf16.f32 v12  }
0x44e: {  	v6 =	vadd.f32 v63, v6  }
0x44f: {  	s0 =	smul.u32 $0x44, s6;
	v40 =	vunpack.i.u.bf16.f32 v12;
	[tilespmem:$0x1F040] =	vst v0;
	v0 =	vld [tilespmem:s21+$0x188E0]  }
0x450: {  	v6 =	vadd.f32 v6, v40  }
0x451: {  	s0 =	sshra.s32 s0, $0x2  }
0x452: {  	[tilespmem:s0+$0x19CB0] =	vst v6;
	s0 =	sadd.s32 $0x9, s29  }
0x453: {  	s23 =	sshll.u32 s0, $0x6  }
0x454: {  	[tilespmem:$0x1F050] =	vst v0;
	v0 =	vld [tilespmem:s23+$0x174B0];
	_ =	sdelay $0x4  }
0x455: {  	[tilespmem:$0x1F070] =	vst v0;
	v0 =	vld [tilespmem:s23+$0x188B0];
	_ =	sdelay $0x4  }
0x456: {  	[tilespmem:$0x1F080] =	vst v0;
	v0 =	vld [tilespmem:s23+$0x174C0];
	_ =	sdelay $0x4  }
0x457: {  	[tilespmem:$0x1F0A0] =	vst v0;
	v0 =	vld [tilespmem:s23+$0x188C0];
	_ =	sdelay $0x4  }
0x458: {  	[tilespmem:$0x1F0C0] =	vst v0;
	v0 =	vld [tilespmem:s23+$0x174D0];
	_ =	sdelay $0x4  }
0x459: {  	[tilespmem:$0x1F0D0] =	vst v0;
	v0 =	vld [tilespmem:s23+$0x188D0];
	_ =	sdelay $0x4  }
0x45a: {  	[tilespmem:$0x1F0F0] =	vst v0;
	v0 =	vld [tilespmem:s23+$0x174E0];
	_ =	sdelay $0x4  }
0x45b: {  	[tilespmem:$0x1F120] =	vst v0;
	v0 =	vld [tilespmem:s23+$0x188E0];
	_ =	sdelay $0x2  }
0x45c: {  	s21 =	sadd.s32 $0xA, s29  }
0x45d: {  	s25 =	sshll.u32 s21, $0x6  }
0x45e: {  	[tilespmem:$0x1F140] =	vst v0;
	v0 =	vld [tilespmem:s25+$0x174B0];
	_ =	sdelay $0x4  }
0x45f: {  	[tilespmem:$0x1F100] =	vst v0;
	v0 =	vld [tilespmem:s25+$0x188B0];
	_ =	sdelay $0x4  }
0x460: {  	[tilespmem:$0x1F130] =	vst v0;
	v0 =	vld [tilespmem:s25+$0x174C0];
	_ =	sdelay $0x4  }
0x461: {  	[tilespmem:$0x1F170] =	vst v0;
	v0 =	vld [tilespmem:s25+$0x188C0];
	_ =	sdelay $0x4  }
0x462: {  	[tilespmem:$0x1F180] =	vst v0;
	v0 =	vld [tilespmem:s25+$0x174D0];
	_ =	sdelay $0x4  }
0x463: {  	[tilespmem:$0x1F1A0] =	vst v0;
	v0 =	vld [tilespmem:s25+$0x188D0];
	_ =	sdelay $0x4  }
0x464: {  	[tilespmem:$0x1F1C0] =	vst v0;
	v0 =	vld [tilespmem:s25+$0x174E0];
	_ =	sdelay $0x4  }
0x465: {  	[tilespmem:$0x1F1E0] =	vst v0;
	v0 =	vld [tilespmem:s25+$0x188E0];
	_ =	sdelay $0x1  }
0x466: {  	s2 =	smul.u32 $0x44, s9;
	s24 =	sand.u32 $0xF0, s21  }
0x467: {  	v16 =	vld.idx.msk [tilespmem:v49+s24+$0x0 ss:$0x1], $0xffff;
	s24 =	sadd.s32 $0xB, s29  }
0x468: {  	s15 =	sshra.s32 s2, $0x2;
	s2 =	sshll.u32 s24, $0x6  }
0x469: {  	[tilespmem:$0x1F210] =	vst v0;
	v0 =	vld [tilespmem:s2+$0x174B0];
	_ =	sdelay $0x4  }
0x46a: {  	[tilespmem:$0x1F190] =	vst v0;
	v0 =	vld [tilespmem:s2+$0x188B0];
	_ =	sdelay $0x4  }
0x46b: {  	[tilespmem:$0x1F1B0] =	vst v0;
	v0 =	vld [tilespmem:s2+$0x174C0];
	_ =	sdelay $0x4  }
0x46c: {  	[tilespmem:$0x1F1D0] =	vst v0;
	v0 =	vld [tilespmem:s2+$0x188C0];
	_ =	sdelay $0x4  }
0x46d: {  	[tilespmem:$0x1F200] =	vst v0;
	v0 =	vld [tilespmem:s2+$0x174D0];
	_ =	sdelay $0x4  }
0x46e: {  	[tilespmem:$0x1F220] =	vst v0;
	v0 =	vld [tilespmem:s2+$0x188D0];
	_ =	sdelay $0x4  }
0x46f: {  	[tilespmem:$0x1F240] =	vst v0;
	v0 =	vld [tilespmem:s2+$0x174E0];
	_ =	sdelay $0x4  }
0x470: {  	[tilespmem:$0x1F260] =	vst v0;
	v0 =	vld [tilespmem:s2+$0x188E0];
	_ =	sdelay $0x2  }
0x471: {  	s23 =	sadd.s32 $0xC, s29  }
0x472: {  	s5 =	sshll.u32 s23, $0x6  }
0x473: {  	[tilespmem:$0x1F290] =	vst v0;
	v0 =	vld [tilespmem:s5+$0x174B0];
	_ =	sdelay $0x4  }
0x474: {  	[tilespmem:$0x1F230] =	vst v0;
	v0 =	vld [tilespmem:s5+$0x188B0];
	_ =	sdelay $0x4  }
0x475: {  	[tilespmem:$0x1F250] =	vst v0;
	v0 =	vld [tilespmem:s5+$0x174C0];
	_ =	sdelay $0x4  }
0x476: {  	[tilespmem:$0x1F280] =	vst v0;
	v0 =	vld [tilespmem:s5+$0x188C0];
	_ =	sdelay $0x4  }
0x477: {  	[tilespmem:$0x1F2A0] =	vst v0;
	v0 =	vld [tilespmem:s5+$0x174D0];
	_ =	sdelay $0x4  }
0x478: {  	[tilespmem:$0x1F2C0] =	vst v0;
	v0 =	vld [tilespmem:s5+$0x188D0];
	_ =	sdelay $0x4  }
0x479: {  	[tilespmem:$0x1F2E0] =	vst v0;
	v0 =	vld [tilespmem:s5+$0x174E0];
	_ =	sdelay $0x4  }
0x47a: {  	[tilespmem:$0x1F300] =	vst v0;
	v0 =	vld [tilespmem:s5+$0x188E0];
	_ =	sdelay $0x2  }
0x47b: {  	s19 =	sadd.s32 $0xD, s29  }
0x47c: {  	s8 =	sshll.u32 s19, $0x6  }
0x47d: {  	[tilespmem:$0x1F330] =	vst v0;
	v0 =	vld [tilespmem:s8+$0x174B0];
	_ =	sdelay $0x4  }
0x47e: {  	[tilespmem:$0x1F2B0] =	vst v0;
	v0 =	vld [tilespmem:s8+$0x188B0];
	_ =	sdelay $0x4  }
0x47f: {  	[tilespmem:$0x1F2D0] =	vst v0;
	v0 =	vld [tilespmem:s8+$0x174C0];
	_ =	sdelay $0x2  }
0x480: {  	s11 =	sshll.u32 s9, $0x6  }
0x481: {  	v43 =	vld [tilespmem:s11+$0x174B0]  }
0x482: {  	[tilespmem:$0x1F2F0] =	vst v0;
	v0 =	vld [tilespmem:s8+$0x188C0]  }
0x483: {  	v50 =	vld [tilespmem:s11+$0x188B0]  }
0x484: {  	v52 =	vld [tilespmem:s11+$0x174C0]  }
0x485: {  	v46 =	vld.idx.msk [tilespmem:v35+s14+$0x0], $0xffff  }
0x486: {  	v30 =	vld [tilespmem:s11+$0x188D0]  }
0x487: {  	[tilespmem:$0x1F320] =	vst v0;
	v0 =	vld [tilespmem:s8+$0x174D0]  }
0x488: {  	v31 =	vld [tilespmem:s11+$0x174E0]  }
0x489: {  	v56 =	vld.idx.msk [tilespmem:v44+s14+$0x0], $0xffff  }
0x48a: {  	v61 =	vld [tilespmem:s11+$0x174D0];
	v59 =	vmul.bf16 v46, v43  }
0x48b: {  	v60 =	vld [tilespmem:s11+$0x188C0]  }
0x48c: {  	v8 =	vmul.bf16 v59, v50;
	[tilespmem:$0x1F340] =	vst v0;
	v0 =	vld [tilespmem:s8+$0x188D0]  }
0x48d: {  	s6 =	sor.u32 $0x4, s29;
	v25 =	vld.idx.msk [tilespmem:v53+s14+$0x0], $0xffff  }
0x48e: {  	s16 =	sshll.u32 s6, $0x6;
	v35 =	vld [tilespmem:s11+$0x188E0];
	v15 =	vmul.bf16 v56, v52;
	v27 =	vunpack.i.l.bf16.f32 v8  }
0x48f: {  	v26 =	vld [tilespmem:s16+$0x188D0];
	v28 =	vadd.f32 $0.0e+00, v27  }
0x490: {  	v15 =	vmul.bf16 v15, v60;
	v11 =	vld.idx.msk [tilespmem:v62+s14+$0x0], $0xffff;
	v8 =	vunpack.i.u.bf16.f32 v8  }
0x491: {  	v8 =	vadd.f32 v28, v8;
	[tilespmem:$0x1F350] =	vst v0;
	v0 =	vld [tilespmem:s8+$0x174E0]  }
0x492: {  	s20 =	sand.u32 $0xF0, s3;
	v22 =	vld [tilespmem:s16+$0x174C0];
	v34 =	vunpack.i.l.bf16.f32 v15;
	v9 =	vmul.bf16 v25, v61  }
0x493: {  	v48 =	vld.idx.msk [tilespmem:v49+s20+$0x0 ss:$0x1], $0xffff;
	v8 =	vadd.f32 v34, v8  }
0x494: {  	v23 =	vld [tilespmem:s16+$0x188C0];
	v15 =	vunpack.i.u.bf16.f32 v15;
	v9 =	vmul.bf16 v9, v30  }
0x495: {  	v32 =	vld [tilespmem:s16+$0x174E0];
	v8 =	vadd.f32 v8, v15  }
0x496: {  	v11 =	vmul.bf16 v11, v31;
	v37 =	vunpack.i.l.bf16.f32 v9;
	[tilespmem:$0x1F360] =	vst v0;
	v0 =	vld [tilespmem:s8+$0x188E0]  }
0x497: {  	s1 =	sadd.s32 $0xF, s29;
	v62 =	vld [tilespmem:s16+$0x188B0];
	v8 =	vadd.f32 v37, v8  }
0x498: {  	s10 =	sand.u32 $0xF0, s1;
	v31 =	vld [tilespmem:s16+$0x174B0];
	v11 =	vmul.bf16 v11, v35;
	v9 =	vunpack.i.u.bf16.f32 v9  }
0x499: {  	v37 =	vld.idx.msk [tilespmem:v49+s10+$0x0 ss:$0x1], $0xffff;
	v8 =	vadd.f32 v8, v9;
	s28 =	sand.u32 $0xF0, s24;
	s2 =	sadd.s32 $0x15, s29  }
0x49a: {  	v41 =	vunpack.i.l.bf16.f32 v11;
	v18 =	vld.idx.msk [tilespmem:v49+s28+$0x0 ss:$0x1], $0xffff;
	s28 =	sand.u32 $0xF0, s2  }
0x49b: {  	v8 =	vadd.f32 v41, v8;
	[tilespmem:$0x1F380] =	vst v0;
	v0 =	vld.idx.msk [tilespmem:v49+s28+$0x0 ss:$0x1], $0xffff  }
0x49c: {  	v42 =	vunpack.i.u.bf16.f32 v11;
	v29 =	vld [tilespmem:s17+$0x174B0]  }
0x49d: {  	v34 =	vld [tilespmem:s17+$0x188B0];
	v43 =	vadd.f32 v8, v42  }
0x49e: {  	s10 =	sadd.s32 $0x16, s29;
	v36 =	vld [tilespmem:s17+$0x174C0];
	s7 =	sand.u32 $0xF0, s19  }
0x49f: {  	[tilespmem:s15+$0x19CB0] =	vst v43;
	s15 =	sadd.s32 $0x10, s29;
	v46 =	vld.idx.msk [tilespmem:v49+s7+$0x0 ss:$0x1], $0xffff;
	s7 =	sand.u32 $0xF0, s10  }
0x4a0: {  	s11 =	sand.u32 $0xF0, s15;
	[tilespmem:$0x1EF30] =	vst v0;
	v0 =	vld.idx.msk [tilespmem:v49+s7+$0x0 ss:$0x1], $0xffff;
	s7 =	sadd.s32 $0x19, s29  }
0x4a1: {  	v35 =	vld.idx.msk [tilespmem:v49+s11+$0x0 ss:$0x1], $0xffff;
	s17 =	sadd.s32 $0x11, s29;
	s28 =	sand.u32 $0xF0, s7  }
0x4a2: {  	s12 =	sand.u32 $0xF0, s17;
	s18 =	sadd.s32 $0xE, s29;
	v4 =	vld.idx.msk [tilespmem:v49+s28+$0x0 ss:$0x1], $0xffff  }
0x4a3: {  	s11 =	sadd.s32 $0x13, s29;
	v43 =	vld.idx.msk [tilespmem:v49+s12+$0x0 ss:$0x1], $0xffff;
	s9 =	sand.u32 $0xF0, s18  }
0x4a4: {  	[dreg:$0xf] =	wrdreg s6;
	v41 =	vld.idx.msk [tilespmem:v49+s9+$0x0 ss:$0x1], $0xffff;
	s9 =	sadd.s32 $0x17, s29;
	s25 =	sand.u32 $0xF0, s11  }
0x4a5: {  	s12 =	sand.u32 $0xF0, s9;
	v38 =	vld.idx.msk [tilespmem:v49+s25+$0x0 ss:$0x1], $0xffff;
	s25 =	sand.u32 $0xC, s6;
	s6 =	sadd.s32 $0x1A, s29  }
0x4a6: {  	[tilespmem:$0x1EF40] =	vst v0;
	v0 =	vld.idx.msk [tilespmem:v49+s12+$0x0 ss:$0x1], $0xffff;
	s12 =	sand.u32 $0xF0, s6  }
0x4a7: {  	s22 =	sand.u32 $0xF0, s0;
	[tilespmem:$0x1EFD0] =	vst v4;
	v4 =	vld.idx.msk [tilespmem:v49+s12+$0x0 ss:$0x1], $0xffff  }
0x4a8: {  	v14 =	vld.idx.msk [tilespmem:v49+s22+$0x0 ss:$0x1], $0xffff;
	s22 =	sadd.s32 $0x14, s29  }
0x4a9: {  	v25 =	vld [tilespmem:s16+$0x174D0];
	s5 =	sand.u32 $0xF0, s22  }
0x4aa: {  	v33 =	vld.idx.msk [tilespmem:v49+s5+$0x0 ss:$0x1], $0xffff;
	s5 =	sadd.s32 $0x1B, s29  }
0x4ab: {  	v40 =	vld [tilespmem:s16+$0x188E0];
	s16 =	sadd.s32 $0x12, s29;
	s12 =	sand.u32 $0xF0, s5  }
0x4ac: {  	s20 =	sand.u32 $0xF0, s16;
	[tilespmem:$0x1F000] =	vst v4;
	v4 =	vld.idx.msk [tilespmem:v49+s12+$0x0 ss:$0x1], $0xffff  }
0x4ad: {  	v63 =	vld.idx.msk [tilespmem:v49+s20+$0x0 ss:$0x1], $0xffff;
	s4 =	sand.u32 $0xF0, s23;
	s8 =	sadd.s32 $0x18, s29  }
0x4ae: {  	v45 =	vld.idx.msk [tilespmem:v49+s4+$0x0 ss:$0x1], $0xffff;
	s20 =	sand.u32 $0xF0, s8  }
0x4af: {  	s4 =	sadd.s32 $0x1C, s29;
	[tilespmem:$0x1EF70] =	vst v0;
	v0 =	vld.idx.msk [tilespmem:v49+s20+$0x0 ss:$0x1], $0xffff  }
0x4b0: {  	s20 =	sand.u32 $0xF0, s4  }
0x4b1: {  	[tilespmem:$0x1F030] =	vst v4;
	v4 =	vld.idx.msk [tilespmem:v49+s20+$0x0 ss:$0x1], $0xffff;
	_ =	sdelay $0x1  }
0x4b2: {  	[dreg:$0x11] =	wrdreg s13  }
0x4b3: {  	s13 =	sand.u32 $0xD, s13;
	[tilespmem:$0x1EFA0] =	vst v0;
	v0 =	vmov s25;
	s25 =	sand.u32 $0x8, s3;
	s3 =	sadd.s32 $0x1D, s29  }
0x4b4: {  	v44 =	vmov s13;
	s20 =	sand.u32 $0xF0, s3  }
0x4b5: {  	v6 =	vperm.xlane v5, v44;
	[tilespmem:$0x1F060] =	vst v4;
	v4 =	vld.idx.msk [tilespmem:v49+s20+$0x0 ss:$0x1], $0xffff  }
0x4b6: {  	s13 =	sand.u32 $0xE, s30;
	v0 =	vperm.xlane v5, v0  }
0x4b7: {  	v9 =	vmov s13;
	v51 =	vshll.u32 v6, $0x6  }
0x4b8: {  	v53 =	vperm.xlane v5, v9;
	v9 =	vor.u32 v1, v51;
	s12 =	sadd.s32 $0x1E, s29;
	v0 =	vshll.u32 v0, $0x6  }
0x4b9: {  	s28 =	sand.u32 $0xF0, s12;
	v47 =	vor.u32 v39, v0  }
0x4ba: {  	[tilespmem:$0x1F090] =	vst v4;
	v4 =	vld.idx.msk [tilespmem:v49+s28+$0x0 ss:$0x1], $0xffff  }
0x4bb: {  	v24 =	vor.u32 v1, v0  }
0x4bc: {  	v42 =	vor.u32 v2, v0  }
0x4bd: {  	v60 =	vlaneseq.u32;
	v61 =	vor.u32 v2, v51;
	v54 =	vshll.u32 v53, $0x6;
	v6 =	vld.idx.msk [tilespmem:v9+s14+$0x0], $0xffff;
	s20 =	sadd.s32 $0x1F, s29  }
0x4be: {  	v57 =	vor.u32 v60, v54;
	v47 =	vld.idx.msk [tilespmem:v47+s14+$0x0], $0xffff;
	s28 =	sand.u32 $0xF0, s20  }
0x4bf: {  	[tilespmem:$0x1F0B0] =	vst v4;
	v4 =	vld.idx.msk [tilespmem:v49+s28+$0x0 ss:$0x1], $0xffff  }
0x4c0: {  	v52 =	vor.u32 v60, v51;
	v56 =	vld.idx.msk [tilespmem:v24+s14+$0x0], $0xffff;
	v24 =	vmov s31  }
0x4c1: {  	v13 =	vld.idx.msk [tilespmem:v42+s14+$0x0], $0xffff;
	v42 =	vor.u32 v3, v51;
	v51 =	vor.u32 v1, v54;
	v5 =	vperm.xlane v5, v24  }
0x4c2: {  	s0 =	sand.u32 $0x9, s0;
	s13 =	sadd.s32 $0x20, s29;
	v9 =	vor.u32 v2, v54;
	v7 =	vld.idx.msk [tilespmem:v61+s14+$0x0], $0xffff  }
0x4c3: {  	v55 =	vmov s0;
	s0 =	sadd.s32 $0x21, s29;
	v61 =	vor.u32 v3, v54;
	v17 =	vld.idx.msk [tilespmem:v57+s14+$0x0], $0xffff;
	v5 =	vshll.u32 v5, $0x6;
	s28 =	sand.u32 $0xF0, s13  }
0x4c4: {  	v14 =	vperm.xlane v14, v55;
	v57 =	vor.u32 v1, v5;
	[tilespmem:$0x1F0E0] =	vst v4;
	v4 =	vld.idx.msk [tilespmem:v49+s28+$0x0 ss:$0x1], $0xffff;
	s28 =	sand.u32 $0xF0, s0  }
0x4c5: {  	v28 =	vmov s25;
	s25 =	sand.u32 $0xB, s24;
	v50 =	vor.u32 v3, v0;
	v53 =	vmul.bf16 v47, v31;
	v0 =	vld.idx.msk [tilespmem:v49+s28+$0x0 ss:$0x1], $0xffff  }
0x4c6: {  	v14 =	vshll.u32 v14, $0x6;
	v30 =	vmov s25;
	v47 =	vld.idx.msk [tilespmem:v51+s14+$0x0], $0xffff  }
0x4c7: {  	s25 =	sand.u32 $0xE, s18;
	v54 =	vor.u32 v60, v5;
	v51 =	vld.idx.msk [tilespmem:v9+s14+$0x0], $0xffff;
	v22 =	vmul.bf16 v56, v22;
	v53 =	vmul.bf16 v53, v62  }
0x4c8: {  	v48 =	vperm.xlane v48, v28;
	v59 =	vmov s25;
	v9 =	vor.u32 v3, v5;
	v62 =	vld.idx.msk [tilespmem:v61+s14+$0x0], $0xffff  }
0x4c9: {  	v22 =	vmul.bf16 v22, v23;
	v56 =	vld.idx.msk [tilespmem:v57+s14+$0x0], $0xffff;
	v57 =	vunpack.i.l.bf16.f32 v53;
	v23 =	vunpack.i.u.bf16.f32 v53  }
0x4ca: {  	s21 =	sand.u32 $0xA, s21;
	s25 =	sand.u32 $0xD, s2;
	v53 =	vor.u32 v60, v14;
	[tilespmem:$0x1F150] =	vst v0;
	v0 =	vld.idx.msk [tilespmem:v50+s14+$0x0], $0xffff;
	v50 =	vor.u32 v2, v5;
	v5 =	vshll.u32 v48, $0x6  }
0x4cb: {  	v58 =	vmov s21;
	v15 =	vmov s25;
	s25 =	sand.u32 $0xA, s6;
	[tilespmem:$0x1F110] =	vst v4;
	v4 =	vld.idx.msk [tilespmem:v52+s14+$0x0], $0xffff;
	v61 =	vor.u32 v60, v5  }
0x4cc: {  	v16 =	vperm.xlane v16, v58;
	v27 =	vmov s25;
	s25 =	sand.u32 $0x9, s0;
	v55 =	vld.idx.msk [tilespmem:v54+s14+$0x0], $0xffff;
	v54 =	vor.u32 v1, v5  }
0x4cd: {  	v25 =	vmul.bf16 v13, v25;
	v57 =	vadd.f32 $0.0e+00, v57;
	v52 =	vmov s25  }
0x4ce: {  	v16 =	vshll.u32 v16, $0x6;
	[tilespmem:$0x1F160] =	vst v52;
	v52 =	vor.u32 v2, v5;
	v5 =	vor.u32 v3, v5  }
0x4cf: {  	v25 =	vmul.bf16 v25, v26;
	v26 =	vperm.xlane v18, v30;
	v23 =	vadd.f32 v57, v23;
	v18 =	vld.idx.msk [tilespmem:v53+s14+$0x0], $0xffff  }
0x4d0: {  	v57 =	vor.u32 v1, v14;
	v53 =	vor.u32 v1, v16;
	v29 =	vmul.bf16 v4, v29;
	v58 =	vld.idx.msk [tilespmem:v61+s14+$0x0], $0xffff  }
0x4d1: {  	v13 =	vld.idx.msk [tilespmem:v54+s14+$0x0], $0xffff;
	v54 =	vunpack.i.l.bf16.f32 v22;
	v61 =	vor.u32 v2, v14;
	v14 =	vor.u32 v3, v14  }
0x4d2: {  	s23 =	sand.u32 $0xC, s23;
	v0 =	vmul.bf16 v0, v32;
	v34 =	vmul.bf16 v29, v34;
	v23 =	vadd.f32 v54, v23  }
0x4d3: {  	v39 =	vmov s23;
	v22 =	vunpack.i.u.bf16.f32 v22;
	v54 =	vld.idx.msk [tilespmem:v5+s14+$0x0], $0xffff;
	v5 =	vor.u32 v60, v16  }
0x4d4: {  	v40 =	vmul.bf16 v0, v40;
	v0 =	vunpack.i.l.bf16.f32 v34;
	v22 =	vadd.f32 v23, v22  }
0x4d5: {  	v39 =	vperm.xlane v45, v39;
	v30 =	vunpack.i.l.bf16.f32 v25;
	v29 =	vld.idx.msk [tilespmem:v53+s14+$0x0], $0xffff;
	v0 =	vadd.f32 $0.0e+00, v0  }
0x4d6: {  	v26 =	vshll.u32 v26, $0x6;
	v34 =	vunpack.i.u.bf16.f32 v34;
	v22 =	vadd.f32 v30, v22;
	v30 =	vld.idx.msk [tilespmem:v14+s14+$0x0], $0xffff  }
0x4d7: {  	v45 =	vunpack.i.u.bf16.f32 v25;
	v53 =	vor.u32 v2, v26;
	v34 =	vadd.f32 v0, v34;
	v0 =	vld [tilespmem:$0x1EE10]  }
0x4d8: {  	v14 =	vor.u32 v60, v26;
	v25 =	vld.idx.msk [tilespmem:v5+s14+$0x0], $0xffff;
	v5 =	vor.u32 v1, v26;
	v26 =	vor.u32 v3, v26;
	_ =	sdelay $0x2  }
0x4d9: {  	v6 =	vmul.bf16 v6, v36;
	_ =	sdelay $0x1  }
0x4da: {  	v6 =	vmul.bf16 v6, v0;
	v0 =	vld.idx.msk [tilespmem:v26+s14+$0x0], $0xffff;
	_ =	sdelay $0x4  }
0x4db: {  	[tilespmem:$0x1F270] =	vst v0;
	v0 =	vld [tilespmem:$0x1EE20];
	_ =	sdelay $0x1  }
0x4dc: {  	v4 =	vld.idx.msk [tilespmem:v57+s14+$0x0], $0xffff;
	v57 =	vor.u32 v2, v16;
	v16 =	vor.u32 v3, v16;
	_ =	sdelay $0x1  }
0x4dd: {  	v39 =	vshll.u32 v39, $0x6  }
0x4de: {  	v36 =	vor.u32 v3, v39;
	v7 =	vmul.bf16 v7, v0;
	v0 =	vld [tilespmem:$0x1EE30]  }
0x4df: {  	s19 =	sand.u32 $0xD, s19;
	v23 =	vld.idx.msk [tilespmem:v61+s14+$0x0], $0xffff  }
0x4e0: {  	v10 =	vmov s19;
	v16 =	vld.idx.msk [tilespmem:v16+s14+$0x0], $0xffff  }
0x4e1: {  	v10 =	vperm.xlane v46, v10;
	v46 =	vld.idx.msk [tilespmem:v53+s14+$0x0], $0xffff  }
0x4e2: {  	v61 =	vadd.f32 v22, v45;
	v45 =	vld.idx.msk [tilespmem:v57+s14+$0x0], $0xffff  }
0x4e3: {  	v7 =	vmul.bf16 v7, v0;
	v0 =	vld.idx.msk [tilespmem:v36+s14+$0x0], $0xffff  }
0x4e4: {  	v53 =	vunpack.i.l.bf16.f32 v40;
	v22 =	vld.idx.msk [tilespmem:v14+s14+$0x0], $0xffff;
	v57 =	vunpack.i.l.bf16.f32 v6  }
0x4e5: {  	v14 =	vor.u32 v1, v39;
	[tilespmem:$0x1F1F0] =	vst v16;
	v16 =	vor.u32 v60, v39;
	v26 =	vadd.f32 v57, v34  }
0x4e6: {  	v32 =	vld.idx.msk [tilespmem:v5+s14+$0x0], $0xffff;
	v5 =	vor.u32 v2, v39;
	v39 =	vadd.f32 v53, v61;
	v6 =	vunpack.i.u.bf16.f32 v6  }
0x4e7: {  	v26 =	vadd.f32 v26, v6;
	v6 =	vunpack.i.u.bf16.f32 v40  }
0x4e8: {  	[tilespmem:$0x1F310] =	vst v0;
	v0 =	vadd.f32 v39, v6  }
0x4e9: {  	v42 =	vld.idx.msk [tilespmem:v42+s14+$0x0], $0xffff  }
0x4ea: {  	[tilespmem:$0x1F6A0] =	vst v0;
	v0 =	vld [tilespmem:$0x1EE40];
	_ =	sdelay $0x3  }
0x4eb: {  	v10 =	vshll.u32 v10, $0x6;
	v61 =	vperm.xlane v41, v59;
	v41 =	vld.idx.msk [tilespmem:v5+s14+$0x0], $0xffff  }
0x4ec: {  	v5 =	vor.u32 v3, v10;
	v42 =	vmul.bf16 v42, v0;
	v0 =	vld [tilespmem:$0x1EE50];
	_ =	sdelay $0x4  }
0x4ed: {  	v17 =	vmul.bf16 v17, v0;
	v0 =	vld.idx.msk [tilespmem:v5+s14+$0x0], $0xffff;
	_ =	sdelay $0x2  }
0x4ee: {  	v53 =	vor.u32 v60, v10;
	_ =	sdelay $0x1  }
0x4ef: {  	[tilespmem:$0x1F370] =	vst v0;
	v0 =	vld [tilespmem:$0x1EE70]  }
0x4f0: {  	v34 =	vld.idx.msk [tilespmem:v16+s14+$0x0], $0xffff  }
0x4f1: {  	v59 =	vor.u32 v1, v10;
	v57 =	vshll.u32 v61, $0x6;
	v16 =	vld.idx.msk [tilespmem:v14+s14+$0x0], $0xffff  }
0x4f2: {  	v14 =	vor.u32 v2, v10;
	v10 =	vld.idx.msk [tilespmem:v53+s14+$0x0], $0xffff;
	v36 =	vor.u32 v60, v57;
	v6 =	vunpack.i.l.bf16.f32 v7  }
0x4f3: {  	v40 =	vor.u32 v1, v57;
	v39 =	vadd.f32 v6, v26;
	v6 =	vld [tilespmem:$0x1EE60]  }
0x4f4: {  	v53 =	vor.u32 v2, v57;
	v17 =	vmul.bf16 v17, v0;
	v0 =	vld [tilespmem:$0x1EE80];
	_ =	sdelay $0x2  }
0x4f5: {  	v26 =	vld.idx.msk [tilespmem:v36+s14+$0x0], $0xffff  }
0x4f6: {  	v36 =	vperm.xlane v35, v6;
	v35 =	vld.idx.msk [tilespmem:v40+s14+$0x0], $0xffff  }
0x4f7: {  	v40 =	vmul.bf16 v42, v0;
	v0 =	vld.idx.msk [tilespmem:v53+s14+$0x0], $0xffff;
	_ =	sdelay $0x1  }
0x4f8: {  	v61 =	vmov s1  }
0x4f9: {  	v61 =	vperm.xlane v37, v61;
	v37 =	vld.idx.msk [tilespmem:v59+s14+$0x0], $0xffff  }
0x4fa: {  	v59 =	vld.idx.msk [tilespmem:v14+s14+$0x0], $0xffff  }
0x4fb: {  	v14 =	vor.u32 v3, v57;
	[tilespmem:$0x1F390] =	vst v0;
	v0 =	vld [tilespmem:$0x1EE90];
	_ =	sdelay $0x2  }
0x4fc: {  	v57 =	vshll.u32 v61, $0x6;
	v7 =	vunpack.i.u.bf16.f32 v7  }
0x4fd: {  	v7 =	vadd.f32 v39, v7;
	v39 =	vor.u32 v2, v57  }
0x4fe: {  	s28 =	sand.u32 $0x9, s17;
	v42 =	vmul.bf16 v47, v0;
	v47 =	vld.idx.msk [tilespmem:v14+s14+$0x0], $0xffff  }
0x4ff: {  	v11 =	vmov s28;
	v61 =	vor.u32 v1, v57;
	v14 =	vunpack.i.l.bf16.f32 v17;
	v0 =	vld [tilespmem:$0x1EEA0]  }
0x500: {  	v11 =	vperm.xlane v43, v11;
	v43 =	vadd.f32 $0.0e+00, v14  }
0x501: {  	v5 =	vor.u32 v60, v57;
	v17 =	vunpack.i.u.bf16.f32 v17  }
0x502: {  	v17 =	vadd.f32 v43, v17;
	v43 =	vld.idx.msk [tilespmem:v39+s14+$0x0], $0xffff  }
0x503: {  	s21 =	sand.u32 $0xA, s16;
	v36 =	vshll.u32 v36, $0x6;
	v39 =	vld [tilespmem:$0x1EEB0]  }
0x504: {  	v12 =	vmov s21;
	v0 =	vmul.bf16 v42, v0;
	v42 =	vld.idx.msk [tilespmem:v61+s14+$0x0], $0xffff;
	v61 =	vor.u32 v2, v36  }
0x505: {  	v12 =	vperm.xlane v63, v12;
	v63 =	vld [tilespmem:$0x1EEC0];
	v57 =	vor.u32 v3, v57  }
0x506: {  	v14 =	vld.idx.msk [tilespmem:v5+s14+$0x0], $0xffff;
	v5 =	vor.u32 v1, v36;
	_ =	sdelay $0x2  }
0x507: {  	v53 =	vor.u32 v60, v36;
	v39 =	vmul.bf16 v51, v39;
	v61 =	vld.idx.msk [tilespmem:v61+s14+$0x0], $0xffff  }
0x508: {  	v11 =	vshll.u32 v11, $0x6;
	v57 =	vld.idx.msk [tilespmem:v57+s14+$0x0], $0xffff;
	v36 =	vor.u32 v3, v36  }
0x509: {  	v39 =	vmul.bf16 v39, v63;
	v63 =	vld.idx.msk [tilespmem:v5+s14+$0x0], $0xffff;
	v5 =	vor.u32 v2, v11;
	_ =	sdelay $0x1  }
0x50a: {  	v51 =	vunpack.i.l.bf16.f32 v0  }
0x50b: {  	v17 =	vadd.f32 v51, v17;
	v51 =	vld.idx.msk [tilespmem:v53+s14+$0x0], $0xffff;
	[tilespmem:$0x1F3B0] =	vst v61;
	v61 =	vunpack.i.l.bf16.f32 v40  }
0x50c: {  	[tilespmem:$0x1F3A0] =	vst v57;
	v57 =	vor.u32 v60, v11;
	v0 =	vunpack.i.u.bf16.f32 v0;
	v7 =	vadd.f32 v61, v7;
	v61 =	vld.idx.msk [tilespmem:v36+s14+$0x0], $0xffff  }
0x50d: {  	v53 =	vor.u32 v1, v11;
	v11 =	vor.u32 v3, v11;
	v0 =	vadd.f32 v17, v0;
	v5 =	vld.idx.msk [tilespmem:v5+s14+$0x0], $0xffff  }
0x50e: {  	v36 =	vunpack.i.l.bf16.f32 v39  }
0x50f: {  	v0 =	vadd.f32 v36, v0;
	v36 =	vunpack.i.u.bf16.f32 v40  }
0x510: {  	v12 =	vshll.u32 v12, $0x6;
	v7 =	vadd.f32 v7, v36;
	v36 =	vld [tilespmem:$0x1EED0]  }
0x511: {  	v17 =	vor.u32 v60, v12;
	v40 =	vor.u32 v2, v12;
	[tilespmem:$0x1F3C0] =	vst v61;
	v61 =	vld.idx.msk [tilespmem:v57+s14+$0x0], $0xffff  }
0x512: {  	[tilespmem:$0x1F3D0] =	vst v5;
	v5 =	vor.u32 v3, v12;
	v57 =	vor.u32 v1, v12;
	v12 =	vld.idx.msk [tilespmem:v11+s14+$0x0], $0xffff  }
0x513: {  	s23 =	sand.u32 $0xB, s11  }
0x514: {  	v8 =	vmov s23  }
0x515: {  	v8 =	vperm.xlane v38, v8;
	v38 =	vld.idx.msk [tilespmem:v53+s14+$0x0], $0xffff  }
0x516: {  	v53 =	vld [tilespmem:$0x1EEE0]  }
0x517: {  	[tilespmem:$0x1F3F0] =	vst v12;
	v12 =	vmul.bf16 v55, v36;
	v55 =	vld [tilespmem:$0x1EEF0];
	_ =	sdelay $0x1  }
0x518: {  	s24 =	sand.u32 $0xC, s22  }
0x519: {  	v21 =	vmov s24;
	[tilespmem:$0x1F6B0] =	vst v7;
	v7 =	vld.idx.msk [tilespmem:v57+s14+$0x0], $0xffff  }
0x51a: {  	v21 =	vperm.xlane v33, v21;
	v57 =	vld [tilespmem:$0x1EF20]  }
0x51b: {  	v33 =	vmul.bf16 v62, v53;
	v62 =	vmul.bf16 v56, v55;
	v55 =	vld [tilespmem:$0x1EF00]  }
0x51c: {  	v56 =	vld [tilespmem:$0x1EF10];
	_ =	sdelay $0x2  }
0x51d: {  	v39 =	vunpack.i.u.bf16.f32 v39  }
0x51e: {  	v8 =	vshll.u32 v8, $0x6;
	v0 =	vadd.f32 v0, v39;
	v12 =	vmul.bf16 v12, v55;
	v55 =	vld.idx.msk [tilespmem:v40+s14+$0x0], $0xffff  }
0x51f: {  	v53 =	vor.u32 v2, v8;
	v40 =	vmul.bf16 v33, v56;
	v56 =	vmul.bf16 v62, v57;
	v62 =	vld [tilespmem:$0x1EF30]  }
0x520: {  	v39 =	vld.idx.msk [tilespmem:v17+s14+$0x0], $0xffff;
	v17 =	vor.u32 v1, v8;
	v11 =	vor.u32 v60, v8;
	v8 =	vor.u32 v3, v8;
	_ =	sdelay $0x2  }
0x521: {  	v5 =	vld.idx.msk [tilespmem:v5+s14+$0x0], $0xffff  }
0x522: {  	v15 =	vperm.xlane v62, v15;
	v62 =	vld.idx.msk [tilespmem:v53+s14+$0x0], $0xffff  }
0x523: {  	v8 =	vld.idx.msk [tilespmem:v8+s14+$0x0], $0xffff  }
0x524: {  	v9 =	vld.idx.msk [tilespmem:v9+s14+$0x0], $0xffff  }
0x525: {  	v50 =	vld.idx.msk [tilespmem:v50+s14+$0x0], $0xffff;
	[tilespmem:$0x1F3E0] =	vst v39  }
0x526: {  	v52 =	vld.idx.msk [tilespmem:v52+s14+$0x0], $0xffff;
	[tilespmem:$0x1F400] =	vst v5  }
0x527: {  	v39 =	vld.idx.msk [tilespmem:v11+s14+$0x0], $0xffff;
	[tilespmem:$0x1F410] =	vst v62  }
0x528: {  	v33 =	vld.idx.msk [tilespmem:v17+s14+$0x0], $0xffff;
	[tilespmem:$0x1F420] =	vst v8  }
0x529: {  	v62 =	vld [tilespmem:$0x1EF40]  }
0x52a: {  	v21 =	vshll.u32 v21, $0x6  }
0x52b: {  	v5 =	vor.u32 v60, v21;
	v36 =	vunpack.i.l.bf16.f32 v12  }
0x52c: {  	s28 =	sand.u32 $0xE, s10;
	v11 =	vadd.f32 $0.0e+00, v36;
	v53 =	vshll.u32 v15, $0x6;
	v15 =	vld [tilespmem:$0x1EF50]  }
0x52d: {  	v20 =	vmov s28;
	v17 =	vor.u32 v2, v21;
	v12 =	vunpack.i.u.bf16.f32 v12  }
0x52e: {  	v11 =	vadd.f32 v11, v12;
	v12 =	vperm.xlane v62, v20;
	v62 =	vld [tilespmem:$0x1EF60]  }
0x52f: {  	v36 =	vunpack.i.l.bf16.f32 v40  }
0x530: {  	v57 =	vor.u32 v1, v21;
	v0 =	vadd.f32 v36, v0;
	v36 =	vld.idx.msk [tilespmem:v5+s14+$0x0], $0xffff;
	v5 =	vunpack.i.l.bf16.f32 v56  }
0x531: {  	v21 =	vor.u32 v3, v21;
	v5 =	vadd.f32 v5, v11;
	v11 =	vmul.bf16 v50, v15  }
0x532: {  	v8 =	vor.u32 v60, v53;
	v17 =	vld.idx.msk [tilespmem:v17+s14+$0x0], $0xffff  }
0x533: {  	v11 =	vmul.bf16 v11, v62;
	v62 =	vld [tilespmem:$0x1EF70]  }
0x534: {  	v20 =	vor.u32 v1, v53  }
0x535: {  	v50 =	vor.u32 v2, v53  }
0x536: {  	v21 =	vld.idx.msk [tilespmem:v21+s14+$0x0], $0xffff  }
0x537: {  	v8 =	vld.idx.msk [tilespmem:v8+s14+$0x0], $0xffff;
	[tilespmem:$0x1F440] =	vst v17;
	v17 =	vor.u32 v3, v53;
	v53 =	vmov s9  }
0x538: {  	v53 =	vperm.xlane v62, v53;
	v62 =	vld [tilespmem:$0x1EF80]  }
0x539: {  	v20 =	vld.idx.msk [tilespmem:v20+s14+$0x0], $0xffff  }
0x53a: {  	v56 =	vunpack.i.u.bf16.f32 v56;
	v50 =	vld.idx.msk [tilespmem:v50+s14+$0x0], $0xffff  }
0x53b: {  	v5 =	vadd.f32 v5, v56;
	v15 =	vld.idx.msk [tilespmem:v57+s14+$0x0], $0xffff;
	v12 =	vshll.u32 v12, $0x6  }
0x53c: {  	v40 =	vunpack.i.u.bf16.f32 v40;
	[tilespmem:$0x1F460] =	vst v21;
	v57 =	vld [tilespmem:$0x1EF90];
	v21 =	vor.u32 v60, v12;
	v56 =	vunpack.i.l.bf16.f32 v11  }
0x53d: {  	v9 =	vmul.bf16 v9, v62;
	v62 =	vadd.f32 v0, v40;
	v0 =	vadd.f32 v56, v5;
	v5 =	vld.idx.msk [tilespmem:v17+s14+$0x0], $0xffff  }
0x53e: {  	[tilespmem:$0x1F450] =	vst v20;
	v20 =	vor.u32 v2, v12;
	v17 =	vld [tilespmem:$0x1EFA0]  }
0x53f: {  	s23 =	sand.u32 $0x8, s8;
	[tilespmem:$0x1F470] =	vst v50;
	v50 =	vor.u32 v3, v12  }
0x540: {  	v24 =	vmov s23  }
0x541: {  	[tilespmem:$0x1F430] =	vst v8;
	v11 =	vunpack.i.u.bf16.f32 v11;
	v53 =	vshll.u32 v53, $0x6;
	v9 =	vmul.bf16 v9, v57;
	v57 =	vld [tilespmem:$0x1EFB0]  }
0x542: {  	v8 =	vor.u32 v1, v12;
	v12 =	vld.idx.msk [tilespmem:v21+s14+$0x0], $0xffff;
	v0 =	vadd.f32 v0, v11;
	v11 =	vor.u32 v3, v53  }
0x543: {  	v56 =	vor.u32 v2, v53;
	v20 =	vld.idx.msk [tilespmem:v20+s14+$0x0], $0xffff;
	v40 =	vperm.xlane v17, v24  }
0x544: {  	v21 =	vor.u32 v1, v53;
	[tilespmem:$0x1F480] =	vst v5;
	v5 =	vor.u32 v60, v53;
	v53 =	vld.idx.msk [tilespmem:v50+s14+$0x0], $0xffff  }
0x545: {  	v17 =	vshll.u32 v40, $0x6;
	v40 =	vld [tilespmem:$0x1EFC0]  }
0x546: {  	v24 =	vmul.bf16 v58, v57;
	v58 =	vld [tilespmem:$0x1EFD0]  }
0x547: {  	v57 =	vunpack.i.l.bf16.f32 v9;
	v11 =	vld.idx.msk [tilespmem:v11+s14+$0x0], $0xffff  }
0x548: {  	v0 =	vadd.f32 v57, v0;
	v57 =	vld.idx.msk [tilespmem:v56+s14+$0x0], $0xffff  }
0x549: {  	v5 =	vld.idx.msk [tilespmem:v5+s14+$0x0], $0xffff  }
0x54a: {  	s24 =	sand.u32 $0x9, s7;
	[tilespmem:$0x1F4A0] =	vst v20;
	v50 =	vor.u32 v60, v17;
	v20 =	vmul.bf16 v24, v40;
	v40 =	vld [tilespmem:$0x1EFE0]  }
0x54b: {  	v19 =	vmov s24  }
0x54c: {  	[tilespmem:$0x1F4B0] =	vst v53;
	v19 =	vperm.xlane v58, v19;
	v24 =	vor.u32 v2, v17;
	v58 =	vld [tilespmem:$0x1EFF0]  }
0x54d: {  	[tilespmem:$0x1F4C0] =	vst v57  }
0x54e: {  	v57 =	vld [tilespmem:$0x1F000];
	[tilespmem:$0x1F490] =	vst v5;
	v5 =	vor.u32 v1, v17  }
0x54f: {  	[tilespmem:$0x1F4D0] =	vst v11;
	v11 =	vld.idx.msk [tilespmem:v50+s14+$0x0], $0xffff;
	v53 =	vunpack.i.l.bf16.f32 v20;
	v13 =	vmul.bf16 v13, v40  }
0x550: {  	v40 =	vld.idx.msk [tilespmem:v21+s14+$0x0], $0xffff;
	v21 =	vadd.f32 $0.0e+00, v53  }
0x551: {  	v56 =	vunpack.i.u.bf16.f32 v20;
	v24 =	vld.idx.msk [tilespmem:v24+s14+$0x0], $0xffff;
	v13 =	vmul.bf16 v13, v58  }
0x552: {  	v17 =	vor.u32 v3, v17;
	v53 =	vshll.u32 v19, $0x6;
	v21 =	vadd.f32 v21, v56;
	v58 =	vld [tilespmem:$0x1F010]  }
0x553: {  	v20 =	vor.u32 v60, v53;
	v50 =	vor.u32 v1, v53;
	v19 =	vld.idx.msk [tilespmem:v5+s14+$0x0], $0xffff;
	v5 =	vunpack.i.l.bf16.f32 v13  }
0x554: {  	v56 =	vor.u32 v2, v53;
	v5 =	vadd.f32 v5, v21;
	v21 =	vor.u32 v3, v53;
	v53 =	vld [tilespmem:$0x1F020];
	_ =	sdelay $0x1  }
0x555: {  	v27 =	vperm.xlane v57, v27;
	v57 =	vld [tilespmem:$0x1F030]  }
0x556: {  	v52 =	vmul.bf16 v52, v58  }
0x557: {  	v58 =	vld [tilespmem:$0x1F040]  }
0x558: {  	s28 =	sand.u32 $0xB, s5;
	v17 =	vld.idx.msk [tilespmem:v17+s14+$0x0], $0xffff;
	v13 =	vunpack.i.u.bf16.f32 v13;
	[tilespmem:$0x1F4E0] =	vst v24;
	v24 =	vshll.u32 v27, $0x6;
	v27 =	vmul.bf16 v52, v53  }
0x559: {  	v44 =	vmov s28;
	v5 =	vadd.f32 v5, v13  }
0x55a: {  	v13 =	vperm.xlane v57, v44;
	v57 =	vunpack.i.l.bf16.f32 v27  }
0x55b: {  	v50 =	vld.idx.msk [tilespmem:v50+s14+$0x0], $0xffff;
	v5 =	vadd.f32 v57, v5  }
0x55c: {  	v52 =	vmul.bf16 v54, v58;
	v58 =	vld.idx.msk [tilespmem:v56+s14+$0x0], $0xffff;
	v56 =	vunpack.i.u.bf16.f32 v27  }
0x55d: {  	[tilespmem:$0x1F500] =	vst v17;
	v17 =	vor.u32 v60, v24;
	v27 =	vadd.f32 v5, v56;
	v5 =	vld [tilespmem:$0x1F060];
	_ =	sdelay $0x2  }
0x55e: {  	s21 =	sand.u32 $0xC, s4  }
0x55f: {  	v28 =	vmov s21;
	[tilespmem:$0x1F4F0] =	vst v50;
	v50 =	vshll.u32 v13, $0x6  }
0x560: {  	v28 =	vperm.xlane v5, v28;
	v5 =	vld.idx.msk [tilespmem:v17+s14+$0x0], $0xffff;
	v17 =	vor.u32 v1, v50  }
0x561: {  	v44 =	vor.u32 v1, v24;
	v21 =	vld.idx.msk [tilespmem:v21+s14+$0x0], $0xffff  }
0x562: {  	v9 =	vunpack.i.u.bf16.f32 v9  }
0x563: {  	v0 =	vadd.f32 v0, v9;
	v53 =	vor.u32 v2, v24  }
0x564: {  	v54 =	vld [tilespmem:$0x1F050]  }
0x565: {  	[tilespmem:$0x1F6C0] =	vst v0;
	v24 =	vor.u32 v3, v24;
	v0 =	vld.idx.msk [tilespmem:v17+s14+$0x0], $0xffff  }
0x566: {  	v13 =	vld.idx.msk [tilespmem:v44+s14+$0x0], $0xffff;
	[tilespmem:$0x1F520] =	vst v21;
	v21 =	vor.u32 v60, v50  }
0x567: {  	v57 =	vld [tilespmem:$0x1F070]  }
0x568: {  	v53 =	vld.idx.msk [tilespmem:v53+s14+$0x0], $0xffff  }
0x569: {  	v56 =	vld [tilespmem:$0x1F080];
	v28 =	vshll.u32 v28, $0x6  }
0x56a: {  	v24 =	vld.idx.msk [tilespmem:v24+s14+$0x0], $0xffff;
	[tilespmem:$0x1F550] =	vst v0;
	v0 =	vor.u32 v2, v28  }
0x56b: {  	v52 =	vmul.bf16 v52, v54;
	v54 =	vor.u32 v2, v50;
	v21 =	vld.idx.msk [tilespmem:v21+s14+$0x0], $0xffff  }
0x56c: {  	v44 =	vor.u32 v3, v50;
	[tilespmem:$0x1F510] =	vst v58;
	v18 =	vmul.bf16 v18, v57;
	v57 =	vld [tilespmem:$0x1F090]  }
0x56d: {  	v58 =	vunpack.i.l.bf16.f32 v52;
	[tilespmem:$0x1F540] =	vst v53;
	v53 =	vld [tilespmem:$0x1F0A0]  }
0x56e: {  	v27 =	vadd.f32 v58, v27;
	v18 =	vmul.bf16 v18, v56;
	v56 =	vld [tilespmem:$0x1F0B0]  }
0x56f: {  	s23 =	sand.u32 $0xD, s3;
	[tilespmem:$0x1F560] =	vst v24;
	v58 =	vunpack.i.u.bf16.f32 v52;
	v24 =	vor.u32 v60, v28;
	v0 =	vld.idx.msk [tilespmem:v0+s14+$0x0], $0xffff  }
0x570: {  	v31 =	vmov s23;
	v58 =	vadd.f32 v27, v58;
	v27 =	vld.idx.msk [tilespmem:v54+s14+$0x0], $0xffff;
	[tilespmem:$0x1F530] =	vst v21;
	v21 =	vor.u32 v1, v28  }
0x571: {  	v54 =	vld.idx.msk [tilespmem:v44+s14+$0x0], $0xffff;
	v31 =	vperm.xlane v57, v31;
	v9 =	vor.u32 v3, v28  }
0x572: {  	v44 =	vld [tilespmem:$0x1F0D0]  }
0x573: {  	v57 =	vld [tilespmem:$0x1F0C0];
	v50 =	vshll.u32 v31, $0x6  }
0x574: {  	v24 =	vld.idx.msk [tilespmem:v24+s14+$0x0], $0xffff;
	[tilespmem:$0x1F5C0] =	vst v0;
	v0 =	vor.u32 v3, v50  }
0x575: {  	s24 =	sand.u32 $0xE, s12;
	v21 =	vld.idx.msk [tilespmem:v21+s14+$0x0], $0xffff  }
0x576: {  	v48 =	vmov s24;
	v52 =	vunpack.i.l.bf16.f32 v18;
	v4 =	vmul.bf16 v4, v53;
	v9 =	vld.idx.msk [tilespmem:v9+s14+$0x0], $0xffff  }
0x577: {  	v31 =	vperm.xlane v56, v48;
	v56 =	vld [tilespmem:$0x1F0F0];
	[tilespmem:$0x1F570] =	vst v27;
	v27 =	vadd.f32 $0.0e+00, v52  }
0x578: {  	v18 =	vunpack.i.u.bf16.f32 v18;
	v4 =	vmul.bf16 v4, v57;
	v28 =	vor.u32 v60, v50  }
0x579: {  	v23 =	vmul.bf16 v23, v44;
	v18 =	vadd.f32 v27, v18;
	[tilespmem:$0x1F580] =	vst v24;
	v0 =	vld.idx.msk [tilespmem:v0+s14+$0x0], $0xffff  }
0x57a: {  	v24 =	vor.u32 v1, v50;
	[tilespmem:$0x1F5A0] =	vst v21;
	v21 =	vor.u32 v2, v50;
	v50 =	vunpack.i.l.bf16.f32 v4  }
0x57b: {  	[tilespmem:$0x1F5E0] =	vst v9;
	v9 =	vadd.f32 v50, v18  }
0x57c: {  	v23 =	vmul.bf16 v23, v56;
	v4 =	vunpack.i.u.bf16.f32 v4  }
0x57d: {  	[tilespmem:$0x1F590] =	vst v54;
	v28 =	vld.idx.msk [tilespmem:v28+s14+$0x0], $0xffff;
	v4 =	vadd.f32 v9, v4  }
0x57e: {  	v48 =	vshll.u32 v31, $0x6;
	v54 =	vld [tilespmem:$0x1F0E0];
	[tilespmem:$0x1F600] =	vst v0;
	v0 =	vunpack.i.l.bf16.f32 v23  }
0x57f: {  	v52 =	vor.u32 v60, v48;
	v0 =	vadd.f32 v0, v4;
	v4 =	vld [tilespmem:$0x1F110];
	_ =	sdelay $0x1  }
0x580: {  	v53 =	vmov s20;
	v44 =	vld.idx.msk [tilespmem:v21+s14+$0x0], $0xffff  }
0x581: {  	v57 =	vor.u32 v2, v48;
	[tilespmem:$0x1F5B0] =	vst v28;
	v28 =	vor.u32 v1, v48;
	v9 =	vor.u32 v3, v48;
	v48 =	vld [tilespmem:$0x1F100]  }
0x582: {  	v18 =	vperm.xlane v54, v53;
	v53 =	vld [tilespmem:$0x1F130]  }
0x583: {  	v50 =	vperm.xlane v4, v6;
	v4 =	vld.idx.msk [tilespmem:v52+s14+$0x0], $0xffff  }
0x584: {  	v52 =	vld [tilespmem:$0x1F120];
	_ =	sdelay $0x1  }
0x585: {  	v17 =	vmul.bf16 v25, v48;
	v25 =	vld [tilespmem:$0x1F140]  }
0x586: {  	v56 =	vld.idx.msk [tilespmem:v57+s14+$0x0], $0xffff;
	v18 =	vshll.u32 v18, $0x6  }
0x587: {  	v27 =	vor.u32 v1, v18;
	[tilespmem:$0x1F5F0] =	vst v44;
	v48 =	vld [tilespmem:$0x1F160]  }
0x588: {  	v44 =	vor.u32 v2, v18;
	v54 =	vmul.bf16 v17, v53;
	v17 =	vld.idx.msk [tilespmem:v28+s14+$0x0], $0xffff;
	v30 =	vmul.bf16 v30, v52  }
0x589: {  	v21 =	vor.u32 v60, v18;
	v23 =	vunpack.i.u.bf16.f32 v23;
	v28 =	vld.idx.msk [tilespmem:v9+s14+$0x0], $0xffff  }
0x58a: {  	v0 =	vadd.f32 v0, v23;
	v23 =	vmul.bf16 v30, v25;
	v30 =	vld [tilespmem:$0x1F150]  }
0x58b: {  	v24 =	vld.idx.msk [tilespmem:v24+s14+$0x0], $0xffff  }
0x58c: {  	v53 =	vld.idx.msk [tilespmem:v27+s14+$0x0], $0xffff  }
0x58d: {  	[tilespmem:$0x1F610] =	vst v56;
	v18 =	vor.u32 v3, v18;
	v56 =	vld.idx.msk [tilespmem:v44+s14+$0x0], $0xffff  }
0x58e: {  	[tilespmem:$0x1F630] =	vst v28;
	v28 =	vld.idx.msk [tilespmem:v21+s14+$0x0], $0xffff;
	v57 =	vshll.u32 v50, $0x6  }
0x58f: {  	v50 =	vunpack.i.l.bf16.f32 v54;
	v52 =	vld [tilespmem:$0x1F170];
	v25 =	vperm.xlane v30, v48;
	v30 =	vor.u32 v1, v57  }
0x590: {  	v9 =	vor.u32 v60, v57;
	v21 =	vadd.f32 $0.0e+00, v50;
	v50 =	vld [tilespmem:$0x1F1A0];
	v48 =	vunpack.i.l.bf16.f32 v23  }
0x591: {  	[tilespmem:$0x1F5D0] =	vst v24;
	v27 =	vor.u32 v2, v57;
	v24 =	vor.u32 v3, v57;
	v57 =	vld [tilespmem:$0x1F180];
	v0 =	vadd.f32 v48, v0  }
0x592: {  	v18 =	vld.idx.msk [tilespmem:v18+s14+$0x0], $0xffff;
	v23 =	vunpack.i.u.bf16.f32 v23  }
0x593: {  	[tilespmem:$0x1F640] =	vst v56;
	v56 =	vld [tilespmem:$0x1F1B0];
	v0 =	vadd.f32 v0, v23  }
0x594: {  	[tilespmem:$0x1F620] =	vst v53;
	v29 =	vmul.bf16 v29, v52;
	v53 =	vld.idx.msk [tilespmem:v30+s14+$0x0], $0xffff  }
0x595: {  	v54 =	vunpack.i.u.bf16.f32 v54;
	[tilespmem:$0x1F6D0] =	vst v0;
	v0 =	vld [tilespmem:$0x1F1C0]  }
0x596: {  	v52 =	vmul.bf16 v45, v50;
	v45 =	vld [tilespmem:$0x1F1E0];
	v31 =	vshll.u32 v25, $0x6;
	v25 =	vmul.bf16 v29, v57  }
0x597: {  	v21 =	vadd.f32 v21, v54;
	v48 =	vld [tilespmem:$0x1F1F0]  }
0x598: {  	v29 =	vld [tilespmem:$0x1F190];
	v54 =	vunpack.i.l.bf16.f32 v25  }
0x599: {  	v21 =	vadd.f32 v54, v21;
	[tilespmem:$0x1F670] =	vst v53;
	v53 =	vld [tilespmem:$0x1F210]  }
0x59a: {  	v44 =	vld.idx.msk [tilespmem:v9+s14+$0x0], $0xffff;
	v25 =	vunpack.i.u.bf16.f32 v25;
	v0 =	vmul.bf16 v52, v0  }
0x59b: {  	v57 =	vld.idx.msk [tilespmem:v27+s14+$0x0], $0xffff;
	v9 =	vadd.f32 v21, v25  }
0x59c: {  	v27 =	vld.idx.msk [tilespmem:v24+s14+$0x0], $0xffff;
	v24 =	vmul.bf16 v48, v45;
	v50 =	vunpack.i.l.bf16.f32 v0  }
0x59d: {  	[tilespmem:$0x1F660] =	vst v18;
	v18 =	vor.u32 v60, v31;
	v30 =	vld [tilespmem:$0x1F1D0];
	v9 =	vadd.f32 v50, v9  }
0x59e: {  	v54 =	vld [tilespmem:$0x1F220];
	v22 =	vmul.bf16 v22, v29;
	v0 =	vunpack.i.u.bf16.f32 v0;
	v24 =	vmul.bf16 v24, v53  }
0x59f: {  	v52 =	vld [tilespmem:$0x1F200];
	v0 =	vadd.f32 v9, v0  }
0x5a0: {  	v22 =	vmul.bf16 v22, v56;
	v45 =	vunpack.i.l.bf16.f32 v24  }
0x5a1: {  	v0 =	vadd.f32 v45, v0  }
0x5a2: {  	[tilespmem:$0x1F650] =	vst v44;
	v32 =	vmul.bf16 v32, v30;
	v21 =	vld.idx.msk [tilespmem:v18+s14+$0x0], $0xffff;
	v44 =	vunpack.i.l.bf16.f32 v22;
	v24 =	vunpack.i.u.bf16.f32 v24  }
0x5a3: {  	v56 =	vmul.bf16 v46, v54;
	v46 =	vld [tilespmem:$0x1F240];
	v18 =	vadd.f32 $0.0e+00, v44;
	v0 =	vadd.f32 v0, v24  }
0x5a4: {  	v22 =	vunpack.i.u.bf16.f32 v22;
	v23 =	vmul.bf16 v32, v52;
	v52 =	vld [tilespmem:$0x1F270]  }
0x5a5: {  	v18 =	vadd.f32 v18, v22;
	[tilespmem:$0x1F6E0] =	vst v0;
	v0 =	vld [tilespmem:$0x1F260]  }
0x5a6: {  	v6 =	vunpack.i.l.bf16.f32 v23  }
0x5a7: {  	v45 =	vld [tilespmem:$0x1F290];
	v18 =	vadd.f32 v6, v18  }
0x5a8: {  	v23 =	vunpack.i.u.bf16.f32 v23;
	v9 =	vmul.bf16 v56, v46  }
0x5a9: {  	v32 =	vld [tilespmem:$0x1F230];
	v18 =	vadd.f32 v18, v23  }
0x5aa: {  	v53 =	vunpack.i.l.bf16.f32 v9;
	v0 =	vmul.bf16 v52, v0  }
0x5ab: {  	v48 =	vld [tilespmem:$0x1F250];
	v18 =	vadd.f32 v53, v18  }
0x5ac: {  	v9 =	vunpack.i.u.bf16.f32 v9;
	v0 =	vmul.bf16 v0, v45  }
0x5ad: {  	v54 =	vld [tilespmem:$0x1F280];
	v9 =	vadd.f32 v18, v9  }
0x5ae: {  	v44 =	vmul.bf16 v34, v32;
	v52 =	vunpack.i.l.bf16.f32 v0  }
0x5af: {  	v46 =	vld [tilespmem:$0x1F2A0];
	v9 =	vadd.f32 v52, v9  }
0x5b0: {  	v50 =	vmul.bf16 v44, v48;
	v0 =	vunpack.i.u.bf16.f32 v0  }
0x5b1: {  	v53 =	vld [tilespmem:$0x1F2C0];
	v0 =	vadd.f32 v9, v0  }
0x5b2: {  	v16 =	vmul.bf16 v16, v54;
	v56 =	vunpack.i.l.bf16.f32 v50;
	v48 =	vunpack.i.u.bf16.f32 v50;
	v50 =	vld [tilespmem:$0x1F2B0]  }
0x5b3: {  	v44 =	vadd.f32 $0.0e+00, v56;
	[tilespmem:$0x1F6F0] =	vst v0;
	v0 =	vld [tilespmem:$0x1F2E0]  }
0x5b4: {  	v16 =	vmul.bf16 v16, v46  }
0x5b5: {  	v56 =	vld [tilespmem:$0x1F2D0];
	v18 =	vadd.f32 v44, v48  }
0x5b6: {  	v8 =	vld.idx.msk [tilespmem:v8+s14+$0x0], $0xffff;
	v54 =	vunpack.i.l.bf16.f32 v16;
	v41 =	vmul.bf16 v41, v53  }
0x5b7: {  	s18 =	sshll.u32 s18, $0x6;
	v20 =	vld.idx.msk [tilespmem:v20+s14+$0x0], $0xffff;
	v18 =	vadd.f32 v54, v18  }
0x5b8: {  	v25 =	vld [tilespmem:s18+$0x174B0];
	v6 =	vmul.bf16 v10, v50;
	v0 =	vmul.bf16 v41, v0;
	v41 =	vunpack.i.u.bf16.f32 v16  }
0x5b9: {  	v50 =	vld [tilespmem:$0x1F2F0];
	v9 =	vadd.f32 v18, v41  }
0x5ba: {  	v29 =	vor.u32 v1, v31;
	v30 =	vld [tilespmem:s18+$0x174D0];
	v6 =	vmul.bf16 v6, v56;
	v56 =	vunpack.i.l.bf16.f32 v0  }
0x5bb: {  	v9 =	vadd.f32 v56, v9;
	v56 =	vld [tilespmem:$0x1F320]  }
0x5bc: {  	[tilespmem:$0x1F690] =	vst v27;
	v27 =	vld [tilespmem:s18+$0x188D0]  }
0x5bd: {  	v53 =	vld [tilespmem:$0x1F300]  }
0x5be: {  	v54 =	vld [tilespmem:$0x1F310];
	v18 =	vmul.bf16 v37, v50  }
0x5bf: {  	[tilespmem:$0x1F680] =	vst v57;
	v57 =	vld.idx.msk [tilespmem:v29+s14+$0x0], $0xffff  }
0x5c0: {  	v18 =	vmul.bf16 v18, v56;
	v56 =	vld [tilespmem:$0x1F330]  }
0x5c1: {  	s15 =	sshll.u32 s15, $0x6;
	v29 =	vld [tilespmem:s18+$0x174C0]  }
0x5c2: {  	v25 =	vmul.bf16 v26, v25;
	v26 =	vld [tilespmem:s15+$0x174D0]  }
0x5c3: {  	v22 =	vld [tilespmem:s18+$0x188B0];
	v10 =	vmul.bf16 v54, v53  }
0x5c4: {  	v34 =	vld [tilespmem:s18+$0x174E0]  }
0x5c5: {  	v10 =	vmul.bf16 v10, v56;
	v56 =	vld [tilespmem:$0x1F340]  }
0x5c6: {  	v32 =	vld [tilespmem:s18+$0x188C0];
	v52 =	vunpack.i.l.bf16.f32 v6  }
0x5c7: {  	s1 =	sshll.u32 s1, $0x6;
	v24 =	vld [tilespmem:s18+$0x188E0];
	v37 =	vadd.f32 $0.0e+00, v52  }
0x5c8: {  	v23 =	vld [tilespmem:s1+$0x188B0];
	v6 =	vunpack.i.u.bf16.f32 v6  }
0x5c9: {  	s28 =	sshll.u32 s17, $0x6;
	s17 =	sshll.u32 s16, $0x6;
	v46 =	vld [tilespmem:s1+$0x174C0];
	v34 =	vmul.bf16 v47, v34;
	v0 =	vunpack.i.u.bf16.f32 v0;
	v6 =	vadd.f32 v37, v6  }
0x5ca: {  	v47 =	vld [tilespmem:s17+$0x188C0];
	v0 =	vadd.f32 v9, v0;
	v9 =	vmul.bf16 v59, v56;
	v59 =	vunpack.i.l.bf16.f32 v18  }
0x5cb: {  	v6 =	vadd.f32 v59, v6;
	v59 =	vld [tilespmem:$0x1F350]  }
0x5cc: {  	v48 =	vld [tilespmem:s1+$0x188C0]  }
0x5cd: {  	v44 =	vld [tilespmem:s1+$0x174D0]  }
0x5ce: {  	v24 =	vmul.bf16 v34, v24;
	v45 =	vld [tilespmem:s1+$0x174B0];
	v56 =	vunpack.i.l.bf16.f32 v10  }
0x5cf: {  	v34 =	vld [tilespmem:s17+$0x188D0];
	v18 =	vunpack.i.u.bf16.f32 v18;
	v10 =	vunpack.i.u.bf16.f32 v10;
	v0 =	vadd.f32 v56, v0  }
0x5d0: {  	v6 =	vadd.f32 v6, v18;
	v18 =	vmul.bf16 v25, v22;
	v25 =	vld [tilespmem:$0x1F370];
	v9 =	vmul.bf16 v9, v59  }
0x5d1: {  	v59 =	vadd.f32 v0, v10;
	v0 =	vld [tilespmem:$0x1F360]  }
0x5d2: {  	v54 =	vld [tilespmem:s15+$0x174C0];
	v56 =	vunpack.i.l.bf16.f32 v9  }
0x5d3: {  	v14 =	vmul.bf16 v14, v45;
	v6 =	vadd.f32 v56, v6;
	v56 =	vld [tilespmem:$0x1F380]  }
0x5d4: {  	v53 =	vld [tilespmem:s15+$0x188C0]  }
0x5d5: {  	v14 =	vmul.bf16 v14, v23;
	v23 =	vld [tilespmem:s28+$0x174D0]  }
0x5d6: {  	v16 =	vld [tilespmem:s1+$0x188D0];
	v0 =	vmul.bf16 v25, v0  }
0x5d7: {  	v41 =	vld [tilespmem:s1+$0x174E0]  }
0x5d8: {  	v50 =	vld [tilespmem:s1+$0x188E0];
	v9 =	vunpack.i.u.bf16.f32 v9;
	v0 =	vmul.bf16 v0, v56  }
0x5d9: {  	v52 =	vld [tilespmem:s15+$0x174B0];
	v6 =	vadd.f32 v6, v9  }
0x5da: {  	v37 =	vld [tilespmem:s15+$0x188B0];
	v45 =	vunpack.i.l.bf16.f32 v0  }
0x5db: {  	v6 =	vadd.f32 v45, v6;
	v45 =	vld [tilespmem:$0x1F390]  }
0x5dc: {  	v22 =	vld [tilespmem:s15+$0x188D0];
	v10 =	vmul.bf16 v35, v29;
	v35 =	vunpack.i.l.bf16.f32 v18  }
0x5dd: {  	v29 =	vld [tilespmem:s15+$0x188E0];
	v35 =	vadd.f32 $0.0e+00, v35  }
0x5de: {  	v18 =	vunpack.i.u.bf16.f32 v18;
	v25 =	vld [tilespmem:s15+$0x174E0];
	v9 =	vmul.bf16 v10, v32  }
0x5df: {  	v32 =	vld [tilespmem:s28+$0x188B0];
	v10 =	vadd.f32 v35, v18  }
0x5e0: {  	v35 =	vld [tilespmem:s28+$0x174C0];
	v18 =	vunpack.i.l.bf16.f32 v9;
	v30 =	vmul.bf16 v45, v30  }
0x5e1: {  	v56 =	vld [tilespmem:s28+$0x174B0];
	v10 =	vadd.f32 v18, v10;
	v0 =	vunpack.i.u.bf16.f32 v0  }
0x5e2: {  	v18 =	vadd.f32 v6, v0;
	v45 =	vld [tilespmem:s28+$0x188C0];
	v0 =	vmul.bf16 v30, v27;
	v30 =	vunpack.i.u.bf16.f32 v9  }
0x5e3: {  	v9 =	vld [tilespmem:s28+$0x188D0];
	v6 =	vadd.f32 v10, v30;
	v10 =	vmul.bf16 v42, v46;
	v46 =	vunpack.i.l.bf16.f32 v14  }
0x5e4: {  	v30 =	vld [tilespmem:s28+$0x174E0];
	v27 =	vadd.f32 $0.0e+00, v46;
	v46 =	vunpack.i.l.bf16.f32 v0  }
0x5e5: {  	v42 =	vld [tilespmem:s28+$0x188E0];
	v6 =	vadd.f32 v46, v6  }
0x5e6: {  	v14 =	vunpack.i.u.bf16.f32 v14;
	v0 =	vunpack.i.u.bf16.f32 v0;
	v10 =	vmul.bf16 v10, v48;
	v46 =	vld [tilespmem:s17+$0x174B0]  }
0x5e7: {  	v51 =	vmul.bf16 v51, v52;
	v14 =	vadd.f32 v27, v14;
	v27 =	vld [tilespmem:s17+$0x188B0];
	v0 =	vadd.f32 v6, v0  }
0x5e8: {  	v52 =	vunpack.i.l.bf16.f32 v24;
	v6 =	vmul.bf16 v43, v44;
	v48 =	vunpack.i.l.bf16.f32 v10;
	v43 =	vld [tilespmem:s17+$0x174C0]  }
0x5e9: {  	s18 =	sshll.u32 s11, $0x6;
	v10 =	vunpack.i.u.bf16.f32 v10;
	v44 =	vld [tilespmem:s17+$0x174D0];
	v14 =	vadd.f32 v48, v14;
	v0 =	vadd.f32 v52, v0  }
0x5ea: {  	v48 =	vunpack.i.u.bf16.f32 v24;
	v24 =	vld [tilespmem:s18+$0x188B0];
	v6 =	vmul.bf16 v6, v16;
	v16 =	vmul.bf16 v51, v37  }
0x5eb: {  	v10 =	vadd.f32 v14, v10;
	v14 =	vadd.f32 v0, v48;
	v0 =	vld [tilespmem:$0x1F3A0]  }
0x5ec: {  	v37 =	vld [tilespmem:s17+$0x174E0];
	v52 =	vmul.bf16 v63, v54;
	v54 =	vunpack.i.l.bf16.f32 v16  }
0x5ed: {  	v48 =	vadd.f32 $0.0e+00, v54;
	v54 =	vmul.bf16 v38, v35;
	v35 =	vld [tilespmem:s18+$0x174E0]  }
0x5ee: {  	v16 =	vunpack.i.u.bf16.f32 v16;
	v38 =	vld [tilespmem:s18+$0x188E0]  }
0x5ef: {  	s19 =	sshll.u32 s22, $0x6;
	v51 =	vunpack.i.l.bf16.f32 v6;
	v16 =	vadd.f32 v48, v16;
	v48 =	vmul.bf16 v61, v56;
	v61 =	vld [tilespmem:$0x1F3B0]  }
0x5f0: {  	s21 =	sshll.u32 s2, $0x6;
	v10 =	vadd.f32 v51, v10;
	v7 =	vmul.bf16 v7, v43;
	v43 =	vld [tilespmem:s19+$0x188E0];
	v0 =	vmul.bf16 v0, v41  }
0x5f1: {  	v6 =	vunpack.i.u.bf16.f32 v6;
	v55 =	vmul.bf16 v55, v44;
	v44 =	vld [tilespmem:s21+$0x174D0]  }
0x5f2: {  	v6 =	vadd.f32 v10, v6;
	v10 =	vmul.bf16 v52, v53;
	v52 =	vld [tilespmem:s18+$0x174C0];
	v0 =	vmul.bf16 v0, v50  }
0x5f3: {  	v53 =	vld [tilespmem:s18+$0x188C0]  }
0x5f4: {  	v26 =	vmul.bf16 v61, v26;
	v61 =	vld [tilespmem:$0x1F3C0];
	v56 =	vunpack.i.l.bf16.f32 v0  }
0x5f5: {  	v7 =	vmul.bf16 v7, v47;
	v47 =	vld [tilespmem:s21+$0x188C0];
	v63 =	vunpack.i.l.bf16.f32 v10;
	v6 =	vadd.f32 v56, v6  }
0x5f6: {  	v41 =	vld [tilespmem:s17+$0x188E0];
	v32 =	vmul.bf16 v48, v32;
	v51 =	vadd.f32 v63, v16;
	v0 =	vunpack.i.u.bf16.f32 v0  }
0x5f7: {  	v48 =	vld [tilespmem:s18+$0x174D0];
	v16 =	vadd.f32 v6, v0;
	v0 =	vmul.bf16 v26, v22;
	v26 =	vunpack.i.u.bf16.f32 v10  }
0x5f8: {  	v50 =	vld [tilespmem:s18+$0x174B0];
	v6 =	vadd.f32 v51, v26  }
0x5f9: {  	v10 =	vld [tilespmem:s18+$0x188D0];
	v25 =	vmul.bf16 v61, v25;
	v63 =	vunpack.i.l.bf16.f32 v0  }
0x5fa: {  	v22 =	vmul.bf16 v54, v45;
	v54 =	vld [tilespmem:$0x1F3D0];
	v6 =	vadd.f32 v63, v6  }
0x5fb: {  	v56 =	vunpack.i.l.bf16.f32 v32;
	v61 =	vld [tilespmem:$0x1F3E0];
	v0 =	vunpack.i.u.bf16.f32 v0;
	v25 =	vmul.bf16 v25, v29  }
0x5fc: {  	v45 =	vld [tilespmem:s19+$0x174B0];
	v26 =	vadd.f32 $0.0e+00, v56;
	v0 =	vadd.f32 v6, v0  }
0x5fd: {  	v32 =	vunpack.i.u.bf16.f32 v32;
	v50 =	vmul.bf16 v39, v50;
	v39 =	vld [tilespmem:s21+$0x174C0];
	v63 =	vunpack.i.l.bf16.f32 v25  }
0x5fe: {  	v26 =	vadd.f32 v26, v32;
	v32 =	vld [tilespmem:s19+$0x174C0];
	v0 =	vadd.f32 v63, v0  }
0x5ff: {  	v51 =	vld [tilespmem:s19+$0x188C0];
	v56 =	vunpack.i.l.bf16.f32 v22;
	v6 =	vmul.bf16 v54, v23;
	v25 =	vunpack.i.u.bf16.f32 v25  }
0x600: {  	v23 =	vadd.f32 v56, v26;
	v26 =	vmul.bf16 v61, v46;
	v25 =	vadd.f32 v0, v25;
	v0 =	vld [tilespmem:$0x1F3F0]  }
0x601: {  	v29 =	vld [tilespmem:s19+$0x188B0];
	v54 =	vunpack.i.u.bf16.f32 v22;
	v6 =	vmul.bf16 v6, v9  }
0x602: {  	v22 =	vld [tilespmem:s19+$0x174D0];
	v9 =	vadd.f32 v23, v54;
	v56 =	vmul.bf16 v26, v27  }
0x603: {  	v46 =	vld [tilespmem:s21+$0x188B0];
	v15 =	vmul.bf16 v15, v32;
	v61 =	vunpack.i.l.bf16.f32 v6;
	v6 =	vunpack.i.u.bf16.f32 v6  }
0x604: {  	s22 =	sshll.u32 s10, $0x6;
	v26 =	vld [tilespmem:s19+$0x188D0];
	v9 =	vadd.f32 v61, v9;
	v63 =	vunpack.i.l.bf16.f32 v56;
	v23 =	vunpack.i.u.bf16.f32 v56  }
0x605: {  	v32 =	vld [tilespmem:s22+$0x188E0];
	v56 =	vunpack.i.l.bf16.f32 v7;
	v27 =	vadd.f32 $0.0e+00, v63;
	v0 =	vmul.bf16 v0, v30  }
0x606: {  	v61 =	vunpack.i.u.bf16.f32 v7;
	v7 =	vld [tilespmem:s21+$0x188D0];
	v63 =	vmul.bf16 v33, v52;
	v6 =	vadd.f32 v9, v6  }
0x607: {  	v52 =	vld [tilespmem:$0x1F400];
	v9 =	vadd.f32 v27, v23;
	v23 =	vmul.bf16 v50, v24;
	v0 =	vmul.bf16 v0, v42  }
0x608: {  	v33 =	vld [tilespmem:s21+$0x174E0]  }
0x609: {  	v30 =	vld [tilespmem:s19+$0x174E0];
	v50 =	vunpack.i.l.bf16.f32 v23;
	v54 =	vunpack.i.l.bf16.f32 v0  }
0x60a: {  	v27 =	vadd.f32 $0.0e+00, v50;
	v50 =	vld [tilespmem:s22+$0x174B0];
	v6 =	vadd.f32 v54, v6  }
0x60b: {  	v9 =	vadd.f32 v56, v9;
	v42 =	vld [tilespmem:s21+$0x174B0];
	v0 =	vunpack.i.u.bf16.f32 v0  }
0x60c: {  	v24 =	vadd.f32 v6, v0;
	v0 =	vmul.bf16 v55, v34;
	v34 =	vmul.bf16 v52, v37;
	v37 =	vld [tilespmem:s21+$0x188E0]  }
0x60d: {  	v55 =	vld [tilespmem:$0x1F410]  }
0x60e: {  	s24 =	sshll.u32 s8, $0x6;
	v6 =	vadd.f32 v9, v61;
	v61 =	vmul.bf16 v36, v45;
	v45 =	vld [tilespmem:s22+$0x188C0]  }
0x60f: {  	v23 =	vunpack.i.u.bf16.f32 v23;
	v12 =	vmul.bf16 v12, v50;
	v50 =	vld [tilespmem:s24+$0x188C0];
	v54 =	vunpack.i.l.bf16.f32 v0  }
0x610: {  	v23 =	vadd.f32 v27, v23;
	v34 =	vmul.bf16 v34, v41;
	v41 =	vld [tilespmem:s22+$0x188B0];
	v6 =	vadd.f32 v54, v6  }
0x611: {  	v9 =	vmul.bf16 v63, v53;
	v0 =	vunpack.i.u.bf16.f32 v0;
	v27 =	vmul.bf16 v61, v29;
	v61 =	vld [tilespmem:$0x1F440]  }
0x612: {  	v63 =	vunpack.i.l.bf16.f32 v34;
	v36 =	vunpack.i.u.bf16.f32 v34;
	v34 =	vld [tilespmem:s22+$0x188D0];
	v0 =	vadd.f32 v6, v0  }
0x613: {  	v56 =	vunpack.i.l.bf16.f32 v9;
	v6 =	vmul.bf16 v55, v48;
	v48 =	vld [tilespmem:s22+$0x174C0]  }
0x614: {  	v23 =	vadd.f32 v56, v23;
	v55 =	vld [tilespmem:$0x1F430];
	v0 =	vadd.f32 v63, v0  }
0x615: {  	v9 =	vunpack.i.u.bf16.f32 v9;
	v6 =	vmul.bf16 v6, v10;
	v10 =	vld [tilespmem:s22+$0x174D0]  }
0x616: {  	v9 =	vadd.f32 v23, v9;
	v23 =	vadd.f32 v0, v36;
	v0 =	vld [tilespmem:$0x1F420]  }
0x617: {  	s23 =	sshll.u32 s9, $0x6;
	v22 =	vmul.bf16 v61, v22;
	v61 =	vld [tilespmem:$0x1F460]  }
0x618: {  	v53 =	vunpack.i.l.bf16.f32 v27;
	v36 =	vld [tilespmem:s23+$0x174B0]  }
0x619: {  	v54 =	vunpack.i.u.bf16.f32 v27;
	v52 =	vunpack.i.l.bf16.f32 v6;
	v27 =	vmul.bf16 v55, v42;
	v42 =	vld [tilespmem:s23+$0x174C0]  }
0x61a: {  	v9 =	vadd.f32 v52, v9;
	v55 =	vld [tilespmem:$0x1F450]  }
0x61b: {  	v29 =	vadd.f32 $0.0e+00, v53;
	v6 =	vunpack.i.u.bf16.f32 v6;
	v52 =	vld [tilespmem:s24+$0x174D0];
	v0 =	vmul.bf16 v0, v35  }
0x61c: {  	v8 =	vmul.bf16 v8, v48;
	v6 =	vadd.f32 v9, v6;
	v9 =	vmul.bf16 v15, v51;
	v51 =	vld [tilespmem:s23+$0x188C0]  }
0x61d: {  	s25 =	sshll.u32 s7, $0x6;
	v15 =	vadd.f32 v29, v54;
	v29 =	vmul.bf16 v27, v46;
	v46 =	vld [tilespmem:s23+$0x174D0];
	v0 =	vmul.bf16 v0, v38  }
0x61e: {  	v30 =	vmul.bf16 v61, v30;
	v48 =	vmul.bf16 v8, v45;
	v45 =	vld [tilespmem:s25+$0x188C0]  }
0x61f: {  	v35 =	vld [tilespmem:s22+$0x174E0];
	v63 =	vunpack.i.l.bf16.f32 v9;
	v54 =	vunpack.i.u.bf16.f32 v9;
	v56 =	vunpack.i.l.bf16.f32 v0  }
0x620: {  	v30 =	vmul.bf16 v30, v43;
	v43 =	vld [tilespmem:s24+$0x188B0];
	v9 =	vmul.bf16 v55, v39;
	v6 =	vadd.f32 v56, v6  }
0x621: {  	v15 =	vadd.f32 v63, v15;
	v39 =	vld [tilespmem:s23+$0x188E0];
	v0 =	vunpack.i.u.bf16.f32 v0  }
0x622: {  	v9 =	vmul.bf16 v9, v47;
	v47 =	vld [tilespmem:s24+$0x174B0];
	v27 =	vadd.f32 v6, v0;
	v0 =	vmul.bf16 v22, v26  }
0x623: {  	v38 =	vld [tilespmem:s23+$0x188B0];
	v6 =	vadd.f32 v15, v54  }
0x624: {  	v54 =	vld [tilespmem:$0x1F470];
	v63 =	vunpack.i.l.bf16.f32 v0  }
0x625: {  	v56 =	vunpack.i.l.bf16.f32 v29;
	v22 =	vld [tilespmem:s23+$0x188D0];
	v6 =	vadd.f32 v63, v6  }
0x626: {  	s28 =	sshll.u32 s6, $0x6;
	v26 =	vld [tilespmem:s23+$0x174E0];
	v15 =	vadd.f32 $0.0e+00, v56;
	v0 =	vunpack.i.u.bf16.f32 v0  }
0x627: {  	v29 =	vunpack.i.u.bf16.f32 v29;
	v11 =	vmul.bf16 v11, v47;
	v47 =	vld [tilespmem:s28+$0x188C0];
	v0 =	vadd.f32 v6, v0  }
0x628: {  	v56 =	vunpack.i.l.bf16.f32 v30;
	v15 =	vadd.f32 v15, v29;
	v63 =	vmul.bf16 v12, v41;
	v12 =	vld [tilespmem:s24+$0x188E0]  }
0x629: {  	v55 =	vunpack.i.l.bf16.f32 v9;
	v6 =	vmul.bf16 v54, v44;
	v44 =	vld [tilespmem:s24+$0x174C0];
	v0 =	vadd.f32 v56, v0  }
0x62a: {  	v30 =	vunpack.i.u.bf16.f32 v30;
	v15 =	vadd.f32 v55, v15;
	v54 =	vld [tilespmem:$0x1F490]  }
0x62b: {  	v61 =	vunpack.i.u.bf16.f32 v9;
	v29 =	vadd.f32 v0, v30;
	v0 =	vld [tilespmem:$0x1F480]  }
0x62c: {  	v6 =	vmul.bf16 v6, v7;
	v7 =	vadd.f32 v15, v61;
	v15 =	vld [tilespmem:s24+$0x188D0]  }
0x62d: {  	v56 =	vld [tilespmem:$0x1F4A0]  }
0x62e: {  	v30 =	vld [tilespmem:s24+$0x174E0]  }
0x62f: {  	v41 =	vunpack.i.l.bf16.f32 v63;
	v9 =	vmul.bf16 v54, v36;
	v54 =	vld [tilespmem:$0x1F4B0]  }
0x630: {  	s6 =	sshll.u32 s5, $0x6;
	v53 =	vunpack.i.u.bf16.f32 v63;
	v36 =	vld [tilespmem:s25+$0x174C0];
	v0 =	vmul.bf16 v0, v33;
	v33 =	vunpack.i.l.bf16.f32 v6  }
0x631: {  	v19 =	vmul.bf16 v19, v44;
	v44 =	vld [tilespmem:s6+$0x174D0];
	v63 =	vmul.bf16 v9, v38;
	v7 =	vadd.f32 v33, v7  }
0x632: {  	v38 =	vld [tilespmem:s25+$0x174D0];
	v6 =	vunpack.i.u.bf16.f32 v6;
	v33 =	vadd.f32 $0.0e+00, v41;
	v0 =	vmul.bf16 v0, v37  }
0x633: {  	v10 =	vmul.bf16 v56, v10;
	v56 =	vld [tilespmem:$0x1F4C0];
	v6 =	vadd.f32 v7, v6  }
0x634: {  	v41 =	vld [tilespmem:s25+$0x188B0];
	v35 =	vmul.bf16 v54, v35;
	v8 =	vadd.f32 v33, v53;
	v55 =	vunpack.i.l.bf16.f32 v0  }
0x635: {  	v61 =	vunpack.i.l.bf16.f32 v48;
	v37 =	vld [tilespmem:s25+$0x174B0];
	v6 =	vadd.f32 v55, v6  }
0x636: {  	v7 =	vld [tilespmem:s25+$0x188D0];
	v32 =	vmul.bf16 v35, v32;
	v0 =	vunpack.i.u.bf16.f32 v0;
	v8 =	vadd.f32 v61, v8  }
0x637: {  	v35 =	vld [tilespmem:s28+$0x174E0];
	v9 =	vadd.f32 v6, v0;
	v0 =	vmul.bf16 v10, v34;
	v34 =	vunpack.i.u.bf16.f32 v48  }
0x638: {  	v53 =	vunpack.i.l.bf16.f32 v63;
	v48 =	vmul.bf16 v40, v42;
	v40 =	vld [tilespmem:s25+$0x188E0];
	v6 =	vadd.f32 v8, v34  }
0x639: {  	v10 =	vadd.f32 $0.0e+00, v53;
	v42 =	vld [tilespmem:s28+$0x174B0];
	v55 =	vunpack.i.l.bf16.f32 v0  }
0x63a: {  	v33 =	vunpack.i.u.bf16.f32 v63;
	v34 =	vld [tilespmem:s25+$0x174E0];
	v6 =	vadd.f32 v55, v6  }
0x63b: {  	v63 =	vunpack.i.l.bf16.f32 v32;
	v10 =	vadd.f32 v10, v33;
	v0 =	vunpack.i.u.bf16.f32 v0;
	v33 =	vld [tilespmem:s28+$0x188B0]  }
0x63c: {  	v8 =	vmul.bf16 v48, v51;
	v51 =	vunpack.i.u.bf16.f32 v32;
	v32 =	vld [tilespmem:s28+$0x188D0];
	v0 =	vadd.f32 v6, v0  }
0x63d: {  	v55 =	vmul.bf16 v19, v50;
	v19 =	vld [tilespmem:s6+$0x188B0]  }
0x63e: {  	v50 =	vld [tilespmem:$0x1F4F0];
	v61 =	vunpack.i.l.bf16.f32 v8;
	v0 =	vadd.f32 v63, v0  }
0x63f: {  	v48 =	vmul.bf16 v11, v43;
	v10 =	vadd.f32 v61, v10;
	v61 =	vld [tilespmem:$0x1F4E0]  }
0x640: {  	v11 =	vadd.f32 v0, v51;
	v0 =	vld [tilespmem:$0x1F4D0]  }
0x641: {  	v43 =	vunpack.i.l.bf16.f32 v48;
	v6 =	vmul.bf16 v56, v46;
	v46 =	vld [tilespmem:s28+$0x174C0]  }
0x642: {  	s7 =	sshll.u32 s4, $0x6;
	v54 =	vadd.f32 $0.0e+00, v43;
	v43 =	vld [tilespmem:s6+$0x174B0]  }
0x643: {  	v8 =	vunpack.i.u.bf16.f32 v8;
	v5 =	vmul.bf16 v5, v42;
	v42 =	vld [tilespmem:s7+$0x188C0];
	v6 =	vmul.bf16 v6, v22  }
0x644: {  	v20 =	vmul.bf16 v20, v37;
	v22 =	vld [tilespmem:s28+$0x174D0];
	v8 =	vadd.f32 v10, v8;
	v10 =	vunpack.i.u.bf16.f32 v48  }
0x645: {  	v53 =	vunpack.i.l.bf16.f32 v6;
	v37 =	vmul.bf16 v61, v52;
	v52 =	vld [tilespmem:$0x1F500];
	v0 =	vmul.bf16 v0, v26  }
0x646: {  	v48 =	vld [tilespmem:s6+$0x188C0];
	v10 =	vadd.f32 v54, v10;
	v8 =	vadd.f32 v53, v8  }
0x647: {  	v63 =	vunpack.i.l.bf16.f32 v55;
	v54 =	vld [tilespmem:$0x1F510];
	v6 =	vunpack.i.u.bf16.f32 v6;
	v0 =	vmul.bf16 v0, v39  }
0x648: {  	v10 =	vadd.f32 v63, v10;
	v63 =	vmul.bf16 v5, v33;
	v33 =	vld [tilespmem:s7+$0x188D0];
	v6 =	vadd.f32 v8, v6  }
0x649: {  	v41 =	vmul.bf16 v20, v41;
	v8 =	vld [tilespmem:s6+$0x188D0];
	v56 =	vunpack.i.l.bf16.f32 v0  }
0x64a: {  	v26 =	vld [tilespmem:s28+$0x188E0];
	v30 =	vmul.bf16 v52, v30;
	v6 =	vadd.f32 v56, v6  }
0x64b: {  	v51 =	vunpack.i.l.bf16.f32 v41;
	v39 =	vld [tilespmem:s6+$0x174C0];
	v0 =	vunpack.i.u.bf16.f32 v0  }
0x64c: {  	v12 =	vmul.bf16 v30, v12;
	v30 =	vld [tilespmem:s7+$0x188B0];
	v20 =	vadd.f32 v6, v0;
	v0 =	vmul.bf16 v37, v15  }
0x64d: {  	s8 =	sshll.u32 s3, $0x6;
	v37 =	vunpack.i.u.bf16.f32 v55;
	v15 =	vadd.f32 $0.0e+00, v51;
	v51 =	vmul.bf16 v13, v46;
	v13 =	vld [tilespmem:s7+$0x188E0]  }
0x64e: {  	v46 =	vld [tilespmem:s8+$0x174C0];
	v6 =	vadd.f32 v10, v37  }
0x64f: {  	v10 =	vmul.bf16 v50, v36;
	v36 =	vld [tilespmem:s6+$0x174E0];
	v53 =	vunpack.i.l.bf16.f32 v0  }
0x650: {  	v41 =	vunpack.i.u.bf16.f32 v41;
	v37 =	vld [tilespmem:s6+$0x188E0];
	v6 =	vadd.f32 v53, v6  }
0x651: {  	v15 =	vadd.f32 v15, v41;
	v0 =	vunpack.i.u.bf16.f32 v0;
	v41 =	vld [tilespmem:s7+$0x174C0]  }
0x652: {  	v10 =	vmul.bf16 v10, v45;
	v45 =	vld [tilespmem:s7+$0x174B0];
	v0 =	vadd.f32 v6, v0  }
0x653: {  	v56 =	vunpack.i.l.bf16.f32 v12;
	v53 =	vmul.bf16 v51, v47;
	v47 =	vld [tilespmem:s8+$0x188C0]  }
0x654: {  	v51 =	vld [tilespmem:$0x1F560];
	v55 =	vunpack.i.l.bf16.f32 v10;
	v0 =	vadd.f32 v56, v0  }
0x655: {  	v5 =	vunpack.i.u.bf16.f32 v12;
	v6 =	vmul.bf16 v54, v38;
	v15 =	vadd.f32 v55, v15;
	v55 =	vld [tilespmem:$0x1F530]  }
0x656: {  	v5 =	vadd.f32 v0, v5;
	v0 =	vld [tilespmem:$0x1F520]  }
0x657: {  	v52 =	vunpack.i.l.bf16.f32 v63;
	v61 =	vunpack.i.u.bf16.f32 v10;
	v10 =	vld [tilespmem:s7+$0x174D0];
	v6 =	vmul.bf16 v6, v7  }
0x658: {  	v38 =	vadd.f32 $0.0e+00, v52;
	v7 =	vadd.f32 v15, v61;
	v15 =	vld [tilespmem:s8+$0x188B0]  }
0x659: {  	v54 =	vunpack.i.u.bf16.f32 v63;
	v61 =	vld [tilespmem:$0x1F540];
	v50 =	vunpack.i.l.bf16.f32 v6  }
0x65a: {  	v12 =	vadd.f32 v38, v54;
	v7 =	vadd.f32 v50, v7;
	v38 =	vmul.bf16 v55, v43;
	v43 =	vld [tilespmem:$0x1F550]  }
0x65b: {  	v6 =	vunpack.i.u.bf16.f32 v6;
	v55 =	vld [tilespmem:$0x1F580];
	v0 =	vmul.bf16 v0, v34  }
0x65c: {  	v63 =	vunpack.i.l.bf16.f32 v53;
	v6 =	vadd.f32 v7, v6;
	v7 =	vunpack.i.u.bf16.f32 v53;
	v53 =	vld [tilespmem:$0x1F570]  }
0x65d: {  	v19 =	vmul.bf16 v38, v19;
	v38 =	vld [tilespmem:s8+$0x174D0];
	v0 =	vmul.bf16 v0, v40  }
0x65e: {  	v12 =	vadd.f32 v63, v12;
	v34 =	vld [tilespmem:s7+$0x174E0]  }
0x65f: {  	v35 =	vmul.bf16 v51, v35;
	v22 =	vmul.bf16 v61, v22;
	v40 =	vld [tilespmem:s8+$0x174B0];
	v56 =	vunpack.i.l.bf16.f32 v0  }
0x660: {  	v7 =	vadd.f32 v12, v7;
	v12 =	vmul.bf16 v43, v39;
	v39 =	vld [tilespmem:s8+$0x174E0];
	v6 =	vadd.f32 v56, v6  }
0x661: {  	s9 =	sshll.u32 s12, $0x6;
	v26 =	vmul.bf16 v35, v26;
	v43 =	vld [tilespmem:s8+$0x188E0];
	v0 =	vunpack.i.u.bf16.f32 v0  }
0x662: {  	v35 =	vmul.bf16 v55, v45;
	v45 =	vld [tilespmem:s9+$0x174D0];
	v6 =	vadd.f32 v6, v0;
	v0 =	vmul.bf16 v22, v32  }
0x663: {  	v55 =	vld [tilespmem:$0x1F5B0]  }
0x664: {  	v12 =	vmul.bf16 v12, v48;
	v48 =	vld [tilespmem:s9+$0x174B0];
	v52 =	vunpack.i.l.bf16.f32 v0  }
0x665: {  	v50 =	vunpack.i.l.bf16.f32 v19;
	v63 =	vmul.bf16 v35, v30;
	v30 =	vld [tilespmem:s9+$0x188D0];
	v7 =	vadd.f32 v52, v7  }
0x666: {  	v22 =	vld [tilespmem:s8+$0x188D0];
	v32 =	vadd.f32 $0.0e+00, v50;
	v0 =	vunpack.i.u.bf16.f32 v0  }
0x667: {  	v19 =	vunpack.i.u.bf16.f32 v19;
	v50 =	vld [tilespmem:s9+$0x188C0];
	v0 =	vadd.f32 v7, v0  }
0x668: {  	v56 =	vunpack.i.l.bf16.f32 v26;
	v19 =	vadd.f32 v32, v19;
	v32 =	vld [tilespmem:s9+$0x188B0]  }
0x669: {  	v54 =	vunpack.i.l.bf16.f32 v12;
	v52 =	vld [tilespmem:$0x1F5A0];
	v7 =	vmul.bf16 v53, v44;
	v0 =	vadd.f32 v56, v0  }
0x66a: {  	v35 =	vunpack.i.u.bf16.f32 v26;
	v19 =	vadd.f32 v54, v19;
	v44 =	vld [tilespmem:s9+$0x174C0]  }
0x66b: {  	s10 =	sshll.u32 s20, $0x6;
	v61 =	vunpack.i.u.bf16.f32 v12;
	v8 =	vmul.bf16 v7, v8;
	v7 =	vadd.f32 v0, v35;
	v0 =	vld [tilespmem:$0x1F590]  }
0x66c: {  	v4 =	vmul.bf16 v4, v48;
	v12 =	vadd.f32 v19, v61;
	v19 =	vld [tilespmem:s10+$0x188B0]  }
0x66d: {  	s11 =	sshll.u32 s13, $0x6;
	v61 =	vld [tilespmem:$0x1F5C0]  }
0x66e: {  	v4 =	vmul.bf16 v4, v32;
	v32 =	vld [tilespmem:s11+$0x188D0]  }
0x66f: {  	v26 =	vmul.bf16 v52, v41;
	v41 =	vld [tilespmem:s9+$0x188E0]  }
0x670: {  	v54 =	vunpack.i.u.bf16.f32 v63;
	v52 =	vld [tilespmem:s10+$0x188E0];
	v51 =	vunpack.i.l.bf16.f32 v8;
	v0 =	vmul.bf16 v0, v36  }
0x671: {  	v53 =	vunpack.i.l.bf16.f32 v63;
	v35 =	vld [tilespmem:s9+$0x174E0];
	v8 =	vunpack.i.u.bf16.f32 v8;
	v12 =	vadd.f32 v51, v12  }
0x672: {  	v26 =	vmul.bf16 v26, v42;
	v42 =	vld [tilespmem:s10+$0x174C0];
	v36 =	vadd.f32 $0.0e+00, v53;
	v0 =	vmul.bf16 v0, v37  }
0x673: {  	v17 =	vmul.bf16 v17, v44;
	v10 =	vmul.bf16 v61, v10;
	v61 =	vld [tilespmem:$0x1F5E0];
	v8 =	vadd.f32 v12, v8  }
0x674: {  	v12 =	vadd.f32 v36, v54;
	v36 =	vmul.bf16 v55, v40;
	v55 =	vld [tilespmem:$0x1F5D0];
	v56 =	vunpack.i.l.bf16.f32 v0  }
0x675: {  	s0 =	sshll.u32 s0, $0x6;
	v51 =	vld [tilespmem:s10+$0x188C0];
	v63 =	vunpack.i.l.bf16.f32 v26;
	v17 =	vmul.bf16 v17, v50;
	v8 =	vadd.f32 v56, v8  }
0x676: {  	v44 =	vld [tilespmem:s0+$0x188B0];
	v54 =	vunpack.i.u.bf16.f32 v26;
	v40 =	vadd.f32 v63, v12;
	v0 =	vunpack.i.u.bf16.f32 v0  }
0x677: {  	v50 =	vld [tilespmem:s0+$0x174C0];
	v15 =	vmul.bf16 v36, v15;
	v12 =	vadd.f32 v8, v0;
	v0 =	vmul.bf16 v10, v33  }
0x678: {  	v37 =	vld [tilespmem:s10+$0x174B0];
	v34 =	vmul.bf16 v61, v34;
	v8 =	vadd.f32 v40, v54  }
0x679: {  	v36 =	vld [tilespmem:s10+$0x174D0];
	v56 =	vunpack.i.l.bf16.f32 v15;
	v10 =	vmul.bf16 v55, v46;
	v63 =	vunpack.i.l.bf16.f32 v0  }
0x67a: {  	v13 =	vmul.bf16 v34, v13;
	v34 =	vld [tilespmem:s11+$0x188B0];
	v26 =	vadd.f32 $0.0e+00, v56;
	v8 =	vadd.f32 v63, v8  }
0x67b: {  	v15 =	vunpack.i.u.bf16.f32 v15;
	v33 =	vld [tilespmem:s10+$0x188D0];
	v10 =	vmul.bf16 v10, v47;
	v0 =	vunpack.i.u.bf16.f32 v0  }
0x67c: {  	v15 =	vadd.f32 v26, v15;
	v26 =	vld [tilespmem:$0x1F5F0];
	v0 =	vadd.f32 v8, v0  }
0x67d: {  	v48 =	vunpack.i.l.bf16.f32 v13;
	v40 =	vld [tilespmem:s10+$0x174E0];
	v47 =	vunpack.i.l.bf16.f32 v10  }
0x67e: {  	v63 =	vld [tilespmem:$0x1F610];
	v15 =	vadd.f32 v47, v15;
	v0 =	vadd.f32 v48, v0  }
0x67f: {  	v13 =	vunpack.i.u.bf16.f32 v13;
	v46 =	vld [tilespmem:s11+$0x174B0];
	v10 =	vunpack.i.u.bf16.f32 v10  }
0x680: {  	v10 =	vadd.f32 v15, v10;
	v15 =	vadd.f32 v0, v13;
	v0 =	vld [tilespmem:$0x1F600]  }
0x681: {  	v28 =	vmul.bf16 v28, v37;
	v37 =	vld [tilespmem:s0+$0x188C0];
	v8 =	vmul.bf16 v26, v38  }
0x682: {  	v47 =	vld [tilespmem:s11+$0x188C0]  }
0x683: {  	v54 =	vunpack.i.l.bf16.f32 v4;
	v38 =	vld [tilespmem:s11+$0x174C0];
	v45 =	vmul.bf16 v63, v45;
	v8 =	vmul.bf16 v8, v22  }
0x684: {  	s12 =	sadd.s32 $0x22, s29;
	v4 =	vunpack.i.u.bf16.f32 v4;
	v48 =	vld [tilespmem:s11+$0x174D0];
	v22 =	vadd.f32 $0.0e+00, v54  }
0x685: {  	s13 =	sand.u32 $0xF0, s12;
	v26 =	vld [tilespmem:s11+$0x174E0];
	v63 =	vmul.bf16 v45, v30;
	v53 =	vmul.bf16 v0, v39;
	v0 =	vunpack.i.l.bf16.f32 v8  }
0x686: {  	v4 =	vadd.f32 v22, v4;
	v22 =	vor.u32 v2, v31;
	v39 =	vld.idx.msk [tilespmem:v49+s13+$0x0 ss:$0x1], $0xffff;
	v10 =	vadd.f32 v0, v10  }
0x687: {  	v45 =	vld [tilespmem:$0x1F620];
	v31 =	vor.u32 v3, v31;
	v8 =	vunpack.i.u.bf16.f32 v8;
	v13 =	vmul.bf16 v53, v43  }
0x688: {  	v0 =	vld [tilespmem:s11+$0x188E0];
	v8 =	vadd.f32 v10, v8  }
0x689: {  	s15 =	sand.u32 $0xA, s12;
	v43 =	vld [tilespmem:s0+$0x174B0];
	v55 =	vunpack.i.l.bf16.f32 v13  }
0x68a: {  	v61 =	vmov s15;
	v56 =	vunpack.i.l.bf16.f32 v17;
	v53 =	vld [tilespmem:s0+$0x174D0];
	v8 =	vadd.f32 v55, v8  }
0x68b: {  	v4 =	vadd.f32 v56, v4;
	v56 =	vunpack.i.u.bf16.f32 v13;
	v39 =	vperm.xlane v39, v61;
	v55 =	vld [tilespmem:$0x1F630]  }
0x68c: {  	v31 =	vld.idx.msk [tilespmem:v31+s14+$0x0], $0xffff;
	v61 =	vunpack.i.u.bf16.f32 v17;
	v10 =	vadd.f32 v8, v56;
	v8 =	vmul.bf16 v28, v19  }
0x68d: {  	v4 =	vadd.f32 v4, v61;
	v61 =	vld [tilespmem:$0x1F640]  }
0x68e: {  	v13 =	vunpack.i.u.bf16.f32 v63;
	v28 =	vld.idx.msk [tilespmem:v22+s14+$0x0], $0xffff;
	v22 =	vmul.bf16 v45, v42;
	v54 =	vunpack.i.l.bf16.f32 v8  }
0x68f: {  	v17 =	vld [tilespmem:s0+$0x188D0];
	v19 =	vshll.u32 v39, $0x6;
	v56 =	vunpack.i.l.bf16.f32 v63;
	v30 =	vadd.f32 $0.0e+00, v54  }
0x690: {  	v45 =	vld [tilespmem:s0+$0x174E0];
	v22 =	vmul.bf16 v22, v51;
	v8 =	vunpack.i.u.bf16.f32 v8;
	v35 =	vmul.bf16 v55, v35  }
0x691: {  	s16 =	sadd.s32 $0x23, s29;
	v42 =	vld [tilespmem:s0+$0x188E0];
	v21 =	vmul.bf16 v21, v43;
	v4 =	vadd.f32 v56, v4;
	v8 =	vadd.f32 v30, v8  }
0x692: {  	s0 =	sshll.u32 s16, $0x6;
	v56 =	vld [tilespmem:$0x1F650];
	v36 =	vmul.bf16 v61, v36;
	v63 =	vunpack.i.l.bf16.f32 v22;
	v35 =	vmul.bf16 v35, v41  }
0x693: {  	s1 =	sshll.u32 s12, $0x6;
	v39 =	vor.u32 v60, v19;
	v43 =	vld [tilespmem:s0+$0x174B0];
	v4 =	vadd.f32 v4, v13;
	v8 =	vadd.f32 v63, v8  }
0x694: {  	v51 =	vld [tilespmem:s1+$0x188B0];
	v22 =	vunpack.i.u.bf16.f32 v22;
	v13 =	vmul.bf16 v36, v33;
	v55 =	vunpack.i.l.bf16.f32 v35  }
0x695: {  	v30 =	vld [tilespmem:s1+$0x174B0];
	v4 =	vadd.f32 v55, v4;
	v8 =	vadd.f32 v8, v22  }
0x696: {  	v28 =	vmul.bf16 v28, v53;
	v53 =	vld [tilespmem:s0+$0x188D0];
	v61 =	vunpack.i.u.bf16.f32 v35;
	v63 =	vunpack.i.l.bf16.f32 v13  }
0x697: {  	v22 =	vadd.f32 v4, v61;
	v4 =	vadd.f32 v63, v8;
	v63 =	vld [tilespmem:$0x1F660]  }
0x698: {  	s17 =	sand.u32 $0xF0, s16;
	v39 =	vld.idx.msk [tilespmem:v39+s14+$0x0], $0xffff  }
0x699: {  	s19 =	sadd.s32 $0x24, s29;
	v54 =	vor.u32 v1, v19;
	v31 =	vmul.bf16 v31, v45;
	v36 =	vld.idx.msk [tilespmem:v49+s17+$0x0 ss:$0x1], $0xffff  }
0x69a: {  	s22 =	sshll.u32 s19, $0x6;
	v33 =	vld [tilespmem:s1+$0x174C0]  }
0x69b: {  	v41 =	vor.u32 v2, v19;
	v46 =	vmul.bf16 v56, v46;
	v31 =	vmul.bf16 v31, v42;
	v42 =	vld [tilespmem:s22+$0x188B0]  }
0x69c: {  	v40 =	vmul.bf16 v63, v40;
	v63 =	vld [tilespmem:$0x1F670]  }
0x69d: {  	s18 =	sand.u32 $0xB, s16;
	v55 =	vld [tilespmem:s1+$0x188C0];
	v8 =	vmul.bf16 v46, v34  }
0x69e: {  	v35 =	vld.idx.msk [tilespmem:v54+s14+$0x0], $0xffff;
	v61 =	vmov s18  }
0x69f: {  	v50 =	vmul.bf16 v57, v50;
	v54 =	vld [tilespmem:s1+$0x188D0];
	v36 =	vperm.xlane v36, v61;
	v61 =	vunpack.i.l.bf16.f32 v8  }
0x6a0: {  	v13 =	vunpack.i.u.bf16.f32 v13;
	v41 =	vld.idx.msk [tilespmem:v41+s14+$0x0], $0xffff;
	v46 =	vor.u32 v3, v19;
	v56 =	vadd.f32 $0.0e+00, v61  }
0x6a1: {  	v36 =	vshll.u32 v36, $0x6;
	v8 =	vunpack.i.u.bf16.f32 v8;
	v38 =	vmul.bf16 v63, v38;
	v63 =	vld [tilespmem:$0x1F680]  }
0x6a2: {  	v34 =	vld [tilespmem:s1+$0x174D0];
	v8 =	vadd.f32 v56, v8;
	v56 =	vor.u32 v1, v36;
	v40 =	vmul.bf16 v40, v52  }
0x6a3: {  	v37 =	vmul.bf16 v50, v37;
	v21 =	vmul.bf16 v21, v44;
	v19 =	vld [tilespmem:s1+$0x174E0];
	v4 =	vadd.f32 v4, v13  }
0x6a4: {  	v30 =	vmul.bf16 v39, v30;
	v39 =	vld [tilespmem:s22+$0x174B0];
	v61 =	vunpack.i.l.bf16.f32 v40;
	v38 =	vmul.bf16 v38, v47  }
0x6a5: {  	v13 =	vld [tilespmem:s1+$0x188E0];
	v57 =	vor.u32 v2, v36;
	v4 =	vadd.f32 v61, v4;
	v47 =	vor.u32 v60, v36  }
0x6a6: {  	v46 =	vld.idx.msk [tilespmem:v46+s14+$0x0], $0xffff;
	v36 =	vor.u32 v3, v36;
	v61 =	vunpack.i.l.bf16.f32 v38;
	v48 =	vmul.bf16 v63, v48  }
0x6a7: {  	s20 =	sand.u32 $0xF0, s19;
	v50 =	vld.idx.msk [tilespmem:v56+s14+$0x0], $0xffff;
	v38 =	vunpack.i.u.bf16.f32 v38;
	v52 =	vadd.f32 v61, v8;
	v63 =	vunpack.i.u.bf16.f32 v40  }
0x6a8: {  	v40 =	vld.idx.msk [tilespmem:v49+s20+$0x0 ss:$0x1], $0xffff;
	v8 =	vadd.f32 v4, v63;
	v63 =	vunpack.i.l.bf16.f32 v21;
	v32 =	vmul.bf16 v48, v32  }
0x6a9: {  	v48 =	vld [tilespmem:s0+$0x188B0];
	v4 =	vadd.f32 v52, v38;
	v63 =	vadd.f32 $0.0e+00, v63  }
0x6aa: {  	v21 =	vunpack.i.u.bf16.f32 v21;
	v44 =	vld.idx.msk [tilespmem:v47+s14+$0x0], $0xffff;
	v61 =	vunpack.i.l.bf16.f32 v32  }
0x6ab: {  	v21 =	vadd.f32 v63, v21;
	v4 =	vadd.f32 v61, v4;
	v61 =	vld [tilespmem:$0x1F690]  }
0x6ac: {  	v56 =	vunpack.i.l.bf16.f32 v37;
	v36 =	vld.idx.msk [tilespmem:v36+s14+$0x0], $0xffff  }
0x6ad: {  	v17 =	vmul.bf16 v28, v17;
	v21 =	vadd.f32 v56, v21;
	v56 =	vld [tilespmem:s0+$0x174E0]  }
0x6ae: {  	v30 =	vmul.bf16 v30, v51;
	v34 =	vmul.bf16 v41, v34;
	v52 =	vld [tilespmem:s0+$0x174C0]  }
0x6af: {  	s21 =	sand.u32 $0xC, s19;
	v37 =	vunpack.i.u.bf16.f32 v37;
	v19 =	vmul.bf16 v46, v19;
	v47 =	vld [tilespmem:s0+$0x188C0];
	v32 =	vunpack.i.u.bf16.f32 v32  }
0x6b0: {  	v4 =	vadd.f32 v4, v32;
	v32 =	vld [tilespmem:s0+$0x188E0];
	v26 =	vmul.bf16 v61, v26;
	v61 =	vmov s21  }
0x6b1: {  	v34 =	vmul.bf16 v34, v54;
	v21 =	vadd.f32 v21, v37;
	v37 =	vld [tilespmem:s22+$0x174C0];
	v63 =	vperm.xlane v40, v61  }
0x6b2: {  	v13 =	vmul.bf16 v19, v13;
	v40 =	vld [tilespmem:s0+$0x174D0];
	v36 =	vmul.bf16 v36, v56  }
0x6b3: {  	v0 =	vmul.bf16 v26, v0;
	v26 =	vld.idx.msk [tilespmem:v57+s14+$0x0], $0xffff;
	v38 =	vshll.u32 v63, $0x6;
	v63 =	vunpack.i.l.bf16.f32 v17  }
0x6b4: {  	s23 =	sadd.s32 $0x25, s29;
	v57 =	vor.u32 v60, v38;
	v45 =	vadd.f32 v63, v21;
	v63 =	vmul.bf16 v44, v43;
	v43 =	vld [tilespmem:s22+$0x188C0]  }
0x6b5: {  	s24 =	sand.u32 $0xF0, s23;
	v17 =	vunpack.i.u.bf16.f32 v17;
	v61 =	vunpack.i.l.bf16.f32 v0;
	v0 =	vunpack.i.u.bf16.f32 v0;
	v44 =	vld [tilespmem:s22+$0x188D0]  }
0x6b6: {  	s25 =	sshll.u32 s23, $0x6;
	v4 =	vadd.f32 v61, v4;
	v61 =	vunpack.i.l.bf16.f32 v30;
	v51 =	vmul.bf16 v63, v48;
	v63 =	vld.idx.msk [tilespmem:v49+s24+$0x0 ss:$0x1], $0xffff  }
0x6b7: {  	v46 =	vor.u32 v2, v38;
	v28 =	vadd.f32 $0.0e+00, v61;
	v61 =	vmul.bf16 v50, v52;
	v48 =	vld [tilespmem:s25+$0x174C0]  }
0x6b8: {  	v50 =	vld [tilespmem:s25+$0x188C0];
	v21 =	vadd.f32 v4, v0;
	v0 =	vadd.f32 v45, v17;
	v4 =	vmul.bf16 v35, v33  }
0x6b9: {  	v19 =	vor.u32 v3, v38;
	v30 =	vunpack.i.u.bf16.f32 v30;
	v33 =	vld.idx.msk [tilespmem:v57+s14+$0x0], $0xffff;
	v57 =	vunpack.i.l.bf16.f32 v31  }
0x6ba: {  	v45 =	vunpack.i.u.bf16.f32 v31;
	v35 =	vld [tilespmem:s22+$0x174D0];
	v4 =	vmul.bf16 v4, v55;
	v0 =	vadd.f32 v57, v0  }
0x6bb: {  	v26 =	vmul.bf16 v26, v40;
	v40 =	vld [tilespmem:s25+$0x188B0];
	v31 =	vunpack.i.u.bf16.f32 v51;
	v57 =	vunpack.i.l.bf16.f32 v51  }
0x6bc: {  	v46 =	vld.idx.msk [tilespmem:v46+s14+$0x0], $0xffff;
	v55 =	vunpack.i.l.bf16.f32 v4;
	v17 =	vadd.f32 v0, v45;
	v0 =	vadd.f32 v28, v30  }
0x6bd: {  	s1 =	sand.u32 $0xD, s23;
	v4 =	vunpack.i.u.bf16.f32 v4;
	v41 =	vadd.f32 $0.0e+00, v57;
	v30 =	vld [tilespmem:s22+$0x174E0];
	v45 =	vmul.bf16 v61, v47  }
0x6be: {  	v57 =	vmov s1;
	v28 =	vld [tilespmem:s22+$0x188E0];
	v61 =	vor.u32 v1, v38;
	v0 =	vadd.f32 v55, v0  }
0x6bf: {  	v47 =	vld [tilespmem:s25+$0x174D0];
	v54 =	vunpack.i.l.bf16.f32 v45;
	v55 =	vunpack.i.u.bf16.f32 v45;
	v45 =	vperm.xlane v63, v57  }
0x6c0: {  	v33 =	vmul.bf16 v33, v39;
	v0 =	vadd.f32 v0, v4;
	v4 =	vadd.f32 v41, v31;
	v41 =	vld [tilespmem:s25+$0x174B0]  }
0x6c1: {  	v32 =	vmul.bf16 v36, v32;
	v52 =	vunpack.i.l.bf16.f32 v34;
	v31 =	vld [tilespmem:s25+$0x188D0]  }
0x6c2: {  	s28 =	sadd.s32 $0x26, s29;
	v45 =	vshll.u32 v45, $0x6;
	v33 =	vmul.bf16 v33, v42;
	v42 =	vld.idx.msk [tilespmem:v19+s14+$0x0], $0xffff;
	v4 =	vadd.f32 v54, v4  }
0x6c3: {  	s5 =	sand.u32 $0xF0, s28;
	s7 =	sadd.s32 $0x27, s29;
	v26 =	vmul.bf16 v26, v53;
	v53 =	vor.u32 v60, v45;
	v36 =	vld.idx.msk [tilespmem:v61+s14+$0x0], $0xffff;
	v0 =	vadd.f32 v52, v0  }
0x6c4: {  	s8 =	sand.u32 $0xF0, s7;
	v34 =	vunpack.i.u.bf16.f32 v34;
	v38 =	vor.u32 v1, v45;
	v52 =	vld.idx.msk [tilespmem:v49+s5+$0x0 ss:$0x1], $0xffff;
	v4 =	vadd.f32 v4, v55  }
0x6c5: {  	v57 =	vunpack.i.l.bf16.f32 v13;
	v54 =	vld.idx.msk [tilespmem:v49+s8+$0x0 ss:$0x1], $0xffff;
	v34 =	vadd.f32 v0, v34;
	v0 =	vunpack.i.l.bf16.f32 v26  }
0x6c6: {  	v61 =	vor.u32 v2, v45;
	v45 =	vor.u32 v3, v45;
	v4 =	vadd.f32 v0, v4;
	v0 =	vld [tilespmem:s25+$0x174E0]  }
0x6c7: {  	v34 =	vadd.f32 v57, v34;
	v57 =	vld [tilespmem:$0x1F6A0]  }
0x6c8: {  	s6 =	sand.u32 $0xE, s28;
	s9 =	rddreg [dreg:$0xf];
	v26 =	vunpack.i.u.bf16.f32 v26;
	v56 =	vld.idx.msk [tilespmem:v53+s14+$0x0], $0xffff  }
0x6c9: {  	s0 =	smul.u32 $0x44, s9;
	v63 =	vmov s6;
	v36 =	vmul.bf16 v36, v37;
	v37 =	vld.idx.msk [tilespmem:v38+s14+$0x0], $0xffff;
	v4 =	vadd.f32 v4, v26  }
0x6ca: {  	v13 =	vunpack.i.u.bf16.f32 v13;
	v51 =	vperm.xlane v52, v63;
	v63 =	vunpack.i.l.bf16.f32 v32;
	v26 =	vld [tilespmem:s25+$0x188E0]  }
0x6cb: {  	s0 =	sshra.s32 s0, $0x2;
	v19 =	vadd.f32 v34, v13;
	v34 =	vmul.bf16 v36, v43;
	v36 =	vld.idx.msk [tilespmem:v45+s14+$0x0], $0xffff;
	v4 =	vadd.f32 v63, v4  }
0x6cc: {  	v32 =	vunpack.i.u.bf16.f32 v32;
	[tilespmem:s0+$0x19CB0] =	vst v57;
	v57 =	vld [tilespmem:$0x1F6C0]  }
0x6cd: {  	s13 =	smul.u32 $0x44, s31;
	v13 =	vadd.f32 v4, v32;
	v32 =	vld.idx.msk [tilespmem:v61+s14+$0x0], $0xffff  }
0x6ce: {  	s11 =	smul.u32 $0x44, s30;
	v51 =	vshll.u32 v51, $0x6;
	s0 =	sshll.u32 s28, $0x6;
	v61 =	vld [tilespmem:$0x1F6B0]  }
0x6cf: {  	s10 =	rddreg [dreg:$0x11];
	v38 =	vor.u32 v60, v51;
	v63 =	vmul.bf16 v56, v41;
	v41 =	vld [tilespmem:s0+$0x174B0]  }
0x6d0: {  	s15 =	sshra.s32 s13, $0x2;
	s13 =	sadd.s32 $0x50C, s26;
	s4 =	sshra.s32 s11, $0x2;
	v56 =	vmov s7;
	v37 =	vmul.bf16 v37, v48;
	v45 =	vld [tilespmem:s0+$0x188B0]  }
0x6d1: {  	s3 =	smul.u32 $0x44, s10;
	s2 =	sshra.s32 s13, $0x2;
	[tilespmem:s4+$0x19CB0] =	vst v62;
	s24 =	sadd.s32 $0x330, s26;
	v62 =	vperm.xlane v54, v56;
	v56 =	vld [tilespmem:$0x1F6D0];
	v54 =	vmul.bf16 v42, v30  }
0x6d2: {  	[tilespmem:s2+$0x19CB0] =	vst v27;
	s25 =	sshra.s32 s24, $0x2;
	v43 =	vor.u32 v1, v51;
	v37 =	vmul.bf16 v37, v50;
	v50 =	vld [tilespmem:s0+$0x174D0]  }
0x6d3: {  	s12 =	sshra.s32 s3, $0x2;
	[tilespmem:s25+$0x19CB0] =	vst v59;
	v4 =	vunpack.i.l.bf16.f32 v33;
	v59 =	vmul.bf16 v54, v28;
	v54 =	vld [tilespmem:s0+$0x174E0]  }
0x6d4: {  	s31 =	sadd.s32 $0x3B8, s26;
	v33 =	vunpack.i.u.bf16.f32 v33;
	v4 =	vadd.f32 $0.0e+00, v4;
	v38 =	vld.idx.msk [tilespmem:v38+s14+$0x0], $0xffff;
	[tilespmem:s12+$0x19CB0] =	vst v61;
	v61 =	vmul.bf16 v46, v35  }
0x6d5: {  	s4 =	sshra.s32 s31, $0x2;
	s16 =	sadd.s32 $0x220, s26;
	v39 =	vmul.bf16 v63, v40;
	v63 =	vunpack.i.u.bf16.f32 v34;
	[tilespmem:s15+$0x19CB0] =	vst v57;
	v57 =	vld [tilespmem:$0x1F6E0];
	v35 =	vshll.u32 v62, $0x6  }
0x6d6: {  	[tilespmem:s4+$0x19CB0] =	vst v14;
	s17 =	sshra.s32 s16, $0x2;
	s5 =	sadd.s32 $0x3FC, s26;
	v4 =	vadd.f32 v4, v33;
	v48 =	vor.u32 v60, v35;
	v33 =	vmul.bf16 v61, v44;
	v61 =	vld [tilespmem:$0x1F6F0]  }
0x6d7: {  	[tilespmem:s17+$0x19CB0] =	vst v58;
	s18 =	sadd.s32 $0x264, s26;
	s6 =	sshra.s32 s5, $0x2;
	v34 =	vunpack.i.l.bf16.f32 v34;
	v0 =	vmul.bf16 v36, v0;
	v58 =	vunpack.i.l.bf16.f32 v39;
	v43 =	vld.idx.msk [tilespmem:v43+s14+$0x0], $0xffff  }
0x6d8: {  	s19 =	sshra.s32 s18, $0x2;
	s20 =	sadd.s32 $0x2A8, s26;
	[tilespmem:s6+$0x19CB0] =	vst v16;
	v4 =	vadd.f32 v34, v4;
	v34 =	vld [tilespmem:s0+$0x174C0];
	v62 =	vadd.f32 $0.0e+00, v58;
	v58 =	vor.u32 v1, v35  }
0x6d9: {  	s21 =	sshra.s32 s20, $0x2;
	s1 =	sshll.u32 s7, $0x6;
	s22 =	sadd.s32 $0x2EC, s26;
	v39 =	vunpack.i.u.bf16.f32 v39;
	v0 =	vmul.bf16 v0, v26;
	[tilespmem:s19+$0x19CB0] =	vst v56;
	v46 =	vld [tilespmem:s0+$0x188C0];
	v44 =	vor.u32 v2, v51  }
0x6da: {  	s31 =	sadd.s32 $0x72C, s26;
	s23 =	sshra.s32 s22, $0x2;
	v16 =	vunpack.i.u.bf16.f32 v59;
	v56 =	vunpack.i.l.bf16.f32 v37;
	v4 =	vadd.f32 v4, v63;
	[tilespmem:s21+$0x19CB0] =	vst v57;
	v57 =	vld [tilespmem:s1+$0x174B0]  }
0x6db: {  	s3 =	sshra.s32 s31, $0x2;
	v32 =	vmul.bf16 v32, v47;
	v55 =	vadd.f32 v62, v39;
	v63 =	vunpack.i.l.bf16.f32 v33;
	[tilespmem:s23+$0x19CB0] =	vst v61;
	v61 =	vld.idx.msk [tilespmem:v48+s14+$0x0], $0xffff  }
0x6dc: {  	[tilespmem:s3+$0x19CB0] =	vst v12;
	s17 =	sadd.s32 $0x594, s26;
	v4 =	vadd.f32 v63, v4;
	v63 =	vunpack.i.u.bf16.f32 v37;
	v37 =	vmul.bf16 v38, v41;
	v38 =	vld [tilespmem:s1+$0x188B0]  }
0x6dd: {  	s18 =	sshra.s32 s17, $0x2;
	s28 =	sadd.s32 $0x374, s26;
	v47 =	vor.u32 v2, v35;
	v62 =	vmul.bf16 v32, v31;
	v51 =	vor.u32 v3, v51;
	v52 =	vld.idx.msk [tilespmem:v58+s14+$0x0], $0xffff  }
0x6de: {  	[tilespmem:s18+$0x19CB0] =	vst v9;
	s9 =	sadd.s32 $0x484, s26;
	s30 =	sshra.s32 s28, $0x2;
	v14 =	vadd.f32 v56, v55;
	v60 =	vunpack.i.u.bf16.f32 v33;
	v33 =	vunpack.i.l.bf16.f32 v59;
	v30 =	vld.idx.msk [tilespmem:v44+s14+$0x0], $0xffff  }
0x6df: {  	s10 =	sshra.s32 s9, $0x2;
	s9 =	sadd.s32 $0x83C, s26;
	[tilespmem:s30+$0x19CB0] =	vst v18;
	v18 =	vunpack.i.u.bf16.f32 v62;
	v59 =	vor.u32 v3, v35;
	v55 =	vmul.bf16 v43, v34;
	v44 =	vld [tilespmem:s1+$0x174C0]  }
0x6e0: {  	[tilespmem:s10+$0x19CB0] =	vst v24;
	s10 =	sshra.s32 s9, $0x2;
	s5 =	sadd.s32 $0x7B4, s26;
	v39 =	vld [tilespmem:s0+$0x188D0];
	v14 =	vadd.f32 v14, v63;
	v4 =	vadd.f32 v4, v60;
	v53 =	vmul.bf16 v61, v57  }
0x6e1: {  	[tilespmem:s10+$0x19CB0] =	vst v8;
	s6 =	sshra.s32 s5, $0x2;
	s7 =	sadd.s32 $0x440, s26;
	v56 =	vld [tilespmem:s1+$0x188C0];
	v41 =	vunpack.i.l.bf16.f32 v62;
	v48 =	vmul.bf16 v37, v45;
	v60 =	vmul.bf16 v55, v46  }
0x6e2: {  	[tilespmem:s6+$0x19CB0] =	vst v10;
	s25 =	sadd.s32 $0x6A4, s26;
	s8 =	sshra.s32 s7, $0x2;
	v58 =	vld [tilespmem:s1+$0x174D0];
	v14 =	vadd.f32 v41, v14;
	v4 =	vadd.f32 v33, v4;
	v27 =	vmul.bf16 v53, v38  }
0x6e3: {  	s28 =	sshra.s32 s25, $0x2;
	[tilespmem:s8+$0x19CB0] =	vst v25;
	s19 =	sadd.s32 $0x5D8, s26;
	v62 =	vunpack.i.u.bf16.f32 v48;
	v42 =	vunpack.i.l.bf16.f32 v60;
	v57 =	vunpack.i.l.bf16.f32 v48;
	v61 =	vld.idx.msk [tilespmem:v47+s14+$0x0], $0xffff  }
0x6e4: {  	[tilespmem:s28+$0x19CB0] =	vst v6;
	s20 =	sshra.s32 s19, $0x2;
	v35 =	vld [tilespmem:s1+$0x188D0];
	s23 =	sadd.s32 $0x660, s26;
	v24 =	vmul.bf16 v52, v44;
	v9 =	vadd.f32 $0.0e+00, v57;
	v32 =	vunpack.i.l.bf16.f32 v27  }
0x6e5: {  	[tilespmem:s20+$0x19CB0] =	vst v11;
	v43 =	vld [tilespmem:s1+$0x174E0];
	s24 =	sshra.s32 s23, $0x2;
	v11 =	vunpack.i.u.bf16.f32 v60;
	v14 =	vadd.f32 v14, v18;
	v34 =	vadd.f32 $0.0e+00, v32  }
0x6e6: {  	s7 =	sadd.s32 $0x7F8, s26;
	v63 =	vld.idx.msk [tilespmem:v51+s14+$0x0], $0xffff;
	[tilespmem:s24+$0x19CB0] =	vst v5;
	v18 =	vmul.bf16 v24, v56;
	v5 =	vadd.f32 v9, v62;
	v27 =	vunpack.i.u.bf16.f32 v27  }
0x6e7: {  	s30 =	sadd.s32 $0x6E8, s26;
	s8 =	sshra.s32 s7, $0x2;
	v46 =	vld.idx.msk [tilespmem:v59+s14+$0x0], $0xffff;
	v4 =	vadd.f32 v4, v16;
	v33 =	vmul.bf16 v30, v50;
	v45 =	vadd.f32 v34, v27  }
0x6e8: {  	s11 =	sadd.s32 $0x4C8, s26;
	s2 =	sshra.s32 s30, $0x2;
	[tilespmem:s8+$0x19CB0] =	vst v22;
	v47 =	vld [tilespmem:s0+$0x188E0];
	v48 =	vunpack.i.l.bf16.f32 v18;
	v5 =	vadd.f32 v42, v5;
	v16 =	vmul.bf16 v61, v58  }
0x6e9: {  	[tilespmem:s2+$0x19CB0] =	vst v7;
	s15 =	sadd.s32 $0x550, s26;
	s12 =	sshra.s32 s11, $0x2;
	v60 =	vunpack.i.l.bf16.f32 v0;
	v50 =	vld [tilespmem:s1+$0x188E0];
	v44 =	vmul.bf16 v33, v39;
	v9 =	vadd.f32 v48, v45  }
0x6ea: {  	s13 =	sadd.s32 $0x8C4, s26;
	s16 =	sshra.s32 s15, $0x2;
	[tilespmem:s12+$0x19CB0] =	vst v23;
	v53 =	vunpack.i.u.bf16.f32 v18;
	v5 =	vadd.f32 v5, v11;
	v51 =	vmul.bf16 v16, v35  }
0x6eb: {  	s11 =	sadd.s32 $0x880, s26;
	s15 =	sshra.s32 s13, $0x2;
	[tilespmem:s16+$0x19CB0] =	vst v29;
	v54 =	vmul.bf16 v63, v54;
	v52 =	vunpack.i.l.bf16.f32 v44;
	v9 =	vadd.f32 v9, v53  }
0x6ec: {  	s18 =	sadd.s32 $0x94C, s26;
	s12 =	sshra.s32 s11, $0x2;
	[tilespmem:s15+$0x19CB0] =	vst v17;
	v55 =	vmul.bf16 v46, v43;
	v5 =	vadd.f32 v52, v5;
	v56 =	vunpack.i.l.bf16.f32 v51  }
0x6ed: {  	s16 =	sadd.s32 $0x908, s26;
	s19 =	sshra.s32 s18, $0x2;
	[tilespmem:s12+$0x19CB0] =	vst v21;
	v6 =	vunpack.i.u.bf16.f32 v44;
	v57 =	vmul.bf16 v54, v47;
	v58 =	vadd.f32 v56, v9  }
0x6ee: {  	s17 =	sshra.s32 s16, $0x2;
	[tilespmem:s19+$0x19CB0] =	vst v13;
	s21 =	sadd.s32 $0x61C, s26;
	v59 =	vmul.bf16 v55, v50;
	v61 =	vunpack.i.u.bf16.f32 v51;
	v5 =	vadd.f32 v5, v6  }
0x6ef: {  	s4 =	sadd.s32 $0x770, s26;
	[tilespmem:s17+$0x19CB0] =	vst v19;
	s22 =	sshra.s32 s21, $0x2;
	v62 =	vunpack.i.l.bf16.f32 v57;
	v9 =	vadd.f32 v60, v14;
	v7 =	vadd.f32 v58, v61  }
0x6f0: {  	p1 =	slt.u32 s29, $0x28;
	s20 =	sadd.s32 $0x990, s26;
	[tilespmem:s22+$0x19CB0] =	vst v20;
	v0 =	vunpack.i.u.bf16.f32 v0;
	s0 =	sshra.s32 s4, $0x2;
	v63 =	vunpack.i.l.bf16.f32 v59;
	v5 =	vadd.f32 v62, v5  }
.Ltmp7:
0x6f1: {  	s21 =	sshra.s32 s20, $0x2;
	s22 =	sadd.s32 $0x9D4, s26;
	[tilespmem:s0+$0x19CB0] =	vst v15;
	v6 =	vunpack.i.u.bf16.f32 v57;
	v0 =	vadd.f32 v9, v0;
	v7 =	vadd.f32 v63, v7;
	(pc) =	sbr.rel @p1 .LBB2_6-.Ltmp7, $4  }
0x6f2: {  	s23 =	sshra.s32 s22, $0x2;
	s24 =	sadd.s32 $0xA18, s26;
	[tilespmem:s21+$0x19CB0] =	vst v4;
	v4 =	vadd.f32 v5, v6;
	v5 =	vunpack.i.u.bf16.f32 v59  }
0x6f3: {  	s28 =	sadd.s32 $0xA5C, s26;
	s25 =	sshra.s32 s24, $0x2;
	[tilespmem:s23+$0x19CB0] =	vst v0;
	v0 =	vadd.f32 v7, v5  }
0x6f4: {  	s31 =	sadd.s32 $0x28, s29;
	s30 =	sshra.s32 s28, $0x2;
	[tilespmem:s25+$0x19CB0] =	vst v4  }
0x6f5: {  	s29 =	smov.u32 s31;
	v39 =	vlaneseq.u32;
	[tilespmem:s30+$0x19CB0] =	vst v0  }
.Ltmp8:
0x6f6: {  	_ = 	snop;
	(pc) =	sbr.rel .LBB2_7-.Ltmp8, $1  }
0x6f7: {  	_ =	sdelay $0x3  }
.LBB2_9:
0x6f8: {  	_ =	sfence.sel $0x180000  }
0x6f9: {  	[bflag:$0x0] =	sbarrier.arrive $0xFFFF  }
0x6fa: {  	_ =	strace $0x90000047  }
0x6fb: {  	[bflag:$0x2] =	sbarrier.arrive $0xFFFF  }
0x6fc: {  	s0 =	rddreg [dreg:$0x3]  }
0x6fd: {  	s0 =	sadd.s32 @!p0 $0x100000, s0  }
0x6fe: {  	[sflag:s0] =	ssyncadd.tile.s32 @!p0 $0x1;
	_ =	shalt  }
.Lfunc_end2:
_tile_overlayer_lowered:
.L_overlay_start_2:
0x6ff: {  	(tag) =	ssettag $0x2  }
0x700: {  	s0 =	rddreg [dreg:$0x0];
	s2 =	stileid.u32  }
0x701: {  	s1 =	rddreg [dreg:$0x1];
	p0 =	sne.s32 s2, $0x0  }
0x702: {  	s3 =	rddreg [dreg:$0x2];
	[bflag:$0x3] =	sbarrier.arrive $0xFFFF;
	s2 =	simm.s32 @!p0 $0x1C03  }
0x703: {  	[timem:s3], [sflag:s2] =	dma.local @!p0 [hbm:s0], s1  }
0x704: {  	s0 =	simm.s32 @!p0 $0x3  }
0x705: {  	_ =	swait.ge @!p0 [sflag:s0], s1  }
0x706: {  	s1 =	ssub.s32 @!p0 $0x0, s1;
	[sflag:s0] =	ssyncset.done @!p0 $0x0  }
0x707: {  	[sflag:s0] =	ssyncadd.s32 @!p0 s1  }
0x708: {  	[bflag:$0x3] =	sbarrier.arrive $0xFFFF  }
0x709: {  	_ =	shalt  }

</sc_bundles>
